<compile_context>
chip_gen: v7x
topology: tpu7x:2x2x1
jax: 0.10.2.dev20260603
libtpu: 0.0.44.dev20260713+nightly
codegen_flags: <defaults>
</compile_context>

<pallas_src>
import functools

import jax
import jax.numpy as jnp
from jax import lax
from jax.experimental import pallas as pl
from jax.experimental.pallas import tpu as pltpu
from jax.experimental.pallas import tpu_sc as plsc

VOCAB = 100000
EMBED_DIM = 300
DPAD = 384
MAX_NORM = 1.0
CTX = 200

NC = 2
NS = 16
NW = NC * NS

V_SC = 40960
RV = V_SC // NW
CCH = 128
NCH = RV // CCH
BLKV = 2560
VMAIN_END = V_SC + ((VOCAB - V_SC) // BLKV) * BLKV
NTAIL = VOCAB - VMAIN_END



NBUF = 4


def _tc_avg_body(idx_ref, et_ref, wtail_ref, btail_ref, etail_ref,
                 avg_ref, tail_ref, *scratch):
    bufs = scratch[:NBUF]
    acc_ref = scratch[NBUF]
    sems = scratch[NBUF + 1:]
    lane = lax.broadcasted_iota(jnp.int32, (1, 128), 1)

    def block_start(v):
        return pl.multiple_of(jnp.minimum((v // 128) * 128, VMAIN_END), 128)

    def issue(j, s):
        v = idx_ref[j]
        pltpu.make_async_copy(
            et_ref.at[:, pl.ds(block_start(v), 128)], bufs[s], sems[s]
        ).start()

    acc_ref[...] = jnp.zeros((EMBED_DIM, 1), jnp.float32)
    for s in range(NBUF):
        issue(s, s)

    def process(j, s):
        pltpu.make_async_copy(
            et_ref.at[:, pl.ds(0, 128)], bufs[s], sems[s]
        ).wait()
        v = idx_ref[j]
        cc = v - block_start(v)
        arr = bufs[s][...]
        col_main = jnp.sum(arr * (lane == cc), axis=1, keepdims=True)
        col_tail = jnp.sum(
            etail_ref[...] * (lane == v - (VOCAB - 128)), axis=1, keepdims=True
        )
        col = jnp.where(v >= VOCAB - 128, col_tail, col_main)
        ss = jnp.sum(col * col)
        scale = jnp.minimum(1.0, MAX_NORM / jnp.maximum(jnp.sqrt(ss), 1e-7))
        acc_ref[...] = acc_ref[...] + col * scale
        issue(j + NBUF, s)

    def rnd(i, carry):
        for s in range(NBUF):
            process(NBUF * i + s, s)
        return carry

    lax.fori_loop(0, CTX // NBUF, rnd, 0)
    for s in range(NBUF):
        pltpu.make_async_copy(
            et_ref.at[:, pl.ds(0, 128)], bufs[s], sems[s]
        ).wait()

    avg = acc_ref[...] * (1.0 / CTX)
    avg_ref[...] = jnp.concatenate(
        [avg, jnp.zeros((DPAD - EMBED_DIM, 1), jnp.float32)], axis=0
    )
    tail_ref[...] = (
        lax.dot_general(avg, wtail_ref[...], (((0,), (0,)), ((), ())),
                        preferred_element_type=jnp.float32)
        + btail_ref[...]
    )



def _tc_mv_body(avg_ref, w_ref, b_ref, out_ref):
    out_ref[...] = (
        lax.dot_general(
            avg_ref[: EMBED_DIM, :], w_ref[...],
            (((0,), (0,)), ((), ())),
            preferred_element_type=jnp.float32,
        )
        + b_ref[...]
    )



_GDN = lax.GatherDimensionNumbers(
    offset_dims=(), collapsed_slice_dims=(0,), start_index_map=(0,)
)


def _perm(x, idx):
    return lax.gather(
        x, idx[:, None], _GDN, (1,), mode=lax.GatherScatterMode.PROMISE_IN_BOUNDS
    )


def _sc_mv_body(wt_hbm, avg_hbm, b_hbm, out_hbm,
                avg_v, buf0, buf1, b_v, out_v, sem0, sem1):
    wid = lax.axis_index("s") * NC + lax.axis_index("c")
    base = wid * RV
    pltpu.sync_copy(avg_hbm, avg_v)
    pltpu.sync_copy(b_hbm.at[pl.ds(base, RV)], b_v)

    splats = [jnp.full((16,), r, jnp.int32) for r in range(16)]
    bufs = (buf0, buf1)
    sems = (sem0, sem1)

    def issue(ch, s):
        v0 = base + ch * CCH
        pltpu.make_async_copy(
            wt_hbm.at[:, pl.ds(v0, CCH)], bufs[s], sems[s]
        ).start()

    def drain(s):
        pltpu.make_async_copy(
            wt_hbm.at[:, pl.ds(0, CCH)], bufs[s], sems[s]
        ).wait()

    def compute(ch, s):
        buf = bufs[s]

        def qstep(q, accs):
            av = avg_v[pl.ds(q * 16, 16)]
            for r in range(16):
                c = q * 16 + r
                bc = _perm(av, splats[r])
                accs = tuple(
                    accs[l] + buf[c, pl.ds(16 * l, 16)] * bc for l in range(8)
                )
            return accs

        accs = tuple(jnp.zeros((16,), jnp.float32) for _ in range(8))
        accs = lax.fori_loop(0, EMBED_DIM // 16, qstep, accs)
        av18 = avg_v[pl.ds(288, 16)]
        for r in range(EMBED_DIM - 288):
            c = 288 + r
            bc = _perm(av18, splats[r])
            accs = tuple(
                accs[l] + buf[c, pl.ds(16 * l, 16)] * bc for l in range(8)
            )
        loc = ch * CCH
        for l in range(8):
            out_v[pl.ds(loc + 16 * l, 16)] = (
                accs[l] + b_v[pl.ds(loc + 16 * l, 16)]
            )

    issue(0, 0)
    issue(1, 1)

    def pair(i, carry):
        ch0 = 2 * i
        drain(0)
        compute(ch0, 0)
        issue(ch0 + 2, 0)
        drain(1)
        compute(ch0 + 1, 1)
        issue(ch0 + 3, 1)
        return carry

    lax.fori_loop(0, NCH // 2, pair, 0)
    drain(0)
    drain(1)
    pltpu.sync_copy(out_v, out_hbm.at[pl.ds(base, RV)])


@functools.lru_cache(maxsize=1)
def _make_sc_mv():
    return functools.partial(
        pl.kernel,
        mesh=plsc.VectorSubcoreMesh(core_axis_name="c", subcore_axis_name="s"),
        out_type=jax.ShapeDtypeStruct((V_SC,), jnp.float32),
        scratch_types=[
            pltpu.VMEM((DPAD,), jnp.float32),
            pltpu.VMEM((EMBED_DIM, CCH), jnp.float32),
            pltpu.VMEM((EMBED_DIM, CCH), jnp.float32),
            pltpu.VMEM((RV,), jnp.float32),
            pltpu.VMEM((RV,), jnp.float32),
            pltpu.SemaphoreType.DMA,
            pltpu.SemaphoreType.DMA,
        ],
    )(_sc_mv_body)


def kernel(inputs, emb_table, W, b):
    et = emb_table.T
    wt = W.T
    idx = jnp.zeros((CTX + NBUF,), jnp.int32).at[:CTX].set(
        inputs.astype(jnp.int32)
    )
    wtail = lax.slice(wt, (0, VMAIN_END), (EMBED_DIM, VOCAB))
    btail = lax.slice(b, (VMAIN_END,), (VOCAB,)).reshape(1, NTAIL)
    etail = lax.slice(et, (0, VOCAB - 128), (EMBED_DIM, VOCAB))

    avg, tail = pl.pallas_call(
        _tc_avg_body,
        in_specs=[
            pl.BlockSpec(memory_space=pltpu.MemorySpace.SMEM),
            pl.BlockSpec(memory_space=pltpu.MemorySpace.HBM),
            pl.BlockSpec((EMBED_DIM, NTAIL), lambda: (0, 0)),
            pl.BlockSpec((1, NTAIL), lambda: (0, 0)),
            pl.BlockSpec((EMBED_DIM, 128), lambda: (0, 0)),
        ],
        out_shape=[
            jax.ShapeDtypeStruct((DPAD, 1), jnp.float32),
            jax.ShapeDtypeStruct((1, NTAIL), jnp.float32),
        ],
        scratch_shapes=(
            [pltpu.VMEM((EMBED_DIM, 128), jnp.float32)] * NBUF
            + [pltpu.VMEM((EMBED_DIM, 1), jnp.float32)]
            + [pltpu.SemaphoreType.DMA] * NBUF
        ),
    )(idx, et, wtail, btail, etail)

    sc_logits = _make_sc_mv()(wt, avg.reshape(DPAD), b)

    nblk = (VMAIN_END - V_SC) // BLKV
    off = V_SC // BLKV
    tc_main = pl.pallas_call(
        _tc_mv_body,
        grid=(nblk,),
        in_specs=[
            pl.BlockSpec((DPAD, 1), lambda i: (0, 0)),
            pl.BlockSpec((EMBED_DIM, BLKV), lambda i: (0, off + i)),
            pl.BlockSpec((1, BLKV), lambda i: (0, off + i)),
        ],
        out_specs=pl.BlockSpec((1, BLKV), lambda i: (0, i)),
        out_shape=jax.ShapeDtypeStruct((1, VMAIN_END - V_SC), jnp.float32),
    )(avg, wt, b.reshape(1, VOCAB))

    logits = jnp.concatenate(
        [sc_logits, tc_main.reshape(VMAIN_END - V_SC), tail.reshape(NTAIL)]
    )
    return logits.reshape(1, VOCAB)

# --- scband reference (transcript-rebuilt; emitter-appended) ---
"""Pipeline reference for scband-cbow-model-41798621725449 (READ-ONLY COPY).

The authoritative reference and input builder live on the scoring server;
editing this copy changes nothing except your own understanding.
"""

import jax, jax.numpy as jnp
import numpy as np

VOCAB = 100000
EMBED_DIM = 300
MAX_NORM = 1.0
CTX = 200

def setup_inputs(seed: int = 0) -> dict:
    key = jax.random.key(seed)
    k1, k2, k3 = jax.random.split(key, 3)
    inputs = jax.random.randint(k1, (CTX,), 0, VOCAB)
    emb_table = jax.random.normal(k2, (VOCAB, EMBED_DIM), dtype=jnp.float32)
    W = jax.random.normal(k3, (VOCAB, EMBED_DIM), dtype=jnp.float32) * (1.0 / np.sqrt(EMBED_DIM))
    b = jnp.zeros((VOCAB,), dtype=jnp.float32)
    return {"inputs": inputs, "emb_table": emb_table, "W": W, "b": b}

def reference(inputs, emb_table, W, b):
    # Embedding lookup with max_norm renormalization (torch nn.Embedding max_norm semantics
    # applied to the gathered rows)
    emb = jnp.take(emb_table, inputs, axis=0)  # (CTX, EMBED_DIM)
    norms = jnp.linalg.norm(emb, axis=-1, keepdims=True)
    scale = jnp.minimum(1.0, MAX_NORM / jnp.maximum(norms, 1e-7))
    emb = emb * scale
    # mean over context window, keepdim
    avg_embedding = jnp.mean(emb, axis=0, keepdims=True)  # (1, EMBED_DIM)
    # linear projection to vocab logits
    logits = avg_embedding @ W.T + b  # (1, VOCAB)
    return logits

if __name__ == "__main__":
    import jax
    _d = setup_inputs()
    print(jax.jit(kernel)(*tuple(_d.values())))

</pallas_src>

<mosaic_0001>
#map = affine_map<(d0, d1) -> (0, 0)>
#map1 = affine_map<(d0, d1) -> (0)>
module attributes {stable_mosaic.version = 14 : i64} {
  func.func @_sc_mv_body(%arg0: i32, %arg1: i32, %arg2: memref<300x100000xf32, #tpu.memory_space<hbm>>, %arg3: memref<384xf32, #tpu.memory_space<hbm>>, %arg4: memref<100000xf32, #tpu.memory_space<hbm>>, %arg5: memref<40960xf32, #tpu.memory_space<hbm>>, %arg6: memref<384xf32, #tpu.memory_space<vmem>>, %arg7: memref<300x128xf32, #tpu.memory_space<vmem>>, %arg8: memref<300x128xf32, #tpu.memory_space<vmem>>, %arg9: memref<1280xf32, #tpu.memory_space<vmem>>, %arg10: memref<1280xf32, #tpu.memory_space<vmem>>, %arg11: memref<!tpu.dma_semaphore, #tpu.memory_space<semaphore_mem>>, %arg12: memref<!tpu.dma_semaphore, #tpu.memory_space<semaphore_mem>>) attributes {dimension_semantics = [#tpu.dimension_semantics<core_parallel>, #tpu.dimension_semantics<subcore_parallel>], iteration_bounds = array<i64: 2, 16>, scalar_prefetch = 0 : i64, scratch_operands = 7 : i64, tpu.core_type = #tpu.core_type<sc_vector_subcore>, window_params = [{transform_indices = #map}, {transform_indices = #map1}, {transform_indices = #map1}, {transform_indices = #map1}]} {
    %mul3A = arith.constant 2 : i32
    %mul3A_0 = arith.muli %arg1, %mul3A : i32
    %add3A = arith.addi %mul3A_0, %arg0 : i32
    %mul3A_1 = arith.constant 1280 : i32
    %mul3A_2 = arith.muli %add3A, %mul3A_1 : i32
    "tpu.region"() ({
      %run_scoped3A = tpu.sem_alloc : memref<!tpu.dma_semaphore, #tpu.memory_space<semaphore_mem>>
      tpu.enqueue_dma source(%arg3 : memref<384xf32, #tpu.memory_space<hbm>>) target(%arg6 : memref<384xf32, #tpu.memory_space<vmem>>) target_semaphore(%run_scoped3A : memref<!tpu.dma_semaphore, #tpu.memory_space<semaphore_mem>>)
      tpu.wait_dma2 semaphore(%run_scoped3A : memref<!tpu.dma_semaphore, #tpu.memory_space<semaphore_mem>>) src(%arg3 : memref<384xf32, #tpu.memory_space<hbm>>) dst(%arg6 : memref<384xf32, #tpu.memory_space<vmem>>)
      tpu.yield
    }) : () -> ()
    "tpu.region"() ({
      %run_scoped3A = tpu.sem_alloc : memref<!tpu.dma_semaphore, #tpu.memory_space<semaphore_mem>>
      %dma_start3A_61 = tpu.memref_slice %arg4[%mul3A_2] : memref<100000xf32, #tpu.memory_space<hbm>> -> memref<1280xf32, #tpu.memory_space<hbm>>
      %dma_start3A_62 = tpu.memref_slice %arg4[%mul3A_2] : memref<100000xf32, #tpu.memory_space<hbm>> -> memref<1280xf32, #tpu.memory_space<hbm>>
      tpu.enqueue_dma source(%dma_start3A_62 : memref<1280xf32, #tpu.memory_space<hbm>>) target(%arg9 : memref<1280xf32, #tpu.memory_space<vmem>>) target_semaphore(%run_scoped3A : memref<!tpu.dma_semaphore, #tpu.memory_space<semaphore_mem>>)
      %dma_wait3A_63 = tpu.memref_slice %arg4[%mul3A_2] : memref<100000xf32, #tpu.memory_space<hbm>> -> memref<1280xf32, #tpu.memory_space<hbm>>
      %dma_wait3A_64 = tpu.memref_slice %arg4[%mul3A_2] : memref<100000xf32, #tpu.memory_space<hbm>> -> memref<1280xf32, #tpu.memory_space<hbm>>
      tpu.wait_dma2 semaphore(%run_scoped3A : memref<!tpu.dma_semaphore, #tpu.memory_space<semaphore_mem>>) src(%dma_wait3A_64 : memref<1280xf32, #tpu.memory_space<hbm>>) dst(%arg9 : memref<1280xf32, #tpu.memory_space<vmem>>)
      tpu.yield
    }) : () -> ()
    %broadcast_in_dim3A = arith.constant 0 : i32
    %broadcast_in_dim3A_3 = vector.broadcast %broadcast_in_dim3A : i32 to vector<16xi32>
    %broadcast_in_dim3A_4 = arith.constant 1 : i32
    %broadcast_in_dim3A_5 = vector.broadcast %broadcast_in_dim3A_4 : i32 to vector<16xi32>
    %broadcast_in_dim3A_6 = arith.constant 2 : i32
    %broadcast_in_dim3A_7 = vector.broadcast %broadcast_in_dim3A_6 : i32 to vector<16xi32>
    %broadcast_in_dim3A_8 = arith.constant 3 : i32
    %broadcast_in_dim3A_9 = vector.broadcast %broadcast_in_dim3A_8 : i32 to vector<16xi32>
    %broadcast_in_dim3A_10 = arith.constant 4 : i32
    %broadcast_in_dim3A_11 = vector.broadcast %broadcast_in_dim3A_10 : i32 to vector<16xi32>
    %broadcast_in_dim3A_12 = arith.constant 5 : i32
    %broadcast_in_dim3A_13 = vector.broadcast %broadcast_in_dim3A_12 : i32 to vector<16xi32>
    %broadcast_in_dim3A_14 = arith.constant 6 : i32
    %broadcast_in_dim3A_15 = vector.broadcast %broadcast_in_dim3A_14 : i32 to vector<16xi32>
    %broadcast_in_dim3A_16 = arith.constant 7 : i32
    %broadcast_in_dim3A_17 = vector.broadcast %broadcast_in_dim3A_16 : i32 to vector<16xi32>
    %broadcast_in_dim3A_18 = arith.constant 8 : i32
    %broadcast_in_dim3A_19 = vector.broadcast %broadcast_in_dim3A_18 : i32 to vector<16xi32>
    %broadcast_in_dim3A_20 = arith.constant 9 : i32
    %broadcast_in_dim3A_21 = vector.broadcast %broadcast_in_dim3A_20 : i32 to vector<16xi32>
    %broadcast_in_dim3A_22 = arith.constant 10 : i32
    %broadcast_in_dim3A_23 = vector.broadcast %broadcast_in_dim3A_22 : i32 to vector<16xi32>
    %broadcast_in_dim3A_24 = arith.constant 11 : i32
    %broadcast_in_dim3A_25 = vector.broadcast %broadcast_in_dim3A_24 : i32 to vector<16xi32>
    %broadcast_in_dim3A_26 = arith.constant 12 : i32
    %broadcast_in_dim3A_27 = vector.broadcast %broadcast_in_dim3A_26 : i32 to vector<16xi32>
    %broadcast_in_dim3A_28 = arith.constant 13 : i32
    %broadcast_in_dim3A_29 = vector.broadcast %broadcast_in_dim3A_28 : i32 to vector<16xi32>
    %broadcast_in_dim3A_30 = arith.constant 14 : i32
    %broadcast_in_dim3A_31 = vector.broadcast %broadcast_in_dim3A_30 : i32 to vector<16xi32>
    %broadcast_in_dim3A_32 = arith.constant 15 : i32
    %broadcast_in_dim3A_33 = vector.broadcast %broadcast_in_dim3A_32 : i32 to vector<16xi32>
    %add3A_34 = arith.constant 0 : i32
    %add3A_35 = arith.addi %mul3A_2, %add3A_34 : i32
    %dma_start3A = arith.constant 0 : i32
    %dma_start3A_36 = tpu.memref_slice %arg2[%dma_start3A, %add3A_35] : memref<300x100000xf32, #tpu.memory_space<hbm>> -> memref<300x128xf32, #tpu.memory_space<hbm>>
    %dma_start3A_37 = arith.constant 0 : i32
    %dma_start3A_38 = tpu.memref_slice %arg2[%dma_start3A_37, %add3A_35] : memref<300x100000xf32, #tpu.memory_space<hbm>> -> memref<300x128xf32, #tpu.memory_space<hbm>>
    tpu.enqueue_dma source(%dma_start3A_38 : memref<300x128xf32, #tpu.memory_space<hbm>>) target(%arg7 : memref<300x128xf32, #tpu.memory_space<vmem>>) target_semaphore(%arg11 : memref<!tpu.dma_semaphore, #tpu.memory_space<semaphore_mem>>)
    %add3A_39 = arith.constant 128 : i32
    %add3A_40 = arith.addi %mul3A_2, %add3A_39 : i32
    %dma_start3A_41 = arith.constant 0 : i32
    %dma_start3A_42 = tpu.memref_slice %arg2[%dma_start3A_41, %add3A_40] : memref<300x100000xf32, #tpu.memory_space<hbm>> -> memref<300x128xf32, #tpu.memory_space<hbm>>
    %dma_start3A_43 = arith.constant 0 : i32
    %dma_start3A_44 = tpu.memref_slice %arg2[%dma_start3A_43, %add3A_40] : memref<300x100000xf32, #tpu.memory_space<hbm>> -> memref<300x128xf32, #tpu.memory_space<hbm>>
    tpu.enqueue_dma source(%dma_start3A_44 : memref<300x128xf32, #tpu.memory_space<hbm>>) target(%arg8 : memref<300x128xf32, #tpu.memory_space<vmem>>) target_semaphore(%arg12 : memref<!tpu.dma_semaphore, #tpu.memory_space<semaphore_mem>>)
    %scan3A = arith.constant 0 : i32
    %scan3A_45 = arith.constant 0 : i32
    %scan3A_46 = arith.constant 5 : i32
    %scan3A_47 = arith.addi %scan3A_45, %scan3A_46 : i32
    %scan3A_48 = arith.constant 1 : i32
    scf.for %scan3A_61 = %scan3A_45 to %scan3A_47 step %scan3A_48  : i32 {
      %mul3A_62 = arith.constant 2 : i32
      %mul3A_63 = arith.muli %mul3A_62, %scan3A_61 : i32
      %dma_wait3A_64 = arith.constant 0 : i32
      %dma_wait3A_65 = arith.constant 0 : i32
      %dma_wait3A_66 = tpu.memref_slice %arg2[%dma_wait3A_64, %dma_wait3A_65] : memref<300x100000xf32, #tpu.memory_space<hbm>> -> memref<300x128xf32, #tpu.memory_space<hbm>>
      %dma_wait3A_67 = arith.constant 0 : i32
      %dma_wait3A_68 = arith.constant 0 : i32
      %dma_wait3A_69 = tpu.memref_slice %arg2[%dma_wait3A_67, %dma_wait3A_68] : memref<300x100000xf32, #tpu.memory_space<hbm>> -> memref<300x128xf32, #tpu.memory_space<hbm>>
      tpu.wait_dma2 semaphore(%arg11 : memref<!tpu.dma_semaphore, #tpu.memory_space<semaphore_mem>>) src(%dma_wait3A_69 : memref<300x128xf32, #tpu.memory_space<hbm>>) dst(%arg7 : memref<300x128xf32, #tpu.memory_space<vmem>>)
      %broadcast_in_dim3A_70 = arith.constant 0.000000e+00 : f32
      %broadcast_in_dim3A_71 = vector.broadcast %broadcast_in_dim3A_70 : f32 to vector<16xf32>
      %broadcast_in_dim3A_72 = arith.constant 0.000000e+00 : f32
      %broadcast_in_dim3A_73 = vector.broadcast %broadcast_in_dim3A_72 : f32 to vector<16xf32>
      %broadcast_in_dim3A_74 = arith.constant 0.000000e+00 : f32
      %broadcast_in_dim3A_75 = vector.broadcast %broadcast_in_dim3A_74 : f32 to vector<16xf32>
      %broadcast_in_dim3A_76 = arith.constant 0.000000e+00 : f32
      %broadcast_in_dim3A_77 = vector.broadcast %broadcast_in_dim3A_76 : f32 to vector<16xf32>
      %broadcast_in_dim3A_78 = arith.constant 0.000000e+00 : f32
      %broadcast_in_dim3A_79 = vector.broadcast %broadcast_in_dim3A_78 : f32 to vector<16xf32>
      %broadcast_in_dim3A_80 = arith.constant 0.000000e+00 : f32
      %broadcast_in_dim3A_81 = vector.broadcast %broadcast_in_dim3A_80 : f32 to vector<16xf32>
      %broadcast_in_dim3A_82 = arith.constant 0.000000e+00 : f32
      %broadcast_in_dim3A_83 = vector.broadcast %broadcast_in_dim3A_82 : f32 to vector<16xf32>
      %broadcast_in_dim3A_84 = arith.constant 0.000000e+00 : f32
      %broadcast_in_dim3A_85 = vector.broadcast %broadcast_in_dim3A_84 : f32 to vector<16xf32>
      %scan3A_86 = arith.constant 0 : i32
      %scan3A_87 = arith.constant 18 : i32
      %scan3A_88 = arith.addi %scan3A_86, %scan3A_87 : i32
      %scan3A_89 = arith.constant 1 : i32
      %scan3A_90:8 = scf.for %scan3A_1755 = %scan3A_86 to %scan3A_88 step %scan3A_89 iter_args(%scan3A_1756 = %broadcast_in_dim3A_71, %scan3A_1757 = %broadcast_in_dim3A_73, %scan3A_1758 = %broadcast_in_dim3A_75, %scan3A_1759 = %broadcast_in_dim3A_77, %scan3A_1760 = %broadcast_in_dim3A_79, %scan3A_1761 = %broadcast_in_dim3A_81, %scan3A_1762 = %broadcast_in_dim3A_83, %scan3A_1763 = %broadcast_in_dim3A_85) -> (vector<16xf32>, vector<16xf32>, vector<16xf32>, vector<16xf32>, vector<16xf32>, vector<16xf32>, vector<16xf32>, vector<16xf32>)  : i32 {
        %mul3A_1764 = arith.constant 16 : i32
        %mul3A_1765 = arith.muli %scan3A_1755, %mul3A_1764 : i32
        %get3A_1766 = arith.index_cast %mul3A_1765 : i32 to index
        %get3A_1767 = tpu.vector_load %arg6[%get3A_1766] {strides = array<i32>} : memref<384xf32, #tpu.memory_space<vmem>>, vector<16xf32>,
        %get3A_1768 = vector.shape_cast %get3A_1767 : vector<16xf32> to vector<16xf32>
        %mul3A_1769 = arith.constant 16 : i32
        %mul3A_1770 = arith.muli %scan3A_1755, %mul3A_1769 : i32
        %add3A_1771 = arith.constant 0 : i32
        %add3A_1772 = arith.addi %mul3A_1770, %add3A_1771 : i32
        %broadcast_in_dim3A_1773 = vector.shape_cast %broadcast_in_dim3A_3 : vector<16xi32> to vector<16x1xi32>
        %gather3A_1774 = vector.shape_cast %broadcast_in_dim3A_1773 : vector<16x1xi32> to vector<16xi32>
        %gather3A_1775 = tpu.dynamic_gather %get3A_1768[%gather3A_1774] in [0] : vector<16xf32>, vector<16xi32> -> vector<16xf32>
        %get3A_1776 = arith.index_cast %add3A_1772 : i32 to index
        %get3A_1777 = arith.constant 0 : index
        %get3A_1778 = tpu.vector_load %arg7[%get3A_1776, %get3A_1777] {strides = array<i32>} : memref<300x128xf32, #tpu.memory_space<vmem>>, vector<1x16xf32>,
        %get3A_1779 = vector.shape_cast %get3A_1778 : vector<1x16xf32> to vector<16xf32>
        %mul3A_1780 = arith.mulf %get3A_1779, %gather3A_1775 : vector<16xf32>
        %add3A_1781 = arith.addf %scan3A_1756, %mul3A_1780 : vector<16xf32>
        %get3A_1782 = arith.index_cast %add3A_1772 : i32 to index
        %get3A_1783 = arith.constant 16 : index
        %get3A_1784 = tpu.vector_load %arg7[%get3A_1782, %get3A_1783] {strides = array<i32>} : memref<300x128xf32, #tpu.memory_space<vmem>>, vector<1x16xf32>,
        %get3A_1785 = vector.shape_cast %get3A_1784 : vector<1x16xf32> to vector<16xf32>
        %mul3A_1786 = arith.mulf %get3A_1785, %gather3A_1775 : vector<16xf32>
        %add3A_1787 = arith.addf %scan3A_1757, %mul3A_1786 : vector<16xf32>
        %get3A_1788 = arith.index_cast %add3A_1772 : i32 to index
        %get3A_1789 = arith.constant 32 : index
        %get3A_1790 = tpu.vector_load %arg7[%get3A_1788, %get3A_1789] {strides = array<i32>} : memref<300x128xf32, #tpu.memory_space<vmem>>, vector<1x16xf32>,
        %get3A_1791 = vector.shape_cast %get3A_1790 : vector<1x16xf32> to vector<16xf32>
        %mul3A_1792 = arith.mulf %get3A_1791, %gather3A_1775 : vector<16xf32>
        %add3A_1793 = arith.addf %scan3A_1758, %mul3A_1792 : vector<16xf32>
        %get3A_1794 = arith.index_cast %add3A_1772 : i32 to index
        %get3A_1795 = arith.constant 48 : index
        %get3A_1796 = tpu.vector_load %arg7[%get3A_1794, %get3A_1795] {strides = array<i32>} : memref<300x128xf32, #tpu.memory_space<vmem>>, vector<1x16xf32>,
        %get3A_1797 = vector.shape_cast %get3A_1796 : vector<1x16xf32> to vector<16xf32>
        %mul3A_1798 = arith.mulf %get3A_1797, %gather3A_1775 : vector<16xf32>
        %add3A_1799 = arith.addf %scan3A_1759, %mul3A_1798 : vector<16xf32>
        %get3A_1800 = arith.index_cast %add3A_1772 : i32 to index
        %get3A_1801 = arith.constant 64 : index
        %get3A_1802 = tpu.vector_load %arg7[%get3A_1800, %get3A_1801] {strides = array<i32>} : memref<300x128xf32, #tpu.memory_space<vmem>>, vector<1x16xf32>,
        %get3A_1803 = vector.shape_cast %get3A_1802 : vector<1x16xf32> to vector<16xf32>
        %mul3A_1804 = arith.mulf %get3A_1803, %gather3A_1775 : vector<16xf32>
        %add3A_1805 = arith.addf %scan3A_1760, %mul3A_1804 : vector<16xf32>
        %get3A_1806 = arith.index_cast %add3A_1772 : i32 to index
        %get3A_1807 = arith.constant 80 : index
        %get3A_1808 = tpu.vector_load %arg7[%get3A_1806, %get3A_1807] {strides = array<i32>} : memref<300x128xf32, #tpu.memory_space<vmem>>, vector<1x16xf32>,
        %get3A_1809 = vector.shape_cast %get3A_1808 : vector<1x16xf32> to vector<16xf32>
        %mul3A_1810 = arith.mulf %get3A_1809, %gather3A_1775 : vector<16xf32>
        %add3A_1811 = arith.addf %scan3A_1761, %mul3A_1810 : vector<16xf32>
        %get3A_1812 = arith.index_cast %add3A_1772 : i32 to index
        %get3A_1813 = arith.constant 96 : index
        %get3A_1814 = tpu.vector_load %arg7[%get3A_1812, %get3A_1813] {strides = array<i32>} : memref<300x128xf32, #tpu.memory_space<vmem>>, vector<1x16xf32>,
        %get3A_1815 = vector.shape_cast %get3A_1814 : vector<1x16xf32> to vector<16xf32>
        %mul3A_1816 = arith.mulf %get3A_1815, %gather3A_1775 : vector<16xf32>
        %add3A_1817 = arith.addf %scan3A_1762, %mul3A_1816 : vector<16xf32>
        %get3A_1818 = arith.index_cast %add3A_1772 : i32 to index
        %get3A_1819 = arith.constant 112 : index
        %get3A_1820 = tpu.vector_load %arg7[%get3A_1818, %get3A_1819] {strides = array<i32>} : memref<300x128xf32, #tpu.memory_space<vmem>>, vector<1x16xf32>,
        %get3A_1821 = vector.shape_cast %get3A_1820 : vector<1x16xf32> to vector<16xf32>
        %mul3A_1822 = arith.mulf %get3A_1821, %gather3A_1775 : vector<16xf32>
        %add3A_1823 = arith.addf %scan3A_1763, %mul3A_1822 : vector<16xf32>
        %mul3A_1824 = arith.constant 16 : i32
        %mul3A_1825 = arith.muli %scan3A_1755, %mul3A_1824 : i32
        %add3A_1826 = arith.constant 1 : i32
        %add3A_1827 = arith.addi %mul3A_1825, %add3A_1826 : i32
        %broadcast_in_dim3A_1828 = vector.shape_cast %broadcast_in_dim3A_5 : vector<16xi32> to vector<16x1xi32>
        %gather3A_1829 = vector.shape_cast %broadcast_in_dim3A_1828 : vector<16x1xi32> to vector<16xi32>
        %gather3A_1830 = tpu.dynamic_gather %get3A_1768[%gather3A_1829] in [0] : vector<16xf32>, vector<16xi32> -> vector<16xf32>
        %get3A_1831 = arith.index_cast %add3A_1827 : i32 to index
        %get3A_1832 = arith.constant 0 : index
        %get3A_1833 = tpu.vector_load %arg7[%get3A_1831, %get3A_1832] {strides = array<i32>} : memref<300x128xf32, #tpu.memory_space<vmem>>, vector<1x16xf32>,
        %get3A_1834 = vector.shape_cast %get3A_1833 : vector<1x16xf32> to vector<16xf32>
        %mul3A_1835 = arith.mulf %get3A_1834, %gather3A_1830 : vector<16xf32>
        %add3A_1836 = arith.addf %add3A_1781, %mul3A_1835 : vector<16xf32>
        %get3A_1837 = arith.index_cast %add3A_1827 : i32 to index
        %get3A_1838 = arith.constant 16 : index
        %get3A_1839 = tpu.vector_load %arg7[%get3A_1837, %get3A_1838] {strides = array<i32>} : memref<300x128xf32, #tpu.memory_space<vmem>>, vector<1x16xf32>,
        %get3A_1840 = vector.shape_cast %get3A_1839 : vector<1x16xf32> to vector<16xf32>
        %mul3A_1841 = arith.mulf %get3A_1840, %gather3A_1830 : vector<16xf32>
        %add3A_1842 = arith.addf %add3A_1787, %mul3A_1841 : vector<16xf32>
        %get3A_1843 = arith.index_cast %add3A_1827 : i32 to index
        %get3A_1844 = arith.constant 32 : index
        %get3A_1845 = tpu.vector_load %arg7[%get3A_1843, %get3A_1844] {strides = array<i32>} : memref<300x128xf32, #tpu.memory_space<vmem>>, vector<1x16xf32>,
        %get3A_1846 = vector.shape_cast %get3A_1845 : vector<1x16xf32> to vector<16xf32>
        %mul3A_1847 = arith.mulf %get3A_1846, %gather3A_1830 : vector<16xf32>
        %add3A_1848 = arith.addf %add3A_1793, %mul3A_1847 : vector<16xf32>
        %get3A_1849 = arith.index_cast %add3A_1827 : i32 to index
        %get3A_1850 = arith.constant 48 : index
        %get3A_1851 = tpu.vector_load %arg7[%get3A_1849, %get3A_1850] {strides = array<i32>} : memref<300x128xf32, #tpu.memory_space<vmem>>, vector<1x16xf32>,
        %get3A_1852 = vector.shape_cast %get3A_1851 : vector<1x16xf32> to vector<16xf32>
        %mul3A_1853 = arith.mulf %get3A_1852, %gather3A_1830 : vector<16xf32>
        %add3A_1854 = arith.addf %add3A_1799, %mul3A_1853 : vector<16xf32>
        %get3A_1855 = arith.index_cast %add3A_1827 : i32 to index
        %get3A_1856 = arith.constant 64 : index
        %get3A_1857 = tpu.vector_load %arg7[%get3A_1855, %get3A_1856] {strides = array<i32>} : memref<300x128xf32, #tpu.memory_space<vmem>>, vector<1x16xf32>,
        %get3A_1858 = vector.shape_cast %get3A_1857 : vector<1x16xf32> to vector<16xf32>
        %mul3A_1859 = arith.mulf %get3A_1858, %gather3A_1830 : vector<16xf32>
        %add3A_1860 = arith.addf %add3A_1805, %mul3A_1859 : vector<16xf32>
        %get3A_1861 = arith.index_cast %add3A_1827 : i32 to index
        %get3A_1862 = arith.constant 80 : index
        %get3A_1863 = tpu.vector_load %arg7[%get3A_1861, %get3A_1862] {strides = array<i32>} : memref<300x128xf32, #tpu.memory_space<vmem>>, vector<1x16xf32>,
        %get3A_1864 = vector.shape_cast %get3A_1863 : vector<1x16xf32> to vector<16xf32>
        %mul3A_1865 = arith.mulf %get3A_1864, %gather3A_1830 : vector<16xf32>
        %add3A_1866 = arith.addf %add3A_1811, %mul3A_1865 : vector<16xf32>
        %get3A_1867 = arith.index_cast %add3A_1827 : i32 to index
        %get3A_1868 = arith.constant 96 : index
        %get3A_1869 = tpu.vector_load %arg7[%get3A_1867, %get3A_1868] {strides = array<i32>} : memref<300x128xf32, #tpu.memory_space<vmem>>, vector<1x16xf32>,
        %get3A_1870 = vector.shape_cast %get3A_1869 : vector<1x16xf32> to vector<16xf32>
        %mul3A_1871 = arith.mulf %get3A_1870, %gather3A_1830 : vector<16xf32>
        %add3A_1872 = arith.addf %add3A_1817, %mul3A_1871 : vector<16xf32>
        %get3A_1873 = arith.index_cast %add3A_1827 : i32 to index
        %get3A_1874 = arith.constant 112 : index
        %get3A_1875 = tpu.vector_load %arg7[%get3A_1873, %get3A_1874] {strides = array<i32>} : memref<300x128xf32, #tpu.memory_space<vmem>>, vector<1x16xf32>,
        %get3A_1876 = vector.shape_cast %get3A_1875 : vector<1x16xf32> to vector<16xf32>
        %mul3A_1877 = arith.mulf %get3A_1876, %gather3A_1830 : vector<16xf32>
        %add3A_1878 = arith.addf %add3A_1823, %mul3A_1877 : vector<16xf32>
        %mul3A_1879 = arith.constant 16 : i32
        %mul3A_1880 = arith.muli %scan3A_1755, %mul3A_1879 : i32
        %add3A_1881 = arith.constant 2 : i32
        %add3A_1882 = arith.addi %mul3A_1880, %add3A_1881 : i32
        %broadcast_in_dim3A_1883 = vector.shape_cast %broadcast_in_dim3A_7 : vector<16xi32> to vector<16x1xi32>
        %gather3A_1884 = vector.shape_cast %broadcast_in_dim3A_1883 : vector<16x1xi32> to vector<16xi32>
        %gather3A_1885 = tpu.dynamic_gather %get3A_1768[%gather3A_1884] in [0] : vector<16xf32>, vector<16xi32> -> vector<16xf32>
        %get3A_1886 = arith.index_cast %add3A_1882 : i32 to index
        %get3A_1887 = arith.constant 0 : index
        %get3A_1888 = tpu.vector_load %arg7[%get3A_1886, %get3A_1887] {strides = array<i32>} : memref<300x128xf32, #tpu.memory_space<vmem>>, vector<1x16xf32>,
        %get3A_1889 = vector.shape_cast %get3A_1888 : vector<1x16xf32> to vector<16xf32>
        %mul3A_1890 = arith.mulf %get3A_1889, %gather3A_1885 : vector<16xf32>
        %add3A_1891 = arith.addf %add3A_1836, %mul3A_1890 : vector<16xf32>
        %get3A_1892 = arith.index_cast %add3A_1882 : i32 to index
        %get3A_1893 = arith.constant 16 : index
        %get3A_1894 = tpu.vector_load %arg7[%get3A_1892, %get3A_1893] {strides = array<i32>} : memref<300x128xf32, #tpu.memory_space<vmem>>, vector<1x16xf32>,
        %get3A_1895 = vector.shape_cast %get3A_1894 : vector<1x16xf32> to vector<16xf32>
        %mul3A_1896 = arith.mulf %get3A_1895, %gather3A_1885 : vector<16xf32>
        %add3A_1897 = arith.addf %add3A_1842, %mul3A_1896 : vector<16xf32>
        %get3A_1898 = arith.index_cast %add3A_1882 : i32 to index
        %get3A_1899 = arith.constant 32 : index
        %get3A_1900 = tpu.vector_load %arg7[%get3A_1898, %get3A_1899] {strides = array<i32>} : memref<300x128xf32, #tpu.memory_space<vmem>>, vector<1x16xf32>,
        %get3A_1901 = vector.shape_cast %get3A_1900 : vector<1x16xf32> to vector<16xf32>
        %mul3A_1902 = arith.mulf %get3A_1901, %gather3A_1885 : vector<16xf32>
        %add3A_1903 = arith.addf %add3A_1848, %mul3A_1902 : vector<16xf32>
        %get3A_1904 = arith.index_cast %add3A_1882 : i32 to index
        %get3A_1905 = arith.constant 48 : index
        %get3A_1906 = tpu.vector_load %arg7[%get3A_1904, %get3A_1905] {strides = array<i32>} : memref<300x128xf32, #tpu.memory_space<vmem>>, vector<1x16xf32>,
        %get3A_1907 = vector.shape_cast %get3A_1906 : vector<1x16xf32> to vector<16xf32>
        %mul3A_1908 = arith.mulf %get3A_1907, %gather3A_1885 : vector<16xf32>
        %add3A_1909 = arith.addf %add3A_1854, %mul3A_1908 : vector<16xf32>
        %get3A_1910 = arith.index_cast %add3A_1882 : i32 to index
        %get3A_1911 = arith.constant 64 : index
        %get3A_1912 = tpu.vector_load %arg7[%get3A_1910, %get3A_1911] {strides = array<i32>} : memref<300x128xf32, #tpu.memory_space<vmem>>, vector<1x16xf32>,
        %get3A_1913 = vector.shape_cast %get3A_1912 : vector<1x16xf32> to vector<16xf32>
        %mul3A_1914 = arith.mulf %get3A_1913, %gather3A_1885 : vector<16xf32>
        %add3A_1915 = arith.addf %add3A_1860, %mul3A_1914 : vector<16xf32>
        %get3A_1916 = arith.index_cast %add3A_1882 : i32 to index
        %get3A_1917 = arith.constant 80 : index
        %get3A_1918 = tpu.vector_load %arg7[%get3A_1916, %get3A_1917] {strides = array<i32>} : memref<300x128xf32, #tpu.memory_space<vmem>>, vector<1x16xf32>,
        %get3A_1919 = vector.shape_cast %get3A_1918 : vector<1x16xf32> to vector<16xf32>
        %mul3A_1920 = arith.mulf %get3A_1919, %gather3A_1885 : vector<16xf32>
        %add3A_1921 = arith.addf %add3A_1866, %mul3A_1920 : vector<16xf32>
        %get3A_1922 = arith.index_cast %add3A_1882 : i32 to index
        %get3A_1923 = arith.constant 96 : index
        %get3A_1924 = tpu.vector_load %arg7[%get3A_1922, %get3A_1923] {strides = array<i32>} : memref<300x128xf32, #tpu.memory_space<vmem>>, vector<1x16xf32>,
        %get3A_1925 = vector.shape_cast %get3A_1924 : vector<1x16xf32> to vector<16xf32>
        %mul3A_1926 = arith.mulf %get3A_1925, %gather3A_1885 : vector<16xf32>
        %add3A_1927 = arith.addf %add3A_1872, %mul3A_1926 : vector<16xf32>
        %get3A_1928 = arith.index_cast %add3A_1882 : i32 to index
        %get3A_1929 = arith.constant 112 : index
        %get3A_1930 = tpu.vector_load %arg7[%get3A_1928, %get3A_1929] {strides = array<i32>} : memref<300x128xf32, #tpu.memory_space<vmem>>, vector<1x16xf32>,
        %get3A_1931 = vector.shape_cast %get3A_1930 : vector<1x16xf32> to vector<16xf32>
        %mul3A_1932 = arith.mulf %get3A_1931, %gather3A_1885 : vector<16xf32>
        %add3A_1933 = arith.addf %add3A_1878, %mul3A_1932 : vector<16xf32>
        %mul3A_1934 = arith.constant 16 : i32
        %mul3A_1935 = arith.muli %scan3A_1755, %mul3A_1934 : i32
        %add3A_1936 = arith.constant 3 : i32
        %add3A_1937 = arith.addi %mul3A_1935, %add3A_1936 : i32
        %broadcast_in_dim3A_1938 = vector.shape_cast %broadcast_in_dim3A_9 : vector<16xi32> to vector<16x1xi32>
        %gather3A_1939 = vector.shape_cast %broadcast_in_dim3A_1938 : vector<16x1xi32> to vector<16xi32>
        %gather3A_1940 = tpu.dynamic_gather %get3A_1768[%gather3A_1939] in [0] : vector<16xf32>, vector<16xi32> -> vector<16xf32>
        %get3A_1941 = arith.index_cast %add3A_1937 : i32 to index
        %get3A_1942 = arith.constant 0 : index
        %get3A_1943 = tpu.vector_load %arg7[%get3A_1941, %get3A_1942] {strides = array<i32>} : memref<300x128xf32, #tpu.memory_space<vmem>>, vector<1x16xf32>,
        %get3A_1944 = vector.shape_cast %get3A_1943 : vector<1x16xf32> to vector<16xf32>
        %mul3A_1945 = arith.mulf %get3A_1944, %gather3A_1940 : vector<16xf32>
        %add3A_1946 = arith.addf %add3A_1891, %mul3A_1945 : vector<16xf32>
        %get3A_1947 = arith.index_cast %add3A_1937 : i32 to index
        %get3A_1948 = arith.constant 16 : index
        %get3A_1949 = tpu.vector_load %arg7[%get3A_1947, %get3A_1948] {strides = array<i32>} : memref<300x128xf32, #tpu.memory_space<vmem>>, vector<1x16xf32>,
        %get3A_1950 = vector.shape_cast %get3A_1949 : vector<1x16xf32> to vector<16xf32>
        %mul3A_1951 = arith.mulf %get3A_1950, %gather3A_1940 : vector<16xf32>
        %add3A_1952 = arith.addf %add3A_1897, %mul3A_1951 : vector<16xf32>
        %get3A_1953 = arith.index_cast %add3A_1937 : i32 to index
        %get3A_1954 = arith.constant 32 : index
        %get3A_1955 = tpu.vector_load %arg7[%get3A_1953, %get3A_1954] {strides = array<i32>} : memref<300x128xf32, #tpu.memory_space<vmem>>, vector<1x16xf32>,
        %get3A_1956 = vector.shape_cast %get3A_1955 : vector<1x16xf32> to vector<16xf32>
        %mul3A_1957 = arith.mulf %get3A_1956, %gather3A_1940 : vector<16xf32>
        %add3A_1958 = arith.addf %add3A_1903, %mul3A_1957 : vector<16xf32>
        %get3A_1959 = arith.index_cast %add3A_1937 : i32 to index
        %get3A_1960 = arith.constant 48 : index
        %get3A_1961 = tpu.vector_load %arg7[%get3A_1959, %get3A_1960] {strides = array<i32>} : memref<300x128xf32, #tpu.memory_space<vmem>>, vector<1x16xf32>,
        %get3A_1962 = vector.shape_cast %get3A_1961 : vector<1x16xf32> to vector<16xf32>
        %mul3A_1963 = arith.mulf %get3A_1962, %gather3A_1940 : vector<16xf32>
        %add3A_1964 = arith.addf %add3A_1909, %mul3A_1963 : vector<16xf32>
        %get3A_1965 = arith.index_cast %add3A_1937 : i32 to index
        %get3A_1966 = arith.constant 64 : index
        %get3A_1967 = tpu.vector_load %arg7[%get3A_1965, %get3A_1966] {strides = array<i32>} : memref<300x128xf32, #tpu.memory_space<vmem>>, vector<1x16xf32>,
        %get3A_1968 = vector.shape_cast %get3A_1967 : vector<1x16xf32> to vector<16xf32>
        %mul3A_1969 = arith.mulf %get3A_1968, %gather3A_1940 : vector<16xf32>
        %add3A_1970 = arith.addf %add3A_1915, %mul3A_1969 : vector<16xf32>
        %get3A_1971 = arith.index_cast %add3A_1937 : i32 to index
        %get3A_1972 = arith.constant 80 : index
        %get3A_1973 = tpu.vector_load %arg7[%get3A_1971, %get3A_1972] {strides = array<i32>} : memref<300x128xf32, #tpu.memory_space<vmem>>, vector<1x16xf32>,
        %get3A_1974 = vector.shape_cast %get3A_1973 : vector<1x16xf32> to vector<16xf32>
        %mul3A_1975 = arith.mulf %get3A_1974, %gather3A_1940 : vector<16xf32>
        %add3A_1976 = arith.addf %add3A_1921, %mul3A_1975 : vector<16xf32>
        %get3A_1977 = arith.index_cast %add3A_1937 : i32 to index
        %get3A_1978 = arith.constant 96 : index
        %get3A_1979 = tpu.vector_load %arg7[%get3A_1977, %get3A_1978] {strides = array<i32>} : memref<300x128xf32, #tpu.memory_space<vmem>>, vector<1x16xf32>,
        %get3A_1980 = vector.shape_cast %get3A_1979 : vector<1x16xf32> to vector<16xf32>
        %mul3A_1981 = arith.mulf %get3A_1980, %gather3A_1940 : vector<16xf32>
        %add3A_1982 = arith.addf %add3A_1927, %mul3A_1981 : vector<16xf32>
        %get3A_1983 = arith.index_cast %add3A_1937 : i32 to index
        %get3A_1984 = arith.constant 112 : index
        %get3A_1985 = tpu.vector_load %arg7[%get3A_1983, %get3A_1984] {strides = array<i32>} : memref<300x128xf32, #tpu.memory_space<vmem>>, vector<1x16xf32>,
        %get3A_1986 = vector.shape_cast %get3A_1985 : vector<1x16xf32> to vector<16xf32>
        %mul3A_1987 = arith.mulf %get3A_1986, %gather3A_1940 : vector<16xf32>
        %add3A_1988 = arith.addf %add3A_1933, %mul3A_1987 : vector<16xf32>
        %mul3A_1989 = arith.constant 16 : i32
        %mul3A_1990 = arith.muli %scan3A_1755, %mul3A_1989 : i32
        %add3A_1991 = arith.constant 4 : i32
        %add3A_1992 = arith.addi %mul3A_1990, %add3A_1991 : i32
        %broadcast_in_dim3A_1993 = vector.shape_cast %broadcast_in_dim3A_11 : vector<16xi32> to vector<16x1xi32>
        %gather3A_1994 = vector.shape_cast %broadcast_in_dim3A_1993 : vector<16x1xi32> to vector<16xi32>
        %gather3A_1995 = tpu.dynamic_gather %get3A_1768[%gather3A_1994] in [0] : vector<16xf32>, vector<16xi32> -> vector<16xf32>
        %get3A_1996 = arith.index_cast %add3A_1992 : i32 to index
        %get3A_1997 = arith.constant 0 : index
        %get3A_1998 = tpu.vector_load %arg7[%get3A_1996, %get3A_1997] {strides = array<i32>} : memref<300x128xf32, #tpu.memory_space<vmem>>, vector<1x16xf32>,
        %get3A_1999 = vector.shape_cast %get3A_1998 : vector<1x16xf32> to vector<16xf32>
        %mul3A_2000 = arith.mulf %get3A_1999, %gather3A_1995 : vector<16xf32>
        %add3A_2001 = arith.addf %add3A_1946, %mul3A_2000 : vector<16xf32>
        %get3A_2002 = arith.index_cast %add3A_1992 : i32 to index
        %get3A_2003 = arith.constant 16 : index
        %get3A_2004 = tpu.vector_load %arg7[%get3A_2002, %get3A_2003] {strides = array<i32>} : memref<300x128xf32, #tpu.memory_space<vmem>>, vector<1x16xf32>,
        %get3A_2005 = vector.shape_cast %get3A_2004 : vector<1x16xf32> to vector<16xf32>
        %mul3A_2006 = arith.mulf %get3A_2005, %gather3A_1995 : vector<16xf32>
        %add3A_2007 = arith.addf %add3A_1952, %mul3A_2006 : vector<16xf32>
        %get3A_2008 = arith.index_cast %add3A_1992 : i32 to index
        %get3A_2009 = arith.constant 32 : index
        %get3A_2010 = tpu.vector_load %arg7[%get3A_2008, %get3A_2009] {strides = array<i32>} : memref<300x128xf32, #tpu.memory_space<vmem>>, vector<1x16xf32>,
        %get3A_2011 = vector.shape_cast %get3A_2010 : vector<1x16xf32> to vector<16xf32>
        %mul3A_2012 = arith.mulf %get3A_2011, %gather3A_1995 : vector<16xf32>
        %add3A_2013 = arith.addf %add3A_1958, %mul3A_2012 : vector<16xf32>
        %get3A_2014 = arith.index_cast %add3A_1992 : i32 to index
        %get3A_2015 = arith.constant 48 : index
        %get3A_2016 = tpu.vector_load %arg7[%get3A_2014, %get3A_2015] {strides = array<i32>} : memref<300x128xf32, #tpu.memory_space<vmem>>, vector<1x16xf32>,
        %get3A_2017 = vector.shape_cast %get3A_2016 : vector<1x16xf32> to vector<16xf32>
        %mul3A_2018 = arith.mulf %get3A_2017, %gather3A_1995 : vector<16xf32>
        %add3A_2019 = arith.addf %add3A_1964, %mul3A_2018 : vector<16xf32>
        %get3A_2020 = arith.index_cast %add3A_1992 : i32 to index
        %get3A_2021 = arith.constant 64 : index
        %get3A_2022 = tpu.vector_load %arg7[%get3A_2020, %get3A_2021] {strides = array<i32>} : memref<300x128xf32, #tpu.memory_space<vmem>>, vector<1x16xf32>,
        %get3A_2023 = vector.shape_cast %get3A_2022 : vector<1x16xf32> to vector<16xf32>
        %mul3A_2024 = arith.mulf %get3A_2023, %gather3A_1995 : vector<16xf32>
        %add3A_2025 = arith.addf %add3A_1970, %mul3A_2024 : vector<16xf32>
        %get3A_2026 = arith.index_cast %add3A_1992 : i32 to index
        %get3A_2027 = arith.constant 80 : index
        %get3A_2028 = tpu.vector_load %arg7[%get3A_2026, %get3A_2027] {strides = array<i32>} : memref<300x128xf32, #tpu.memory_space<vmem>>, vector<1x16xf32>,
        %get3A_2029 = vector.shape_cast %get3A_2028 : vector<1x16xf32> to vector<16xf32>
        %mul3A_2030 = arith.mulf %get3A_2029, %gather3A_1995 : vector<16xf32>
        %add3A_2031 = arith.addf %add3A_1976, %mul3A_2030 : vector<16xf32>
        %get3A_2032 = arith.index_cast %add3A_1992 : i32 to index
        %get3A_2033 = arith.constant 96 : index
        %get3A_2034 = tpu.vector_load %arg7[%get3A_2032, %get3A_2033] {strides = array<i32>} : memref<300x128xf32, #tpu.memory_space<vmem>>, vector<1x16xf32>,
        %get3A_2035 = vector.shape_cast %get3A_2034 : vector<1x16xf32> to vector<16xf32>
        %mul3A_2036 = arith.mulf %get3A_2035, %gather3A_1995 : vector<16xf32>
        %add3A_2037 = arith.addf %add3A_1982, %mul3A_2036 : vector<16xf32>
        %get3A_2038 = arith.index_cast %add3A_1992 : i32 to index
        %get3A_2039 = arith.constant 112 : index
        %get3A_2040 = tpu.vector_load %arg7[%get3A_2038, %get3A_2039] {strides = array<i32>} : memref<300x128xf32, #tpu.memory_space<vmem>>, vector<1x16xf32>,
        %get3A_2041 = vector.shape_cast %get3A_2040 : vector<1x16xf32> to vector<16xf32>
        %mul3A_2042 = arith.mulf %get3A_2041, %gather3A_1995 : vector<16xf32>
        %add3A_2043 = arith.addf %add3A_1988, %mul3A_2042 : vector<16xf32>
        %mul3A_2044 = arith.constant 16 : i32
        %mul3A_2045 = arith.muli %scan3A_1755, %mul3A_2044 : i32
        %add3A_2046 = arith.constant 5 : i32
        %add3A_2047 = arith.addi %mul3A_2045, %add3A_2046 : i32
        %broadcast_in_dim3A_2048 = vector.shape_cast %broadcast_in_dim3A_13 : vector<16xi32> to vector<16x1xi32>
        %gather3A_2049 = vector.shape_cast %broadcast_in_dim3A_2048 : vector<16x1xi32> to vector<16xi32>
        %gather3A_2050 = tpu.dynamic_gather %get3A_1768[%gather3A_2049] in [0] : vector<16xf32>, vector<16xi32> -> vector<16xf32>
        %get3A_2051 = arith.index_cast %add3A_2047 : i32 to index
        %get3A_2052 = arith.constant 0 : index
        %get3A_2053 = tpu.vector_load %arg7[%get3A_2051, %get3A_2052] {strides = array<i32>} : memref<300x128xf32, #tpu.memory_space<vmem>>, vector<1x16xf32>,
        %get3A_2054 = vector.shape_cast %get3A_2053 : vector<1x16xf32> to vector<16xf32>
        %mul3A_2055 = arith.mulf %get3A_2054, %gather3A_2050 : vector<16xf32>
        %add3A_2056 = arith.addf %add3A_2001, %mul3A_2055 : vector<16xf32>
        %get3A_2057 = arith.index_cast %add3A_2047 : i32 to index
        %get3A_2058 = arith.constant 16 : index
        %get3A_2059 = tpu.vector_load %arg7[%get3A_2057, %get3A_2058] {strides = array<i32>} : memref<300x128xf32, #tpu.memory_space<vmem>>, vector<1x16xf32>,
        %get3A_2060 = vector.shape_cast %get3A_2059 : vector<1x16xf32> to vector<16xf32>
        %mul3A_2061 = arith.mulf %get3A_2060, %gather3A_2050 : vector<16xf32>
        %add3A_2062 = arith.addf %add3A_2007, %mul3A_2061 : vector<16xf32>
        %get3A_2063 = arith.index_cast %add3A_2047 : i32 to index
        %get3A_2064 = arith.constant 32 : index
        %get3A_2065 = tpu.vector_load %arg7[%get3A_2063, %get3A_2064] {strides = array<i32>} : memref<300x128xf32, #tpu.memory_space<vmem>>, vector<1x16xf32>,
        %get3A_2066 = vector.shape_cast %get3A_2065 : vector<1x16xf32> to vector<16xf32>
        %mul3A_2067 = arith.mulf %get3A_2066, %gather3A_2050 : vector<16xf32>
        %add3A_2068 = arith.addf %add3A_2013, %mul3A_2067 : vector<16xf32>
        %get3A_2069 = arith.index_cast %add3A_2047 : i32 to index
        %get3A_2070 = arith.constant 48 : index
        %get3A_2071 = tpu.vector_load %arg7[%get3A_2069, %get3A_2070] {strides = array<i32>} : memref<300x128xf32, #tpu.memory_space<vmem>>, vector<1x16xf32>,
        %get3A_2072 = vector.shape_cast %get3A_2071 : vector<1x16xf32> to vector<16xf32>
        %mul3A_2073 = arith.mulf %get3A_2072, %gather3A_2050 : vector<16xf32>
        %add3A_2074 = arith.addf %add3A_2019, %mul3A_2073 : vector<16xf32>
        %get3A_2075 = arith.index_cast %add3A_2047 : i32 to index
        %get3A_2076 = arith.constant 64 : index
        %get3A_2077 = tpu.vector_load %arg7[%get3A_2075, %get3A_2076] {strides = array<i32>} : memref<300x128xf32, #tpu.memory_space<vmem>>, vector<1x16xf32>,
        %get3A_2078 = vector.shape_cast %get3A_2077 : vector<1x16xf32> to vector<16xf32>
        %mul3A_2079 = arith.mulf %get3A_2078, %gather3A_2050 : vector<16xf32>
        %add3A_2080 = arith.addf %add3A_2025, %mul3A_2079 : vector<16xf32>
        %get3A_2081 = arith.index_cast %add3A_2047 : i32 to index
        %get3A_2082 = arith.constant 80 : index
        %get3A_2083 = tpu.vector_load %arg7[%get3A_2081, %get3A_2082] {strides = array<i32>} : memref<300x128xf32, #tpu.memory_space<vmem>>, vector<1x16xf32>,
        %get3A_2084 = vector.shape_cast %get3A_2083 : vector<1x16xf32> to vector<16xf32>
        %mul3A_2085 = arith.mulf %get3A_2084, %gather3A_2050 : vector<16xf32>
        %add3A_2086 = arith.addf %add3A_2031, %mul3A_2085 : vector<16xf32>
        %get3A_2087 = arith.index_cast %add3A_2047 : i32 to index
        %get3A_2088 = arith.constant 96 : index
        %get3A_2089 = tpu.vector_load %arg7[%get3A_2087, %get3A_2088] {strides = array<i32>} : memref<300x128xf32, #tpu.memory_space<vmem>>, vector<1x16xf32>,
        %get3A_2090 = vector.shape_cast %get3A_2089 : vector<1x16xf32> to vector<16xf32>
        %mul3A_2091 = arith.mulf %get3A_2090, %gather3A_2050 : vector<16xf32>
        %add3A_2092 = arith.addf %add3A_2037, %mul3A_2091 : vector<16xf32>
        %get3A_2093 = arith.index_cast %add3A_2047 : i32 to index
        %get3A_2094 = arith.constant 112 : index
        %get3A_2095 = tpu.vector_load %arg7[%get3A_2093, %get3A_2094] {strides = array<i32>} : memref<300x128xf32, #tpu.memory_space<vmem>>, vector<1x16xf32>,
        %get3A_2096 = vector.shape_cast %get3A_2095 : vector<1x16xf32> to vector<16xf32>
        %mul3A_2097 = arith.mulf %get3A_2096, %gather3A_2050 : vector<16xf32>
        %add3A_2098 = arith.addf %add3A_2043, %mul3A_2097 : vector<16xf32>
        %mul3A_2099 = arith.constant 16 : i32
        %mul3A_2100 = arith.muli %scan3A_1755, %mul3A_2099 : i32
        %add3A_2101 = arith.constant 6 : i32
        %add3A_2102 = arith.addi %mul3A_2100, %add3A_2101 : i32
        %broadcast_in_dim3A_2103 = vector.shape_cast %broadcast_in_dim3A_15 : vector<16xi32> to vector<16x1xi32>
        %gather3A_2104 = vector.shape_cast %broadcast_in_dim3A_2103 : vector<16x1xi32> to vector<16xi32>
        %gather3A_2105 = tpu.dynamic_gather %get3A_1768[%gather3A_2104] in [0] : vector<16xf32>, vector<16xi32> -> vector<16xf32>
        %get3A_2106 = arith.index_cast %add3A_2102 : i32 to index
        %get3A_2107 = arith.constant 0 : index
        %get3A_2108 = tpu.vector_load %arg7[%get3A_2106, %get3A_2107] {strides = array<i32>} : memref<300x128xf32, #tpu.memory_space<vmem>>, vector<1x16xf32>,
        %get3A_2109 = vector.shape_cast %get3A_2108 : vector<1x16xf32> to vector<16xf32>
        %mul3A_2110 = arith.mulf %get3A_2109, %gather3A_2105 : vector<16xf32>
        %add3A_2111 = arith.addf %add3A_2056, %mul3A_2110 : vector<16xf32>
        %get3A_2112 = arith.index_cast %add3A_2102 : i32 to index
        %get3A_2113 = arith.constant 16 : index
        %get3A_2114 = tpu.vector_load %arg7[%get3A_2112, %get3A_2113] {strides = array<i32>} : memref<300x128xf32, #tpu.memory_space<vmem>>, vector<1x16xf32>,
        %get3A_2115 = vector.shape_cast %get3A_2114 : vector<1x16xf32> to vector<16xf32>
        %mul3A_2116 = arith.mulf %get3A_2115, %gather3A_2105 : vector<16xf32>
        %add3A_2117 = arith.addf %add3A_2062, %mul3A_2116 : vector<16xf32>
        %get3A_2118 = arith.index_cast %add3A_2102 : i32 to index
        %get3A_2119 = arith.constant 32 : index
        %get3A_2120 = tpu.vector_load %arg7[%get3A_2118, %get3A_2119] {strides = array<i32>} : memref<300x128xf32, #tpu.memory_space<vmem>>, vector<1x16xf32>,
        %get3A_2121 = vector.shape_cast %get3A_2120 : vector<1x16xf32> to vector<16xf32>
        %mul3A_2122 = arith.mulf %get3A_2121, %gather3A_2105 : vector<16xf32>
        %add3A_2123 = arith.addf %add3A_2068, %mul3A_2122 : vector<16xf32>
        %get3A_2124 = arith.index_cast %add3A_2102 : i32 to index
        %get3A_2125 = arith.constant 48 : index
        %get3A_2126 = tpu.vector_load %arg7[%get3A_2124, %get3A_2125] {strides = array<i32>} : memref<300x128xf32, #tpu.memory_space<vmem>>, vector<1x16xf32>,
        %get3A_2127 = vector.shape_cast %get3A_2126 : vector<1x16xf32> to vector<16xf32>
        %mul3A_2128 = arith.mulf %get3A_2127, %gather3A_2105 : vector<16xf32>
        %add3A_2129 = arith.addf %add3A_2074, %mul3A_2128 : vector<16xf32>
        %get3A_2130 = arith.index_cast %add3A_2102 : i32 to index
        %get3A_2131 = arith.constant 64 : index
        %get3A_2132 = tpu.vector_load %arg7[%get3A_2130, %get3A_2131] {strides = array<i32>} : memref<300x128xf32, #tpu.memory_space<vmem>>, vector<1x16xf32>,
        %get3A_2133 = vector.shape_cast %get3A_2132 : vector<1x16xf32> to vector<16xf32>
        %mul3A_2134 = arith.mulf %get3A_2133, %gather3A_2105 : vector<16xf32>
        %add3A_2135 = arith.addf %add3A_2080, %mul3A_2134 : vector<16xf32>
        %get3A_2136 = arith.index_cast %add3A_2102 : i32 to index
        %get3A_2137 = arith.constant 80 : index
        %get3A_2138 = tpu.vector_load %arg7[%get3A_2136, %get3A_2137] {strides = array<i32>} : memref<300x128xf32, #tpu.memory_space<vmem>>, vector<1x16xf32>,
        %get3A_2139 = vector.shape_cast %get3A_2138 : vector<1x16xf32> to vector<16xf32>
        %mul3A_2140 = arith.mulf %get3A_2139, %gather3A_2105 : vector<16xf32>
        %add3A_2141 = arith.addf %add3A_2086, %mul3A_2140 : vector<16xf32>
        %get3A_2142 = arith.index_cast %add3A_2102 : i32 to index
        %get3A_2143 = arith.constant 96 : index
        %get3A_2144 = tpu.vector_load %arg7[%get3A_2142, %get3A_2143] {strides = array<i32>} : memref<300x128xf32, #tpu.memory_space<vmem>>, vector<1x16xf32>,
        %get3A_2145 = vector.shape_cast %get3A_2144 : vector<1x16xf32> to vector<16xf32>
        %mul3A_2146 = arith.mulf %get3A_2145, %gather3A_2105 : vector<16xf32>
        %add3A_2147 = arith.addf %add3A_2092, %mul3A_2146 : vector<16xf32>
        %get3A_2148 = arith.index_cast %add3A_2102 : i32 to index
        %get3A_2149 = arith.constant 112 : index
        %get3A_2150 = tpu.vector_load %arg7[%get3A_2148, %get3A_2149] {strides = array<i32>} : memref<300x128xf32, #tpu.memory_space<vmem>>, vector<1x16xf32>,
        %get3A_2151 = vector.shape_cast %get3A_2150 : vector<1x16xf32> to vector<16xf32>
        %mul3A_2152 = arith.mulf %get3A_2151, %gather3A_2105 : vector<16xf32>
        %add3A_2153 = arith.addf %add3A_2098, %mul3A_2152 : vector<16xf32>
        %mul3A_2154 = arith.constant 16 : i32
        %mul3A_2155 = arith.muli %scan3A_1755, %mul3A_2154 : i32
        %add3A_2156 = arith.constant 7 : i32
        %add3A_2157 = arith.addi %mul3A_2155, %add3A_2156 : i32
        %broadcast_in_dim3A_2158 = vector.shape_cast %broadcast_in_dim3A_17 : vector<16xi32> to vector<16x1xi32>
        %gather3A_2159 = vector.shape_cast %broadcast_in_dim3A_2158 : vector<16x1xi32> to vector<16xi32>
        %gather3A_2160 = tpu.dynamic_gather %get3A_1768[%gather3A_2159] in [0] : vector<16xf32>, vector<16xi32> -> vector<16xf32>
        %get3A_2161 = arith.index_cast %add3A_2157 : i32 to index
        %get3A_2162 = arith.constant 0 : index
        %get3A_2163 = tpu.vector_load %arg7[%get3A_2161, %get3A_2162] {strides = array<i32>} : memref<300x128xf32, #tpu.memory_space<vmem>>, vector<1x16xf32>,
        %get3A_2164 = vector.shape_cast %get3A_2163 : vector<1x16xf32> to vector<16xf32>
        %mul3A_2165 = arith.mulf %get3A_2164, %gather3A_2160 : vector<16xf32>
        %add3A_2166 = arith.addf %add3A_2111, %mul3A_2165 : vector<16xf32>
        %get3A_2167 = arith.index_cast %add3A_2157 : i32 to index
        %get3A_2168 = arith.constant 16 : index
        %get3A_2169 = tpu.vector_load %arg7[%get3A_2167, %get3A_2168] {strides = array<i32>} : memref<300x128xf32, #tpu.memory_space<vmem>>, vector<1x16xf32>,
        %get3A_2170 = vector.shape_cast %get3A_2169 : vector<1x16xf32> to vector<16xf32>
        %mul3A_2171 = arith.mulf %get3A_2170, %gather3A_2160 : vector<16xf32>
        %add3A_2172 = arith.addf %add3A_2117, %mul3A_2171 : vector<16xf32>
        %get3A_2173 = arith.index_cast %add3A_2157 : i32 to index
        %get3A_2174 = arith.constant 32 : index
        %get3A_2175 = tpu.vector_load %arg7[%get3A_2173, %get3A_2174] {strides = array<i32>} : memref<300x128xf32, #tpu.memory_space<vmem>>, vector<1x16xf32>,
        %get3A_2176 = vector.shape_cast %get3A_2175 : vector<1x16xf32> to vector<16xf32>
        %mul3A_2177 = arith.mulf %get3A_2176, %gather3A_2160 : vector<16xf32>
        %add3A_2178 = arith.addf %add3A_2123, %mul3A_2177 : vector<16xf32>
        %get3A_2179 = arith.index_cast %add3A_2157 : i32 to index
        %get3A_2180 = arith.constant 48 : index
        %get3A_2181 = tpu.vector_load %arg7[%get3A_2179, %get3A_2180] {strides = array<i32>} : memref<300x128xf32, #tpu.memory_space<vmem>>, vector<1x16xf32>,
        %get3A_2182 = vector.shape_cast %get3A_2181 : vector<1x16xf32> to vector<16xf32>
        %mul3A_2183 = arith.mulf %get3A_2182, %gather3A_2160 : vector<16xf32>
        %add3A_2184 = arith.addf %add3A_2129, %mul3A_2183 : vector<16xf32>
        %get3A_2185 = arith.index_cast %add3A_2157 : i32 to index
        %get3A_2186 = arith.constant 64 : index
        %get3A_2187 = tpu.vector_load %arg7[%get3A_2185, %get3A_2186] {strides = array<i32>} : memref<300x128xf32, #tpu.memory_space<vmem>>, vector<1x16xf32>,
        %get3A_2188 = vector.shape_cast %get3A_2187 : vector<1x16xf32> to vector<16xf32>
        %mul3A_2189 = arith.mulf %get3A_2188, %gather3A_2160 : vector<16xf32>
        %add3A_2190 = arith.addf %add3A_2135, %mul3A_2189 : vector<16xf32>
        %get3A_2191 = arith.index_cast %add3A_2157 : i32 to index
        %get3A_2192 = arith.constant 80 : index
        %get3A_2193 = tpu.vector_load %arg7[%get3A_2191, %get3A_2192] {strides = array<i32>} : memref<300x128xf32, #tpu.memory_space<vmem>>, vector<1x16xf32>,
        %get3A_2194 = vector.shape_cast %get3A_2193 : vector<1x16xf32> to vector<16xf32>
        %mul3A_2195 = arith.mulf %get3A_2194, %gather3A_2160 : vector<16xf32>
        %add3A_2196 = arith.addf %add3A_2141, %mul3A_2195 : vector<16xf32>
        %get3A_2197 = arith.index_cast %add3A_2157 : i32 to index
        %get3A_2198 = arith.constant 96 : index
        %get3A_2199 = tpu.vector_load %arg7[%get3A_2197, %get3A_2198] {strides = array<i32>} : memref<300x128xf32, #tpu.memory_space<vmem>>, vector<1x16xf32>,
        %get3A_2200 = vector.shape_cast %get3A_2199 : vector<1x16xf32> to vector<16xf32>
        %mul3A_2201 = arith.mulf %get3A_2200, %gather3A_2160 : vector<16xf32>
        %add3A_2202 = arith.addf %add3A_2147, %mul3A_2201 : vector<16xf32>
        %get3A_2203 = arith.index_cast %add3A_2157 : i32 to index
        %get3A_2204 = arith.constant 112 : index
        %get3A_2205 = tpu.vector_load %arg7[%get3A_2203, %get3A_2204] {strides = array<i32>} : memref<300x128xf32, #tpu.memory_space<vmem>>, vector<1x16xf32>,
        %get3A_2206 = vector.shape_cast %get3A_2205 : vector<1x16xf32> to vector<16xf32>
        %mul3A_2207 = arith.mulf %get3A_2206, %gather3A_2160 : vector<16xf32>
        %add3A_2208 = arith.addf %add3A_2153, %mul3A_2207 : vector<16xf32>
        %mul3A_2209 = arith.constant 16 : i32
        %mul3A_2210 = arith.muli %scan3A_1755, %mul3A_2209 : i32
        %add3A_2211 = arith.constant 8 : i32
        %add3A_2212 = arith.addi %mul3A_2210, %add3A_2211 : i32
        %broadcast_in_dim3A_2213 = vector.shape_cast %broadcast_in_dim3A_19 : vector<16xi32> to vector<16x1xi32>
        %gather3A_2214 = vector.shape_cast %broadcast_in_dim3A_2213 : vector<16x1xi32> to vector<16xi32>
        %gather3A_2215 = tpu.dynamic_gather %get3A_1768[%gather3A_2214] in [0] : vector<16xf32>, vector<16xi32> -> vector<16xf32>
        %get3A_2216 = arith.index_cast %add3A_2212 : i32 to index
        %get3A_2217 = arith.constant 0 : index
        %get3A_2218 = tpu.vector_load %arg7[%get3A_2216, %get3A_2217] {strides = array<i32>} : memref<300x128xf32, #tpu.memory_space<vmem>>, vector<1x16xf32>,
        %get3A_2219 = vector.shape_cast %get3A_2218 : vector<1x16xf32> to vector<16xf32>
        %mul3A_2220 = arith.mulf %get3A_2219, %gather3A_2215 : vector<16xf32>
        %add3A_2221 = arith.addf %add3A_2166, %mul3A_2220 : vector<16xf32>
        %get3A_2222 = arith.index_cast %add3A_2212 : i32 to index
        %get3A_2223 = arith.constant 16 : index
        %get3A_2224 = tpu.vector_load %arg7[%get3A_2222, %get3A_2223] {strides = array<i32>} : memref<300x128xf32, #tpu.memory_space<vmem>>, vector<1x16xf32>,
        %get3A_2225 = vector.shape_cast %get3A_2224 : vector<1x16xf32> to vector<16xf32>
        %mul3A_2226 = arith.mulf %get3A_2225, %gather3A_2215 : vector<16xf32>
        %add3A_2227 = arith.addf %add3A_2172, %mul3A_2226 : vector<16xf32>
        %get3A_2228 = arith.index_cast %add3A_2212 : i32 to index
        %get3A_2229 = arith.constant 32 : index
        %get3A_2230 = tpu.vector_load %arg7[%get3A_2228, %get3A_2229] {strides = array<i32>} : memref<300x128xf32, #tpu.memory_space<vmem>>, vector<1x16xf32>,
        %get3A_2231 = vector.shape_cast %get3A_2230 : vector<1x16xf32> to vector<16xf32>
        %mul3A_2232 = arith.mulf %get3A_2231, %gather3A_2215 : vector<16xf32>
        %add3A_2233 = arith.addf %add3A_2178, %mul3A_2232 : vector<16xf32>
        %get3A_2234 = arith.index_cast %add3A_2212 : i32 to index
        %get3A_2235 = arith.constant 48 : index
        %get3A_2236 = tpu.vector_load %arg7[%get3A_2234, %get3A_2235] {strides = array<i32>} : memref<300x128xf32, #tpu.memory_space<vmem>>, vector<1x16xf32>,
        %get3A_2237 = vector.shape_cast %get3A_2236 : vector<1x16xf32> to vector<16xf32>
        %mul3A_2238 = arith.mulf %get3A_2237, %gather3A_2215 : vector<16xf32>
        %add3A_2239 = arith.addf %add3A_2184, %mul3A_2238 : vector<16xf32>
        %get3A_2240 = arith.index_cast %add3A_2212 : i32 to index
        %get3A_2241 = arith.constant 64 : index
        %get3A_2242 = tpu.vector_load %arg7[%get3A_2240, %get3A_2241] {strides = array<i32>} : memref<300x128xf32, #tpu.memory_space<vmem>>, vector<1x16xf32>,
        %get3A_2243 = vector.shape_cast %get3A_2242 : vector<1x16xf32> to vector<16xf32>
        %mul3A_2244 = arith.mulf %get3A_2243, %gather3A_2215 : vector<16xf32>
        %add3A_2245 = arith.addf %add3A_2190, %mul3A_2244 : vector<16xf32>
        %get3A_2246 = arith.index_cast %add3A_2212 : i32 to index
        %get3A_2247 = arith.constant 80 : index
        %get3A_2248 = tpu.vector_load %arg7[%get3A_2246, %get3A_2247] {strides = array<i32>} : memref<300x128xf32, #tpu.memory_space<vmem>>, vector<1x16xf32>,
        %get3A_2249 = vector.shape_cast %get3A_2248 : vector<1x16xf32> to vector<16xf32>
        %mul3A_2250 = arith.mulf %get3A_2249, %gather3A_2215 : vector<16xf32>
        %add3A_2251 = arith.addf %add3A_2196, %mul3A_2250 : vector<16xf32>
        %get3A_2252 = arith.index_cast %add3A_2212 : i32 to index
        %get3A_2253 = arith.constant 96 : index
        %get3A_2254 = tpu.vector_load %arg7[%get3A_2252, %get3A_2253] {strides = array<i32>} : memref<300x128xf32, #tpu.memory_space<vmem>>, vector<1x16xf32>,
        %get3A_2255 = vector.shape_cast %get3A_2254 : vector<1x16xf32> to vector<16xf32>
        %mul3A_2256 = arith.mulf %get3A_2255, %gather3A_2215 : vector<16xf32>
        %add3A_2257 = arith.addf %add3A_2202, %mul3A_2256 : vector<16xf32>
        %get3A_2258 = arith.index_cast %add3A_2212 : i32 to index
        %get3A_2259 = arith.constant 112 : index
        %get3A_2260 = tpu.vector_load %arg7[%get3A_2258, %get3A_2259] {strides = array<i32>} : memref<300x128xf32, #tpu.memory_space<vmem>>, vector<1x16xf32>,
        %get3A_2261 = vector.shape_cast %get3A_2260 : vector<1x16xf32> to vector<16xf32>
        %mul3A_2262 = arith.mulf %get3A_2261, %gather3A_2215 : vector<16xf32>
        %add3A_2263 = arith.addf %add3A_2208, %mul3A_2262 : vector<16xf32>
        %mul3A_2264 = arith.constant 16 : i32
        %mul3A_2265 = arith.muli %scan3A_1755, %mul3A_2264 : i32
        %add3A_2266 = arith.constant 9 : i32
        %add3A_2267 = arith.addi %mul3A_2265, %add3A_2266 : i32
        %broadcast_in_dim3A_2268 = vector.shape_cast %broadcast_in_dim3A_21 : vector<16xi32> to vector<16x1xi32>
        %gather3A_2269 = vector.shape_cast %broadcast_in_dim3A_2268 : vector<16x1xi32> to vector<16xi32>
        %gather3A_2270 = tpu.dynamic_gather %get3A_1768[%gather3A_2269] in [0] : vector<16xf32>, vector<16xi32> -> vector<16xf32>
        %get3A_2271 = arith.index_cast %add3A_2267 : i32 to index
        %get3A_2272 = arith.constant 0 : index
        %get3A_2273 = tpu.vector_load %arg7[%get3A_2271, %get3A_2272] {strides = array<i32>} : memref<300x128xf32, #tpu.memory_space<vmem>>, vector<1x16xf32>,
        %get3A_2274 = vector.shape_cast %get3A_2273 : vector<1x16xf32> to vector<16xf32>
        %mul3A_2275 = arith.mulf %get3A_2274, %gather3A_2270 : vector<16xf32>
        %add3A_2276 = arith.addf %add3A_2221, %mul3A_2275 : vector<16xf32>
        %get3A_2277 = arith.index_cast %add3A_2267 : i32 to index
        %get3A_2278 = arith.constant 16 : index
        %get3A_2279 = tpu.vector_load %arg7[%get3A_2277, %get3A_2278] {strides = array<i32>} : memref<300x128xf32, #tpu.memory_space<vmem>>, vector<1x16xf32>,
        %get3A_2280 = vector.shape_cast %get3A_2279 : vector<1x16xf32> to vector<16xf32>
        %mul3A_2281 = arith.mulf %get3A_2280, %gather3A_2270 : vector<16xf32>
        %add3A_2282 = arith.addf %add3A_2227, %mul3A_2281 : vector<16xf32>
        %get3A_2283 = arith.index_cast %add3A_2267 : i32 to index
        %get3A_2284 = arith.constant 32 : index
        %get3A_2285 = tpu.vector_load %arg7[%get3A_2283, %get3A_2284] {strides = array<i32>} : memref<300x128xf32, #tpu.memory_space<vmem>>, vector<1x16xf32>,
        %get3A_2286 = vector.shape_cast %get3A_2285 : vector<1x16xf32> to vector<16xf32>
        %mul3A_2287 = arith.mulf %get3A_2286, %gather3A_2270 : vector<16xf32>
        %add3A_2288 = arith.addf %add3A_2233, %mul3A_2287 : vector<16xf32>
        %get3A_2289 = arith.index_cast %add3A_2267 : i32 to index
        %get3A_2290 = arith.constant 48 : index
        %get3A_2291 = tpu.vector_load %arg7[%get3A_2289, %get3A_2290] {strides = array<i32>} : memref<300x128xf32, #tpu.memory_space<vmem>>, vector<1x16xf32>,
        %get3A_2292 = vector.shape_cast %get3A_2291 : vector<1x16xf32> to vector<16xf32>
        %mul3A_2293 = arith.mulf %get3A_2292, %gather3A_2270 : vector<16xf32>
        %add3A_2294 = arith.addf %add3A_2239, %mul3A_2293 : vector<16xf32>
        %get3A_2295 = arith.index_cast %add3A_2267 : i32 to index
        %get3A_2296 = arith.constant 64 : index
        %get3A_2297 = tpu.vector_load %arg7[%get3A_2295, %get3A_2296] {strides = array<i32>} : memref<300x128xf32, #tpu.memory_space<vmem>>, vector<1x16xf32>,
        %get3A_2298 = vector.shape_cast %get3A_2297 : vector<1x16xf32> to vector<16xf32>
        %mul3A_2299 = arith.mulf %get3A_2298, %gather3A_2270 : vector<16xf32>
        %add3A_2300 = arith.addf %add3A_2245, %mul3A_2299 : vector<16xf32>
        %get3A_2301 = arith.index_cast %add3A_2267 : i32 to index
        %get3A_2302 = arith.constant 80 : index
        %get3A_2303 = tpu.vector_load %arg7[%get3A_2301, %get3A_2302] {strides = array<i32>} : memref<300x128xf32, #tpu.memory_space<vmem>>, vector<1x16xf32>,
        %get3A_2304 = vector.shape_cast %get3A_2303 : vector<1x16xf32> to vector<16xf32>
        %mul3A_2305 = arith.mulf %get3A_2304, %gather3A_2270 : vector<16xf32>
        %add3A_2306 = arith.addf %add3A_2251, %mul3A_2305 : vector<16xf32>
        %get3A_2307 = arith.index_cast %add3A_2267 : i32 to index
        %get3A_2308 = arith.constant 96 : index
        %get3A_2309 = tpu.vector_load %arg7[%get3A_2307, %get3A_2308] {strides = array<i32>} : memref<300x128xf32, #tpu.memory_space<vmem>>, vector<1x16xf32>,
        %get3A_2310 = vector.shape_cast %get3A_2309 : vector<1x16xf32> to vector<16xf32>
        %mul3A_2311 = arith.mulf %get3A_2310, %gather3A_2270 : vector<16xf32>
        %add3A_2312 = arith.addf %add3A_2257, %mul3A_2311 : vector<16xf32>
        %get3A_2313 = arith.index_cast %add3A_2267 : i32 to index
        %get3A_2314 = arith.constant 112 : index
        %get3A_2315 = tpu.vector_load %arg7[%get3A_2313, %get3A_2314] {strides = array<i32>} : memref<300x128xf32, #tpu.memory_space<vmem>>, vector<1x16xf32>,
        %get3A_2316 = vector.shape_cast %get3A_2315 : vector<1x16xf32> to vector<16xf32>
        %mul3A_2317 = arith.mulf %get3A_2316, %gather3A_2270 : vector<16xf32>
        %add3A_2318 = arith.addf %add3A_2263, %mul3A_2317 : vector<16xf32>
        %mul3A_2319 = arith.constant 16 : i32
        %mul3A_2320 = arith.muli %scan3A_1755, %mul3A_2319 : i32
        %add3A_2321 = arith.constant 10 : i32
        %add3A_2322 = arith.addi %mul3A_2320, %add3A_2321 : i32
        %broadcast_in_dim3A_2323 = vector.shape_cast %broadcast_in_dim3A_23 : vector<16xi32> to vector<16x1xi32>
        %gather3A_2324 = vector.shape_cast %broadcast_in_dim3A_2323 : vector<16x1xi32> to vector<16xi32>
        %gather3A_2325 = tpu.dynamic_gather %get3A_1768[%gather3A_2324] in [0] : vector<16xf32>, vector<16xi32> -> vector<16xf32>
        %get3A_2326 = arith.index_cast %add3A_2322 : i32 to index
        %get3A_2327 = arith.constant 0 : index
        %get3A_2328 = tpu.vector_load %arg7[%get3A_2326, %get3A_2327] {strides = array<i32>} : memref<300x128xf32, #tpu.memory_space<vmem>>, vector<1x16xf32>,
        %get3A_2329 = vector.shape_cast %get3A_2328 : vector<1x16xf32> to vector<16xf32>
        %mul3A_2330 = arith.mulf %get3A_2329, %gather3A_2325 : vector<16xf32>
        %add3A_2331 = arith.addf %add3A_2276, %mul3A_2330 : vector<16xf32>
        %get3A_2332 = arith.index_cast %add3A_2322 : i32 to index
        %get3A_2333 = arith.constant 16 : index
        %get3A_2334 = tpu.vector_load %arg7[%get3A_2332, %get3A_2333] {strides = array<i32>} : memref<300x128xf32, #tpu.memory_space<vmem>>, vector<1x16xf32>,
        %get3A_2335 = vector.shape_cast %get3A_2334 : vector<1x16xf32> to vector<16xf32>
        %mul3A_2336 = arith.mulf %get3A_2335, %gather3A_2325 : vector<16xf32>
        %add3A_2337 = arith.addf %add3A_2282, %mul3A_2336 : vector<16xf32>
        %get3A_2338 = arith.index_cast %add3A_2322 : i32 to index
        %get3A_2339 = arith.constant 32 : index
        %get3A_2340 = tpu.vector_load %arg7[%get3A_2338, %get3A_2339] {strides = array<i32>} : memref<300x128xf32, #tpu.memory_space<vmem>>, vector<1x16xf32>,
        %get3A_2341 = vector.shape_cast %get3A_2340 : vector<1x16xf32> to vector<16xf32>
        %mul3A_2342 = arith.mulf %get3A_2341, %gather3A_2325 : vector<16xf32>
        %add3A_2343 = arith.addf %add3A_2288, %mul3A_2342 : vector<16xf32>
        %get3A_2344 = arith.index_cast %add3A_2322 : i32 to index
        %get3A_2345 = arith.constant 48 : index
        %get3A_2346 = tpu.vector_load %arg7[%get3A_2344, %get3A_2345] {strides = array<i32>} : memref<300x128xf32, #tpu.memory_space<vmem>>, vector<1x16xf32>,
        %get3A_2347 = vector.shape_cast %get3A_2346 : vector<1x16xf32> to vector<16xf32>
        %mul3A_2348 = arith.mulf %get3A_2347, %gather3A_2325 : vector<16xf32>
        %add3A_2349 = arith.addf %add3A_2294, %mul3A_2348 : vector<16xf32>
        %get3A_2350 = arith.index_cast %add3A_2322 : i32 to index
        %get3A_2351 = arith.constant 64 : index
        %get3A_2352 = tpu.vector_load %arg7[%get3A_2350, %get3A_2351] {strides = array<i32>} : memref<300x128xf32, #tpu.memory_space<vmem>>, vector<1x16xf32>,
        %get3A_2353 = vector.shape_cast %get3A_2352 : vector<1x16xf32> to vector<16xf32>
        %mul3A_2354 = arith.mulf %get3A_2353, %gather3A_2325 : vector<16xf32>
        %add3A_2355 = arith.addf %add3A_2300, %mul3A_2354 : vector<16xf32>
        %get3A_2356 = arith.index_cast %add3A_2322 : i32 to index
        %get3A_2357 = arith.constant 80 : index
        %get3A_2358 = tpu.vector_load %arg7[%get3A_2356, %get3A_2357] {strides = array<i32>} : memref<300x128xf32, #tpu.memory_space<vmem>>, vector<1x16xf32>,
        %get3A_2359 = vector.shape_cast %get3A_2358 : vector<1x16xf32> to vector<16xf32>
        %mul3A_2360 = arith.mulf %get3A_2359, %gather3A_2325 : vector<16xf32>
        %add3A_2361 = arith.addf %add3A_2306, %mul3A_2360 : vector<16xf32>
        %get3A_2362 = arith.index_cast %add3A_2322 : i32 to index
        %get3A_2363 = arith.constant 96 : index
        %get3A_2364 = tpu.vector_load %arg7[%get3A_2362, %get3A_2363] {strides = array<i32>} : memref<300x128xf32, #tpu.memory_space<vmem>>, vector<1x16xf32>,
        %get3A_2365 = vector.shape_cast %get3A_2364 : vector<1x16xf32> to vector<16xf32>
        %mul3A_2366 = arith.mulf %get3A_2365, %gather3A_2325 : vector<16xf32>
        %add3A_2367 = arith.addf %add3A_2312, %mul3A_2366 : vector<16xf32>
        %get3A_2368 = arith.index_cast %add3A_2322 : i32 to index
        %get3A_2369 = arith.constant 112 : index
        %get3A_2370 = tpu.vector_load %arg7[%get3A_2368, %get3A_2369] {strides = array<i32>} : memref<300x128xf32, #tpu.memory_space<vmem>>, vector<1x16xf32>,
        %get3A_2371 = vector.shape_cast %get3A_2370 : vector<1x16xf32> to vector<16xf32>
        %mul3A_2372 = arith.mulf %get3A_2371, %gather3A_2325 : vector<16xf32>
        %add3A_2373 = arith.addf %add3A_2318, %mul3A_2372 : vector<16xf32>
        %mul3A_2374 = arith.constant 16 : i32
        %mul3A_2375 = arith.muli %scan3A_1755, %mul3A_2374 : i32
        %add3A_2376 = arith.constant 11 : i32
        %add3A_2377 = arith.addi %mul3A_2375, %add3A_2376 : i32
        %broadcast_in_dim3A_2378 = vector.shape_cast %broadcast_in_dim3A_25 : vector<16xi32> to vector<16x1xi32>
        %gather3A_2379 = vector.shape_cast %broadcast_in_dim3A_2378 : vector<16x1xi32> to vector<16xi32>
        %gather3A_2380 = tpu.dynamic_gather %get3A_1768[%gather3A_2379] in [0] : vector<16xf32>, vector<16xi32> -> vector<16xf32>
        %get3A_2381 = arith.index_cast %add3A_2377 : i32 to index
        %get3A_2382 = arith.constant 0 : index
        %get3A_2383 = tpu.vector_load %arg7[%get3A_2381, %get3A_2382] {strides = array<i32>} : memref<300x128xf32, #tpu.memory_space<vmem>>, vector<1x16xf32>,
        %get3A_2384 = vector.shape_cast %get3A_2383 : vector<1x16xf32> to vector<16xf32>
        %mul3A_2385 = arith.mulf %get3A_2384, %gather3A_2380 : vector<16xf32>
        %add3A_2386 = arith.addf %add3A_2331, %mul3A_2385 : vector<16xf32>
        %get3A_2387 = arith.index_cast %add3A_2377 : i32 to index
        %get3A_2388 = arith.constant 16 : index
        %get3A_2389 = tpu.vector_load %arg7[%get3A_2387, %get3A_2388] {strides = array<i32>} : memref<300x128xf32, #tpu.memory_space<vmem>>, vector<1x16xf32>,
        %get3A_2390 = vector.shape_cast %get3A_2389 : vector<1x16xf32> to vector<16xf32>
        %mul3A_2391 = arith.mulf %get3A_2390, %gather3A_2380 : vector<16xf32>
        %add3A_2392 = arith.addf %add3A_2337, %mul3A_2391 : vector<16xf32>
        %get3A_2393 = arith.index_cast %add3A_2377 : i32 to index
        %get3A_2394 = arith.constant 32 : index
        %get3A_2395 = tpu.vector_load %arg7[%get3A_2393, %get3A_2394] {strides = array<i32>} : memref<300x128xf32, #tpu.memory_space<vmem>>, vector<1x16xf32>,
        %get3A_2396 = vector.shape_cast %get3A_2395 : vector<1x16xf32> to vector<16xf32>
        %mul3A_2397 = arith.mulf %get3A_2396, %gather3A_2380 : vector<16xf32>
        %add3A_2398 = arith.addf %add3A_2343, %mul3A_2397 : vector<16xf32>
        %get3A_2399 = arith.index_cast %add3A_2377 : i32 to index
        %get3A_2400 = arith.constant 48 : index
        %get3A_2401 = tpu.vector_load %arg7[%get3A_2399, %get3A_2400] {strides = array<i32>} : memref<300x128xf32, #tpu.memory_space<vmem>>, vector<1x16xf32>,
        %get3A_2402 = vector.shape_cast %get3A_2401 : vector<1x16xf32> to vector<16xf32>
        %mul3A_2403 = arith.mulf %get3A_2402, %gather3A_2380 : vector<16xf32>
        %add3A_2404 = arith.addf %add3A_2349, %mul3A_2403 : vector<16xf32>
        %get3A_2405 = arith.index_cast %add3A_2377 : i32 to index
        %get3A_2406 = arith.constant 64 : index
        %get3A_2407 = tpu.vector_load %arg7[%get3A_2405, %get3A_2406] {strides = array<i32>} : memref<300x128xf32, #tpu.memory_space<vmem>>, vector<1x16xf32>,
        %get3A_2408 = vector.shape_cast %get3A_2407 : vector<1x16xf32> to vector<16xf32>
        %mul3A_2409 = arith.mulf %get3A_2408, %gather3A_2380 : vector<16xf32>
        %add3A_2410 = arith.addf %add3A_2355, %mul3A_2409 : vector<16xf32>
        %get3A_2411 = arith.index_cast %add3A_2377 : i32 to index
        %get3A_2412 = arith.constant 80 : index
        %get3A_2413 = tpu.vector_load %arg7[%get3A_2411, %get3A_2412] {strides = array<i32>} : memref<300x128xf32, #tpu.memory_space<vmem>>, vector<1x16xf32>,
        %get3A_2414 = vector.shape_cast %get3A_2413 : vector<1x16xf32> to vector<16xf32>
        %mul3A_2415 = arith.mulf %get3A_2414, %gather3A_2380 : vector<16xf32>
        %add3A_2416 = arith.addf %add3A_2361, %mul3A_2415 : vector<16xf32>
        %get3A_2417 = arith.index_cast %add3A_2377 : i32 to index
        %get3A_2418 = arith.constant 96 : index
        %get3A_2419 = tpu.vector_load %arg7[%get3A_2417, %get3A_2418] {strides = array<i32>} : memref<300x128xf32, #tpu.memory_space<vmem>>, vector<1x16xf32>,
        %get3A_2420 = vector.shape_cast %get3A_2419 : vector<1x16xf32> to vector<16xf32>
        %mul3A_2421 = arith.mulf %get3A_2420, %gather3A_2380 : vector<16xf32>
        %add3A_2422 = arith.addf %add3A_2367, %mul3A_2421 : vector<16xf32>
        %get3A_2423 = arith.index_cast %add3A_2377 : i32 to index
        %get3A_2424 = arith.constant 112 : index
        %get3A_2425 = tpu.vector_load %arg7[%get3A_2423, %get3A_2424] {strides = array<i32>} : memref<300x128xf32, #tpu.memory_space<vmem>>, vector<1x16xf32>,
        %get3A_2426 = vector.shape_cast %get3A_2425 : vector<1x16xf32> to vector<16xf32>
        %mul3A_2427 = arith.mulf %get3A_2426, %gather3A_2380 : vector<16xf32>
        %add3A_2428 = arith.addf %add3A_2373, %mul3A_2427 : vector<16xf32>
        %mul3A_2429 = arith.constant 16 : i32
        %mul3A_2430 = arith.muli %scan3A_1755, %mul3A_2429 : i32
        %add3A_2431 = arith.constant 12 : i32
        %add3A_2432 = arith.addi %mul3A_2430, %add3A_2431 : i32
        %broadcast_in_dim3A_2433 = vector.shape_cast %broadcast_in_dim3A_27 : vector<16xi32> to vector<16x1xi32>
        %gather3A_2434 = vector.shape_cast %broadcast_in_dim3A_2433 : vector<16x1xi32> to vector<16xi32>
        %gather3A_2435 = tpu.dynamic_gather %get3A_1768[%gather3A_2434] in [0] : vector<16xf32>, vector<16xi32> -> vector<16xf32>
        %get3A_2436 = arith.index_cast %add3A_2432 : i32 to index
        %get3A_2437 = arith.constant 0 : index
        %get3A_2438 = tpu.vector_load %arg7[%get3A_2436, %get3A_2437] {strides = array<i32>} : memref<300x128xf32, #tpu.memory_space<vmem>>, vector<1x16xf32>,
        %get3A_2439 = vector.shape_cast %get3A_2438 : vector<1x16xf32> to vector<16xf32>
        %mul3A_2440 = arith.mulf %get3A_2439, %gather3A_2435 : vector<16xf32>
        %add3A_2441 = arith.addf %add3A_2386, %mul3A_2440 : vector<16xf32>
        %get3A_2442 = arith.index_cast %add3A_2432 : i32 to index
        %get3A_2443 = arith.constant 16 : index
        %get3A_2444 = tpu.vector_load %arg7[%get3A_2442, %get3A_2443] {strides = array<i32>} : memref<300x128xf32, #tpu.memory_space<vmem>>, vector<1x16xf32>,
        %get3A_2445 = vector.shape_cast %get3A_2444 : vector<1x16xf32> to vector<16xf32>
        %mul3A_2446 = arith.mulf %get3A_2445, %gather3A_2435 : vector<16xf32>
        %add3A_2447 = arith.addf %add3A_2392, %mul3A_2446 : vector<16xf32>
        %get3A_2448 = arith.index_cast %add3A_2432 : i32 to index
        %get3A_2449 = arith.constant 32 : index
        %get3A_2450 = tpu.vector_load %arg7[%get3A_2448, %get3A_2449] {strides = array<i32>} : memref<300x128xf32, #tpu.memory_space<vmem>>, vector<1x16xf32>,
        %get3A_2451 = vector.shape_cast %get3A_2450 : vector<1x16xf32> to vector<16xf32>
        %mul3A_2452 = arith.mulf %get3A_2451, %gather3A_2435 : vector<16xf32>
        %add3A_2453 = arith.addf %add3A_2398, %mul3A_2452 : vector<16xf32>
        %get3A_2454 = arith.index_cast %add3A_2432 : i32 to index
        %get3A_2455 = arith.constant 48 : index
        %get3A_2456 = tpu.vector_load %arg7[%get3A_2454, %get3A_2455] {strides = array<i32>} : memref<300x128xf32, #tpu.memory_space<vmem>>, vector<1x16xf32>,
        %get3A_2457 = vector.shape_cast %get3A_2456 : vector<1x16xf32> to vector<16xf32>
        %mul3A_2458 = arith.mulf %get3A_2457, %gather3A_2435 : vector<16xf32>
        %add3A_2459 = arith.addf %add3A_2404, %mul3A_2458 : vector<16xf32>
        %get3A_2460 = arith.index_cast %add3A_2432 : i32 to index
        %get3A_2461 = arith.constant 64 : index
        %get3A_2462 = tpu.vector_load %arg7[%get3A_2460, %get3A_2461] {strides = array<i32>} : memref<300x128xf32, #tpu.memory_space<vmem>>, vector<1x16xf32>,
        %get3A_2463 = vector.shape_cast %get3A_2462 : vector<1x16xf32> to vector<16xf32>
        %mul3A_2464 = arith.mulf %get3A_2463, %gather3A_2435 : vector<16xf32>
        %add3A_2465 = arith.addf %add3A_2410, %mul3A_2464 : vector<16xf32>
        %get3A_2466 = arith.index_cast %add3A_2432 : i32 to index
        %get3A_2467 = arith.constant 80 : index
        %get3A_2468 = tpu.vector_load %arg7[%get3A_2466, %get3A_2467] {strides = array<i32>} : memref<300x128xf32, #tpu.memory_space<vmem>>, vector<1x16xf32>,
        %get3A_2469 = vector.shape_cast %get3A_2468 : vector<1x16xf32> to vector<16xf32>
        %mul3A_2470 = arith.mulf %get3A_2469, %gather3A_2435 : vector<16xf32>
        %add3A_2471 = arith.addf %add3A_2416, %mul3A_2470 : vector<16xf32>
        %get3A_2472 = arith.index_cast %add3A_2432 : i32 to index
        %get3A_2473 = arith.constant 96 : index
        %get3A_2474 = tpu.vector_load %arg7[%get3A_2472, %get3A_2473] {strides = array<i32>} : memref<300x128xf32, #tpu.memory_space<vmem>>, vector<1x16xf32>,
        %get3A_2475 = vector.shape_cast %get3A_2474 : vector<1x16xf32> to vector<16xf32>
        %mul3A_2476 = arith.mulf %get3A_2475, %gather3A_2435 : vector<16xf32>
        %add3A_2477 = arith.addf %add3A_2422, %mul3A_2476 : vector<16xf32>
        %get3A_2478 = arith.index_cast %add3A_2432 : i32 to index
        %get3A_2479 = arith.constant 112 : index
        %get3A_2480 = tpu.vector_load %arg7[%get3A_2478, %get3A_2479] {strides = array<i32>} : memref<300x128xf32, #tpu.memory_space<vmem>>, vector<1x16xf32>,
        %get3A_2481 = vector.shape_cast %get3A_2480 : vector<1x16xf32> to vector<16xf32>
        %mul3A_2482 = arith.mulf %get3A_2481, %gather3A_2435 : vector<16xf32>
        %add3A_2483 = arith.addf %add3A_2428, %mul3A_2482 : vector<16xf32>
        %mul3A_2484 = arith.constant 16 : i32
        %mul3A_2485 = arith.muli %scan3A_1755, %mul3A_2484 : i32
        %add3A_2486 = arith.constant 13 : i32
        %add3A_2487 = arith.addi %mul3A_2485, %add3A_2486 : i32
        %broadcast_in_dim3A_2488 = vector.shape_cast %broadcast_in_dim3A_29 : vector<16xi32> to vector<16x1xi32>
        %gather3A_2489 = vector.shape_cast %broadcast_in_dim3A_2488 : vector<16x1xi32> to vector<16xi32>
        %gather3A_2490 = tpu.dynamic_gather %get3A_1768[%gather3A_2489] in [0] : vector<16xf32>, vector<16xi32> -> vector<16xf32>
        %get3A_2491 = arith.index_cast %add3A_2487 : i32 to index
        %get3A_2492 = arith.constant 0 : index
        %get3A_2493 = tpu.vector_load %arg7[%get3A_2491, %get3A_2492] {strides = array<i32>} : memref<300x128xf32, #tpu.memory_space<vmem>>, vector<1x16xf32>,
        %get3A_2494 = vector.shape_cast %get3A_2493 : vector<1x16xf32> to vector<16xf32>
        %mul3A_2495 = arith.mulf %get3A_2494, %gather3A_2490 : vector<16xf32>
        %add3A_2496 = arith.addf %add3A_2441, %mul3A_2495 : vector<16xf32>
        %get3A_2497 = arith.index_cast %add3A_2487 : i32 to index
        %get3A_2498 = arith.constant 16 : index
        %get3A_2499 = tpu.vector_load %arg7[%get3A_2497, %get3A_2498] {strides = array<i32>} : memref<300x128xf32, #tpu.memory_space<vmem>>, vector<1x16xf32>,
        %get3A_2500 = vector.shape_cast %get3A_2499 : vector<1x16xf32> to vector<16xf32>
        %mul3A_2501 = arith.mulf %get3A_2500, %gather3A_2490 : vector<16xf32>
        %add3A_2502 = arith.addf %add3A_2447, %mul3A_2501 : vector<16xf32>
        %get3A_2503 = arith.index_cast %add3A_2487 : i32 to index
        %get3A_2504 = arith.constant 32 : index
        %get3A_2505 = tpu.vector_load %arg7[%get3A_2503, %get3A_2504] {strides = array<i32>} : memref<300x128xf32, #tpu.memory_space<vmem>>, vector<1x16xf32>,
        %get3A_2506 = vector.shape_cast %get3A_2505 : vector<1x16xf32> to vector<16xf32>
        %mul3A_2507 = arith.mulf %get3A_2506, %gather3A_2490 : vector<16xf32>
        %add3A_2508 = arith.addf %add3A_2453, %mul3A_2507 : vector<16xf32>
        %get3A_2509 = arith.index_cast %add3A_2487 : i32 to index
        %get3A_2510 = arith.constant 48 : index
        %get3A_2511 = tpu.vector_load %arg7[%get3A_2509, %get3A_2510] {strides = array<i32>} : memref<300x128xf32, #tpu.memory_space<vmem>>, vector<1x16xf32>,
        %get3A_2512 = vector.shape_cast %get3A_2511 : vector<1x16xf32> to vector<16xf32>
        %mul3A_2513 = arith.mulf %get3A_2512, %gather3A_2490 : vector<16xf32>
        %add3A_2514 = arith.addf %add3A_2459, %mul3A_2513 : vector<16xf32>
        %get3A_2515 = arith.index_cast %add3A_2487 : i32 to index
        %get3A_2516 = arith.constant 64 : index
        %get3A_2517 = tpu.vector_load %arg7[%get3A_2515, %get3A_2516] {strides = array<i32>} : memref<300x128xf32, #tpu.memory_space<vmem>>, vector<1x16xf32>,
        %get3A_2518 = vector.shape_cast %get3A_2517 : vector<1x16xf32> to vector<16xf32>
        %mul3A_2519 = arith.mulf %get3A_2518, %gather3A_2490 : vector<16xf32>
        %add3A_2520 = arith.addf %add3A_2465, %mul3A_2519 : vector<16xf32>
        %get3A_2521 = arith.index_cast %add3A_2487 : i32 to index
        %get3A_2522 = arith.constant 80 : index
        %get3A_2523 = tpu.vector_load %arg7[%get3A_2521, %get3A_2522] {strides = array<i32>} : memref<300x128xf32, #tpu.memory_space<vmem>>, vector<1x16xf32>,
        %get3A_2524 = vector.shape_cast %get3A_2523 : vector<1x16xf32> to vector<16xf32>
        %mul3A_2525 = arith.mulf %get3A_2524, %gather3A_2490 : vector<16xf32>
        %add3A_2526 = arith.addf %add3A_2471, %mul3A_2525 : vector<16xf32>
        %get3A_2527 = arith.index_cast %add3A_2487 : i32 to index
        %get3A_2528 = arith.constant 96 : index
        %get3A_2529 = tpu.vector_load %arg7[%get3A_2527, %get3A_2528] {strides = array<i32>} : memref<300x128xf32, #tpu.memory_space<vmem>>, vector<1x16xf32>,
        %get3A_2530 = vector.shape_cast %get3A_2529 : vector<1x16xf32> to vector<16xf32>
        %mul3A_2531 = arith.mulf %get3A_2530, %gather3A_2490 : vector<16xf32>
        %add3A_2532 = arith.addf %add3A_2477, %mul3A_2531 : vector<16xf32>
        %get3A_2533 = arith.index_cast %add3A_2487 : i32 to index
        %get3A_2534 = arith.constant 112 : index
        %get3A_2535 = tpu.vector_load %arg7[%get3A_2533, %get3A_2534] {strides = array<i32>} : memref<300x128xf32, #tpu.memory_space<vmem>>, vector<1x16xf32>,
        %get3A_2536 = vector.shape_cast %get3A_2535 : vector<1x16xf32> to vector<16xf32>
        %mul3A_2537 = arith.mulf %get3A_2536, %gather3A_2490 : vector<16xf32>
        %add3A_2538 = arith.addf %add3A_2483, %mul3A_2537 : vector<16xf32>
        %mul3A_2539 = arith.constant 16 : i32
        %mul3A_2540 = arith.muli %scan3A_1755, %mul3A_2539 : i32
        %add3A_2541 = arith.constant 14 : i32
        %add3A_2542 = arith.addi %mul3A_2540, %add3A_2541 : i32
        %broadcast_in_dim3A_2543 = vector.shape_cast %broadcast_in_dim3A_31 : vector<16xi32> to vector<16x1xi32>
        %gather3A_2544 = vector.shape_cast %broadcast_in_dim3A_2543 : vector<16x1xi32> to vector<16xi32>
        %gather3A_2545 = tpu.dynamic_gather %get3A_1768[%gather3A_2544] in [0] : vector<16xf32>, vector<16xi32> -> vector<16xf32>
        %get3A_2546 = arith.index_cast %add3A_2542 : i32 to index
        %get3A_2547 = arith.constant 0 : index
        %get3A_2548 = tpu.vector_load %arg7[%get3A_2546, %get3A_2547] {strides = array<i32>} : memref<300x128xf32, #tpu.memory_space<vmem>>, vector<1x16xf32>,
        %get3A_2549 = vector.shape_cast %get3A_2548 : vector<1x16xf32> to vector<16xf32>
        %mul3A_2550 = arith.mulf %get3A_2549, %gather3A_2545 : vector<16xf32>
        %add3A_2551 = arith.addf %add3A_2496, %mul3A_2550 : vector<16xf32>
        %get3A_2552 = arith.index_cast %add3A_2542 : i32 to index
        %get3A_2553 = arith.constant 16 : index
        %get3A_2554 = tpu.vector_load %arg7[%get3A_2552, %get3A_2553] {strides = array<i32>} : memref<300x128xf32, #tpu.memory_space<vmem>>, vector<1x16xf32>,
        %get3A_2555 = vector.shape_cast %get3A_2554 : vector<1x16xf32> to vector<16xf32>
        %mul3A_2556 = arith.mulf %get3A_2555, %gather3A_2545 : vector<16xf32>
        %add3A_2557 = arith.addf %add3A_2502, %mul3A_2556 : vector<16xf32>
        %get3A_2558 = arith.index_cast %add3A_2542 : i32 to index
        %get3A_2559 = arith.constant 32 : index
        %get3A_2560 = tpu.vector_load %arg7[%get3A_2558, %get3A_2559] {strides = array<i32>} : memref<300x128xf32, #tpu.memory_space<vmem>>, vector<1x16xf32>,
        %get3A_2561 = vector.shape_cast %get3A_2560 : vector<1x16xf32> to vector<16xf32>
        %mul3A_2562 = arith.mulf %get3A_2561, %gather3A_2545 : vector<16xf32>
        %add3A_2563 = arith.addf %add3A_2508, %mul3A_2562 : vector<16xf32>
        %get3A_2564 = arith.index_cast %add3A_2542 : i32 to index
        %get3A_2565 = arith.constant 48 : index
        %get3A_2566 = tpu.vector_load %arg7[%get3A_2564, %get3A_2565] {strides = array<i32>} : memref<300x128xf32, #tpu.memory_space<vmem>>, vector<1x16xf32>,
        %get3A_2567 = vector.shape_cast %get3A_2566 : vector<1x16xf32> to vector<16xf32>
        %mul3A_2568 = arith.mulf %get3A_2567, %gather3A_2545 : vector<16xf32>
        %add3A_2569 = arith.addf %add3A_2514, %mul3A_2568 : vector<16xf32>
        %get3A_2570 = arith.index_cast %add3A_2542 : i32 to index
        %get3A_2571 = arith.constant 64 : index
        %get3A_2572 = tpu.vector_load %arg7[%get3A_2570, %get3A_2571] {strides = array<i32>} : memref<300x128xf32, #tpu.memory_space<vmem>>, vector<1x16xf32>,
        %get3A_2573 = vector.shape_cast %get3A_2572 : vector<1x16xf32> to vector<16xf32>
        %mul3A_2574 = arith.mulf %get3A_2573, %gather3A_2545 : vector<16xf32>
        %add3A_2575 = arith.addf %add3A_2520, %mul3A_2574 : vector<16xf32>
        %get3A_2576 = arith.index_cast %add3A_2542 : i32 to index
        %get3A_2577 = arith.constant 80 : index
        %get3A_2578 = tpu.vector_load %arg7[%get3A_2576, %get3A_2577] {strides = array<i32>} : memref<300x128xf32, #tpu.memory_space<vmem>>, vector<1x16xf32>,
        %get3A_2579 = vector.shape_cast %get3A_2578 : vector<1x16xf32> to vector<16xf32>
        %mul3A_2580 = arith.mulf %get3A_2579, %gather3A_2545 : vector<16xf32>
        %add3A_2581 = arith.addf %add3A_2526, %mul3A_2580 : vector<16xf32>
        %get3A_2582 = arith.index_cast %add3A_2542 : i32 to index
        %get3A_2583 = arith.constant 96 : index
        %get3A_2584 = tpu.vector_load %arg7[%get3A_2582, %get3A_2583] {strides = array<i32>} : memref<300x128xf32, #tpu.memory_space<vmem>>, vector<1x16xf32>,
        %get3A_2585 = vector.shape_cast %get3A_2584 : vector<1x16xf32> to vector<16xf32>
        %mul3A_2586 = arith.mulf %get3A_2585, %gather3A_2545 : vector<16xf32>
        %add3A_2587 = arith.addf %add3A_2532, %mul3A_2586 : vector<16xf32>
        %get3A_2588 = arith.index_cast %add3A_2542 : i32 to index
        %get3A_2589 = arith.constant 112 : index
        %get3A_2590 = tpu.vector_load %arg7[%get3A_2588, %get3A_2589] {strides = array<i32>} : memref<300x128xf32, #tpu.memory_space<vmem>>, vector<1x16xf32>,
        %get3A_2591 = vector.shape_cast %get3A_2590 : vector<1x16xf32> to vector<16xf32>
        %mul3A_2592 = arith.mulf %get3A_2591, %gather3A_2545 : vector<16xf32>
        %add3A_2593 = arith.addf %add3A_2538, %mul3A_2592 : vector<16xf32>
        %mul3A_2594 = arith.constant 16 : i32
        %mul3A_2595 = arith.muli %scan3A_1755, %mul3A_2594 : i32
        %add3A_2596 = arith.constant 15 : i32
        %add3A_2597 = arith.addi %mul3A_2595, %add3A_2596 : i32
        %broadcast_in_dim3A_2598 = vector.shape_cast %broadcast_in_dim3A_33 : vector<16xi32> to vector<16x1xi32>
        %gather3A_2599 = vector.shape_cast %broadcast_in_dim3A_2598 : vector<16x1xi32> to vector<16xi32>
        %gather3A_2600 = tpu.dynamic_gather %get3A_1768[%gather3A_2599] in [0] : vector<16xf32>, vector<16xi32> -> vector<16xf32>
        %get3A_2601 = arith.index_cast %add3A_2597 : i32 to index
        %get3A_2602 = arith.constant 0 : index
        %get3A_2603 = tpu.vector_load %arg7[%get3A_2601, %get3A_2602] {strides = array<i32>} : memref<300x128xf32, #tpu.memory_space<vmem>>, vector<1x16xf32>,
        %get3A_2604 = vector.shape_cast %get3A_2603 : vector<1x16xf32> to vector<16xf32>
        %mul3A_2605 = arith.mulf %get3A_2604, %gather3A_2600 : vector<16xf32>
        %add3A_2606 = arith.addf %add3A_2551, %mul3A_2605 : vector<16xf32>
        %get3A_2607 = arith.index_cast %add3A_2597 : i32 to index
        %get3A_2608 = arith.constant 16 : index
        %get3A_2609 = tpu.vector_load %arg7[%get3A_2607, %get3A_2608] {strides = array<i32>} : memref<300x128xf32, #tpu.memory_space<vmem>>, vector<1x16xf32>,
        %get3A_2610 = vector.shape_cast %get3A_2609 : vector<1x16xf32> to vector<16xf32>
        %mul3A_2611 = arith.mulf %get3A_2610, %gather3A_2600 : vector<16xf32>
        %add3A_2612 = arith.addf %add3A_2557, %mul3A_2611 : vector<16xf32>
        %get3A_2613 = arith.index_cast %add3A_2597 : i32 to index
        %get3A_2614 = arith.constant 32 : index
        %get3A_2615 = tpu.vector_load %arg7[%get3A_2613, %get3A_2614] {strides = array<i32>} : memref<300x128xf32, #tpu.memory_space<vmem>>, vector<1x16xf32>,
        %get3A_2616 = vector.shape_cast %get3A_2615 : vector<1x16xf32> to vector<16xf32>
        %mul3A_2617 = arith.mulf %get3A_2616, %gather3A_2600 : vector<16xf32>
        %add3A_2618 = arith.addf %add3A_2563, %mul3A_2617 : vector<16xf32>
        %get3A_2619 = arith.index_cast %add3A_2597 : i32 to index
        %get3A_2620 = arith.constant 48 : index
        %get3A_2621 = tpu.vector_load %arg7[%get3A_2619, %get3A_2620] {strides = array<i32>} : memref<300x128xf32, #tpu.memory_space<vmem>>, vector<1x16xf32>,
        %get3A_2622 = vector.shape_cast %get3A_2621 : vector<1x16xf32> to vector<16xf32>
        %mul3A_2623 = arith.mulf %get3A_2622, %gather3A_2600 : vector<16xf32>
        %add3A_2624 = arith.addf %add3A_2569, %mul3A_2623 : vector<16xf32>
        %get3A_2625 = arith.index_cast %add3A_2597 : i32 to index
        %get3A_2626 = arith.constant 64 : index
        %get3A_2627 = tpu.vector_load %arg7[%get3A_2625, %get3A_2626] {strides = array<i32>} : memref<300x128xf32, #tpu.memory_space<vmem>>, vector<1x16xf32>,
        %get3A_2628 = vector.shape_cast %get3A_2627 : vector<1x16xf32> to vector<16xf32>
        %mul3A_2629 = arith.mulf %get3A_2628, %gather3A_2600 : vector<16xf32>
        %add3A_2630 = arith.addf %add3A_2575, %mul3A_2629 : vector<16xf32>
        %get3A_2631 = arith.index_cast %add3A_2597 : i32 to index
        %get3A_2632 = arith.constant 80 : index
        %get3A_2633 = tpu.vector_load %arg7[%get3A_2631, %get3A_2632] {strides = array<i32>} : memref<300x128xf32, #tpu.memory_space<vmem>>, vector<1x16xf32>,
        %get3A_2634 = vector.shape_cast %get3A_2633 : vector<1x16xf32> to vector<16xf32>
        %mul3A_2635 = arith.mulf %get3A_2634, %gather3A_2600 : vector<16xf32>
        %add3A_2636 = arith.addf %add3A_2581, %mul3A_2635 : vector<16xf32>
        %get3A_2637 = arith.index_cast %add3A_2597 : i32 to index
        %get3A_2638 = arith.constant 96 : index
        %get3A_2639 = tpu.vector_load %arg7[%get3A_2637, %get3A_2638] {strides = array<i32>} : memref<300x128xf32, #tpu.memory_space<vmem>>, vector<1x16xf32>,
        %get3A_2640 = vector.shape_cast %get3A_2639 : vector<1x16xf32> to vector<16xf32>
        %mul3A_2641 = arith.mulf %get3A_2640, %gather3A_2600 : vector<16xf32>
        %add3A_2642 = arith.addf %add3A_2587, %mul3A_2641 : vector<16xf32>
        %get3A_2643 = arith.index_cast %add3A_2597 : i32 to index
        %get3A_2644 = arith.constant 112 : index
        %get3A_2645 = tpu.vector_load %arg7[%get3A_2643, %get3A_2644] {strides = array<i32>} : memref<300x128xf32, #tpu.memory_space<vmem>>, vector<1x16xf32>,
        %get3A_2646 = vector.shape_cast %get3A_2645 : vector<1x16xf32> to vector<16xf32>
        %mul3A_2647 = arith.mulf %get3A_2646, %gather3A_2600 : vector<16xf32>
        %add3A_2648 = arith.addf %add3A_2593, %mul3A_2647 : vector<16xf32>
        scf.yield %add3A_2606, %add3A_2612, %add3A_2618, %add3A_2624, %add3A_2630, %add3A_2636, %add3A_2642, %add3A_2648 : vector<16xf32>, vector<16xf32>, vector<16xf32>, vector<16xf32>, vector<16xf32>, vector<16xf32>, vector<16xf32>, vector<16xf32>
      }
      %scan3A_91 = arith.constant 18 : i32
      %get3A = arith.constant 288 : index
      %get3A_92 = tpu.vector_load %arg6[%get3A] {strides = array<i32>} : memref<384xf32, #tpu.memory_space<vmem>>, vector<16xf32>,
      %get3A_93 = vector.shape_cast %get3A_92 : vector<16xf32> to vector<16xf32>
      %broadcast_in_dim3A_94 = vector.shape_cast %broadcast_in_dim3A_3 : vector<16xi32> to vector<16x1xi32>
      %gather3A = vector.shape_cast %broadcast_in_dim3A_94 : vector<16x1xi32> to vector<16xi32>
      %gather3A_95 = tpu.dynamic_gather %get3A_93[%gather3A] in [0] : vector<16xf32>, vector<16xi32> -> vector<16xf32>
      %get3A_96 = arith.constant 288 : i32
      %get3A_97 = arith.index_cast %get3A_96 : i32 to index
      %get3A_98 = arith.constant 0 : index
      %get3A_99 = tpu.vector_load %arg7[%get3A_97, %get3A_98] {strides = array<i32>} : memref<300x128xf32, #tpu.memory_space<vmem>>, vector<1x16xf32>,
      %get3A_100 = vector.shape_cast %get3A_99 : vector<1x16xf32> to vector<16xf32>
      %mul3A_101 = arith.mulf %get3A_100, %gather3A_95 : vector<16xf32>
      %add3A_102 = arith.addf %scan3A_90#0, %mul3A_101 : vector<16xf32>
      %get3A_103 = arith.constant 288 : i32
      %get3A_104 = arith.index_cast %get3A_103 : i32 to index
      %get3A_105 = arith.constant 16 : index
      %get3A_106 = tpu.vector_load %arg7[%get3A_104, %get3A_105] {strides = array<i32>} : memref<300x128xf32, #tpu.memory_space<vmem>>, vector<1x16xf32>,
      %get3A_107 = vector.shape_cast %get3A_106 : vector<1x16xf32> to vector<16xf32>
      %mul3A_108 = arith.mulf %get3A_107, %gather3A_95 : vector<16xf32>
      %add3A_109 = arith.addf %scan3A_90#1, %mul3A_108 : vector<16xf32>
      %get3A_110 = arith.constant 288 : i32
      %get3A_111 = arith.index_cast %get3A_110 : i32 to index
      %get3A_112 = arith.constant 32 : index
      %get3A_113 = tpu.vector_load %arg7[%get3A_111, %get3A_112] {strides = array<i32>} : memref<300x128xf32, #tpu.memory_space<vmem>>, vector<1x16xf32>,
      %get3A_114 = vector.shape_cast %get3A_113 : vector<1x16xf32> to vector<16xf32>
      %mul3A_115 = arith.mulf %get3A_114, %gather3A_95 : vector<16xf32>
      %add3A_116 = arith.addf %scan3A_90#2, %mul3A_115 : vector<16xf32>
      %get3A_117 = arith.constant 288 : i32
      %get3A_118 = arith.index_cast %get3A_117 : i32 to index
      %get3A_119 = arith.constant 48 : index
      %get3A_120 = tpu.vector_load %arg7[%get3A_118, %get3A_119] {strides = array<i32>} : memref<300x128xf32, #tpu.memory_space<vmem>>, vector<1x16xf32>,
      %get3A_121 = vector.shape_cast %get3A_120 : vector<1x16xf32> to vector<16xf32>
      %mul3A_122 = arith.mulf %get3A_121, %gather3A_95 : vector<16xf32>
      %add3A_123 = arith.addf %scan3A_90#3, %mul3A_122 : vector<16xf32>
      %get3A_124 = arith.constant 288 : i32
      %get3A_125 = arith.index_cast %get3A_124 : i32 to index
      %get3A_126 = arith.constant 64 : index
      %get3A_127 = tpu.vector_load %arg7[%get3A_125, %get3A_126] {strides = array<i32>} : memref<300x128xf32, #tpu.memory_space<vmem>>, vector<1x16xf32>,
      %get3A_128 = vector.shape_cast %get3A_127 : vector<1x16xf32> to vector<16xf32>
      %mul3A_129 = arith.mulf %get3A_128, %gather3A_95 : vector<16xf32>
      %add3A_130 = arith.addf %scan3A_90#4, %mul3A_129 : vector<16xf32>
      %get3A_131 = arith.constant 288 : i32
      %get3A_132 = arith.index_cast %get3A_131 : i32 to index
      %get3A_133 = arith.constant 80 : index
      %get3A_134 = tpu.vector_load %arg7[%get3A_132, %get3A_133] {strides = array<i32>} : memref<300x128xf32, #tpu.memory_space<vmem>>, vector<1x16xf32>,
      %get3A_135 = vector.shape_cast %get3A_134 : vector<1x16xf32> to vector<16xf32>
      %mul3A_136 = arith.mulf %get3A_135, %gather3A_95 : vector<16xf32>
      %add3A_137 = arith.addf %scan3A_90#5, %mul3A_136 : vector<16xf32>
      %get3A_138 = arith.constant 288 : i32
      %get3A_139 = arith.index_cast %get3A_138 : i32 to index
      %get3A_140 = arith.constant 96 : index
      %get3A_141 = tpu.vector_load %arg7[%get3A_139, %get3A_140] {strides = array<i32>} : memref<300x128xf32, #tpu.memory_space<vmem>>, vector<1x16xf32>,
      %get3A_142 = vector.shape_cast %get3A_141 : vector<1x16xf32> to vector<16xf32>
      %mul3A_143 = arith.mulf %get3A_142, %gather3A_95 : vector<16xf32>
      %add3A_144 = arith.addf %scan3A_90#6, %mul3A_143 : vector<16xf32>
      %get3A_145 = arith.constant 288 : i32
      %get3A_146 = arith.index_cast %get3A_145 : i32 to index
      %get3A_147 = arith.constant 112 : index
      %get3A_148 = tpu.vector_load %arg7[%get3A_146, %get3A_147] {strides = array<i32>} : memref<300x128xf32, #tpu.memory_space<vmem>>, vector<1x16xf32>,
      %get3A_149 = vector.shape_cast %get3A_148 : vector<1x16xf32> to vector<16xf32>
      %mul3A_150 = arith.mulf %get3A_149, %gather3A_95 : vector<16xf32>
      %add3A_151 = arith.addf %scan3A_90#7, %mul3A_150 : vector<16xf32>
      %broadcast_in_dim3A_152 = vector.shape_cast %broadcast_in_dim3A_5 : vector<16xi32> to vector<16x1xi32>
      %gather3A_153 = vector.shape_cast %broadcast_in_dim3A_152 : vector<16x1xi32> to vector<16xi32>
      %gather3A_154 = tpu.dynamic_gather %get3A_93[%gather3A_153] in [0] : vector<16xf32>, vector<16xi32> -> vector<16xf32>
      %get3A_155 = arith.constant 289 : i32
      %get3A_156 = arith.index_cast %get3A_155 : i32 to index
      %get3A_157 = arith.constant 0 : index
      %get3A_158 = tpu.vector_load %arg7[%get3A_156, %get3A_157] {strides = array<i32>} : memref<300x128xf32, #tpu.memory_space<vmem>>, vector<1x16xf32>,
      %get3A_159 = vector.shape_cast %get3A_158 : vector<1x16xf32> to vector<16xf32>
      %mul3A_160 = arith.mulf %get3A_159, %gather3A_154 : vector<16xf32>
      %add3A_161 = arith.addf %add3A_102, %mul3A_160 : vector<16xf32>
      %get3A_162 = arith.constant 289 : i32
      %get3A_163 = arith.index_cast %get3A_162 : i32 to index
      %get3A_164 = arith.constant 16 : index
      %get3A_165 = tpu.vector_load %arg7[%get3A_163, %get3A_164] {strides = array<i32>} : memref<300x128xf32, #tpu.memory_space<vmem>>, vector<1x16xf32>,
      %get3A_166 = vector.shape_cast %get3A_165 : vector<1x16xf32> to vector<16xf32>
      %mul3A_167 = arith.mulf %get3A_166, %gather3A_154 : vector<16xf32>
      %add3A_168 = arith.addf %add3A_109, %mul3A_167 : vector<16xf32>
      %get3A_169 = arith.constant 289 : i32
      %get3A_170 = arith.index_cast %get3A_169 : i32 to index
      %get3A_171 = arith.constant 32 : index
      %get3A_172 = tpu.vector_load %arg7[%get3A_170, %get3A_171] {strides = array<i32>} : memref<300x128xf32, #tpu.memory_space<vmem>>, vector<1x16xf32>,
      %get3A_173 = vector.shape_cast %get3A_172 : vector<1x16xf32> to vector<16xf32>
      %mul3A_174 = arith.mulf %get3A_173, %gather3A_154 : vector<16xf32>
      %add3A_175 = arith.addf %add3A_116, %mul3A_174 : vector<16xf32>
      %get3A_176 = arith.constant 289 : i32
      %get3A_177 = arith.index_cast %get3A_176 : i32 to index
      %get3A_178 = arith.constant 48 : index
      %get3A_179 = tpu.vector_load %arg7[%get3A_177, %get3A_178] {strides = array<i32>} : memref<300x128xf32, #tpu.memory_space<vmem>>, vector<1x16xf32>,
      %get3A_180 = vector.shape_cast %get3A_179 : vector<1x16xf32> to vector<16xf32>
      %mul3A_181 = arith.mulf %get3A_180, %gather3A_154 : vector<16xf32>
      %add3A_182 = arith.addf %add3A_123, %mul3A_181 : vector<16xf32>
      %get3A_183 = arith.constant 289 : i32
      %get3A_184 = arith.index_cast %get3A_183 : i32 to index
      %get3A_185 = arith.constant 64 : index
      %get3A_186 = tpu.vector_load %arg7[%get3A_184, %get3A_185] {strides = array<i32>} : memref<300x128xf32, #tpu.memory_space<vmem>>, vector<1x16xf32>,
      %get3A_187 = vector.shape_cast %get3A_186 : vector<1x16xf32> to vector<16xf32>
      %mul3A_188 = arith.mulf %get3A_187, %gather3A_154 : vector<16xf32>
      %add3A_189 = arith.addf %add3A_130, %mul3A_188 : vector<16xf32>
      %get3A_190 = arith.constant 289 : i32
      %get3A_191 = arith.index_cast %get3A_190 : i32 to index
      %get3A_192 = arith.constant 80 : index
      %get3A_193 = tpu.vector_load %arg7[%get3A_191, %get3A_192] {strides = array<i32>} : memref<300x128xf32, #tpu.memory_space<vmem>>, vector<1x16xf32>,
      %get3A_194 = vector.shape_cast %get3A_193 : vector<1x16xf32> to vector<16xf32>
      %mul3A_195 = arith.mulf %get3A_194, %gather3A_154 : vector<16xf32>
      %add3A_196 = arith.addf %add3A_137, %mul3A_195 : vector<16xf32>
      %get3A_197 = arith.constant 289 : i32
      %get3A_198 = arith.index_cast %get3A_197 : i32 to index
      %get3A_199 = arith.constant 96 : index
      %get3A_200 = tpu.vector_load %arg7[%get3A_198, %get3A_199] {strides = array<i32>} : memref<300x128xf32, #tpu.memory_space<vmem>>, vector<1x16xf32>,
      %get3A_201 = vector.shape_cast %get3A_200 : vector<1x16xf32> to vector<16xf32>
      %mul3A_202 = arith.mulf %get3A_201, %gather3A_154 : vector<16xf32>
      %add3A_203 = arith.addf %add3A_144, %mul3A_202 : vector<16xf32>
      %get3A_204 = arith.constant 289 : i32
      %get3A_205 = arith.index_cast %get3A_204 : i32 to index
      %get3A_206 = arith.constant 112 : index
      %get3A_207 = tpu.vector_load %arg7[%get3A_205, %get3A_206] {strides = array<i32>} : memref<300x128xf32, #tpu.memory_space<vmem>>, vector<1x16xf32>,
      %get3A_208 = vector.shape_cast %get3A_207 : vector<1x16xf32> to vector<16xf32>
      %mul3A_209 = arith.mulf %get3A_208, %gather3A_154 : vector<16xf32>
      %add3A_210 = arith.addf %add3A_151, %mul3A_209 : vector<16xf32>
      %broadcast_in_dim3A_211 = vector.shape_cast %broadcast_in_dim3A_7 : vector<16xi32> to vector<16x1xi32>
      %gather3A_212 = vector.shape_cast %broadcast_in_dim3A_211 : vector<16x1xi32> to vector<16xi32>
      %gather3A_213 = tpu.dynamic_gather %get3A_93[%gather3A_212] in [0] : vector<16xf32>, vector<16xi32> -> vector<16xf32>
      %get3A_214 = arith.constant 290 : i32
      %get3A_215 = arith.index_cast %get3A_214 : i32 to index
      %get3A_216 = arith.constant 0 : index
      %get3A_217 = tpu.vector_load %arg7[%get3A_215, %get3A_216] {strides = array<i32>} : memref<300x128xf32, #tpu.memory_space<vmem>>, vector<1x16xf32>,
      %get3A_218 = vector.shape_cast %get3A_217 : vector<1x16xf32> to vector<16xf32>
      %mul3A_219 = arith.mulf %get3A_218, %gather3A_213 : vector<16xf32>
      %add3A_220 = arith.addf %add3A_161, %mul3A_219 : vector<16xf32>
      %get3A_221 = arith.constant 290 : i32
      %get3A_222 = arith.index_cast %get3A_221 : i32 to index
      %get3A_223 = arith.constant 16 : index
      %get3A_224 = tpu.vector_load %arg7[%get3A_222, %get3A_223] {strides = array<i32>} : memref<300x128xf32, #tpu.memory_space<vmem>>, vector<1x16xf32>,
      %get3A_225 = vector.shape_cast %get3A_224 : vector<1x16xf32> to vector<16xf32>
      %mul3A_226 = arith.mulf %get3A_225, %gather3A_213 : vector<16xf32>
      %add3A_227 = arith.addf %add3A_168, %mul3A_226 : vector<16xf32>
      %get3A_228 = arith.constant 290 : i32
      %get3A_229 = arith.index_cast %get3A_228 : i32 to index
      %get3A_230 = arith.constant 32 : index
      %get3A_231 = tpu.vector_load %arg7[%get3A_229, %get3A_230] {strides = array<i32>} : memref<300x128xf32, #tpu.memory_space<vmem>>, vector<1x16xf32>,
      %get3A_232 = vector.shape_cast %get3A_231 : vector<1x16xf32> to vector<16xf32>
      %mul3A_233 = arith.mulf %get3A_232, %gather3A_213 : vector<16xf32>
      %add3A_234 = arith.addf %add3A_175, %mul3A_233 : vector<16xf32>
      %get3A_235 = arith.constant 290 : i32
      %get3A_236 = arith.index_cast %get3A_235 : i32 to index
      %get3A_237 = arith.constant 48 : index
      %get3A_238 = tpu.vector_load %arg7[%get3A_236, %get3A_237] {strides = array<i32>} : memref<300x128xf32, #tpu.memory_space<vmem>>, vector<1x16xf32>,
      %get3A_239 = vector.shape_cast %get3A_238 : vector<1x16xf32> to vector<16xf32>
      %mul3A_240 = arith.mulf %get3A_239, %gather3A_213 : vector<16xf32>
      %add3A_241 = arith.addf %add3A_182, %mul3A_240 : vector<16xf32>
      %get3A_242 = arith.constant 290 : i32
      %get3A_243 = arith.index_cast %get3A_242 : i32 to index
      %get3A_244 = arith.constant 64 : index
      %get3A_245 = tpu.vector_load %arg7[%get3A_243, %get3A_244] {strides = array<i32>} : memref<300x128xf32, #tpu.memory_space<vmem>>, vector<1x16xf32>,
      %get3A_246 = vector.shape_cast %get3A_245 : vector<1x16xf32> to vector<16xf32>
      %mul3A_247 = arith.mulf %get3A_246, %gather3A_213 : vector<16xf32>
      %add3A_248 = arith.addf %add3A_189, %mul3A_247 : vector<16xf32>
      %get3A_249 = arith.constant 290 : i32
      %get3A_250 = arith.index_cast %get3A_249 : i32 to index
      %get3A_251 = arith.constant 80 : index
      %get3A_252 = tpu.vector_load %arg7[%get3A_250, %get3A_251] {strides = array<i32>} : memref<300x128xf32, #tpu.memory_space<vmem>>, vector<1x16xf32>,
      %get3A_253 = vector.shape_cast %get3A_252 : vector<1x16xf32> to vector<16xf32>
      %mul3A_254 = arith.mulf %get3A_253, %gather3A_213 : vector<16xf32>
      %add3A_255 = arith.addf %add3A_196, %mul3A_254 : vector<16xf32>
      %get3A_256 = arith.constant 290 : i32
      %get3A_257 = arith.index_cast %get3A_256 : i32 to index
      %get3A_258 = arith.constant 96 : index
      %get3A_259 = tpu.vector_load %arg7[%get3A_257, %get3A_258] {strides = array<i32>} : memref<300x128xf32, #tpu.memory_space<vmem>>, vector<1x16xf32>,
      %get3A_260 = vector.shape_cast %get3A_259 : vector<1x16xf32> to vector<16xf32>
      %mul3A_261 = arith.mulf %get3A_260, %gather3A_213 : vector<16xf32>
      %add3A_262 = arith.addf %add3A_203, %mul3A_261 : vector<16xf32>
      %get3A_263 = arith.constant 290 : i32
      %get3A_264 = arith.index_cast %get3A_263 : i32 to index
      %get3A_265 = arith.constant 112 : index
      %get3A_266 = tpu.vector_load %arg7[%get3A_264, %get3A_265] {strides = array<i32>} : memref<300x128xf32, #tpu.memory_space<vmem>>, vector<1x16xf32>,
      %get3A_267 = vector.shape_cast %get3A_266 : vector<1x16xf32> to vector<16xf32>
      %mul3A_268 = arith.mulf %get3A_267, %gather3A_213 : vector<16xf32>
      %add3A_269 = arith.addf %add3A_210, %mul3A_268 : vector<16xf32>
      %broadcast_in_dim3A_270 = vector.shape_cast %broadcast_in_dim3A_9 : vector<16xi32> to vector<16x1xi32>
      %gather3A_271 = vector.shape_cast %broadcast_in_dim3A_270 : vector<16x1xi32> to vector<16xi32>
      %gather3A_272 = tpu.dynamic_gather %get3A_93[%gather3A_271] in [0] : vector<16xf32>, vector<16xi32> -> vector<16xf32>
      %get3A_273 = arith.constant 291 : i32
      %get3A_274 = arith.index_cast %get3A_273 : i32 to index
      %get3A_275 = arith.constant 0 : index
      %get3A_276 = tpu.vector_load %arg7[%get3A_274, %get3A_275] {strides = array<i32>} : memref<300x128xf32, #tpu.memory_space<vmem>>, vector<1x16xf32>,
      %get3A_277 = vector.shape_cast %get3A_276 : vector<1x16xf32> to vector<16xf32>
      %mul3A_278 = arith.mulf %get3A_277, %gather3A_272 : vector<16xf32>
      %add3A_279 = arith.addf %add3A_220, %mul3A_278 : vector<16xf32>
      %get3A_280 = arith.constant 291 : i32
      %get3A_281 = arith.index_cast %get3A_280 : i32 to index
      %get3A_282 = arith.constant 16 : index
      %get3A_283 = tpu.vector_load %arg7[%get3A_281, %get3A_282] {strides = array<i32>} : memref<300x128xf32, #tpu.memory_space<vmem>>, vector<1x16xf32>,
      %get3A_284 = vector.shape_cast %get3A_283 : vector<1x16xf32> to vector<16xf32>
      %mul3A_285 = arith.mulf %get3A_284, %gather3A_272 : vector<16xf32>
      %add3A_286 = arith.addf %add3A_227, %mul3A_285 : vector<16xf32>
      %get3A_287 = arith.constant 291 : i32
      %get3A_288 = arith.index_cast %get3A_287 : i32 to index
      %get3A_289 = arith.constant 32 : index
      %get3A_290 = tpu.vector_load %arg7[%get3A_288, %get3A_289] {strides = array<i32>} : memref<300x128xf32, #tpu.memory_space<vmem>>, vector<1x16xf32>,
      %get3A_291 = vector.shape_cast %get3A_290 : vector<1x16xf32> to vector<16xf32>
      %mul3A_292 = arith.mulf %get3A_291, %gather3A_272 : vector<16xf32>
      %add3A_293 = arith.addf %add3A_234, %mul3A_292 : vector<16xf32>
      %get3A_294 = arith.constant 291 : i32
      %get3A_295 = arith.index_cast %get3A_294 : i32 to index
      %get3A_296 = arith.constant 48 : index
      %get3A_297 = tpu.vector_load %arg7[%get3A_295, %get3A_296] {strides = array<i32>} : memref<300x128xf32, #tpu.memory_space<vmem>>, vector<1x16xf32>,
      %get3A_298 = vector.shape_cast %get3A_297 : vector<1x16xf32> to vector<16xf32>
      %mul3A_299 = arith.mulf %get3A_298, %gather3A_272 : vector<16xf32>
      %add3A_300 = arith.addf %add3A_241, %mul3A_299 : vector<16xf32>
      %get3A_301 = arith.constant 291 : i32
      %get3A_302 = arith.index_cast %get3A_301 : i32 to index
      %get3A_303 = arith.constant 64 : index
      %get3A_304 = tpu.vector_load %arg7[%get3A_302, %get3A_303] {strides = array<i32>} : memref<300x128xf32, #tpu.memory_space<vmem>>, vector<1x16xf32>,
      %get3A_305 = vector.shape_cast %get3A_304 : vector<1x16xf32> to vector<16xf32>
      %mul3A_306 = arith.mulf %get3A_305, %gather3A_272 : vector<16xf32>
      %add3A_307 = arith.addf %add3A_248, %mul3A_306 : vector<16xf32>
      %get3A_308 = arith.constant 291 : i32
      %get3A_309 = arith.index_cast %get3A_308 : i32 to index
      %get3A_310 = arith.constant 80 : index
      %get3A_311 = tpu.vector_load %arg7[%get3A_309, %get3A_310] {strides = array<i32>} : memref<300x128xf32, #tpu.memory_space<vmem>>, vector<1x16xf32>,
      %get3A_312 = vector.shape_cast %get3A_311 : vector<1x16xf32> to vector<16xf32>
      %mul3A_313 = arith.mulf %get3A_312, %gather3A_272 : vector<16xf32>
      %add3A_314 = arith.addf %add3A_255, %mul3A_313 : vector<16xf32>
      %get3A_315 = arith.constant 291 : i32
      %get3A_316 = arith.index_cast %get3A_315 : i32 to index
      %get3A_317 = arith.constant 96 : index
      %get3A_318 = tpu.vector_load %arg7[%get3A_316, %get3A_317] {strides = array<i32>} : memref<300x128xf32, #tpu.memory_space<vmem>>, vector<1x16xf32>,
      %get3A_319 = vector.shape_cast %get3A_318 : vector<1x16xf32> to vector<16xf32>
      %mul3A_320 = arith.mulf %get3A_319, %gather3A_272 : vector<16xf32>
      %add3A_321 = arith.addf %add3A_262, %mul3A_320 : vector<16xf32>
      %get3A_322 = arith.constant 291 : i32
      %get3A_323 = arith.index_cast %get3A_322 : i32 to index
      %get3A_324 = arith.constant 112 : index
      %get3A_325 = tpu.vector_load %arg7[%get3A_323, %get3A_324] {strides = array<i32>} : memref<300x128xf32, #tpu.memory_space<vmem>>, vector<1x16xf32>,
      %get3A_326 = vector.shape_cast %get3A_325 : vector<1x16xf32> to vector<16xf32>
      %mul3A_327 = arith.mulf %get3A_326, %gather3A_272 : vector<16xf32>
      %add3A_328 = arith.addf %add3A_269, %mul3A_327 : vector<16xf32>
      %broadcast_in_dim3A_329 = vector.shape_cast %broadcast_in_dim3A_11 : vector<16xi32> to vector<16x1xi32>
      %gather3A_330 = vector.shape_cast %broadcast_in_dim3A_329 : vector<16x1xi32> to vector<16xi32>
      %gather3A_331 = tpu.dynamic_gather %get3A_93[%gather3A_330] in [0] : vector<16xf32>, vector<16xi32> -> vector<16xf32>
      %get3A_332 = arith.constant 292 : i32
      %get3A_333 = arith.index_cast %get3A_332 : i32 to index
      %get3A_334 = arith.constant 0 : index
      %get3A_335 = tpu.vector_load %arg7[%get3A_333, %get3A_334] {strides = array<i32>} : memref<300x128xf32, #tpu.memory_space<vmem>>, vector<1x16xf32>,
      %get3A_336 = vector.shape_cast %get3A_335 : vector<1x16xf32> to vector<16xf32>
      %mul3A_337 = arith.mulf %get3A_336, %gather3A_331 : vector<16xf32>
      %add3A_338 = arith.addf %add3A_279, %mul3A_337 : vector<16xf32>
      %get3A_339 = arith.constant 292 : i32
      %get3A_340 = arith.index_cast %get3A_339 : i32 to index
      %get3A_341 = arith.constant 16 : index
      %get3A_342 = tpu.vector_load %arg7[%get3A_340, %get3A_341] {strides = array<i32>} : memref<300x128xf32, #tpu.memory_space<vmem>>, vector<1x16xf32>,
      %get3A_343 = vector.shape_cast %get3A_342 : vector<1x16xf32> to vector<16xf32>
      %mul3A_344 = arith.mulf %get3A_343, %gather3A_331 : vector<16xf32>
      %add3A_345 = arith.addf %add3A_286, %mul3A_344 : vector<16xf32>
      %get3A_346 = arith.constant 292 : i32
      %get3A_347 = arith.index_cast %get3A_346 : i32 to index
      %get3A_348 = arith.constant 32 : index
      %get3A_349 = tpu.vector_load %arg7[%get3A_347, %get3A_348] {strides = array<i32>} : memref<300x128xf32, #tpu.memory_space<vmem>>, vector<1x16xf32>,
      %get3A_350 = vector.shape_cast %get3A_349 : vector<1x16xf32> to vector<16xf32>
      %mul3A_351 = arith.mulf %get3A_350, %gather3A_331 : vector<16xf32>
      %add3A_352 = arith.addf %add3A_293, %mul3A_351 : vector<16xf32>
      %get3A_353 = arith.constant 292 : i32
      %get3A_354 = arith.index_cast %get3A_353 : i32 to index
      %get3A_355 = arith.constant 48 : index
      %get3A_356 = tpu.vector_load %arg7[%get3A_354, %get3A_355] {strides = array<i32>} : memref<300x128xf32, #tpu.memory_space<vmem>>, vector<1x16xf32>,
      %get3A_357 = vector.shape_cast %get3A_356 : vector<1x16xf32> to vector<16xf32>
      %mul3A_358 = arith.mulf %get3A_357, %gather3A_331 : vector<16xf32>
      %add3A_359 = arith.addf %add3A_300, %mul3A_358 : vector<16xf32>
      %get3A_360 = arith.constant 292 : i32
      %get3A_361 = arith.index_cast %get3A_360 : i32 to index
      %get3A_362 = arith.constant 64 : index
      %get3A_363 = tpu.vector_load %arg7[%get3A_361, %get3A_362] {strides = array<i32>} : memref<300x128xf32, #tpu.memory_space<vmem>>, vector<1x16xf32>,
      %get3A_364 = vector.shape_cast %get3A_363 : vector<1x16xf32> to vector<16xf32>
      %mul3A_365 = arith.mulf %get3A_364, %gather3A_331 : vector<16xf32>
      %add3A_366 = arith.addf %add3A_307, %mul3A_365 : vector<16xf32>
      %get3A_367 = arith.constant 292 : i32
      %get3A_368 = arith.index_cast %get3A_367 : i32 to index
      %get3A_369 = arith.constant 80 : index
      %get3A_370 = tpu.vector_load %arg7[%get3A_368, %get3A_369] {strides = array<i32>} : memref<300x128xf32, #tpu.memory_space<vmem>>, vector<1x16xf32>,
      %get3A_371 = vector.shape_cast %get3A_370 : vector<1x16xf32> to vector<16xf32>
      %mul3A_372 = arith.mulf %get3A_371, %gather3A_331 : vector<16xf32>
      %add3A_373 = arith.addf %add3A_314, %mul3A_372 : vector<16xf32>
      %get3A_374 = arith.constant 292 : i32
      %get3A_375 = arith.index_cast %get3A_374 : i32 to index
      %get3A_376 = arith.constant 96 : index
      %get3A_377 = tpu.vector_load %arg7[%get3A_375, %get3A_376] {strides = array<i32>} : memref<300x128xf32, #tpu.memory_space<vmem>>, vector<1x16xf32>,
      %get3A_378 = vector.shape_cast %get3A_377 : vector<1x16xf32> to vector<16xf32>
      %mul3A_379 = arith.mulf %get3A_378, %gather3A_331 : vector<16xf32>
      %add3A_380 = arith.addf %add3A_321, %mul3A_379 : vector<16xf32>
      %get3A_381 = arith.constant 292 : i32
      %get3A_382 = arith.index_cast %get3A_381 : i32 to index
      %get3A_383 = arith.constant 112 : index
      %get3A_384 = tpu.vector_load %arg7[%get3A_382, %get3A_383] {strides = array<i32>} : memref<300x128xf32, #tpu.memory_space<vmem>>, vector<1x16xf32>,
      %get3A_385 = vector.shape_cast %get3A_384 : vector<1x16xf32> to vector<16xf32>
      %mul3A_386 = arith.mulf %get3A_385, %gather3A_331 : vector<16xf32>
      %add3A_387 = arith.addf %add3A_328, %mul3A_386 : vector<16xf32>
      %broadcast_in_dim3A_388 = vector.shape_cast %broadcast_in_dim3A_13 : vector<16xi32> to vector<16x1xi32>
      %gather3A_389 = vector.shape_cast %broadcast_in_dim3A_388 : vector<16x1xi32> to vector<16xi32>
      %gather3A_390 = tpu.dynamic_gather %get3A_93[%gather3A_389] in [0] : vector<16xf32>, vector<16xi32> -> vector<16xf32>
      %get3A_391 = arith.constant 293 : i32
      %get3A_392 = arith.index_cast %get3A_391 : i32 to index
      %get3A_393 = arith.constant 0 : index
      %get3A_394 = tpu.vector_load %arg7[%get3A_392, %get3A_393] {strides = array<i32>} : memref<300x128xf32, #tpu.memory_space<vmem>>, vector<1x16xf32>,
      %get3A_395 = vector.shape_cast %get3A_394 : vector<1x16xf32> to vector<16xf32>
      %mul3A_396 = arith.mulf %get3A_395, %gather3A_390 : vector<16xf32>
      %add3A_397 = arith.addf %add3A_338, %mul3A_396 : vector<16xf32>
      %get3A_398 = arith.constant 293 : i32
      %get3A_399 = arith.index_cast %get3A_398 : i32 to index
      %get3A_400 = arith.constant 16 : index
      %get3A_401 = tpu.vector_load %arg7[%get3A_399, %get3A_400] {strides = array<i32>} : memref<300x128xf32, #tpu.memory_space<vmem>>, vector<1x16xf32>,
      %get3A_402 = vector.shape_cast %get3A_401 : vector<1x16xf32> to vector<16xf32>
      %mul3A_403 = arith.mulf %get3A_402, %gather3A_390 : vector<16xf32>
      %add3A_404 = arith.addf %add3A_345, %mul3A_403 : vector<16xf32>
      %get3A_405 = arith.constant 293 : i32
      %get3A_406 = arith.index_cast %get3A_405 : i32 to index
      %get3A_407 = arith.constant 32 : index
      %get3A_408 = tpu.vector_load %arg7[%get3A_406, %get3A_407] {strides = array<i32>} : memref<300x128xf32, #tpu.memory_space<vmem>>, vector<1x16xf32>,
      %get3A_409 = vector.shape_cast %get3A_408 : vector<1x16xf32> to vector<16xf32>
      %mul3A_410 = arith.mulf %get3A_409, %gather3A_390 : vector<16xf32>
      %add3A_411 = arith.addf %add3A_352, %mul3A_410 : vector<16xf32>
      %get3A_412 = arith.constant 293 : i32
      %get3A_413 = arith.index_cast %get3A_412 : i32 to index
      %get3A_414 = arith.constant 48 : index
      %get3A_415 = tpu.vector_load %arg7[%get3A_413, %get3A_414] {strides = array<i32>} : memref<300x128xf32, #tpu.memory_space<vmem>>, vector<1x16xf32>,
      %get3A_416 = vector.shape_cast %get3A_415 : vector<1x16xf32> to vector<16xf32>
      %mul3A_417 = arith.mulf %get3A_416, %gather3A_390 : vector<16xf32>
      %add3A_418 = arith.addf %add3A_359, %mul3A_417 : vector<16xf32>
      %get3A_419 = arith.constant 293 : i32
      %get3A_420 = arith.index_cast %get3A_419 : i32 to index
      %get3A_421 = arith.constant 64 : index
      %get3A_422 = tpu.vector_load %arg7[%get3A_420, %get3A_421] {strides = array<i32>} : memref<300x128xf32, #tpu.memory_space<vmem>>, vector<1x16xf32>,
      %get3A_423 = vector.shape_cast %get3A_422 : vector<1x16xf32> to vector<16xf32>
      %mul3A_424 = arith.mulf %get3A_423, %gather3A_390 : vector<16xf32>
      %add3A_425 = arith.addf %add3A_366, %mul3A_424 : vector<16xf32>
      %get3A_426 = arith.constant 293 : i32
      %get3A_427 = arith.index_cast %get3A_426 : i32 to index
      %get3A_428 = arith.constant 80 : index
      %get3A_429 = tpu.vector_load %arg7[%get3A_427, %get3A_428] {strides = array<i32>} : memref<300x128xf32, #tpu.memory_space<vmem>>, vector<1x16xf32>,
      %get3A_430 = vector.shape_cast %get3A_429 : vector<1x16xf32> to vector<16xf32>
      %mul3A_431 = arith.mulf %get3A_430, %gather3A_390 : vector<16xf32>
      %add3A_432 = arith.addf %add3A_373, %mul3A_431 : vector<16xf32>
      %get3A_433 = arith.constant 293 : i32
      %get3A_434 = arith.index_cast %get3A_433 : i32 to index
      %get3A_435 = arith.constant 96 : index
      %get3A_436 = tpu.vector_load %arg7[%get3A_434, %get3A_435] {strides = array<i32>} : memref<300x128xf32, #tpu.memory_space<vmem>>, vector<1x16xf32>,
      %get3A_437 = vector.shape_cast %get3A_436 : vector<1x16xf32> to vector<16xf32>
      %mul3A_438 = arith.mulf %get3A_437, %gather3A_390 : vector<16xf32>
      %add3A_439 = arith.addf %add3A_380, %mul3A_438 : vector<16xf32>
      %get3A_440 = arith.constant 293 : i32
      %get3A_441 = arith.index_cast %get3A_440 : i32 to index
      %get3A_442 = arith.constant 112 : index
      %get3A_443 = tpu.vector_load %arg7[%get3A_441, %get3A_442] {strides = array<i32>} : memref<300x128xf32, #tpu.memory_space<vmem>>, vector<1x16xf32>,
      %get3A_444 = vector.shape_cast %get3A_443 : vector<1x16xf32> to vector<16xf32>
      %mul3A_445 = arith.mulf %get3A_444, %gather3A_390 : vector<16xf32>
      %add3A_446 = arith.addf %add3A_387, %mul3A_445 : vector<16xf32>
      %broadcast_in_dim3A_447 = vector.shape_cast %broadcast_in_dim3A_15 : vector<16xi32> to vector<16x1xi32>
      %gather3A_448 = vector.shape_cast %broadcast_in_dim3A_447 : vector<16x1xi32> to vector<16xi32>
      %gather3A_449 = tpu.dynamic_gather %get3A_93[%gather3A_448] in [0] : vector<16xf32>, vector<16xi32> -> vector<16xf32>
      %get3A_450 = arith.constant 294 : i32
      %get3A_451 = arith.index_cast %get3A_450 : i32 to index
      %get3A_452 = arith.constant 0 : index
      %get3A_453 = tpu.vector_load %arg7[%get3A_451, %get3A_452] {strides = array<i32>} : memref<300x128xf32, #tpu.memory_space<vmem>>, vector<1x16xf32>,
      %get3A_454 = vector.shape_cast %get3A_453 : vector<1x16xf32> to vector<16xf32>
      %mul3A_455 = arith.mulf %get3A_454, %gather3A_449 : vector<16xf32>
      %add3A_456 = arith.addf %add3A_397, %mul3A_455 : vector<16xf32>
      %get3A_457 = arith.constant 294 : i32
      %get3A_458 = arith.index_cast %get3A_457 : i32 to index
      %get3A_459 = arith.constant 16 : index
      %get3A_460 = tpu.vector_load %arg7[%get3A_458, %get3A_459] {strides = array<i32>} : memref<300x128xf32, #tpu.memory_space<vmem>>, vector<1x16xf32>,
      %get3A_461 = vector.shape_cast %get3A_460 : vector<1x16xf32> to vector<16xf32>
      %mul3A_462 = arith.mulf %get3A_461, %gather3A_449 : vector<16xf32>
      %add3A_463 = arith.addf %add3A_404, %mul3A_462 : vector<16xf32>
      %get3A_464 = arith.constant 294 : i32
      %get3A_465 = arith.index_cast %get3A_464 : i32 to index
      %get3A_466 = arith.constant 32 : index
      %get3A_467 = tpu.vector_load %arg7[%get3A_465, %get3A_466] {strides = array<i32>} : memref<300x128xf32, #tpu.memory_space<vmem>>, vector<1x16xf32>,
      %get3A_468 = vector.shape_cast %get3A_467 : vector<1x16xf32> to vector<16xf32>
      %mul3A_469 = arith.mulf %get3A_468, %gather3A_449 : vector<16xf32>
      %add3A_470 = arith.addf %add3A_411, %mul3A_469 : vector<16xf32>
      %get3A_471 = arith.constant 294 : i32
      %get3A_472 = arith.index_cast %get3A_471 : i32 to index
      %get3A_473 = arith.constant 48 : index
      %get3A_474 = tpu.vector_load %arg7[%get3A_472, %get3A_473] {strides = array<i32>} : memref<300x128xf32, #tpu.memory_space<vmem>>, vector<1x16xf32>,
      %get3A_475 = vector.shape_cast %get3A_474 : vector<1x16xf32> to vector<16xf32>
      %mul3A_476 = arith.mulf %get3A_475, %gather3A_449 : vector<16xf32>
      %add3A_477 = arith.addf %add3A_418, %mul3A_476 : vector<16xf32>
      %get3A_478 = arith.constant 294 : i32
      %get3A_479 = arith.index_cast %get3A_478 : i32 to index
      %get3A_480 = arith.constant 64 : index
      %get3A_481 = tpu.vector_load %arg7[%get3A_479, %get3A_480] {strides = array<i32>} : memref<300x128xf32, #tpu.memory_space<vmem>>, vector<1x16xf32>,
      %get3A_482 = vector.shape_cast %get3A_481 : vector<1x16xf32> to vector<16xf32>
      %mul3A_483 = arith.mulf %get3A_482, %gather3A_449 : vector<16xf32>
      %add3A_484 = arith.addf %add3A_425, %mul3A_483 : vector<16xf32>
      %get3A_485 = arith.constant 294 : i32
      %get3A_486 = arith.index_cast %get3A_485 : i32 to index
      %get3A_487 = arith.constant 80 : index
      %get3A_488 = tpu.vector_load %arg7[%get3A_486, %get3A_487] {strides = array<i32>} : memref<300x128xf32, #tpu.memory_space<vmem>>, vector<1x16xf32>,
      %get3A_489 = vector.shape_cast %get3A_488 : vector<1x16xf32> to vector<16xf32>
      %mul3A_490 = arith.mulf %get3A_489, %gather3A_449 : vector<16xf32>
      %add3A_491 = arith.addf %add3A_432, %mul3A_490 : vector<16xf32>
      %get3A_492 = arith.constant 294 : i32
      %get3A_493 = arith.index_cast %get3A_492 : i32 to index
      %get3A_494 = arith.constant 96 : index
      %get3A_495 = tpu.vector_load %arg7[%get3A_493, %get3A_494] {strides = array<i32>} : memref<300x128xf32, #tpu.memory_space<vmem>>, vector<1x16xf32>,
      %get3A_496 = vector.shape_cast %get3A_495 : vector<1x16xf32> to vector<16xf32>
      %mul3A_497 = arith.mulf %get3A_496, %gather3A_449 : vector<16xf32>
      %add3A_498 = arith.addf %add3A_439, %mul3A_497 : vector<16xf32>
      %get3A_499 = arith.constant 294 : i32
      %get3A_500 = arith.index_cast %get3A_499 : i32 to index
      %get3A_501 = arith.constant 112 : index
      %get3A_502 = tpu.vector_load %arg7[%get3A_500, %get3A_501] {strides = array<i32>} : memref<300x128xf32, #tpu.memory_space<vmem>>, vector<1x16xf32>,
      %get3A_503 = vector.shape_cast %get3A_502 : vector<1x16xf32> to vector<16xf32>
      %mul3A_504 = arith.mulf %get3A_503, %gather3A_449 : vector<16xf32>
      %add3A_505 = arith.addf %add3A_446, %mul3A_504 : vector<16xf32>
      %broadcast_in_dim3A_506 = vector.shape_cast %broadcast_in_dim3A_17 : vector<16xi32> to vector<16x1xi32>
      %gather3A_507 = vector.shape_cast %broadcast_in_dim3A_506 : vector<16x1xi32> to vector<16xi32>
      %gather3A_508 = tpu.dynamic_gather %get3A_93[%gather3A_507] in [0] : vector<16xf32>, vector<16xi32> -> vector<16xf32>
      %get3A_509 = arith.constant 295 : i32
      %get3A_510 = arith.index_cast %get3A_509 : i32 to index
      %get3A_511 = arith.constant 0 : index
      %get3A_512 = tpu.vector_load %arg7[%get3A_510, %get3A_511] {strides = array<i32>} : memref<300x128xf32, #tpu.memory_space<vmem>>, vector<1x16xf32>,
      %get3A_513 = vector.shape_cast %get3A_512 : vector<1x16xf32> to vector<16xf32>
      %mul3A_514 = arith.mulf %get3A_513, %gather3A_508 : vector<16xf32>
      %add3A_515 = arith.addf %add3A_456, %mul3A_514 : vector<16xf32>
      %get3A_516 = arith.constant 295 : i32
      %get3A_517 = arith.index_cast %get3A_516 : i32 to index
      %get3A_518 = arith.constant 16 : index
      %get3A_519 = tpu.vector_load %arg7[%get3A_517, %get3A_518] {strides = array<i32>} : memref<300x128xf32, #tpu.memory_space<vmem>>, vector<1x16xf32>,
      %get3A_520 = vector.shape_cast %get3A_519 : vector<1x16xf32> to vector<16xf32>
      %mul3A_521 = arith.mulf %get3A_520, %gather3A_508 : vector<16xf32>
      %add3A_522 = arith.addf %add3A_463, %mul3A_521 : vector<16xf32>
      %get3A_523 = arith.constant 295 : i32
      %get3A_524 = arith.index_cast %get3A_523 : i32 to index
      %get3A_525 = arith.constant 32 : index
      %get3A_526 = tpu.vector_load %arg7[%get3A_524, %get3A_525] {strides = array<i32>} : memref<300x128xf32, #tpu.memory_space<vmem>>, vector<1x16xf32>,
      %get3A_527 = vector.shape_cast %get3A_526 : vector<1x16xf32> to vector<16xf32>
      %mul3A_528 = arith.mulf %get3A_527, %gather3A_508 : vector<16xf32>
      %add3A_529 = arith.addf %add3A_470, %mul3A_528 : vector<16xf32>
      %get3A_530 = arith.constant 295 : i32
      %get3A_531 = arith.index_cast %get3A_530 : i32 to index
      %get3A_532 = arith.constant 48 : index
      %get3A_533 = tpu.vector_load %arg7[%get3A_531, %get3A_532] {strides = array<i32>} : memref<300x128xf32, #tpu.memory_space<vmem>>, vector<1x16xf32>,
      %get3A_534 = vector.shape_cast %get3A_533 : vector<1x16xf32> to vector<16xf32>
      %mul3A_535 = arith.mulf %get3A_534, %gather3A_508 : vector<16xf32>
      %add3A_536 = arith.addf %add3A_477, %mul3A_535 : vector<16xf32>
      %get3A_537 = arith.constant 295 : i32
      %get3A_538 = arith.index_cast %get3A_537 : i32 to index
      %get3A_539 = arith.constant 64 : index
      %get3A_540 = tpu.vector_load %arg7[%get3A_538, %get3A_539] {strides = array<i32>} : memref<300x128xf32, #tpu.memory_space<vmem>>, vector<1x16xf32>,
      %get3A_541 = vector.shape_cast %get3A_540 : vector<1x16xf32> to vector<16xf32>
      %mul3A_542 = arith.mulf %get3A_541, %gather3A_508 : vector<16xf32>
      %add3A_543 = arith.addf %add3A_484, %mul3A_542 : vector<16xf32>
      %get3A_544 = arith.constant 295 : i32
      %get3A_545 = arith.index_cast %get3A_544 : i32 to index
      %get3A_546 = arith.constant 80 : index
      %get3A_547 = tpu.vector_load %arg7[%get3A_545, %get3A_546] {strides = array<i32>} : memref<300x128xf32, #tpu.memory_space<vmem>>, vector<1x16xf32>,
      %get3A_548 = vector.shape_cast %get3A_547 : vector<1x16xf32> to vector<16xf32>
      %mul3A_549 = arith.mulf %get3A_548, %gather3A_508 : vector<16xf32>
      %add3A_550 = arith.addf %add3A_491, %mul3A_549 : vector<16xf32>
      %get3A_551 = arith.constant 295 : i32
      %get3A_552 = arith.index_cast %get3A_551 : i32 to index
      %get3A_553 = arith.constant 96 : index
      %get3A_554 = tpu.vector_load %arg7[%get3A_552, %get3A_553] {strides = array<i32>} : memref<300x128xf32, #tpu.memory_space<vmem>>, vector<1x16xf32>,
      %get3A_555 = vector.shape_cast %get3A_554 : vector<1x16xf32> to vector<16xf32>
      %mul3A_556 = arith.mulf %get3A_555, %gather3A_508 : vector<16xf32>
      %add3A_557 = arith.addf %add3A_498, %mul3A_556 : vector<16xf32>
      %get3A_558 = arith.constant 295 : i32
      %get3A_559 = arith.index_cast %get3A_558 : i32 to index
      %get3A_560 = arith.constant 112 : index
      %get3A_561 = tpu.vector_load %arg7[%get3A_559, %get3A_560] {strides = array<i32>} : memref<300x128xf32, #tpu.memory_space<vmem>>, vector<1x16xf32>,
      %get3A_562 = vector.shape_cast %get3A_561 : vector<1x16xf32> to vector<16xf32>
      %mul3A_563 = arith.mulf %get3A_562, %gather3A_508 : vector<16xf32>
      %add3A_564 = arith.addf %add3A_505, %mul3A_563 : vector<16xf32>
      %broadcast_in_dim3A_565 = vector.shape_cast %broadcast_in_dim3A_19 : vector<16xi32> to vector<16x1xi32>
      %gather3A_566 = vector.shape_cast %broadcast_in_dim3A_565 : vector<16x1xi32> to vector<16xi32>
      %gather3A_567 = tpu.dynamic_gather %get3A_93[%gather3A_566] in [0] : vector<16xf32>, vector<16xi32> -> vector<16xf32>
      %get3A_568 = arith.constant 296 : i32
      %get3A_569 = arith.index_cast %get3A_568 : i32 to index
      %get3A_570 = arith.constant 0 : index
      %get3A_571 = tpu.vector_load %arg7[%get3A_569, %get3A_570] {strides = array<i32>} : memref<300x128xf32, #tpu.memory_space<vmem>>, vector<1x16xf32>,
      %get3A_572 = vector.shape_cast %get3A_571 : vector<1x16xf32> to vector<16xf32>
      %mul3A_573 = arith.mulf %get3A_572, %gather3A_567 : vector<16xf32>
      %add3A_574 = arith.addf %add3A_515, %mul3A_573 : vector<16xf32>
      %get3A_575 = arith.constant 296 : i32
      %get3A_576 = arith.index_cast %get3A_575 : i32 to index
      %get3A_577 = arith.constant 16 : index
      %get3A_578 = tpu.vector_load %arg7[%get3A_576, %get3A_577] {strides = array<i32>} : memref<300x128xf32, #tpu.memory_space<vmem>>, vector<1x16xf32>,
      %get3A_579 = vector.shape_cast %get3A_578 : vector<1x16xf32> to vector<16xf32>
      %mul3A_580 = arith.mulf %get3A_579, %gather3A_567 : vector<16xf32>
      %add3A_581 = arith.addf %add3A_522, %mul3A_580 : vector<16xf32>
      %get3A_582 = arith.constant 296 : i32
      %get3A_583 = arith.index_cast %get3A_582 : i32 to index
      %get3A_584 = arith.constant 32 : index
      %get3A_585 = tpu.vector_load %arg7[%get3A_583, %get3A_584] {strides = array<i32>} : memref<300x128xf32, #tpu.memory_space<vmem>>, vector<1x16xf32>,
      %get3A_586 = vector.shape_cast %get3A_585 : vector<1x16xf32> to vector<16xf32>
      %mul3A_587 = arith.mulf %get3A_586, %gather3A_567 : vector<16xf32>
      %add3A_588 = arith.addf %add3A_529, %mul3A_587 : vector<16xf32>
      %get3A_589 = arith.constant 296 : i32
      %get3A_590 = arith.index_cast %get3A_589 : i32 to index
      %get3A_591 = arith.constant 48 : index
      %get3A_592 = tpu.vector_load %arg7[%get3A_590, %get3A_591] {strides = array<i32>} : memref<300x128xf32, #tpu.memory_space<vmem>>, vector<1x16xf32>,
      %get3A_593 = vector.shape_cast %get3A_592 : vector<1x16xf32> to vector<16xf32>
      %mul3A_594 = arith.mulf %get3A_593, %gather3A_567 : vector<16xf32>
      %add3A_595 = arith.addf %add3A_536, %mul3A_594 : vector<16xf32>
      %get3A_596 = arith.constant 296 : i32
      %get3A_597 = arith.index_cast %get3A_596 : i32 to index
      %get3A_598 = arith.constant 64 : index
      %get3A_599 = tpu.vector_load %arg7[%get3A_597, %get3A_598] {strides = array<i32>} : memref<300x128xf32, #tpu.memory_space<vmem>>, vector<1x16xf32>,
      %get3A_600 = vector.shape_cast %get3A_599 : vector<1x16xf32> to vector<16xf32>
      %mul3A_601 = arith.mulf %get3A_600, %gather3A_567 : vector<16xf32>
      %add3A_602 = arith.addf %add3A_543, %mul3A_601 : vector<16xf32>
      %get3A_603 = arith.constant 296 : i32
      %get3A_604 = arith.index_cast %get3A_603 : i32 to index
      %get3A_605 = arith.constant 80 : index
      %get3A_606 = tpu.vector_load %arg7[%get3A_604, %get3A_605] {strides = array<i32>} : memref<300x128xf32, #tpu.memory_space<vmem>>, vector<1x16xf32>,
      %get3A_607 = vector.shape_cast %get3A_606 : vector<1x16xf32> to vector<16xf32>
      %mul3A_608 = arith.mulf %get3A_607, %gather3A_567 : vector<16xf32>
      %add3A_609 = arith.addf %add3A_550, %mul3A_608 : vector<16xf32>
      %get3A_610 = arith.constant 296 : i32
      %get3A_611 = arith.index_cast %get3A_610 : i32 to index
      %get3A_612 = arith.constant 96 : index
      %get3A_613 = tpu.vector_load %arg7[%get3A_611, %get3A_612] {strides = array<i32>} : memref<300x128xf32, #tpu.memory_space<vmem>>, vector<1x16xf32>,
      %get3A_614 = vector.shape_cast %get3A_613 : vector<1x16xf32> to vector<16xf32>
      %mul3A_615 = arith.mulf %get3A_614, %gather3A_567 : vector<16xf32>
      %add3A_616 = arith.addf %add3A_557, %mul3A_615 : vector<16xf32>
      %get3A_617 = arith.constant 296 : i32
      %get3A_618 = arith.index_cast %get3A_617 : i32 to index
      %get3A_619 = arith.constant 112 : index
      %get3A_620 = tpu.vector_load %arg7[%get3A_618, %get3A_619] {strides = array<i32>} : memref<300x128xf32, #tpu.memory_space<vmem>>, vector<1x16xf32>,
      %get3A_621 = vector.shape_cast %get3A_620 : vector<1x16xf32> to vector<16xf32>
      %mul3A_622 = arith.mulf %get3A_621, %gather3A_567 : vector<16xf32>
      %add3A_623 = arith.addf %add3A_564, %mul3A_622 : vector<16xf32>
      %broadcast_in_dim3A_624 = vector.shape_cast %broadcast_in_dim3A_21 : vector<16xi32> to vector<16x1xi32>
      %gather3A_625 = vector.shape_cast %broadcast_in_dim3A_624 : vector<16x1xi32> to vector<16xi32>
      %gather3A_626 = tpu.dynamic_gather %get3A_93[%gather3A_625] in [0] : vector<16xf32>, vector<16xi32> -> vector<16xf32>
      %get3A_627 = arith.constant 297 : i32
      %get3A_628 = arith.index_cast %get3A_627 : i32 to index
      %get3A_629 = arith.constant 0 : index
      %get3A_630 = tpu.vector_load %arg7[%get3A_628, %get3A_629] {strides = array<i32>} : memref<300x128xf32, #tpu.memory_space<vmem>>, vector<1x16xf32>,
      %get3A_631 = vector.shape_cast %get3A_630 : vector<1x16xf32> to vector<16xf32>
      %mul3A_632 = arith.mulf %get3A_631, %gather3A_626 : vector<16xf32>
      %add3A_633 = arith.addf %add3A_574, %mul3A_632 : vector<16xf32>
      %get3A_634 = arith.constant 297 : i32
      %get3A_635 = arith.index_cast %get3A_634 : i32 to index
      %get3A_636 = arith.constant 16 : index
      %get3A_637 = tpu.vector_load %arg7[%get3A_635, %get3A_636] {strides = array<i32>} : memref<300x128xf32, #tpu.memory_space<vmem>>, vector<1x16xf32>,
      %get3A_638 = vector.shape_cast %get3A_637 : vector<1x16xf32> to vector<16xf32>
      %mul3A_639 = arith.mulf %get3A_638, %gather3A_626 : vector<16xf32>
      %add3A_640 = arith.addf %add3A_581, %mul3A_639 : vector<16xf32>
      %get3A_641 = arith.constant 297 : i32
      %get3A_642 = arith.index_cast %get3A_641 : i32 to index
      %get3A_643 = arith.constant 32 : index
      %get3A_644 = tpu.vector_load %arg7[%get3A_642, %get3A_643] {strides = array<i32>} : memref<300x128xf32, #tpu.memory_space<vmem>>, vector<1x16xf32>,
      %get3A_645 = vector.shape_cast %get3A_644 : vector<1x16xf32> to vector<16xf32>
      %mul3A_646 = arith.mulf %get3A_645, %gather3A_626 : vector<16xf32>
      %add3A_647 = arith.addf %add3A_588, %mul3A_646 : vector<16xf32>
      %get3A_648 = arith.constant 297 : i32
      %get3A_649 = arith.index_cast %get3A_648 : i32 to index
      %get3A_650 = arith.constant 48 : index
      %get3A_651 = tpu.vector_load %arg7[%get3A_649, %get3A_650] {strides = array<i32>} : memref<300x128xf32, #tpu.memory_space<vmem>>, vector<1x16xf32>,
      %get3A_652 = vector.shape_cast %get3A_651 : vector<1x16xf32> to vector<16xf32>
      %mul3A_653 = arith.mulf %get3A_652, %gather3A_626 : vector<16xf32>
      %add3A_654 = arith.addf %add3A_595, %mul3A_653 : vector<16xf32>
      %get3A_655 = arith.constant 297 : i32
      %get3A_656 = arith.index_cast %get3A_655 : i32 to index
      %get3A_657 = arith.constant 64 : index
      %get3A_658 = tpu.vector_load %arg7[%get3A_656, %get3A_657] {strides = array<i32>} : memref<300x128xf32, #tpu.memory_space<vmem>>, vector<1x16xf32>,
      %get3A_659 = vector.shape_cast %get3A_658 : vector<1x16xf32> to vector<16xf32>
      %mul3A_660 = arith.mulf %get3A_659, %gather3A_626 : vector<16xf32>
      %add3A_661 = arith.addf %add3A_602, %mul3A_660 : vector<16xf32>
      %get3A_662 = arith.constant 297 : i32
      %get3A_663 = arith.index_cast %get3A_662 : i32 to index
      %get3A_664 = arith.constant 80 : index
      %get3A_665 = tpu.vector_load %arg7[%get3A_663, %get3A_664] {strides = array<i32>} : memref<300x128xf32, #tpu.memory_space<vmem>>, vector<1x16xf32>,
      %get3A_666 = vector.shape_cast %get3A_665 : vector<1x16xf32> to vector<16xf32>
      %mul3A_667 = arith.mulf %get3A_666, %gather3A_626 : vector<16xf32>
      %add3A_668 = arith.addf %add3A_609, %mul3A_667 : vector<16xf32>
      %get3A_669 = arith.constant 297 : i32
      %get3A_670 = arith.index_cast %get3A_669 : i32 to index
      %get3A_671 = arith.constant 96 : index
      %get3A_672 = tpu.vector_load %arg7[%get3A_670, %get3A_671] {strides = array<i32>} : memref<300x128xf32, #tpu.memory_space<vmem>>, vector<1x16xf32>,
      %get3A_673 = vector.shape_cast %get3A_672 : vector<1x16xf32> to vector<16xf32>
      %mul3A_674 = arith.mulf %get3A_673, %gather3A_626 : vector<16xf32>
      %add3A_675 = arith.addf %add3A_616, %mul3A_674 : vector<16xf32>
      %get3A_676 = arith.constant 297 : i32
      %get3A_677 = arith.index_cast %get3A_676 : i32 to index
      %get3A_678 = arith.constant 112 : index
      %get3A_679 = tpu.vector_load %arg7[%get3A_677, %get3A_678] {strides = array<i32>} : memref<300x128xf32, #tpu.memory_space<vmem>>, vector<1x16xf32>,
      %get3A_680 = vector.shape_cast %get3A_679 : vector<1x16xf32> to vector<16xf32>
      %mul3A_681 = arith.mulf %get3A_680, %gather3A_626 : vector<16xf32>
      %add3A_682 = arith.addf %add3A_623, %mul3A_681 : vector<16xf32>
      %broadcast_in_dim3A_683 = vector.shape_cast %broadcast_in_dim3A_23 : vector<16xi32> to vector<16x1xi32>
      %gather3A_684 = vector.shape_cast %broadcast_in_dim3A_683 : vector<16x1xi32> to vector<16xi32>
      %gather3A_685 = tpu.dynamic_gather %get3A_93[%gather3A_684] in [0] : vector<16xf32>, vector<16xi32> -> vector<16xf32>
      %get3A_686 = arith.constant 298 : i32
      %get3A_687 = arith.index_cast %get3A_686 : i32 to index
      %get3A_688 = arith.constant 0 : index
      %get3A_689 = tpu.vector_load %arg7[%get3A_687, %get3A_688] {strides = array<i32>} : memref<300x128xf32, #tpu.memory_space<vmem>>, vector<1x16xf32>,
      %get3A_690 = vector.shape_cast %get3A_689 : vector<1x16xf32> to vector<16xf32>
      %mul3A_691 = arith.mulf %get3A_690, %gather3A_685 : vector<16xf32>
      %add3A_692 = arith.addf %add3A_633, %mul3A_691 : vector<16xf32>
      %get3A_693 = arith.constant 298 : i32
      %get3A_694 = arith.index_cast %get3A_693 : i32 to index
      %get3A_695 = arith.constant 16 : index
      %get3A_696 = tpu.vector_load %arg7[%get3A_694, %get3A_695] {strides = array<i32>} : memref<300x128xf32, #tpu.memory_space<vmem>>, vector<1x16xf32>,
      %get3A_697 = vector.shape_cast %get3A_696 : vector<1x16xf32> to vector<16xf32>
      %mul3A_698 = arith.mulf %get3A_697, %gather3A_685 : vector<16xf32>
      %add3A_699 = arith.addf %add3A_640, %mul3A_698 : vector<16xf32>
      %get3A_700 = arith.constant 298 : i32
      %get3A_701 = arith.index_cast %get3A_700 : i32 to index
      %get3A_702 = arith.constant 32 : index
      %get3A_703 = tpu.vector_load %arg7[%get3A_701, %get3A_702] {strides = array<i32>} : memref<300x128xf32, #tpu.memory_space<vmem>>, vector<1x16xf32>,
      %get3A_704 = vector.shape_cast %get3A_703 : vector<1x16xf32> to vector<16xf32>
      %mul3A_705 = arith.mulf %get3A_704, %gather3A_685 : vector<16xf32>
      %add3A_706 = arith.addf %add3A_647, %mul3A_705 : vector<16xf32>
      %get3A_707 = arith.constant 298 : i32
      %get3A_708 = arith.index_cast %get3A_707 : i32 to index
      %get3A_709 = arith.constant 48 : index
      %get3A_710 = tpu.vector_load %arg7[%get3A_708, %get3A_709] {strides = array<i32>} : memref<300x128xf32, #tpu.memory_space<vmem>>, vector<1x16xf32>,
      %get3A_711 = vector.shape_cast %get3A_710 : vector<1x16xf32> to vector<16xf32>
      %mul3A_712 = arith.mulf %get3A_711, %gather3A_685 : vector<16xf32>
      %add3A_713 = arith.addf %add3A_654, %mul3A_712 : vector<16xf32>
      %get3A_714 = arith.constant 298 : i32
      %get3A_715 = arith.index_cast %get3A_714 : i32 to index
      %get3A_716 = arith.constant 64 : index
      %get3A_717 = tpu.vector_load %arg7[%get3A_715, %get3A_716] {strides = array<i32>} : memref<300x128xf32, #tpu.memory_space<vmem>>, vector<1x16xf32>,
      %get3A_718 = vector.shape_cast %get3A_717 : vector<1x16xf32> to vector<16xf32>
      %mul3A_719 = arith.mulf %get3A_718, %gather3A_685 : vector<16xf32>
      %add3A_720 = arith.addf %add3A_661, %mul3A_719 : vector<16xf32>
      %get3A_721 = arith.constant 298 : i32
      %get3A_722 = arith.index_cast %get3A_721 : i32 to index
      %get3A_723 = arith.constant 80 : index
      %get3A_724 = tpu.vector_load %arg7[%get3A_722, %get3A_723] {strides = array<i32>} : memref<300x128xf32, #tpu.memory_space<vmem>>, vector<1x16xf32>,
      %get3A_725 = vector.shape_cast %get3A_724 : vector<1x16xf32> to vector<16xf32>
      %mul3A_726 = arith.mulf %get3A_725, %gather3A_685 : vector<16xf32>
      %add3A_727 = arith.addf %add3A_668, %mul3A_726 : vector<16xf32>
      %get3A_728 = arith.constant 298 : i32
      %get3A_729 = arith.index_cast %get3A_728 : i32 to index
      %get3A_730 = arith.constant 96 : index
      %get3A_731 = tpu.vector_load %arg7[%get3A_729, %get3A_730] {strides = array<i32>} : memref<300x128xf32, #tpu.memory_space<vmem>>, vector<1x16xf32>,
      %get3A_732 = vector.shape_cast %get3A_731 : vector<1x16xf32> to vector<16xf32>
      %mul3A_733 = arith.mulf %get3A_732, %gather3A_685 : vector<16xf32>
      %add3A_734 = arith.addf %add3A_675, %mul3A_733 : vector<16xf32>
      %get3A_735 = arith.constant 298 : i32
      %get3A_736 = arith.index_cast %get3A_735 : i32 to index
      %get3A_737 = arith.constant 112 : index
      %get3A_738 = tpu.vector_load %arg7[%get3A_736, %get3A_737] {strides = array<i32>} : memref<300x128xf32, #tpu.memory_space<vmem>>, vector<1x16xf32>,
      %get3A_739 = vector.shape_cast %get3A_738 : vector<1x16xf32> to vector<16xf32>
      %mul3A_740 = arith.mulf %get3A_739, %gather3A_685 : vector<16xf32>
      %add3A_741 = arith.addf %add3A_682, %mul3A_740 : vector<16xf32>
      %broadcast_in_dim3A_742 = vector.shape_cast %broadcast_in_dim3A_25 : vector<16xi32> to vector<16x1xi32>
      %gather3A_743 = vector.shape_cast %broadcast_in_dim3A_742 : vector<16x1xi32> to vector<16xi32>
      %gather3A_744 = tpu.dynamic_gather %get3A_93[%gather3A_743] in [0] : vector<16xf32>, vector<16xi32> -> vector<16xf32>
      %get3A_745 = arith.constant 299 : i32
      %get3A_746 = arith.index_cast %get3A_745 : i32 to index
      %get3A_747 = arith.constant 0 : index
      %get3A_748 = tpu.vector_load %arg7[%get3A_746, %get3A_747] {strides = array<i32>} : memref<300x128xf32, #tpu.memory_space<vmem>>, vector<1x16xf32>,
      %get3A_749 = vector.shape_cast %get3A_748 : vector<1x16xf32> to vector<16xf32>
      %mul3A_750 = arith.mulf %get3A_749, %gather3A_744 : vector<16xf32>
      %add3A_751 = arith.addf %add3A_692, %mul3A_750 : vector<16xf32>
      %get3A_752 = arith.constant 299 : i32
      %get3A_753 = arith.index_cast %get3A_752 : i32 to index
      %get3A_754 = arith.constant 16 : index
      %get3A_755 = tpu.vector_load %arg7[%get3A_753, %get3A_754] {strides = array<i32>} : memref<300x128xf32, #tpu.memory_space<vmem>>, vector<1x16xf32>,
      %get3A_756 = vector.shape_cast %get3A_755 : vector<1x16xf32> to vector<16xf32>
      %mul3A_757 = arith.mulf %get3A_756, %gather3A_744 : vector<16xf32>
      %add3A_758 = arith.addf %add3A_699, %mul3A_757 : vector<16xf32>
      %get3A_759 = arith.constant 299 : i32
      %get3A_760 = arith.index_cast %get3A_759 : i32 to index
      %get3A_761 = arith.constant 32 : index
      %get3A_762 = tpu.vector_load %arg7[%get3A_760, %get3A_761] {strides = array<i32>} : memref<300x128xf32, #tpu.memory_space<vmem>>, vector<1x16xf32>,
      %get3A_763 = vector.shape_cast %get3A_762 : vector<1x16xf32> to vector<16xf32>
      %mul3A_764 = arith.mulf %get3A_763, %gather3A_744 : vector<16xf32>
      %add3A_765 = arith.addf %add3A_706, %mul3A_764 : vector<16xf32>
      %get3A_766 = arith.constant 299 : i32
      %get3A_767 = arith.index_cast %get3A_766 : i32 to index
      %get3A_768 = arith.constant 48 : index
      %get3A_769 = tpu.vector_load %arg7[%get3A_767, %get3A_768] {strides = array<i32>} : memref<300x128xf32, #tpu.memory_space<vmem>>, vector<1x16xf32>,
      %get3A_770 = vector.shape_cast %get3A_769 : vector<1x16xf32> to vector<16xf32>
      %mul3A_771 = arith.mulf %get3A_770, %gather3A_744 : vector<16xf32>
      %add3A_772 = arith.addf %add3A_713, %mul3A_771 : vector<16xf32>
      %get3A_773 = arith.constant 299 : i32
      %get3A_774 = arith.index_cast %get3A_773 : i32 to index
      %get3A_775 = arith.constant 64 : index
      %get3A_776 = tpu.vector_load %arg7[%get3A_774, %get3A_775] {strides = array<i32>} : memref<300x128xf32, #tpu.memory_space<vmem>>, vector<1x16xf32>,
      %get3A_777 = vector.shape_cast %get3A_776 : vector<1x16xf32> to vector<16xf32>
      %mul3A_778 = arith.mulf %get3A_777, %gather3A_744 : vector<16xf32>
      %add3A_779 = arith.addf %add3A_720, %mul3A_778 : vector<16xf32>
      %get3A_780 = arith.constant 299 : i32
      %get3A_781 = arith.index_cast %get3A_780 : i32 to index
      %get3A_782 = arith.constant 80 : index
      %get3A_783 = tpu.vector_load %arg7[%get3A_781, %get3A_782] {strides = array<i32>} : memref<300x128xf32, #tpu.memory_space<vmem>>, vector<1x16xf32>,
      %get3A_784 = vector.shape_cast %get3A_783 : vector<1x16xf32> to vector<16xf32>
      %mul3A_785 = arith.mulf %get3A_784, %gather3A_744 : vector<16xf32>
      %add3A_786 = arith.addf %add3A_727, %mul3A_785 : vector<16xf32>
      %get3A_787 = arith.constant 299 : i32
      %get3A_788 = arith.index_cast %get3A_787 : i32 to index
      %get3A_789 = arith.constant 96 : index
      %get3A_790 = tpu.vector_load %arg7[%get3A_788, %get3A_789] {strides = array<i32>} : memref<300x128xf32, #tpu.memory_space<vmem>>, vector<1x16xf32>,
      %get3A_791 = vector.shape_cast %get3A_790 : vector<1x16xf32> to vector<16xf32>
      %mul3A_792 = arith.mulf %get3A_791, %gather3A_744 : vector<16xf32>
      %add3A_793 = arith.addf %add3A_734, %mul3A_792 : vector<16xf32>
      %get3A_794 = arith.constant 299 : i32
      %get3A_795 = arith.index_cast %get3A_794 : i32 to index
      %get3A_796 = arith.constant 112 : index
      %get3A_797 = tpu.vector_load %arg7[%get3A_795, %get3A_796] {strides = array<i32>} : memref<300x128xf32, #tpu.memory_space<vmem>>, vector<1x16xf32>,
      %get3A_798 = vector.shape_cast %get3A_797 : vector<1x16xf32> to vector<16xf32>
      %mul3A_799 = arith.mulf %get3A_798, %gather3A_744 : vector<16xf32>
      %add3A_800 = arith.addf %add3A_741, %mul3A_799 : vector<16xf32>
      %mul3A_801 = arith.constant 128 : i32
      %mul3A_802 = arith.muli %mul3A_63, %mul3A_801 : i32
      %add3A_803 = arith.constant 0 : i32
      %add3A_804 = arith.addi %mul3A_802, %add3A_803 : i32
      %get3A_805 = arith.index_cast %add3A_804 : i32 to index
      %get3A_806 = tpu.vector_load %arg9[%get3A_805] {strides = array<i32>} : memref<1280xf32, #tpu.memory_space<vmem>>, vector<16xf32>,
      %get3A_807 = vector.shape_cast %get3A_806 : vector<16xf32> to vector<16xf32>
      %add3A_808 = arith.addf %add3A_751, %get3A_807 : vector<16xf32>
      %add3A_809 = arith.constant 0 : i32
      %add3A_810 = arith.addi %mul3A_802, %add3A_809 : i32
      %swap3A = arith.index_cast %add3A_810 : i32 to index
      %swap3A_811 = tpu.vector_load %arg10[%swap3A] {strides = array<i32>} : memref<1280xf32, #tpu.memory_space<vmem>>, vector<16xf32>,
      %swap3A_812 = vector.shape_cast %swap3A_811 : vector<16xf32> to vector<16xf32>
      %swap3A_813 = vector.shape_cast %add3A_808 : vector<16xf32> to vector<16xf32>
      tpu.vector_store %arg10[%swap3A], %swap3A_813 {strides = array<i32>} : memref<1280xf32, #tpu.memory_space<vmem>>, vector<16xf32>,
      %add3A_814 = arith.constant 16 : i32
      %add3A_815 = arith.addi %mul3A_802, %add3A_814 : i32
      %get3A_816 = arith.index_cast %add3A_815 : i32 to index
      %get3A_817 = tpu.vector_load %arg9[%get3A_816] {strides = array<i32>} : memref<1280xf32, #tpu.memory_space<vmem>>, vector<16xf32>,
      %get3A_818 = vector.shape_cast %get3A_817 : vector<16xf32> to vector<16xf32>
      %add3A_819 = arith.addf %add3A_758, %get3A_818 : vector<16xf32>
      %add3A_820 = arith.constant 16 : i32
      %add3A_821 = arith.addi %mul3A_802, %add3A_820 : i32
      %swap3A_822 = arith.index_cast %add3A_821 : i32 to index
      %swap3A_823 = tpu.vector_load %arg10[%swap3A_822] {strides = array<i32>} : memref<1280xf32, #tpu.memory_space<vmem>>, vector<16xf32>,
      %swap3A_824 = vector.shape_cast %swap3A_823 : vector<16xf32> to vector<16xf32>
      %swap3A_825 = vector.shape_cast %add3A_819 : vector<16xf32> to vector<16xf32>
      tpu.vector_store %arg10[%swap3A_822], %swap3A_825 {strides = array<i32>} : memref<1280xf32, #tpu.memory_space<vmem>>, vector<16xf32>,
      %add3A_826 = arith.constant 32 : i32
      %add3A_827 = arith.addi %mul3A_802, %add3A_826 : i32
      %get3A_828 = arith.index_cast %add3A_827 : i32 to index
      %get3A_829 = tpu.vector_load %arg9[%get3A_828] {strides = array<i32>} : memref<1280xf32, #tpu.memory_space<vmem>>, vector<16xf32>,
      %get3A_830 = vector.shape_cast %get3A_829 : vector<16xf32> to vector<16xf32>
      %add3A_831 = arith.addf %add3A_765, %get3A_830 : vector<16xf32>
      %add3A_832 = arith.constant 32 : i32
      %add3A_833 = arith.addi %mul3A_802, %add3A_832 : i32
      %swap3A_834 = arith.index_cast %add3A_833 : i32 to index
      %swap3A_835 = tpu.vector_load %arg10[%swap3A_834] {strides = array<i32>} : memref<1280xf32, #tpu.memory_space<vmem>>, vector<16xf32>,
      %swap3A_836 = vector.shape_cast %swap3A_835 : vector<16xf32> to vector<16xf32>
      %swap3A_837 = vector.shape_cast %add3A_831 : vector<16xf32> to vector<16xf32>
      tpu.vector_store %arg10[%swap3A_834], %swap3A_837 {strides = array<i32>} : memref<1280xf32, #tpu.memory_space<vmem>>, vector<16xf32>,
      %add3A_838 = arith.constant 48 : i32
      %add3A_839 = arith.addi %mul3A_802, %add3A_838 : i32
      %get3A_840 = arith.index_cast %add3A_839 : i32 to index
      %get3A_841 = tpu.vector_load %arg9[%get3A_840] {strides = array<i32>} : memref<1280xf32, #tpu.memory_space<vmem>>, vector<16xf32>,
      %get3A_842 = vector.shape_cast %get3A_841 : vector<16xf32> to vector<16xf32>
      %add3A_843 = arith.addf %add3A_772, %get3A_842 : vector<16xf32>
      %add3A_844 = arith.constant 48 : i32
      %add3A_845 = arith.addi %mul3A_802, %add3A_844 : i32
      %swap3A_846 = arith.index_cast %add3A_845 : i32 to index
      %swap3A_847 = tpu.vector_load %arg10[%swap3A_846] {strides = array<i32>} : memref<1280xf32, #tpu.memory_space<vmem>>, vector<16xf32>,
      %swap3A_848 = vector.shape_cast %swap3A_847 : vector<16xf32> to vector<16xf32>
      %swap3A_849 = vector.shape_cast %add3A_843 : vector<16xf32> to vector<16xf32>
      tpu.vector_store %arg10[%swap3A_846], %swap3A_849 {strides = array<i32>} : memref<1280xf32, #tpu.memory_space<vmem>>, vector<16xf32>,
      %add3A_850 = arith.constant 64 : i32
      %add3A_851 = arith.addi %mul3A_802, %add3A_850 : i32
      %get3A_852 = arith.index_cast %add3A_851 : i32 to index
      %get3A_853 = tpu.vector_load %arg9[%get3A_852] {strides = array<i32>} : memref<1280xf32, #tpu.memory_space<vmem>>, vector<16xf32>,
      %get3A_854 = vector.shape_cast %get3A_853 : vector<16xf32> to vector<16xf32>
      %add3A_855 = arith.addf %add3A_779, %get3A_854 : vector<16xf32>
      %add3A_856 = arith.constant 64 : i32
      %add3A_857 = arith.addi %mul3A_802, %add3A_856 : i32
      %swap3A_858 = arith.index_cast %add3A_857 : i32 to index
      %swap3A_859 = tpu.vector_load %arg10[%swap3A_858] {strides = array<i32>} : memref<1280xf32, #tpu.memory_space<vmem>>, vector<16xf32>,
      %swap3A_860 = vector.shape_cast %swap3A_859 : vector<16xf32> to vector<16xf32>
      %swap3A_861 = vector.shape_cast %add3A_855 : vector<16xf32> to vector<16xf32>
      tpu.vector_store %arg10[%swap3A_858], %swap3A_861 {strides = array<i32>} : memref<1280xf32, #tpu.memory_space<vmem>>, vector<16xf32>,
      %add3A_862 = arith.constant 80 : i32
      %add3A_863 = arith.addi %mul3A_802, %add3A_862 : i32
      %get3A_864 = arith.index_cast %add3A_863 : i32 to index
      %get3A_865 = tpu.vector_load %arg9[%get3A_864] {strides = array<i32>} : memref<1280xf32, #tpu.memory_space<vmem>>, vector<16xf32>,
      %get3A_866 = vector.shape_cast %get3A_865 : vector<16xf32> to vector<16xf32>
      %add3A_867 = arith.addf %add3A_786, %get3A_866 : vector<16xf32>
      %add3A_868 = arith.constant 80 : i32
      %add3A_869 = arith.addi %mul3A_802, %add3A_868 : i32
      %swap3A_870 = arith.index_cast %add3A_869 : i32 to index
      %swap3A_871 = tpu.vector_load %arg10[%swap3A_870] {strides = array<i32>} : memref<1280xf32, #tpu.memory_space<vmem>>, vector<16xf32>,
      %swap3A_872 = vector.shape_cast %swap3A_871 : vector<16xf32> to vector<16xf32>
      %swap3A_873 = vector.shape_cast %add3A_867 : vector<16xf32> to vector<16xf32>
      tpu.vector_store %arg10[%swap3A_870], %swap3A_873 {strides = array<i32>} : memref<1280xf32, #tpu.memory_space<vmem>>, vector<16xf32>,
      %add3A_874 = arith.constant 96 : i32
      %add3A_875 = arith.addi %mul3A_802, %add3A_874 : i32
      %get3A_876 = arith.index_cast %add3A_875 : i32 to index
      %get3A_877 = tpu.vector_load %arg9[%get3A_876] {strides = array<i32>} : memref<1280xf32, #tpu.memory_space<vmem>>, vector<16xf32>,
      %get3A_878 = vector.shape_cast %get3A_877 : vector<16xf32> to vector<16xf32>
      %add3A_879 = arith.addf %add3A_793, %get3A_878 : vector<16xf32>
      %add3A_880 = arith.constant 96 : i32
      %add3A_881 = arith.addi %mul3A_802, %add3A_880 : i32
      %swap3A_882 = arith.index_cast %add3A_881 : i32 to index
      %swap3A_883 = tpu.vector_load %arg10[%swap3A_882] {strides = array<i32>} : memref<1280xf32, #tpu.memory_space<vmem>>, vector<16xf32>,
      %swap3A_884 = vector.shape_cast %swap3A_883 : vector<16xf32> to vector<16xf32>
      %swap3A_885 = vector.shape_cast %add3A_879 : vector<16xf32> to vector<16xf32>
      tpu.vector_store %arg10[%swap3A_882], %swap3A_885 {strides = array<i32>} : memref<1280xf32, #tpu.memory_space<vmem>>, vector<16xf32>,
      %add3A_886 = arith.constant 112 : i32
      %add3A_887 = arith.addi %mul3A_802, %add3A_886 : i32
      %get3A_888 = arith.index_cast %add3A_887 : i32 to index
      %get3A_889 = tpu.vector_load %arg9[%get3A_888] {strides = array<i32>} : memref<1280xf32, #tpu.memory_space<vmem>>, vector<16xf32>,
      %get3A_890 = vector.shape_cast %get3A_889 : vector<16xf32> to vector<16xf32>
      %add3A_891 = arith.addf %add3A_800, %get3A_890 : vector<16xf32>
      %add3A_892 = arith.constant 112 : i32
      %add3A_893 = arith.addi %mul3A_802, %add3A_892 : i32
      %swap3A_894 = arith.index_cast %add3A_893 : i32 to index
      %swap3A_895 = tpu.vector_load %arg10[%swap3A_894] {strides = array<i32>} : memref<1280xf32, #tpu.memory_space<vmem>>, vector<16xf32>,
      %swap3A_896 = vector.shape_cast %swap3A_895 : vector<16xf32> to vector<16xf32>
      %swap3A_897 = vector.shape_cast %add3A_891 : vector<16xf32> to vector<16xf32>
      tpu.vector_store %arg10[%swap3A_894], %swap3A_897 {strides = array<i32>} : memref<1280xf32, #tpu.memory_space<vmem>>, vector<16xf32>,
      %add3A_898 = arith.constant 2 : i32
      %add3A_899 = arith.addi %mul3A_63, %add3A_898 : i32
      %mul3A_900 = arith.constant 128 : i32
      %mul3A_901 = arith.muli %add3A_899, %mul3A_900 : i32
      %add3A_902 = arith.addi %mul3A_2, %mul3A_901 : i32
      %dma_start3A_903 = arith.constant 0 : i32
      %dma_start3A_904 = tpu.memref_slice %arg2[%dma_start3A_903, %add3A_902] : memref<300x100000xf32, #tpu.memory_space<hbm>> -> memref<300x128xf32, #tpu.memory_space<hbm>>
      %dma_start3A_905 = arith.constant 0 : i32
      %dma_start3A_906 = tpu.memref_slice %arg2[%dma_start3A_905, %add3A_902] : memref<300x100000xf32, #tpu.memory_space<hbm>> -> memref<300x128xf32, #tpu.memory_space<hbm>>
      tpu.enqueue_dma source(%dma_start3A_906 : memref<300x128xf32, #tpu.memory_space<hbm>>) target(%arg7 : memref<300x128xf32, #tpu.memory_space<vmem>>) target_semaphore(%arg11 : memref<!tpu.dma_semaphore, #tpu.memory_space<semaphore_mem>>)
      %dma_wait3A_907 = arith.constant 0 : i32
      %dma_wait3A_908 = arith.constant 0 : i32
      %dma_wait3A_909 = tpu.memref_slice %arg2[%dma_wait3A_907, %dma_wait3A_908] : memref<300x100000xf32, #tpu.memory_space<hbm>> -> memref<300x128xf32, #tpu.memory_space<hbm>>
      %dma_wait3A_910 = arith.constant 0 : i32
      %dma_wait3A_911 = arith.constant 0 : i32
      %dma_wait3A_912 = tpu.memref_slice %arg2[%dma_wait3A_910, %dma_wait3A_911] : memref<300x100000xf32, #tpu.memory_space<hbm>> -> memref<300x128xf32, #tpu.memory_space<hbm>>
      tpu.wait_dma2 semaphore(%arg12 : memref<!tpu.dma_semaphore, #tpu.memory_space<semaphore_mem>>) src(%dma_wait3A_912 : memref<300x128xf32, #tpu.memory_space<hbm>>) dst(%arg8 : memref<300x128xf32, #tpu.memory_space<vmem>>)
      %add3A_913 = arith.constant 1 : i32
      %add3A_914 = arith.addi %mul3A_63, %add3A_913 : i32
      %broadcast_in_dim3A_915 = arith.constant 0.000000e+00 : f32
      %broadcast_in_dim3A_916 = vector.broadcast %broadcast_in_dim3A_915 : f32 to vector<16xf32>
      %broadcast_in_dim3A_917 = arith.constant 0.000000e+00 : f32
      %broadcast_in_dim3A_918 = vector.broadcast %broadcast_in_dim3A_917 : f32 to vector<16xf32>
      %broadcast_in_dim3A_919 = arith.constant 0.000000e+00 : f32
      %broadcast_in_dim3A_920 = vector.broadcast %broadcast_in_dim3A_919 : f32 to vector<16xf32>
      %broadcast_in_dim3A_921 = arith.constant 0.000000e+00 : f32
      %broadcast_in_dim3A_922 = vector.broadcast %broadcast_in_dim3A_921 : f32 to vector<16xf32>
      %broadcast_in_dim3A_923 = arith.constant 0.000000e+00 : f32
      %broadcast_in_dim3A_924 = vector.broadcast %broadcast_in_dim3A_923 : f32 to vector<16xf32>
      %broadcast_in_dim3A_925 = arith.constant 0.000000e+00 : f32
      %broadcast_in_dim3A_926 = vector.broadcast %broadcast_in_dim3A_925 : f32 to vector<16xf32>
      %broadcast_in_dim3A_927 = arith.constant 0.000000e+00 : f32
      %broadcast_in_dim3A_928 = vector.broadcast %broadcast_in_dim3A_927 : f32 to vector<16xf32>
      %broadcast_in_dim3A_929 = arith.constant 0.000000e+00 : f32
      %broadcast_in_dim3A_930 = vector.broadcast %broadcast_in_dim3A_929 : f32 to vector<16xf32>
      %scan3A_931 = arith.constant 0 : i32
      %scan3A_932 = arith.constant 18 : i32
      %scan3A_933 = arith.addi %scan3A_931, %scan3A_932 : i32
      %scan3A_934 = arith.constant 1 : i32
      %scan3A_935:8 = scf.for %scan3A_1755 = %scan3A_931 to %scan3A_933 step %scan3A_934 iter_args(%scan3A_1756 = %broadcast_in_dim3A_916, %scan3A_1757 = %broadcast_in_dim3A_918, %scan3A_1758 = %broadcast_in_dim3A_920, %scan3A_1759 = %broadcast_in_dim3A_922, %scan3A_1760 = %broadcast_in_dim3A_924, %scan3A_1761 = %broadcast_in_dim3A_926, %scan3A_1762 = %broadcast_in_dim3A_928, %scan3A_1763 = %broadcast_in_dim3A_930) -> (vector<16xf32>, vector<16xf32>, vector<16xf32>, vector<16xf32>, vector<16xf32>, vector<16xf32>, vector<16xf32>, vector<16xf32>)  : i32 {
        %mul3A_1764 = arith.constant 16 : i32
        %mul3A_1765 = arith.muli %scan3A_1755, %mul3A_1764 : i32
        %get3A_1766 = arith.index_cast %mul3A_1765 : i32 to index
        %get3A_1767 = tpu.vector_load %arg6[%get3A_1766] {strides = array<i32>} : memref<384xf32, #tpu.memory_space<vmem>>, vector<16xf32>,
        %get3A_1768 = vector.shape_cast %get3A_1767 : vector<16xf32> to vector<16xf32>
        %mul3A_1769 = arith.constant 16 : i32
        %mul3A_1770 = arith.muli %scan3A_1755, %mul3A_1769 : i32
        %add3A_1771 = arith.constant 0 : i32
        %add3A_1772 = arith.addi %mul3A_1770, %add3A_1771 : i32
        %broadcast_in_dim3A_1773 = vector.shape_cast %broadcast_in_dim3A_3 : vector<16xi32> to vector<16x1xi32>
        %gather3A_1774 = vector.shape_cast %broadcast_in_dim3A_1773 : vector<16x1xi32> to vector<16xi32>
        %gather3A_1775 = tpu.dynamic_gather %get3A_1768[%gather3A_1774] in [0] : vector<16xf32>, vector<16xi32> -> vector<16xf32>
        %get3A_1776 = arith.index_cast %add3A_1772 : i32 to index
        %get3A_1777 = arith.constant 0 : index
        %get3A_1778 = tpu.vector_load %arg8[%get3A_1776, %get3A_1777] {strides = array<i32>} : memref<300x128xf32, #tpu.memory_space<vmem>>, vector<1x16xf32>,
        %get3A_1779 = vector.shape_cast %get3A_1778 : vector<1x16xf32> to vector<16xf32>
        %mul3A_1780 = arith.mulf %get3A_1779, %gather3A_1775 : vector<16xf32>
        %add3A_1781 = arith.addf %scan3A_1756, %mul3A_1780 : vector<16xf32>
        %get3A_1782 = arith.index_cast %add3A_1772 : i32 to index
        %get3A_1783 = arith.constant 16 : index
        %get3A_1784 = tpu.vector_load %arg8[%get3A_1782, %get3A_1783] {strides = array<i32>} : memref<300x128xf32, #tpu.memory_space<vmem>>, vector<1x16xf32>,
        %get3A_1785 = vector.shape_cast %get3A_1784 : vector<1x16xf32> to vector<16xf32>
        %mul3A_1786 = arith.mulf %get3A_1785, %gather3A_1775 : vector<16xf32>
        %add3A_1787 = arith.addf %scan3A_1757, %mul3A_1786 : vector<16xf32>
        %get3A_1788 = arith.index_cast %add3A_1772 : i32 to index
        %get3A_1789 = arith.constant 32 : index
        %get3A_1790 = tpu.vector_load %arg8[%get3A_1788, %get3A_1789] {strides = array<i32>} : memref<300x128xf32, #tpu.memory_space<vmem>>, vector<1x16xf32>,
        %get3A_1791 = vector.shape_cast %get3A_1790 : vector<1x16xf32> to vector<16xf32>
        %mul3A_1792 = arith.mulf %get3A_1791, %gather3A_1775 : vector<16xf32>
        %add3A_1793 = arith.addf %scan3A_1758, %mul3A_1792 : vector<16xf32>
        %get3A_1794 = arith.index_cast %add3A_1772 : i32 to index
        %get3A_1795 = arith.constant 48 : index
        %get3A_1796 = tpu.vector_load %arg8[%get3A_1794, %get3A_1795] {strides = array<i32>} : memref<300x128xf32, #tpu.memory_space<vmem>>, vector<1x16xf32>,
        %get3A_1797 = vector.shape_cast %get3A_1796 : vector<1x16xf32> to vector<16xf32>
        %mul3A_1798 = arith.mulf %get3A_1797, %gather3A_1775 : vector<16xf32>
        %add3A_1799 = arith.addf %scan3A_1759, %mul3A_1798 : vector<16xf32>
        %get3A_1800 = arith.index_cast %add3A_1772 : i32 to index
        %get3A_1801 = arith.constant 64 : index
        %get3A_1802 = tpu.vector_load %arg8[%get3A_1800, %get3A_1801] {strides = array<i32>} : memref<300x128xf32, #tpu.memory_space<vmem>>, vector<1x16xf32>,
        %get3A_1803 = vector.shape_cast %get3A_1802 : vector<1x16xf32> to vector<16xf32>
        %mul3A_1804 = arith.mulf %get3A_1803, %gather3A_1775 : vector<16xf32>
        %add3A_1805 = arith.addf %scan3A_1760, %mul3A_1804 : vector<16xf32>
        %get3A_1806 = arith.index_cast %add3A_1772 : i32 to index
        %get3A_1807 = arith.constant 80 : index
        %get3A_1808 = tpu.vector_load %arg8[%get3A_1806, %get3A_1807] {strides = array<i32>} : memref<300x128xf32, #tpu.memory_space<vmem>>, vector<1x16xf32>,
        %get3A_1809 = vector.shape_cast %get3A_1808 : vector<1x16xf32> to vector<16xf32>
        %mul3A_1810 = arith.mulf %get3A_1809, %gather3A_1775 : vector<16xf32>
        %add3A_1811 = arith.addf %scan3A_1761, %mul3A_1810 : vector<16xf32>
        %get3A_1812 = arith.index_cast %add3A_1772 : i32 to index
        %get3A_1813 = arith.constant 96 : index
        %get3A_1814 = tpu.vector_load %arg8[%get3A_1812, %get3A_1813] {strides = array<i32>} : memref<300x128xf32, #tpu.memory_space<vmem>>, vector<1x16xf32>,
        %get3A_1815 = vector.shape_cast %get3A_1814 : vector<1x16xf32> to vector<16xf32>
        %mul3A_1816 = arith.mulf %get3A_1815, %gather3A_1775 : vector<16xf32>
        %add3A_1817 = arith.addf %scan3A_1762, %mul3A_1816 : vector<16xf32>
        %get3A_1818 = arith.index_cast %add3A_1772 : i32 to index
        %get3A_1819 = arith.constant 112 : index
        %get3A_1820 = tpu.vector_load %arg8[%get3A_1818, %get3A_1819] {strides = array<i32>} : memref<300x128xf32, #tpu.memory_space<vmem>>, vector<1x16xf32>,
        %get3A_1821 = vector.shape_cast %get3A_1820 : vector<1x16xf32> to vector<16xf32>
        %mul3A_1822 = arith.mulf %get3A_1821, %gather3A_1775 : vector<16xf32>
        %add3A_1823 = arith.addf %scan3A_1763, %mul3A_1822 : vector<16xf32>
        %mul3A_1824 = arith.constant 16 : i32
        %mul3A_1825 = arith.muli %scan3A_1755, %mul3A_1824 : i32
        %add3A_1826 = arith.constant 1 : i32
        %add3A_1827 = arith.addi %mul3A_1825, %add3A_1826 : i32
        %broadcast_in_dim3A_1828 = vector.shape_cast %broadcast_in_dim3A_5 : vector<16xi32> to vector<16x1xi32>
        %gather3A_1829 = vector.shape_cast %broadcast_in_dim3A_1828 : vector<16x1xi32> to vector<16xi32>
        %gather3A_1830 = tpu.dynamic_gather %get3A_1768[%gather3A_1829] in [0] : vector<16xf32>, vector<16xi32> -> vector<16xf32>
        %get3A_1831 = arith.index_cast %add3A_1827 : i32 to index
        %get3A_1832 = arith.constant 0 : index
        %get3A_1833 = tpu.vector_load %arg8[%get3A_1831, %get3A_1832] {strides = array<i32>} : memref<300x128xf32, #tpu.memory_space<vmem>>, vector<1x16xf32>,
        %get3A_1834 = vector.shape_cast %get3A_1833 : vector<1x16xf32> to vector<16xf32>
        %mul3A_1835 = arith.mulf %get3A_1834, %gather3A_1830 : vector<16xf32>
        %add3A_1836 = arith.addf %add3A_1781, %mul3A_1835 : vector<16xf32>
        %get3A_1837 = arith.index_cast %add3A_1827 : i32 to index
        %get3A_1838 = arith.constant 16 : index
        %get3A_1839 = tpu.vector_load %arg8[%get3A_1837, %get3A_1838] {strides = array<i32>} : memref<300x128xf32, #tpu.memory_space<vmem>>, vector<1x16xf32>,
        %get3A_1840 = vector.shape_cast %get3A_1839 : vector<1x16xf32> to vector<16xf32>
        %mul3A_1841 = arith.mulf %get3A_1840, %gather3A_1830 : vector<16xf32>
        %add3A_1842 = arith.addf %add3A_1787, %mul3A_1841 : vector<16xf32>
        %get3A_1843 = arith.index_cast %add3A_1827 : i32 to index
        %get3A_1844 = arith.constant 32 : index
        %get3A_1845 = tpu.vector_load %arg8[%get3A_1843, %get3A_1844] {strides = array<i32>} : memref<300x128xf32, #tpu.memory_space<vmem>>, vector<1x16xf32>,
        %get3A_1846 = vector.shape_cast %get3A_1845 : vector<1x16xf32> to vector<16xf32>
        %mul3A_1847 = arith.mulf %get3A_1846, %gather3A_1830 : vector<16xf32>
        %add3A_1848 = arith.addf %add3A_1793, %mul3A_1847 : vector<16xf32>
        %get3A_1849 = arith.index_cast %add3A_1827 : i32 to index
        %get3A_1850 = arith.constant 48 : index
        %get3A_1851 = tpu.vector_load %arg8[%get3A_1849, %get3A_1850] {strides = array<i32>} : memref<300x128xf32, #tpu.memory_space<vmem>>, vector<1x16xf32>,
        %get3A_1852 = vector.shape_cast %get3A_1851 : vector<1x16xf32> to vector<16xf32>
        %mul3A_1853 = arith.mulf %get3A_1852, %gather3A_1830 : vector<16xf32>
        %add3A_1854 = arith.addf %add3A_1799, %mul3A_1853 : vector<16xf32>
        %get3A_1855 = arith.index_cast %add3A_1827 : i32 to index
        %get3A_1856 = arith.constant 64 : index
        %get3A_1857 = tpu.vector_load %arg8[%get3A_1855, %get3A_1856] {strides = array<i32>} : memref<300x128xf32, #tpu.memory_space<vmem>>, vector<1x16xf32>,
        %get3A_1858 = vector.shape_cast %get3A_1857 : vector<1x16xf32> to vector<16xf32>
        %mul3A_1859 = arith.mulf %get3A_1858, %gather3A_1830 : vector<16xf32>
        %add3A_1860 = arith.addf %add3A_1805, %mul3A_1859 : vector<16xf32>
        %get3A_1861 = arith.index_cast %add3A_1827 : i32 to index
        %get3A_1862 = arith.constant 80 : index
        %get3A_1863 = tpu.vector_load %arg8[%get3A_1861, %get3A_1862] {strides = array<i32>} : memref<300x128xf32, #tpu.memory_space<vmem>>, vector<1x16xf32>,
        %get3A_1864 = vector.shape_cast %get3A_1863 : vector<1x16xf32> to vector<16xf32>
        %mul3A_1865 = arith.mulf %get3A_1864, %gather3A_1830 : vector<16xf32>
        %add3A_1866 = arith.addf %add3A_1811, %mul3A_1865 : vector<16xf32>
        %get3A_1867 = arith.index_cast %add3A_1827 : i32 to index
        %get3A_1868 = arith.constant 96 : index
        %get3A_1869 = tpu.vector_load %arg8[%get3A_1867, %get3A_1868] {strides = array<i32>} : memref<300x128xf32, #tpu.memory_space<vmem>>, vector<1x16xf32>,
        %get3A_1870 = vector.shape_cast %get3A_1869 : vector<1x16xf32> to vector<16xf32>
        %mul3A_1871 = arith.mulf %get3A_1870, %gather3A_1830 : vector<16xf32>
        %add3A_1872 = arith.addf %add3A_1817, %mul3A_1871 : vector<16xf32>
        %get3A_1873 = arith.index_cast %add3A_1827 : i32 to index
        %get3A_1874 = arith.constant 112 : index
        %get3A_1875 = tpu.vector_load %arg8[%get3A_1873, %get3A_1874] {strides = array<i32>} : memref<300x128xf32, #tpu.memory_space<vmem>>, vector<1x16xf32>,
        %get3A_1876 = vector.shape_cast %get3A_1875 : vector<1x16xf32> to vector<16xf32>
        %mul3A_1877 = arith.mulf %get3A_1876, %gather3A_1830 : vector<16xf32>
        %add3A_1878 = arith.addf %add3A_1823, %mul3A_1877 : vector<16xf32>
        %mul3A_1879 = arith.constant 16 : i32
        %mul3A_1880 = arith.muli %scan3A_1755, %mul3A_1879 : i32
        %add3A_1881 = arith.constant 2 : i32
        %add3A_1882 = arith.addi %mul3A_1880, %add3A_1881 : i32
        %broadcast_in_dim3A_1883 = vector.shape_cast %broadcast_in_dim3A_7 : vector<16xi32> to vector<16x1xi32>
        %gather3A_1884 = vector.shape_cast %broadcast_in_dim3A_1883 : vector<16x1xi32> to vector<16xi32>
        %gather3A_1885 = tpu.dynamic_gather %get3A_1768[%gather3A_1884] in [0] : vector<16xf32>, vector<16xi32> -> vector<16xf32>
        %get3A_1886 = arith.index_cast %add3A_1882 : i32 to index
        %get3A_1887 = arith.constant 0 : index
        %get3A_1888 = tpu.vector_load %arg8[%get3A_1886, %get3A_1887] {strides = array<i32>} : memref<300x128xf32, #tpu.memory_space<vmem>>, vector<1x16xf32>,
        %get3A_1889 = vector.shape_cast %get3A_1888 : vector<1x16xf32> to vector<16xf32>
        %mul3A_1890 = arith.mulf %get3A_1889, %gather3A_1885 : vector<16xf32>
        %add3A_1891 = arith.addf %add3A_1836, %mul3A_1890 : vector<16xf32>
        %get3A_1892 = arith.index_cast %add3A_1882 : i32 to index
        %get3A_1893 = arith.constant 16 : index
        %get3A_1894 = tpu.vector_load %arg8[%get3A_1892, %get3A_1893] {strides = array<i32>} : memref<300x128xf32, #tpu.memory_space<vmem>>, vector<1x16xf32>,
        %get3A_1895 = vector.shape_cast %get3A_1894 : vector<1x16xf32> to vector<16xf32>
        %mul3A_1896 = arith.mulf %get3A_1895, %gather3A_1885 : vector<16xf32>
        %add3A_1897 = arith.addf %add3A_1842, %mul3A_1896 : vector<16xf32>
        %get3A_1898 = arith.index_cast %add3A_1882 : i32 to index
        %get3A_1899 = arith.constant 32 : index
        %get3A_1900 = tpu.vector_load %arg8[%get3A_1898, %get3A_1899] {strides = array<i32>} : memref<300x128xf32, #tpu.memory_space<vmem>>, vector<1x16xf32>,
        %get3A_1901 = vector.shape_cast %get3A_1900 : vector<1x16xf32> to vector<16xf32>
        %mul3A_1902 = arith.mulf %get3A_1901, %gather3A_1885 : vector<16xf32>
        %add3A_1903 = arith.addf %add3A_1848, %mul3A_1902 : vector<16xf32>
        %get3A_1904 = arith.index_cast %add3A_1882 : i32 to index
        %get3A_1905 = arith.constant 48 : index
        %get3A_1906 = tpu.vector_load %arg8[%get3A_1904, %get3A_1905] {strides = array<i32>} : memref<300x128xf32, #tpu.memory_space<vmem>>, vector<1x16xf32>,
        %get3A_1907 = vector.shape_cast %get3A_1906 : vector<1x16xf32> to vector<16xf32>
        %mul3A_1908 = arith.mulf %get3A_1907, %gather3A_1885 : vector<16xf32>
        %add3A_1909 = arith.addf %add3A_1854, %mul3A_1908 : vector<16xf32>
        %get3A_1910 = arith.index_cast %add3A_1882 : i32 to index
        %get3A_1911 = arith.constant 64 : index
        %get3A_1912 = tpu.vector_load %arg8[%get3A_1910, %get3A_1911] {strides = array<i32>} : memref<300x128xf32, #tpu.memory_space<vmem>>, vector<1x16xf32>,
        %get3A_1913 = vector.shape_cast %get3A_1912 : vector<1x16xf32> to vector<16xf32>
        %mul3A_1914 = arith.mulf %get3A_1913, %gather3A_1885 : vector<16xf32>
        %add3A_1915 = arith.addf %add3A_1860, %mul3A_1914 : vector<16xf32>
        %get3A_1916 = arith.index_cast %add3A_1882 : i32 to index
        %get3A_1917 = arith.constant 80 : index
        %get3A_1918 = tpu.vector_load %arg8[%get3A_1916, %get3A_1917] {strides = array<i32>} : memref<300x128xf32, #tpu.memory_space<vmem>>, vector<1x16xf32>,
        %get3A_1919 = vector.shape_cast %get3A_1918 : vector<1x16xf32> to vector<16xf32>
        %mul3A_1920 = arith.mulf %get3A_1919, %gather3A_1885 : vector<16xf32>
        %add3A_1921 = arith.addf %add3A_1866, %mul3A_1920 : vector<16xf32>
        %get3A_1922 = arith.index_cast %add3A_1882 : i32 to index
        %get3A_1923 = arith.constant 96 : index
        %get3A_1924 = tpu.vector_load %arg8[%get3A_1922, %get3A_1923] {strides = array<i32>} : memref<300x128xf32, #tpu.memory_space<vmem>>, vector<1x16xf32>,
        %get3A_1925 = vector.shape_cast %get3A_1924 : vector<1x16xf32> to vector<16xf32>
        %mul3A_1926 = arith.mulf %get3A_1925, %gather3A_1885 : vector<16xf32>
        %add3A_1927 = arith.addf %add3A_1872, %mul3A_1926 : vector<16xf32>
        %get3A_1928 = arith.index_cast %add3A_1882 : i32 to index
        %get3A_1929 = arith.constant 112 : index
        %get3A_1930 = tpu.vector_load %arg8[%get3A_1928, %get3A_1929] {strides = array<i32>} : memref<300x128xf32, #tpu.memory_space<vmem>>, vector<1x16xf32>,
        %get3A_1931 = vector.shape_cast %get3A_1930 : vector<1x16xf32> to vector<16xf32>
        %mul3A_1932 = arith.mulf %get3A_1931, %gather3A_1885 : vector<16xf32>
        %add3A_1933 = arith.addf %add3A_1878, %mul3A_1932 : vector<16xf32>
        %mul3A_1934 = arith.constant 16 : i32
        %mul3A_1935 = arith.muli %scan3A_1755, %mul3A_1934 : i32
        %add3A_1936 = arith.constant 3 : i32
        %add3A_1937 = arith.addi %mul3A_1935, %add3A_1936 : i32
        %broadcast_in_dim3A_1938 = vector.shape_cast %broadcast_in_dim3A_9 : vector<16xi32> to vector<16x1xi32>
        %gather3A_1939 = vector.shape_cast %broadcast_in_dim3A_1938 : vector<16x1xi32> to vector<16xi32>
        %gather3A_1940 = tpu.dynamic_gather %get3A_1768[%gather3A_1939] in [0] : vector<16xf32>, vector<16xi32> -> vector<16xf32>
        %get3A_1941 = arith.index_cast %add3A_1937 : i32 to index
        %get3A_1942 = arith.constant 0 : index
        %get3A_1943 = tpu.vector_load %arg8[%get3A_1941, %get3A_1942] {strides = array<i32>} : memref<300x128xf32, #tpu.memory_space<vmem>>, vector<1x16xf32>,
        %get3A_1944 = vector.shape_cast %get3A_1943 : vector<1x16xf32> to vector<16xf32>
        %mul3A_1945 = arith.mulf %get3A_1944, %gather3A_1940 : vector<16xf32>
        %add3A_1946 = arith.addf %add3A_1891, %mul3A_1945 : vector<16xf32>
        %get3A_1947 = arith.index_cast %add3A_1937 : i32 to index
        %get3A_1948 = arith.constant 16 : index
        %get3A_1949 = tpu.vector_load %arg8[%get3A_1947, %get3A_1948] {strides = array<i32>} : memref<300x128xf32, #tpu.memory_space<vmem>>, vector<1x16xf32>,
        %get3A_1950 = vector.shape_cast %get3A_1949 : vector<1x16xf32> to vector<16xf32>
        %mul3A_1951 = arith.mulf %get3A_1950, %gather3A_1940 : vector<16xf32>
        %add3A_1952 = arith.addf %add3A_1897, %mul3A_1951 : vector<16xf32>
        %get3A_1953 = arith.index_cast %add3A_1937 : i32 to index
        %get3A_1954 = arith.constant 32 : index
        %get3A_1955 = tpu.vector_load %arg8[%get3A_1953, %get3A_1954] {strides = array<i32>} : memref<300x128xf32, #tpu.memory_space<vmem>>, vector<1x16xf32>,
        %get3A_1956 = vector.shape_cast %get3A_1955 : vector<1x16xf32> to vector<16xf32>
        %mul3A_1957 = arith.mulf %get3A_1956, %gather3A_1940 : vector<16xf32>
        %add3A_1958 = arith.addf %add3A_1903, %mul3A_1957 : vector<16xf32>
        %get3A_1959 = arith.index_cast %add3A_1937 : i32 to index
        %get3A_1960 = arith.constant 48 : index
        %get3A_1961 = tpu.vector_load %arg8[%get3A_1959, %get3A_1960] {strides = array<i32>} : memref<300x128xf32, #tpu.memory_space<vmem>>, vector<1x16xf32>,
        %get3A_1962 = vector.shape_cast %get3A_1961 : vector<1x16xf32> to vector<16xf32>
        %mul3A_1963 = arith.mulf %get3A_1962, %gather3A_1940 : vector<16xf32>
        %add3A_1964 = arith.addf %add3A_1909, %mul3A_1963 : vector<16xf32>
        %get3A_1965 = arith.index_cast %add3A_1937 : i32 to index
        %get3A_1966 = arith.constant 64 : index
        %get3A_1967 = tpu.vector_load %arg8[%get3A_1965, %get3A_1966] {strides = array<i32>} : memref<300x128xf32, #tpu.memory_space<vmem>>, vector<1x16xf32>,
        %get3A_1968 = vector.shape_cast %get3A_1967 : vector<1x16xf32> to vector<16xf32>
        %mul3A_1969 = arith.mulf %get3A_1968, %gather3A_1940 : vector<16xf32>
        %add3A_1970 = arith.addf %add3A_1915, %mul3A_1969 : vector<16xf32>
        %get3A_1971 = arith.index_cast %add3A_1937 : i32 to index
        %get3A_1972 = arith.constant 80 : index
        %get3A_1973 = tpu.vector_load %arg8[%get3A_1971, %get3A_1972] {strides = array<i32>} : memref<300x128xf32, #tpu.memory_space<vmem>>, vector<1x16xf32>,
        %get3A_1974 = vector.shape_cast %get3A_1973 : vector<1x16xf32> to vector<16xf32>
        %mul3A_1975 = arith.mulf %get3A_1974, %gather3A_1940 : vector<16xf32>
        %add3A_1976 = arith.addf %add3A_1921, %mul3A_1975 : vector<16xf32>
        %get3A_1977 = arith.index_cast %add3A_1937 : i32 to index
        %get3A_1978 = arith.constant 96 : index
        %get3A_1979 = tpu.vector_load %arg8[%get3A_1977, %get3A_1978] {strides = array<i32>} : memref<300x128xf32, #tpu.memory_space<vmem>>, vector<1x16xf32>,
        %get3A_1980 = vector.shape_cast %get3A_1979 : vector<1x16xf32> to vector<16xf32>
        %mul3A_1981 = arith.mulf %get3A_1980, %gather3A_1940 : vector<16xf32>
        %add3A_1982 = arith.addf %add3A_1927, %mul3A_1981 : vector<16xf32>
        %get3A_1983 = arith.index_cast %add3A_1937 : i32 to index
        %get3A_1984 = arith.constant 112 : index
        %get3A_1985 = tpu.vector_load %arg8[%get3A_1983, %get3A_1984] {strides = array<i32>} : memref<300x128xf32, #tpu.memory_space<vmem>>, vector<1x16xf32>,
        %get3A_1986 = vector.shape_cast %get3A_1985 : vector<1x16xf32> to vector<16xf32>
        %mul3A_1987 = arith.mulf %get3A_1986, %gather3A_1940 : vector<16xf32>
        %add3A_1988 = arith.addf %add3A_1933, %mul3A_1987 : vector<16xf32>
        %mul3A_1989 = arith.constant 16 : i32
        %mul3A_1990 = arith.muli %scan3A_1755, %mul3A_1989 : i32
        %add3A_1991 = arith.constant 4 : i32
        %add3A_1992 = arith.addi %mul3A_1990, %add3A_1991 : i32
        %broadcast_in_dim3A_1993 = vector.shape_cast %broadcast_in_dim3A_11 : vector<16xi32> to vector<16x1xi32>
        %gather3A_1994 = vector.shape_cast %broadcast_in_dim3A_1993 : vector<16x1xi32> to vector<16xi32>
        %gather3A_1995 = tpu.dynamic_gather %get3A_1768[%gather3A_1994] in [0] : vector<16xf32>, vector<16xi32> -> vector<16xf32>
        %get3A_1996 = arith.index_cast %add3A_1992 : i32 to index
        %get3A_1997 = arith.constant 0 : index
        %get3A_1998 = tpu.vector_load %arg8[%get3A_1996, %get3A_1997] {strides = array<i32>} : memref<300x128xf32, #tpu.memory_space<vmem>>, vector<1x16xf32>,
        %get3A_1999 = vector.shape_cast %get3A_1998 : vector<1x16xf32> to vector<16xf32>
        %mul3A_2000 = arith.mulf %get3A_1999, %gather3A_1995 : vector<16xf32>
        %add3A_2001 = arith.addf %add3A_1946, %mul3A_2000 : vector<16xf32>
        %get3A_2002 = arith.index_cast %add3A_1992 : i32 to index
        %get3A_2003 = arith.constant 16 : index
        %get3A_2004 = tpu.vector_load %arg8[%get3A_2002, %get3A_2003] {strides = array<i32>} : memref<300x128xf32, #tpu.memory_space<vmem>>, vector<1x16xf32>,
        %get3A_2005 = vector.shape_cast %get3A_2004 : vector<1x16xf32> to vector<16xf32>
        %mul3A_2006 = arith.mulf %get3A_2005, %gather3A_1995 : vector<16xf32>
        %add3A_2007 = arith.addf %add3A_1952, %mul3A_2006 : vector<16xf32>
        %get3A_2008 = arith.index_cast %add3A_1992 : i32 to index
        %get3A_2009 = arith.constant 32 : index
        %get3A_2010 = tpu.vector_load %arg8[%get3A_2008, %get3A_2009] {strides = array<i32>} : memref<300x128xf32, #tpu.memory_space<vmem>>, vector<1x16xf32>,
        %get3A_2011 = vector.shape_cast %get3A_2010 : vector<1x16xf32> to vector<16xf32>
        %mul3A_2012 = arith.mulf %get3A_2011, %gather3A_1995 : vector<16xf32>
        %add3A_2013 = arith.addf %add3A_1958, %mul3A_2012 : vector<16xf32>
        %get3A_2014 = arith.index_cast %add3A_1992 : i32 to index
        %get3A_2015 = arith.constant 48 : index
        %get3A_2016 = tpu.vector_load %arg8[%get3A_2014, %get3A_2015] {strides = array<i32>} : memref<300x128xf32, #tpu.memory_space<vmem>>, vector<1x16xf32>,
        %get3A_2017 = vector.shape_cast %get3A_2016 : vector<1x16xf32> to vector<16xf32>
        %mul3A_2018 = arith.mulf %get3A_2017, %gather3A_1995 : vector<16xf32>
        %add3A_2019 = arith.addf %add3A_1964, %mul3A_2018 : vector<16xf32>
        %get3A_2020 = arith.index_cast %add3A_1992 : i32 to index
        %get3A_2021 = arith.constant 64 : index
        %get3A_2022 = tpu.vector_load %arg8[%get3A_2020, %get3A_2021] {strides = array<i32>} : memref<300x128xf32, #tpu.memory_space<vmem>>, vector<1x16xf32>,
        %get3A_2023 = vector.shape_cast %get3A_2022 : vector<1x16xf32> to vector<16xf32>
        %mul3A_2024 = arith.mulf %get3A_2023, %gather3A_1995 : vector<16xf32>
        %add3A_2025 = arith.addf %add3A_1970, %mul3A_2024 : vector<16xf32>
        %get3A_2026 = arith.index_cast %add3A_1992 : i32 to index
        %get3A_2027 = arith.constant 80 : index
        %get3A_2028 = tpu.vector_load %arg8[%get3A_2026, %get3A_2027] {strides = array<i32>} : memref<300x128xf32, #tpu.memory_space<vmem>>, vector<1x16xf32>,
        %get3A_2029 = vector.shape_cast %get3A_2028 : vector<1x16xf32> to vector<16xf32>
        %mul3A_2030 = arith.mulf %get3A_2029, %gather3A_1995 : vector<16xf32>
        %add3A_2031 = arith.addf %add3A_1976, %mul3A_2030 : vector<16xf32>
        %get3A_2032 = arith.index_cast %add3A_1992 : i32 to index
        %get3A_2033 = arith.constant 96 : index
        %get3A_2034 = tpu.vector_load %arg8[%get3A_2032, %get3A_2033] {strides = array<i32>} : memref<300x128xf32, #tpu.memory_space<vmem>>, vector<1x16xf32>,
        %get3A_2035 = vector.shape_cast %get3A_2034 : vector<1x16xf32> to vector<16xf32>
        %mul3A_2036 = arith.mulf %get3A_2035, %gather3A_1995 : vector<16xf32>
        %add3A_2037 = arith.addf %add3A_1982, %mul3A_2036 : vector<16xf32>
        %get3A_2038 = arith.index_cast %add3A_1992 : i32 to index
        %get3A_2039 = arith.constant 112 : index
        %get3A_2040 = tpu.vector_load %arg8[%get3A_2038, %get3A_2039] {strides = array<i32>} : memref<300x128xf32, #tpu.memory_space<vmem>>, vector<1x16xf32>,
        %get3A_2041 = vector.shape_cast %get3A_2040 : vector<1x16xf32> to vector<16xf32>
        %mul3A_2042 = arith.mulf %get3A_2041, %gather3A_1995 : vector<16xf32>
        %add3A_2043 = arith.addf %add3A_1988, %mul3A_2042 : vector<16xf32>
        %mul3A_2044 = arith.constant 16 : i32
        %mul3A_2045 = arith.muli %scan3A_1755, %mul3A_2044 : i32
        %add3A_2046 = arith.constant 5 : i32
        %add3A_2047 = arith.addi %mul3A_2045, %add3A_2046 : i32
        %broadcast_in_dim3A_2048 = vector.shape_cast %broadcast_in_dim3A_13 : vector<16xi32> to vector<16x1xi32>
        %gather3A_2049 = vector.shape_cast %broadcast_in_dim3A_2048 : vector<16x1xi32> to vector<16xi32>
        %gather3A_2050 = tpu.dynamic_gather %get3A_1768[%gather3A_2049] in [0] : vector<16xf32>, vector<16xi32> -> vector<16xf32>
        %get3A_2051 = arith.index_cast %add3A_2047 : i32 to index
        %get3A_2052 = arith.constant 0 : index
        %get3A_2053 = tpu.vector_load %arg8[%get3A_2051, %get3A_2052] {strides = array<i32>} : memref<300x128xf32, #tpu.memory_space<vmem>>, vector<1x16xf32>,
        %get3A_2054 = vector.shape_cast %get3A_2053 : vector<1x16xf32> to vector<16xf32>
        %mul3A_2055 = arith.mulf %get3A_2054, %gather3A_2050 : vector<16xf32>
        %add3A_2056 = arith.addf %add3A_2001, %mul3A_2055 : vector<16xf32>
        %get3A_2057 = arith.index_cast %add3A_2047 : i32 to index
        %get3A_2058 = arith.constant 16 : index
        %get3A_2059 = tpu.vector_load %arg8[%get3A_2057, %get3A_2058] {strides = array<i32>} : memref<300x128xf32, #tpu.memory_space<vmem>>, vector<1x16xf32>,
        %get3A_2060 = vector.shape_cast %get3A_2059 : vector<1x16xf32> to vector<16xf32>
        %mul3A_2061 = arith.mulf %get3A_2060, %gather3A_2050 : vector<16xf32>
        %add3A_2062 = arith.addf %add3A_2007, %mul3A_2061 : vector<16xf32>
        %get3A_2063 = arith.index_cast %add3A_2047 : i32 to index
        %get3A_2064 = arith.constant 32 : index
        %get3A_2065 = tpu.vector_load %arg8[%get3A_2063, %get3A_2064] {strides = array<i32>} : memref<300x128xf32, #tpu.memory_space<vmem>>, vector<1x16xf32>,
        %get3A_2066 = vector.shape_cast %get3A_2065 : vector<1x16xf32> to vector<16xf32>
        %mul3A_2067 = arith.mulf %get3A_2066, %gather3A_2050 : vector<16xf32>
        %add3A_2068 = arith.addf %add3A_2013, %mul3A_2067 : vector<16xf32>
        %get3A_2069 = arith.index_cast %add3A_2047 : i32 to index
        %get3A_2070 = arith.constant 48 : index
        %get3A_2071 = tpu.vector_load %arg8[%get3A_2069, %get3A_2070] {strides = array<i32>} : memref<300x128xf32, #tpu.memory_space<vmem>>, vector<1x16xf32>,
        %get3A_2072 = vector.shape_cast %get3A_2071 : vector<1x16xf32> to vector<16xf32>
        %mul3A_2073 = arith.mulf %get3A_2072, %gather3A_2050 : vector<16xf32>
        %add3A_2074 = arith.addf %add3A_2019, %mul3A_2073 : vector<16xf32>
        %get3A_2075 = arith.index_cast %add3A_2047 : i32 to index
        %get3A_2076 = arith.constant 64 : index
        %get3A_2077 = tpu.vector_load %arg8[%get3A_2075, %get3A_2076] {strides = array<i32>} : memref<300x128xf32, #tpu.memory_space<vmem>>, vector<1x16xf32>,
        %get3A_2078 = vector.shape_cast %get3A_2077 : vector<1x16xf32> to vector<16xf32>
        %mul3A_2079 = arith.mulf %get3A_2078, %gather3A_2050 : vector<16xf32>
        %add3A_2080 = arith.addf %add3A_2025, %mul3A_2079 : vector<16xf32>
        %get3A_2081 = arith.index_cast %add3A_2047 : i32 to index
        %get3A_2082 = arith.constant 80 : index
        %get3A_2083 = tpu.vector_load %arg8[%get3A_2081, %get3A_2082] {strides = array<i32>} : memref<300x128xf32, #tpu.memory_space<vmem>>, vector<1x16xf32>,
        %get3A_2084 = vector.shape_cast %get3A_2083 : vector<1x16xf32> to vector<16xf32>
        %mul3A_2085 = arith.mulf %get3A_2084, %gather3A_2050 : vector<16xf32>
        %add3A_2086 = arith.addf %add3A_2031, %mul3A_2085 : vector<16xf32>
        %get3A_2087 = arith.index_cast %add3A_2047 : i32 to index
        %get3A_2088 = arith.constant 96 : index
        %get3A_2089 = tpu.vector_load %arg8[%get3A_2087, %get3A_2088] {strides = array<i32>} : memref<300x128xf32, #tpu.memory_space<vmem>>, vector<1x16xf32>,
        %get3A_2090 = vector.shape_cast %get3A_2089 : vector<1x16xf32> to vector<16xf32>
        %mul3A_2091 = arith.mulf %get3A_2090, %gather3A_2050 : vector<16xf32>
        %add3A_2092 = arith.addf %add3A_2037, %mul3A_2091 : vector<16xf32>
        %get3A_2093 = arith.index_cast %add3A_2047 : i32 to index
        %get3A_2094 = arith.constant 112 : index
        %get3A_2095 = tpu.vector_load %arg8[%get3A_2093, %get3A_2094] {strides = array<i32>} : memref<300x128xf32, #tpu.memory_space<vmem>>, vector<1x16xf32>,
        %get3A_2096 = vector.shape_cast %get3A_2095 : vector<1x16xf32> to vector<16xf32>
        %mul3A_2097 = arith.mulf %get3A_2096, %gather3A_2050 : vector<16xf32>
        %add3A_2098 = arith.addf %add3A_2043, %mul3A_2097 : vector<16xf32>
        %mul3A_2099 = arith.constant 16 : i32
        %mul3A_2100 = arith.muli %scan3A_1755, %mul3A_2099 : i32
        %add3A_2101 = arith.constant 6 : i32
        %add3A_2102 = arith.addi %mul3A_2100, %add3A_2101 : i32
        %broadcast_in_dim3A_2103 = vector.shape_cast %broadcast_in_dim3A_15 : vector<16xi32> to vector<16x1xi32>
        %gather3A_2104 = vector.shape_cast %broadcast_in_dim3A_2103 : vector<16x1xi32> to vector<16xi32>
        %gather3A_2105 = tpu.dynamic_gather %get3A_1768[%gather3A_2104] in [0] : vector<16xf32>, vector<16xi32> -> vector<16xf32>
        %get3A_2106 = arith.index_cast %add3A_2102 : i32 to index
        %get3A_2107 = arith.constant 0 : index
        %get3A_2108 = tpu.vector_load %arg8[%get3A_2106, %get3A_2107] {strides = array<i32>} : memref<300x128xf32, #tpu.memory_space<vmem>>, vector<1x16xf32>,
        %get3A_2109 = vector.shape_cast %get3A_2108 : vector<1x16xf32> to vector<16xf32>
        %mul3A_2110 = arith.mulf %get3A_2109, %gather3A_2105 : vector<16xf32>
        %add3A_2111 = arith.addf %add3A_2056, %mul3A_2110 : vector<16xf32>
        %get3A_2112 = arith.index_cast %add3A_2102 : i32 to index
        %get3A_2113 = arith.constant 16 : index
        %get3A_2114 = tpu.vector_load %arg8[%get3A_2112, %get3A_2113] {strides = array<i32>} : memref<300x128xf32, #tpu.memory_space<vmem>>, vector<1x16xf32>,
        %get3A_2115 = vector.shape_cast %get3A_2114 : vector<1x16xf32> to vector<16xf32>
        %mul3A_2116 = arith.mulf %get3A_2115, %gather3A_2105 : vector<16xf32>
        %add3A_2117 = arith.addf %add3A_2062, %mul3A_2116 : vector<16xf32>
        %get3A_2118 = arith.index_cast %add3A_2102 : i32 to index
        %get3A_2119 = arith.constant 32 : index
        %get3A_2120 = tpu.vector_load %arg8[%get3A_2118, %get3A_2119] {strides = array<i32>} : memref<300x128xf32, #tpu.memory_space<vmem>>, vector<1x16xf32>,
        %get3A_2121 = vector.shape_cast %get3A_2120 : vector<1x16xf32> to vector<16xf32>
        %mul3A_2122 = arith.mulf %get3A_2121, %gather3A_2105 : vector<16xf32>
        %add3A_2123 = arith.addf %add3A_2068, %mul3A_2122 : vector<16xf32>
        %get3A_2124 = arith.index_cast %add3A_2102 : i32 to index
        %get3A_2125 = arith.constant 48 : index
        %get3A_2126 = tpu.vector_load %arg8[%get3A_2124, %get3A_2125] {strides = array<i32>} : memref<300x128xf32, #tpu.memory_space<vmem>>, vector<1x16xf32>,
        %get3A_2127 = vector.shape_cast %get3A_2126 : vector<1x16xf32> to vector<16xf32>
        %mul3A_2128 = arith.mulf %get3A_2127, %gather3A_2105 : vector<16xf32>
        %add3A_2129 = arith.addf %add3A_2074, %mul3A_2128 : vector<16xf32>
        %get3A_2130 = arith.index_cast %add3A_2102 : i32 to index
        %get3A_2131 = arith.constant 64 : index
        %get3A_2132 = tpu.vector_load %arg8[%get3A_2130, %get3A_2131] {strides = array<i32>} : memref<300x128xf32, #tpu.memory_space<vmem>>, vector<1x16xf32>,
        %get3A_2133 = vector.shape_cast %get3A_2132 : vector<1x16xf32> to vector<16xf32>
        %mul3A_2134 = arith.mulf %get3A_2133, %gather3A_2105 : vector<16xf32>
        %add3A_2135 = arith.addf %add3A_2080, %mul3A_2134 : vector<16xf32>
        %get3A_2136 = arith.index_cast %add3A_2102 : i32 to index
        %get3A_2137 = arith.constant 80 : index
        %get3A_2138 = tpu.vector_load %arg8[%get3A_2136, %get3A_2137] {strides = array<i32>} : memref<300x128xf32, #tpu.memory_space<vmem>>, vector<1x16xf32>,
        %get3A_2139 = vector.shape_cast %get3A_2138 : vector<1x16xf32> to vector<16xf32>
        %mul3A_2140 = arith.mulf %get3A_2139, %gather3A_2105 : vector<16xf32>
        %add3A_2141 = arith.addf %add3A_2086, %mul3A_2140 : vector<16xf32>
        %get3A_2142 = arith.index_cast %add3A_2102 : i32 to index
        %get3A_2143 = arith.constant 96 : index
        %get3A_2144 = tpu.vector_load %arg8[%get3A_2142, %get3A_2143] {strides = array<i32>} : memref<300x128xf32, #tpu.memory_space<vmem>>, vector<1x16xf32>,
        %get3A_2145 = vector.shape_cast %get3A_2144 : vector<1x16xf32> to vector<16xf32>
        %mul3A_2146 = arith.mulf %get3A_2145, %gather3A_2105 : vector<16xf32>
        %add3A_2147 = arith.addf %add3A_2092, %mul3A_2146 : vector<16xf32>
        %get3A_2148 = arith.index_cast %add3A_2102 : i32 to index
        %get3A_2149 = arith.constant 112 : index
        %get3A_2150 = tpu.vector_load %arg8[%get3A_2148, %get3A_2149] {strides = array<i32>} : memref<300x128xf32, #tpu.memory_space<vmem>>, vector<1x16xf32>,
        %get3A_2151 = vector.shape_cast %get3A_2150 : vector<1x16xf32> to vector<16xf32>
        %mul3A_2152 = arith.mulf %get3A_2151, %gather3A_2105 : vector<16xf32>
        %add3A_2153 = arith.addf %add3A_2098, %mul3A_2152 : vector<16xf32>
        %mul3A_2154 = arith.constant 16 : i32
        %mul3A_2155 = arith.muli %scan3A_1755, %mul3A_2154 : i32
        %add3A_2156 = arith.constant 7 : i32
        %add3A_2157 = arith.addi %mul3A_2155, %add3A_2156 : i32
        %broadcast_in_dim3A_2158 = vector.shape_cast %broadcast_in_dim3A_17 : vector<16xi32> to vector<16x1xi32>
        %gather3A_2159 = vector.shape_cast %broadcast_in_dim3A_2158 : vector<16x1xi32> to vector<16xi32>
        %gather3A_2160 = tpu.dynamic_gather %get3A_1768[%gather3A_2159] in [0] : vector<16xf32>, vector<16xi32> -> vector<16xf32>
        %get3A_2161 = arith.index_cast %add3A_2157 : i32 to index
        %get3A_2162 = arith.constant 0 : index
        %get3A_2163 = tpu.vector_load %arg8[%get3A_2161, %get3A_2162] {strides = array<i32>} : memref<300x128xf32, #tpu.memory_space<vmem>>, vector<1x16xf32>,
        %get3A_2164 = vector.shape_cast %get3A_2163 : vector<1x16xf32> to vector<16xf32>
        %mul3A_2165 = arith.mulf %get3A_2164, %gather3A_2160 : vector<16xf32>
        %add3A_2166 = arith.addf %add3A_2111, %mul3A_2165 : vector<16xf32>
        %get3A_2167 = arith.index_cast %add3A_2157 : i32 to index
        %get3A_2168 = arith.constant 16 : index
        %get3A_2169 = tpu.vector_load %arg8[%get3A_2167, %get3A_2168] {strides = array<i32>} : memref<300x128xf32, #tpu.memory_space<vmem>>, vector<1x16xf32>,
        %get3A_2170 = vector.shape_cast %get3A_2169 : vector<1x16xf32> to vector<16xf32>
        %mul3A_2171 = arith.mulf %get3A_2170, %gather3A_2160 : vector<16xf32>
        %add3A_2172 = arith.addf %add3A_2117, %mul3A_2171 : vector<16xf32>
        %get3A_2173 = arith.index_cast %add3A_2157 : i32 to index
        %get3A_2174 = arith.constant 32 : index
        %get3A_2175 = tpu.vector_load %arg8[%get3A_2173, %get3A_2174] {strides = array<i32>} : memref<300x128xf32, #tpu.memory_space<vmem>>, vector<1x16xf32>,
        %get3A_2176 = vector.shape_cast %get3A_2175 : vector<1x16xf32> to vector<16xf32>
        %mul3A_2177 = arith.mulf %get3A_2176, %gather3A_2160 : vector<16xf32>
        %add3A_2178 = arith.addf %add3A_2123, %mul3A_2177 : vector<16xf32>
        %get3A_2179 = arith.index_cast %add3A_2157 : i32 to index
        %get3A_2180 = arith.constant 48 : index
        %get3A_2181 = tpu.vector_load %arg8[%get3A_2179, %get3A_2180] {strides = array<i32>} : memref<300x128xf32, #tpu.memory_space<vmem>>, vector<1x16xf32>,
        %get3A_2182 = vector.shape_cast %get3A_2181 : vector<1x16xf32> to vector<16xf32>
        %mul3A_2183 = arith.mulf %get3A_2182, %gather3A_2160 : vector<16xf32>
        %add3A_2184 = arith.addf %add3A_2129, %mul3A_2183 : vector<16xf32>
        %get3A_2185 = arith.index_cast %add3A_2157 : i32 to index
        %get3A_2186 = arith.constant 64 : index
        %get3A_2187 = tpu.vector_load %arg8[%get3A_2185, %get3A_2186] {strides = array<i32>} : memref<300x128xf32, #tpu.memory_space<vmem>>, vector<1x16xf32>,
        %get3A_2188 = vector.shape_cast %get3A_2187 : vector<1x16xf32> to vector<16xf32>
        %mul3A_2189 = arith.mulf %get3A_2188, %gather3A_2160 : vector<16xf32>
        %add3A_2190 = arith.addf %add3A_2135, %mul3A_2189 : vector<16xf32>
        %get3A_2191 = arith.index_cast %add3A_2157 : i32 to index
        %get3A_2192 = arith.constant 80 : index
        %get3A_2193 = tpu.vector_load %arg8[%get3A_2191, %get3A_2192] {strides = array<i32>} : memref<300x128xf32, #tpu.memory_space<vmem>>, vector<1x16xf32>,
        %get3A_2194 = vector.shape_cast %get3A_2193 : vector<1x16xf32> to vector<16xf32>
        %mul3A_2195 = arith.mulf %get3A_2194, %gather3A_2160 : vector<16xf32>
        %add3A_2196 = arith.addf %add3A_2141, %mul3A_2195 : vector<16xf32>
        %get3A_2197 = arith.index_cast %add3A_2157 : i32 to index
        %get3A_2198 = arith.constant 96 : index
        %get3A_2199 = tpu.vector_load %arg8[%get3A_2197, %get3A_2198] {strides = array<i32>} : memref<300x128xf32, #tpu.memory_space<vmem>>, vector<1x16xf32>,
        %get3A_2200 = vector.shape_cast %get3A_2199 : vector<1x16xf32> to vector<16xf32>
        %mul3A_2201 = arith.mulf %get3A_2200, %gather3A_2160 : vector<16xf32>
        %add3A_2202 = arith.addf %add3A_2147, %mul3A_2201 : vector<16xf32>
        %get3A_2203 = arith.index_cast %add3A_2157 : i32 to index
        %get3A_2204 = arith.constant 112 : index
        %get3A_2205 = tpu.vector_load %arg8[%get3A_2203, %get3A_2204] {strides = array<i32>} : memref<300x128xf32, #tpu.memory_space<vmem>>, vector<1x16xf32>,
        %get3A_2206 = vector.shape_cast %get3A_2205 : vector<1x16xf32> to vector<16xf32>
        %mul3A_2207 = arith.mulf %get3A_2206, %gather3A_2160 : vector<16xf32>
        %add3A_2208 = arith.addf %add3A_2153, %mul3A_2207 : vector<16xf32>
        %mul3A_2209 = arith.constant 16 : i32
        %mul3A_2210 = arith.muli %scan3A_1755, %mul3A_2209 : i32
        %add3A_2211 = arith.constant 8 : i32
        %add3A_2212 = arith.addi %mul3A_2210, %add3A_2211 : i32
        %broadcast_in_dim3A_2213 = vector.shape_cast %broadcast_in_dim3A_19 : vector<16xi32> to vector<16x1xi32>
        %gather3A_2214 = vector.shape_cast %broadcast_in_dim3A_2213 : vector<16x1xi32> to vector<16xi32>
        %gather3A_2215 = tpu.dynamic_gather %get3A_1768[%gather3A_2214] in [0] : vector<16xf32>, vector<16xi32> -> vector<16xf32>
        %get3A_2216 = arith.index_cast %add3A_2212 : i32 to index
        %get3A_2217 = arith.constant 0 : index
        %get3A_2218 = tpu.vector_load %arg8[%get3A_2216, %get3A_2217] {strides = array<i32>} : memref<300x128xf32, #tpu.memory_space<vmem>>, vector<1x16xf32>,
        %get3A_2219 = vector.shape_cast %get3A_2218 : vector<1x16xf32> to vector<16xf32>
        %mul3A_2220 = arith.mulf %get3A_2219, %gather3A_2215 : vector<16xf32>
        %add3A_2221 = arith.addf %add3A_2166, %mul3A_2220 : vector<16xf32>
        %get3A_2222 = arith.index_cast %add3A_2212 : i32 to index
        %get3A_2223 = arith.constant 16 : index
        %get3A_2224 = tpu.vector_load %arg8[%get3A_2222, %get3A_2223] {strides = array<i32>} : memref<300x128xf32, #tpu.memory_space<vmem>>, vector<1x16xf32>,
        %get3A_2225 = vector.shape_cast %get3A_2224 : vector<1x16xf32> to vector<16xf32>
        %mul3A_2226 = arith.mulf %get3A_2225, %gather3A_2215 : vector<16xf32>
        %add3A_2227 = arith.addf %add3A_2172, %mul3A_2226 : vector<16xf32>
        %get3A_2228 = arith.index_cast %add3A_2212 : i32 to index
        %get3A_2229 = arith.constant 32 : index
        %get3A_2230 = tpu.vector_load %arg8[%get3A_2228, %get3A_2229] {strides = array<i32>} : memref<300x128xf32, #tpu.memory_space<vmem>>, vector<1x16xf32>,
        %get3A_2231 = vector.shape_cast %get3A_2230 : vector<1x16xf32> to vector<16xf32>
        %mul3A_2232 = arith.mulf %get3A_2231, %gather3A_2215 : vector<16xf32>
        %add3A_2233 = arith.addf %add3A_2178, %mul3A_2232 : vector<16xf32>
        %get3A_2234 = arith.index_cast %add3A_2212 : i32 to index
        %get3A_2235 = arith.constant 48 : index
        %get3A_2236 = tpu.vector_load %arg8[%get3A_2234, %get3A_2235] {strides = array<i32>} : memref<300x128xf32, #tpu.memory_space<vmem>>, vector<1x16xf32>,
        %get3A_2237 = vector.shape_cast %get3A_2236 : vector<1x16xf32> to vector<16xf32>
        %mul3A_2238 = arith.mulf %get3A_2237, %gather3A_2215 : vector<16xf32>
        %add3A_2239 = arith.addf %add3A_2184, %mul3A_2238 : vector<16xf32>
        %get3A_2240 = arith.index_cast %add3A_2212 : i32 to index
        %get3A_2241 = arith.constant 64 : index
        %get3A_2242 = tpu.vector_load %arg8[%get3A_2240, %get3A_2241] {strides = array<i32>} : memref<300x128xf32, #tpu.memory_space<vmem>>, vector<1x16xf32>,
        %get3A_2243 = vector.shape_cast %get3A_2242 : vector<1x16xf32> to vector<16xf32>
        %mul3A_2244 = arith.mulf %get3A_2243, %gather3A_2215 : vector<16xf32>
        %add3A_2245 = arith.addf %add3A_2190, %mul3A_2244 : vector<16xf32>
        %get3A_2246 = arith.index_cast %add3A_2212 : i32 to index
        %get3A_2247 = arith.constant 80 : index
        %get3A_2248 = tpu.vector_load %arg8[%get3A_2246, %get3A_2247] {strides = array<i32>} : memref<300x128xf32, #tpu.memory_space<vmem>>, vector<1x16xf32>,
        %get3A_2249 = vector.shape_cast %get3A_2248 : vector<1x16xf32> to vector<16xf32>
        %mul3A_2250 = arith.mulf %get3A_2249, %gather3A_2215 : vector<16xf32>
        %add3A_2251 = arith.addf %add3A_2196, %mul3A_2250 : vector<16xf32>
        %get3A_2252 = arith.index_cast %add3A_2212 : i32 to index
        %get3A_2253 = arith.constant 96 : index
        %get3A_2254 = tpu.vector_load %arg8[%get3A_2252, %get3A_2253] {strides = array<i32>} : memref<300x128xf32, #tpu.memory_space<vmem>>, vector<1x16xf32>,
        %get3A_2255 = vector.shape_cast %get3A_2254 : vector<1x16xf32> to vector<16xf32>
        %mul3A_2256 = arith.mulf %get3A_2255, %gather3A_2215 : vector<16xf32>
        %add3A_2257 = arith.addf %add3A_2202, %mul3A_2256 : vector<16xf32>
        %get3A_2258 = arith.index_cast %add3A_2212 : i32 to index
        %get3A_2259 = arith.constant 112 : index
        %get3A_2260 = tpu.vector_load %arg8[%get3A_2258, %get3A_2259] {strides = array<i32>} : memref<300x128xf32, #tpu.memory_space<vmem>>, vector<1x16xf32>,
        %get3A_2261 = vector.shape_cast %get3A_2260 : vector<1x16xf32> to vector<16xf32>
        %mul3A_2262 = arith.mulf %get3A_2261, %gather3A_2215 : vector<16xf32>
        %add3A_2263 = arith.addf %add3A_2208, %mul3A_2262 : vector<16xf32>
        %mul3A_2264 = arith.constant 16 : i32
        %mul3A_2265 = arith.muli %scan3A_1755, %mul3A_2264 : i32
        %add3A_2266 = arith.constant 9 : i32
        %add3A_2267 = arith.addi %mul3A_2265, %add3A_2266 : i32
        %broadcast_in_dim3A_2268 = vector.shape_cast %broadcast_in_dim3A_21 : vector<16xi32> to vector<16x1xi32>
        %gather3A_2269 = vector.shape_cast %broadcast_in_dim3A_2268 : vector<16x1xi32> to vector<16xi32>
        %gather3A_2270 = tpu.dynamic_gather %get3A_1768[%gather3A_2269] in [0] : vector<16xf32>, vector<16xi32> -> vector<16xf32>
        %get3A_2271 = arith.index_cast %add3A_2267 : i32 to index
        %get3A_2272 = arith.constant 0 : index
        %get3A_2273 = tpu.vector_load %arg8[%get3A_2271, %get3A_2272] {strides = array<i32>} : memref<300x128xf32, #tpu.memory_space<vmem>>, vector<1x16xf32>,
        %get3A_2274 = vector.shape_cast %get3A_2273 : vector<1x16xf32> to vector<16xf32>
        %mul3A_2275 = arith.mulf %get3A_2274, %gather3A_2270 : vector<16xf32>
        %add3A_2276 = arith.addf %add3A_2221, %mul3A_2275 : vector<16xf32>
        %get3A_2277 = arith.index_cast %add3A_2267 : i32 to index
        %get3A_2278 = arith.constant 16 : index
        %get3A_2279 = tpu.vector_load %arg8[%get3A_2277, %get3A_2278] {strides = array<i32>} : memref<300x128xf32, #tpu.memory_space<vmem>>, vector<1x16xf32>,
        %get3A_2280 = vector.shape_cast %get3A_2279 : vector<1x16xf32> to vector<16xf32>
        %mul3A_2281 = arith.mulf %get3A_2280, %gather3A_2270 : vector<16xf32>
        %add3A_2282 = arith.addf %add3A_2227, %mul3A_2281 : vector<16xf32>
        %get3A_2283 = arith.index_cast %add3A_2267 : i32 to index
        %get3A_2284 = arith.constant 32 : index
        %get3A_2285 = tpu.vector_load %arg8[%get3A_2283, %get3A_2284] {strides = array<i32>} : memref<300x128xf32, #tpu.memory_space<vmem>>, vector<1x16xf32>,
        %get3A_2286 = vector.shape_cast %get3A_2285 : vector<1x16xf32> to vector<16xf32>
        %mul3A_2287 = arith.mulf %get3A_2286, %gather3A_2270 : vector<16xf32>
        %add3A_2288 = arith.addf %add3A_2233, %mul3A_2287 : vector<16xf32>
        %get3A_2289 = arith.index_cast %add3A_2267 : i32 to index
        %get3A_2290 = arith.constant 48 : index
        %get3A_2291 = tpu.vector_load %arg8[%get3A_2289, %get3A_2290] {strides = array<i32>} : memref<300x128xf32, #tpu.memory_space<vmem>>, vector<1x16xf32>,
        %get3A_2292 = vector.shape_cast %get3A_2291 : vector<1x16xf32> to vector<16xf32>
        %mul3A_2293 = arith.mulf %get3A_2292, %gather3A_2270 : vector<16xf32>
        %add3A_2294 = arith.addf %add3A_2239, %mul3A_2293 : vector<16xf32>
        %get3A_2295 = arith.index_cast %add3A_2267 : i32 to index
        %get3A_2296 = arith.constant 64 : index
        %get3A_2297 = tpu.vector_load %arg8[%get3A_2295, %get3A_2296] {strides = array<i32>} : memref<300x128xf32, #tpu.memory_space<vmem>>, vector<1x16xf32>,
        %get3A_2298 = vector.shape_cast %get3A_2297 : vector<1x16xf32> to vector<16xf32>
        %mul3A_2299 = arith.mulf %get3A_2298, %gather3A_2270 : vector<16xf32>
        %add3A_2300 = arith.addf %add3A_2245, %mul3A_2299 : vector<16xf32>
        %get3A_2301 = arith.index_cast %add3A_2267 : i32 to index
        %get3A_2302 = arith.constant 80 : index
        %get3A_2303 = tpu.vector_load %arg8[%get3A_2301, %get3A_2302] {strides = array<i32>} : memref<300x128xf32, #tpu.memory_space<vmem>>, vector<1x16xf32>,
        %get3A_2304 = vector.shape_cast %get3A_2303 : vector<1x16xf32> to vector<16xf32>
        %mul3A_2305 = arith.mulf %get3A_2304, %gather3A_2270 : vector<16xf32>
        %add3A_2306 = arith.addf %add3A_2251, %mul3A_2305 : vector<16xf32>
        %get3A_2307 = arith.index_cast %add3A_2267 : i32 to index
        %get3A_2308 = arith.constant 96 : index
        %get3A_2309 = tpu.vector_load %arg8[%get3A_2307, %get3A_2308] {strides = array<i32>} : memref<300x128xf32, #tpu.memory_space<vmem>>, vector<1x16xf32>,
        %get3A_2310 = vector.shape_cast %get3A_2309 : vector<1x16xf32> to vector<16xf32>
        %mul3A_2311 = arith.mulf %get3A_2310, %gather3A_2270 : vector<16xf32>
        %add3A_2312 = arith.addf %add3A_2257, %mul3A_2311 : vector<16xf32>
        %get3A_2313 = arith.index_cast %add3A_2267 : i32 to index
        %get3A_2314 = arith.constant 112 : index
        %get3A_2315 = tpu.vector_load %arg8[%get3A_2313, %get3A_2314] {strides = array<i32>} : memref<300x128xf32, #tpu.memory_space<vmem>>, vector<1x16xf32>,
        %get3A_2316 = vector.shape_cast %get3A_2315 : vector<1x16xf32> to vector<16xf32>
        %mul3A_2317 = arith.mulf %get3A_2316, %gather3A_2270 : vector<16xf32>
        %add3A_2318 = arith.addf %add3A_2263, %mul3A_2317 : vector<16xf32>
        %mul3A_2319 = arith.constant 16 : i32
        %mul3A_2320 = arith.muli %scan3A_1755, %mul3A_2319 : i32
        %add3A_2321 = arith.constant 10 : i32
        %add3A_2322 = arith.addi %mul3A_2320, %add3A_2321 : i32
        %broadcast_in_dim3A_2323 = vector.shape_cast %broadcast_in_dim3A_23 : vector<16xi32> to vector<16x1xi32>
        %gather3A_2324 = vector.shape_cast %broadcast_in_dim3A_2323 : vector<16x1xi32> to vector<16xi32>
        %gather3A_2325 = tpu.dynamic_gather %get3A_1768[%gather3A_2324] in [0] : vector<16xf32>, vector<16xi32> -> vector<16xf32>
        %get3A_2326 = arith.index_cast %add3A_2322 : i32 to index
        %get3A_2327 = arith.constant 0 : index
        %get3A_2328 = tpu.vector_load %arg8[%get3A_2326, %get3A_2327] {strides = array<i32>} : memref<300x128xf32, #tpu.memory_space<vmem>>, vector<1x16xf32>,
        %get3A_2329 = vector.shape_cast %get3A_2328 : vector<1x16xf32> to vector<16xf32>
        %mul3A_2330 = arith.mulf %get3A_2329, %gather3A_2325 : vector<16xf32>
        %add3A_2331 = arith.addf %add3A_2276, %mul3A_2330 : vector<16xf32>
        %get3A_2332 = arith.index_cast %add3A_2322 : i32 to index
        %get3A_2333 = arith.constant 16 : index
        %get3A_2334 = tpu.vector_load %arg8[%get3A_2332, %get3A_2333] {strides = array<i32>} : memref<300x128xf32, #tpu.memory_space<vmem>>, vector<1x16xf32>,
        %get3A_2335 = vector.shape_cast %get3A_2334 : vector<1x16xf32> to vector<16xf32>
        %mul3A_2336 = arith.mulf %get3A_2335, %gather3A_2325 : vector<16xf32>
        %add3A_2337 = arith.addf %add3A_2282, %mul3A_2336 : vector<16xf32>
        %get3A_2338 = arith.index_cast %add3A_2322 : i32 to index
        %get3A_2339 = arith.constant 32 : index
        %get3A_2340 = tpu.vector_load %arg8[%get3A_2338, %get3A_2339] {strides = array<i32>} : memref<300x128xf32, #tpu.memory_space<vmem>>, vector<1x16xf32>,
        %get3A_2341 = vector.shape_cast %get3A_2340 : vector<1x16xf32> to vector<16xf32>
        %mul3A_2342 = arith.mulf %get3A_2341, %gather3A_2325 : vector<16xf32>
        %add3A_2343 = arith.addf %add3A_2288, %mul3A_2342 : vector<16xf32>
        %get3A_2344 = arith.index_cast %add3A_2322 : i32 to index
        %get3A_2345 = arith.constant 48 : index
        %get3A_2346 = tpu.vector_load %arg8[%get3A_2344, %get3A_2345] {strides = array<i32>} : memref<300x128xf32, #tpu.memory_space<vmem>>, vector<1x16xf32>,
        %get3A_2347 = vector.shape_cast %get3A_2346 : vector<1x16xf32> to vector<16xf32>
        %mul3A_2348 = arith.mulf %get3A_2347, %gather3A_2325 : vector<16xf32>
        %add3A_2349 = arith.addf %add3A_2294, %mul3A_2348 : vector<16xf32>
        %get3A_2350 = arith.index_cast %add3A_2322 : i32 to index
        %get3A_2351 = arith.constant 64 : index
        %get3A_2352 = tpu.vector_load %arg8[%get3A_2350, %get3A_2351] {strides = array<i32>} : memref<300x128xf32, #tpu.memory_space<vmem>>, vector<1x16xf32>,
        %get3A_2353 = vector.shape_cast %get3A_2352 : vector<1x16xf32> to vector<16xf32>
        %mul3A_2354 = arith.mulf %get3A_2353, %gather3A_2325 : vector<16xf32>
        %add3A_2355 = arith.addf %add3A_2300, %mul3A_2354 : vector<16xf32>
        %get3A_2356 = arith.index_cast %add3A_2322 : i32 to index
        %get3A_2357 = arith.constant 80 : index
        %get3A_2358 = tpu.vector_load %arg8[%get3A_2356, %get3A_2357] {strides = array<i32>} : memref<300x128xf32, #tpu.memory_space<vmem>>, vector<1x16xf32>,
        %get3A_2359 = vector.shape_cast %get3A_2358 : vector<1x16xf32> to vector<16xf32>
        %mul3A_2360 = arith.mulf %get3A_2359, %gather3A_2325 : vector<16xf32>
        %add3A_2361 = arith.addf %add3A_2306, %mul3A_2360 : vector<16xf32>
        %get3A_2362 = arith.index_cast %add3A_2322 : i32 to index
        %get3A_2363 = arith.constant 96 : index
        %get3A_2364 = tpu.vector_load %arg8[%get3A_2362, %get3A_2363] {strides = array<i32>} : memref<300x128xf32, #tpu.memory_space<vmem>>, vector<1x16xf32>,
        %get3A_2365 = vector.shape_cast %get3A_2364 : vector<1x16xf32> to vector<16xf32>
        %mul3A_2366 = arith.mulf %get3A_2365, %gather3A_2325 : vector<16xf32>
        %add3A_2367 = arith.addf %add3A_2312, %mul3A_2366 : vector<16xf32>
        %get3A_2368 = arith.index_cast %add3A_2322 : i32 to index
        %get3A_2369 = arith.constant 112 : index
        %get3A_2370 = tpu.vector_load %arg8[%get3A_2368, %get3A_2369] {strides = array<i32>} : memref<300x128xf32, #tpu.memory_space<vmem>>, vector<1x16xf32>,
        %get3A_2371 = vector.shape_cast %get3A_2370 : vector<1x16xf32> to vector<16xf32>
        %mul3A_2372 = arith.mulf %get3A_2371, %gather3A_2325 : vector<16xf32>
        %add3A_2373 = arith.addf %add3A_2318, %mul3A_2372 : vector<16xf32>
        %mul3A_2374 = arith.constant 16 : i32
        %mul3A_2375 = arith.muli %scan3A_1755, %mul3A_2374 : i32
        %add3A_2376 = arith.constant 11 : i32
        %add3A_2377 = arith.addi %mul3A_2375, %add3A_2376 : i32
        %broadcast_in_dim3A_2378 = vector.shape_cast %broadcast_in_dim3A_25 : vector<16xi32> to vector<16x1xi32>
        %gather3A_2379 = vector.shape_cast %broadcast_in_dim3A_2378 : vector<16x1xi32> to vector<16xi32>
        %gather3A_2380 = tpu.dynamic_gather %get3A_1768[%gather3A_2379] in [0] : vector<16xf32>, vector<16xi32> -> vector<16xf32>
        %get3A_2381 = arith.index_cast %add3A_2377 : i32 to index
        %get3A_2382 = arith.constant 0 : index
        %get3A_2383 = tpu.vector_load %arg8[%get3A_2381, %get3A_2382] {strides = array<i32>} : memref<300x128xf32, #tpu.memory_space<vmem>>, vector<1x16xf32>,
        %get3A_2384 = vector.shape_cast %get3A_2383 : vector<1x16xf32> to vector<16xf32>
        %mul3A_2385 = arith.mulf %get3A_2384, %gather3A_2380 : vector<16xf32>
        %add3A_2386 = arith.addf %add3A_2331, %mul3A_2385 : vector<16xf32>
        %get3A_2387 = arith.index_cast %add3A_2377 : i32 to index
        %get3A_2388 = arith.constant 16 : index
        %get3A_2389 = tpu.vector_load %arg8[%get3A_2387, %get3A_2388] {strides = array<i32>} : memref<300x128xf32, #tpu.memory_space<vmem>>, vector<1x16xf32>,
        %get3A_2390 = vector.shape_cast %get3A_2389 : vector<1x16xf32> to vector<16xf32>
        %mul3A_2391 = arith.mulf %get3A_2390, %gather3A_2380 : vector<16xf32>
        %add3A_2392 = arith.addf %add3A_2337, %mul3A_2391 : vector<16xf32>
        %get3A_2393 = arith.index_cast %add3A_2377 : i32 to index
        %get3A_2394 = arith.constant 32 : index
        %get3A_2395 = tpu.vector_load %arg8[%get3A_2393, %get3A_2394] {strides = array<i32>} : memref<300x128xf32, #tpu.memory_space<vmem>>, vector<1x16xf32>,
        %get3A_2396 = vector.shape_cast %get3A_2395 : vector<1x16xf32> to vector<16xf32>
        %mul3A_2397 = arith.mulf %get3A_2396, %gather3A_2380 : vector<16xf32>
        %add3A_2398 = arith.addf %add3A_2343, %mul3A_2397 : vector<16xf32>
        %get3A_2399 = arith.index_cast %add3A_2377 : i32 to index
        %get3A_2400 = arith.constant 48 : index
        %get3A_2401 = tpu.vector_load %arg8[%get3A_2399, %get3A_2400] {strides = array<i32>} : memref<300x128xf32, #tpu.memory_space<vmem>>, vector<1x16xf32>,
        %get3A_2402 = vector.shape_cast %get3A_2401 : vector<1x16xf32> to vector<16xf32>
        %mul3A_2403 = arith.mulf %get3A_2402, %gather3A_2380 : vector<16xf32>
        %add3A_2404 = arith.addf %add3A_2349, %mul3A_2403 : vector<16xf32>
        %get3A_2405 = arith.index_cast %add3A_2377 : i32 to index
        %get3A_2406 = arith.constant 64 : index
        %get3A_2407 = tpu.vector_load %arg8[%get3A_2405, %get3A_2406] {strides = array<i32>} : memref<300x128xf32, #tpu.memory_space<vmem>>, vector<1x16xf32>,
        %get3A_2408 = vector.shape_cast %get3A_2407 : vector<1x16xf32> to vector<16xf32>
        %mul3A_2409 = arith.mulf %get3A_2408, %gather3A_2380 : vector<16xf32>
        %add3A_2410 = arith.addf %add3A_2355, %mul3A_2409 : vector<16xf32>
        %get3A_2411 = arith.index_cast %add3A_2377 : i32 to index
        %get3A_2412 = arith.constant 80 : index
        %get3A_2413 = tpu.vector_load %arg8[%get3A_2411, %get3A_2412] {strides = array<i32>} : memref<300x128xf32, #tpu.memory_space<vmem>>, vector<1x16xf32>,
        %get3A_2414 = vector.shape_cast %get3A_2413 : vector<1x16xf32> to vector<16xf32>
        %mul3A_2415 = arith.mulf %get3A_2414, %gather3A_2380 : vector<16xf32>
        %add3A_2416 = arith.addf %add3A_2361, %mul3A_2415 : vector<16xf32>
        %get3A_2417 = arith.index_cast %add3A_2377 : i32 to index
        %get3A_2418 = arith.constant 96 : index
        %get3A_2419 = tpu.vector_load %arg8[%get3A_2417, %get3A_2418] {strides = array<i32>} : memref<300x128xf32, #tpu.memory_space<vmem>>, vector<1x16xf32>,
        %get3A_2420 = vector.shape_cast %get3A_2419 : vector<1x16xf32> to vector<16xf32>
        %mul3A_2421 = arith.mulf %get3A_2420, %gather3A_2380 : vector<16xf32>
        %add3A_2422 = arith.addf %add3A_2367, %mul3A_2421 : vector<16xf32>
        %get3A_2423 = arith.index_cast %add3A_2377 : i32 to index
        %get3A_2424 = arith.constant 112 : index
        %get3A_2425 = tpu.vector_load %arg8[%get3A_2423, %get3A_2424] {strides = array<i32>} : memref<300x128xf32, #tpu.memory_space<vmem>>, vector<1x16xf32>,
        %get3A_2426 = vector.shape_cast %get3A_2425 : vector<1x16xf32> to vector<16xf32>
        %mul3A_2427 = arith.mulf %get3A_2426, %gather3A_2380 : vector<16xf32>
        %add3A_2428 = arith.addf %add3A_2373, %mul3A_2427 : vector<16xf32>
        %mul3A_2429 = arith.constant 16 : i32
        %mul3A_2430 = arith.muli %scan3A_1755, %mul3A_2429 : i32
        %add3A_2431 = arith.constant 12 : i32
        %add3A_2432 = arith.addi %mul3A_2430, %add3A_2431 : i32
        %broadcast_in_dim3A_2433 = vector.shape_cast %broadcast_in_dim3A_27 : vector<16xi32> to vector<16x1xi32>
        %gather3A_2434 = vector.shape_cast %broadcast_in_dim3A_2433 : vector<16x1xi32> to vector<16xi32>
        %gather3A_2435 = tpu.dynamic_gather %get3A_1768[%gather3A_2434] in [0] : vector<16xf32>, vector<16xi32> -> vector<16xf32>
        %get3A_2436 = arith.index_cast %add3A_2432 : i32 to index
        %get3A_2437 = arith.constant 0 : index
        %get3A_2438 = tpu.vector_load %arg8[%get3A_2436, %get3A_2437] {strides = array<i32>} : memref<300x128xf32, #tpu.memory_space<vmem>>, vector<1x16xf32>,
        %get3A_2439 = vector.shape_cast %get3A_2438 : vector<1x16xf32> to vector<16xf32>
        %mul3A_2440 = arith.mulf %get3A_2439, %gather3A_2435 : vector<16xf32>
        %add3A_2441 = arith.addf %add3A_2386, %mul3A_2440 : vector<16xf32>
        %get3A_2442 = arith.index_cast %add3A_2432 : i32 to index
        %get3A_2443 = arith.constant 16 : index
        %get3A_2444 = tpu.vector_load %arg8[%get3A_2442, %get3A_2443] {strides = array<i32>} : memref<300x128xf32, #tpu.memory_space<vmem>>, vector<1x16xf32>,
        %get3A_2445 = vector.shape_cast %get3A_2444 : vector<1x16xf32> to vector<16xf32>
        %mul3A_2446 = arith.mulf %get3A_2445, %gather3A_2435 : vector<16xf32>
        %add3A_2447 = arith.addf %add3A_2392, %mul3A_2446 : vector<16xf32>
        %get3A_2448 = arith.index_cast %add3A_2432 : i32 to index
        %get3A_2449 = arith.constant 32 : index
        %get3A_2450 = tpu.vector_load %arg8[%get3A_2448, %get3A_2449] {strides = array<i32>} : memref<300x128xf32, #tpu.memory_space<vmem>>, vector<1x16xf32>,
        %get3A_2451 = vector.shape_cast %get3A_2450 : vector<1x16xf32> to vector<16xf32>
        %mul3A_2452 = arith.mulf %get3A_2451, %gather3A_2435 : vector<16xf32>
        %add3A_2453 = arith.addf %add3A_2398, %mul3A_2452 : vector<16xf32>
        %get3A_2454 = arith.index_cast %add3A_2432 : i32 to index
        %get3A_2455 = arith.constant 48 : index
        %get3A_2456 = tpu.vector_load %arg8[%get3A_2454, %get3A_2455] {strides = array<i32>} : memref<300x128xf32, #tpu.memory_space<vmem>>, vector<1x16xf32>,
        %get3A_2457 = vector.shape_cast %get3A_2456 : vector<1x16xf32> to vector<16xf32>
        %mul3A_2458 = arith.mulf %get3A_2457, %gather3A_2435 : vector<16xf32>
        %add3A_2459 = arith.addf %add3A_2404, %mul3A_2458 : vector<16xf32>
        %get3A_2460 = arith.index_cast %add3A_2432 : i32 to index
        %get3A_2461 = arith.constant 64 : index
        %get3A_2462 = tpu.vector_load %arg8[%get3A_2460, %get3A_2461] {strides = array<i32>} : memref<300x128xf32, #tpu.memory_space<vmem>>, vector<1x16xf32>,
        %get3A_2463 = vector.shape_cast %get3A_2462 : vector<1x16xf32> to vector<16xf32>
        %mul3A_2464 = arith.mulf %get3A_2463, %gather3A_2435 : vector<16xf32>
        %add3A_2465 = arith.addf %add3A_2410, %mul3A_2464 : vector<16xf32>
        %get3A_2466 = arith.index_cast %add3A_2432 : i32 to index
        %get3A_2467 = arith.constant 80 : index
        %get3A_2468 = tpu.vector_load %arg8[%get3A_2466, %get3A_2467] {strides = array<i32>} : memref<300x128xf32, #tpu.memory_space<vmem>>, vector<1x16xf32>,
        %get3A_2469 = vector.shape_cast %get3A_2468 : vector<1x16xf32> to vector<16xf32>
        %mul3A_2470 = arith.mulf %get3A_2469, %gather3A_2435 : vector<16xf32>
        %add3A_2471 = arith.addf %add3A_2416, %mul3A_2470 : vector<16xf32>
        %get3A_2472 = arith.index_cast %add3A_2432 : i32 to index
        %get3A_2473 = arith.constant 96 : index
        %get3A_2474 = tpu.vector_load %arg8[%get3A_2472, %get3A_2473] {strides = array<i32>} : memref<300x128xf32, #tpu.memory_space<vmem>>, vector<1x16xf32>,
        %get3A_2475 = vector.shape_cast %get3A_2474 : vector<1x16xf32> to vector<16xf32>
        %mul3A_2476 = arith.mulf %get3A_2475, %gather3A_2435 : vector<16xf32>
        %add3A_2477 = arith.addf %add3A_2422, %mul3A_2476 : vector<16xf32>
        %get3A_2478 = arith.index_cast %add3A_2432 : i32 to index
        %get3A_2479 = arith.constant 112 : index
        %get3A_2480 = tpu.vector_load %arg8[%get3A_2478, %get3A_2479] {strides = array<i32>} : memref<300x128xf32, #tpu.memory_space<vmem>>, vector<1x16xf32>,
        %get3A_2481 = vector.shape_cast %get3A_2480 : vector<1x16xf32> to vector<16xf32>
        %mul3A_2482 = arith.mulf %get3A_2481, %gather3A_2435 : vector<16xf32>
        %add3A_2483 = arith.addf %add3A_2428, %mul3A_2482 : vector<16xf32>
        %mul3A_2484 = arith.constant 16 : i32
        %mul3A_2485 = arith.muli %scan3A_1755, %mul3A_2484 : i32
        %add3A_2486 = arith.constant 13 : i32
        %add3A_2487 = arith.addi %mul3A_2485, %add3A_2486 : i32
        %broadcast_in_dim3A_2488 = vector.shape_cast %broadcast_in_dim3A_29 : vector<16xi32> to vector<16x1xi32>
        %gather3A_2489 = vector.shape_cast %broadcast_in_dim3A_2488 : vector<16x1xi32> to vector<16xi32>
        %gather3A_2490 = tpu.dynamic_gather %get3A_1768[%gather3A_2489] in [0] : vector<16xf32>, vector<16xi32> -> vector<16xf32>
        %get3A_2491 = arith.index_cast %add3A_2487 : i32 to index
        %get3A_2492 = arith.constant 0 : index
        %get3A_2493 = tpu.vector_load %arg8[%get3A_2491, %get3A_2492] {strides = array<i32>} : memref<300x128xf32, #tpu.memory_space<vmem>>, vector<1x16xf32>,
        %get3A_2494 = vector.shape_cast %get3A_2493 : vector<1x16xf32> to vector<16xf32>
        %mul3A_2495 = arith.mulf %get3A_2494, %gather3A_2490 : vector<16xf32>
        %add3A_2496 = arith.addf %add3A_2441, %mul3A_2495 : vector<16xf32>
        %get3A_2497 = arith.index_cast %add3A_2487 : i32 to index
        %get3A_2498 = arith.constant 16 : index
        %get3A_2499 = tpu.vector_load %arg8[%get3A_2497, %get3A_2498] {strides = array<i32>} : memref<300x128xf32, #tpu.memory_space<vmem>>, vector<1x16xf32>,
        %get3A_2500 = vector.shape_cast %get3A_2499 : vector<1x16xf32> to vector<16xf32>
        %mul3A_2501 = arith.mulf %get3A_2500, %gather3A_2490 : vector<16xf32>
        %add3A_2502 = arith.addf %add3A_2447, %mul3A_2501 : vector<16xf32>
        %get3A_2503 = arith.index_cast %add3A_2487 : i32 to index
        %get3A_2504 = arith.constant 32 : index
        %get3A_2505 = tpu.vector_load %arg8[%get3A_2503, %get3A_2504] {strides = array<i32>} : memref<300x128xf32, #tpu.memory_space<vmem>>, vector<1x16xf32>,
        %get3A_2506 = vector.shape_cast %get3A_2505 : vector<1x16xf32> to vector<16xf32>
        %mul3A_2507 = arith.mulf %get3A_2506, %gather3A_2490 : vector<16xf32>
        %add3A_2508 = arith.addf %add3A_2453, %mul3A_2507 : vector<16xf32>
        %get3A_2509 = arith.index_cast %add3A_2487 : i32 to index
        %get3A_2510 = arith.constant 48 : index
        %get3A_2511 = tpu.vector_load %arg8[%get3A_2509, %get3A_2510] {strides = array<i32>} : memref<300x128xf32, #tpu.memory_space<vmem>>, vector<1x16xf32>,
        %get3A_2512 = vector.shape_cast %get3A_2511 : vector<1x16xf32> to vector<16xf32>
        %mul3A_2513 = arith.mulf %get3A_2512, %gather3A_2490 : vector<16xf32>
        %add3A_2514 = arith.addf %add3A_2459, %mul3A_2513 : vector<16xf32>
        %get3A_2515 = arith.index_cast %add3A_2487 : i32 to index
        %get3A_2516 = arith.constant 64 : index
        %get3A_2517 = tpu.vector_load %arg8[%get3A_2515, %get3A_2516] {strides = array<i32>} : memref<300x128xf32, #tpu.memory_space<vmem>>, vector<1x16xf32>,
        %get3A_2518 = vector.shape_cast %get3A_2517 : vector<1x16xf32> to vector<16xf32>
        %mul3A_2519 = arith.mulf %get3A_2518, %gather3A_2490 : vector<16xf32>
        %add3A_2520 = arith.addf %add3A_2465, %mul3A_2519 : vector<16xf32>
        %get3A_2521 = arith.index_cast %add3A_2487 : i32 to index
        %get3A_2522 = arith.constant 80 : index
        %get3A_2523 = tpu.vector_load %arg8[%get3A_2521, %get3A_2522] {strides = array<i32>} : memref<300x128xf32, #tpu.memory_space<vmem>>, vector<1x16xf32>,
        %get3A_2524 = vector.shape_cast %get3A_2523 : vector<1x16xf32> to vector<16xf32>
        %mul3A_2525 = arith.mulf %get3A_2524, %gather3A_2490 : vector<16xf32>
        %add3A_2526 = arith.addf %add3A_2471, %mul3A_2525 : vector<16xf32>
        %get3A_2527 = arith.index_cast %add3A_2487 : i32 to index
        %get3A_2528 = arith.constant 96 : index
        %get3A_2529 = tpu.vector_load %arg8[%get3A_2527, %get3A_2528] {strides = array<i32>} : memref<300x128xf32, #tpu.memory_space<vmem>>, vector<1x16xf32>,
        %get3A_2530 = vector.shape_cast %get3A_2529 : vector<1x16xf32> to vector<16xf32>
        %mul3A_2531 = arith.mulf %get3A_2530, %gather3A_2490 : vector<16xf32>
        %add3A_2532 = arith.addf %add3A_2477, %mul3A_2531 : vector<16xf32>
        %get3A_2533 = arith.index_cast %add3A_2487 : i32 to index
        %get3A_2534 = arith.constant 112 : index
        %get3A_2535 = tpu.vector_load %arg8[%get3A_2533, %get3A_2534] {strides = array<i32>} : memref<300x128xf32, #tpu.memory_space<vmem>>, vector<1x16xf32>,
        %get3A_2536 = vector.shape_cast %get3A_2535 : vector<1x16xf32> to vector<16xf32>
        %mul3A_2537 = arith.mulf %get3A_2536, %gather3A_2490 : vector<16xf32>
        %add3A_2538 = arith.addf %add3A_2483, %mul3A_2537 : vector<16xf32>
        %mul3A_2539 = arith.constant 16 : i32
        %mul3A_2540 = arith.muli %scan3A_1755, %mul3A_2539 : i32
        %add3A_2541 = arith.constant 14 : i32
        %add3A_2542 = arith.addi %mul3A_2540, %add3A_2541 : i32
        %broadcast_in_dim3A_2543 = vector.shape_cast %broadcast_in_dim3A_31 : vector<16xi32> to vector<16x1xi32>
        %gather3A_2544 = vector.shape_cast %broadcast_in_dim3A_2543 : vector<16x1xi32> to vector<16xi32>
        %gather3A_2545 = tpu.dynamic_gather %get3A_1768[%gather3A_2544] in [0] : vector<16xf32>, vector<16xi32> -> vector<16xf32>
        %get3A_2546 = arith.index_cast %add3A_2542 : i32 to index
        %get3A_2547 = arith.constant 0 : index
        %get3A_2548 = tpu.vector_load %arg8[%get3A_2546, %get3A_2547] {strides = array<i32>} : memref<300x128xf32, #tpu.memory_space<vmem>>, vector<1x16xf32>,
        %get3A_2549 = vector.shape_cast %get3A_2548 : vector<1x16xf32> to vector<16xf32>
        %mul3A_2550 = arith.mulf %get3A_2549, %gather3A_2545 : vector<16xf32>
        %add3A_2551 = arith.addf %add3A_2496, %mul3A_2550 : vector<16xf32>
        %get3A_2552 = arith.index_cast %add3A_2542 : i32 to index
        %get3A_2553 = arith.constant 16 : index
        %get3A_2554 = tpu.vector_load %arg8[%get3A_2552, %get3A_2553] {strides = array<i32>} : memref<300x128xf32, #tpu.memory_space<vmem>>, vector<1x16xf32>,
        %get3A_2555 = vector.shape_cast %get3A_2554 : vector<1x16xf32> to vector<16xf32>
        %mul3A_2556 = arith.mulf %get3A_2555, %gather3A_2545 : vector<16xf32>
        %add3A_2557 = arith.addf %add3A_2502, %mul3A_2556 : vector<16xf32>
        %get3A_2558 = arith.index_cast %add3A_2542 : i32 to index
        %get3A_2559 = arith.constant 32 : index
        %get3A_2560 = tpu.vector_load %arg8[%get3A_2558, %get3A_2559] {strides = array<i32>} : memref<300x128xf32, #tpu.memory_space<vmem>>, vector<1x16xf32>,
        %get3A_2561 = vector.shape_cast %get3A_2560 : vector<1x16xf32> to vector<16xf32>
        %mul3A_2562 = arith.mulf %get3A_2561, %gather3A_2545 : vector<16xf32>
        %add3A_2563 = arith.addf %add3A_2508, %mul3A_2562 : vector<16xf32>
        %get3A_2564 = arith.index_cast %add3A_2542 : i32 to index
        %get3A_2565 = arith.constant 48 : index
        %get3A_2566 = tpu.vector_load %arg8[%get3A_2564, %get3A_2565] {strides = array<i32>} : memref<300x128xf32, #tpu.memory_space<vmem>>, vector<1x16xf32>,
        %get3A_2567 = vector.shape_cast %get3A_2566 : vector<1x16xf32> to vector<16xf32>
        %mul3A_2568 = arith.mulf %get3A_2567, %gather3A_2545 : vector<16xf32>
        %add3A_2569 = arith.addf %add3A_2514, %mul3A_2568 : vector<16xf32>
        %get3A_2570 = arith.index_cast %add3A_2542 : i32 to index
        %get3A_2571 = arith.constant 64 : index
        %get3A_2572 = tpu.vector_load %arg8[%get3A_2570, %get3A_2571] {strides = array<i32>} : memref<300x128xf32, #tpu.memory_space<vmem>>, vector<1x16xf32>,
        %get3A_2573 = vector.shape_cast %get3A_2572 : vector<1x16xf32> to vector<16xf32>
        %mul3A_2574 = arith.mulf %get3A_2573, %gather3A_2545 : vector<16xf32>
        %add3A_2575 = arith.addf %add3A_2520, %mul3A_2574 : vector<16xf32>
        %get3A_2576 = arith.index_cast %add3A_2542 : i32 to index
        %get3A_2577 = arith.constant 80 : index
        %get3A_2578 = tpu.vector_load %arg8[%get3A_2576, %get3A_2577] {strides = array<i32>} : memref<300x128xf32, #tpu.memory_space<vmem>>, vector<1x16xf32>,
        %get3A_2579 = vector.shape_cast %get3A_2578 : vector<1x16xf32> to vector<16xf32>
        %mul3A_2580 = arith.mulf %get3A_2579, %gather3A_2545 : vector<16xf32>
        %add3A_2581 = arith.addf %add3A_2526, %mul3A_2580 : vector<16xf32>
        %get3A_2582 = arith.index_cast %add3A_2542 : i32 to index
        %get3A_2583 = arith.constant 96 : index
        %get3A_2584 = tpu.vector_load %arg8[%get3A_2582, %get3A_2583] {strides = array<i32>} : memref<300x128xf32, #tpu.memory_space<vmem>>, vector<1x16xf32>,
        %get3A_2585 = vector.shape_cast %get3A_2584 : vector<1x16xf32> to vector<16xf32>
        %mul3A_2586 = arith.mulf %get3A_2585, %gather3A_2545 : vector<16xf32>
        %add3A_2587 = arith.addf %add3A_2532, %mul3A_2586 : vector<16xf32>
        %get3A_2588 = arith.index_cast %add3A_2542 : i32 to index
        %get3A_2589 = arith.constant 112 : index
        %get3A_2590 = tpu.vector_load %arg8[%get3A_2588, %get3A_2589] {strides = array<i32>} : memref<300x128xf32, #tpu.memory_space<vmem>>, vector<1x16xf32>,
        %get3A_2591 = vector.shape_cast %get3A_2590 : vector<1x16xf32> to vector<16xf32>
        %mul3A_2592 = arith.mulf %get3A_2591, %gather3A_2545 : vector<16xf32>
        %add3A_2593 = arith.addf %add3A_2538, %mul3A_2592 : vector<16xf32>
        %mul3A_2594 = arith.constant 16 : i32
        %mul3A_2595 = arith.muli %scan3A_1755, %mul3A_2594 : i32
        %add3A_2596 = arith.constant 15 : i32
        %add3A_2597 = arith.addi %mul3A_2595, %add3A_2596 : i32
        %broadcast_in_dim3A_2598 = vector.shape_cast %broadcast_in_dim3A_33 : vector<16xi32> to vector<16x1xi32>
        %gather3A_2599 = vector.shape_cast %broadcast_in_dim3A_2598 : vector<16x1xi32> to vector<16xi32>
        %gather3A_2600 = tpu.dynamic_gather %get3A_1768[%gather3A_2599] in [0] : vector<16xf32>, vector<16xi32> -> vector<16xf32>
        %get3A_2601 = arith.index_cast %add3A_2597 : i32 to index
        %get3A_2602 = arith.constant 0 : index
        %get3A_2603 = tpu.vector_load %arg8[%get3A_2601, %get3A_2602] {strides = array<i32>} : memref<300x128xf32, #tpu.memory_space<vmem>>, vector<1x16xf32>,
        %get3A_2604 = vector.shape_cast %get3A_2603 : vector<1x16xf32> to vector<16xf32>
        %mul3A_2605 = arith.mulf %get3A_2604, %gather3A_2600 : vector<16xf32>
        %add3A_2606 = arith.addf %add3A_2551, %mul3A_2605 : vector<16xf32>
        %get3A_2607 = arith.index_cast %add3A_2597 : i32 to index
        %get3A_2608 = arith.constant 16 : index
        %get3A_2609 = tpu.vector_load %arg8[%get3A_2607, %get3A_2608] {strides = array<i32>} : memref<300x128xf32, #tpu.memory_space<vmem>>, vector<1x16xf32>,
        %get3A_2610 = vector.shape_cast %get3A_2609 : vector<1x16xf32> to vector<16xf32>
        %mul3A_2611 = arith.mulf %get3A_2610, %gather3A_2600 : vector<16xf32>
        %add3A_2612 = arith.addf %add3A_2557, %mul3A_2611 : vector<16xf32>
        %get3A_2613 = arith.index_cast %add3A_2597 : i32 to index
        %get3A_2614 = arith.constant 32 : index
        %get3A_2615 = tpu.vector_load %arg8[%get3A_2613, %get3A_2614] {strides = array<i32>} : memref<300x128xf32, #tpu.memory_space<vmem>>, vector<1x16xf32>,
        %get3A_2616 = vector.shape_cast %get3A_2615 : vector<1x16xf32> to vector<16xf32>
        %mul3A_2617 = arith.mulf %get3A_2616, %gather3A_2600 : vector<16xf32>
        %add3A_2618 = arith.addf %add3A_2563, %mul3A_2617 : vector<16xf32>
        %get3A_2619 = arith.index_cast %add3A_2597 : i32 to index
        %get3A_2620 = arith.constant 48 : index
        %get3A_2621 = tpu.vector_load %arg8[%get3A_2619, %get3A_2620] {strides = array<i32>} : memref<300x128xf32, #tpu.memory_space<vmem>>, vector<1x16xf32>,
        %get3A_2622 = vector.shape_cast %get3A_2621 : vector<1x16xf32> to vector<16xf32>
        %mul3A_2623 = arith.mulf %get3A_2622, %gather3A_2600 : vector<16xf32>
        %add3A_2624 = arith.addf %add3A_2569, %mul3A_2623 : vector<16xf32>
        %get3A_2625 = arith.index_cast %add3A_2597 : i32 to index
        %get3A_2626 = arith.constant 64 : index
        %get3A_2627 = tpu.vector_load %arg8[%get3A_2625, %get3A_2626] {strides = array<i32>} : memref<300x128xf32, #tpu.memory_space<vmem>>, vector<1x16xf32>,
        %get3A_2628 = vector.shape_cast %get3A_2627 : vector<1x16xf32> to vector<16xf32>
        %mul3A_2629 = arith.mulf %get3A_2628, %gather3A_2600 : vector<16xf32>
        %add3A_2630 = arith.addf %add3A_2575, %mul3A_2629 : vector<16xf32>
        %get3A_2631 = arith.index_cast %add3A_2597 : i32 to index
        %get3A_2632 = arith.constant 80 : index
        %get3A_2633 = tpu.vector_load %arg8[%get3A_2631, %get3A_2632] {strides = array<i32>} : memref<300x128xf32, #tpu.memory_space<vmem>>, vector<1x16xf32>,
        %get3A_2634 = vector.shape_cast %get3A_2633 : vector<1x16xf32> to vector<16xf32>
        %mul3A_2635 = arith.mulf %get3A_2634, %gather3A_2600 : vector<16xf32>
        %add3A_2636 = arith.addf %add3A_2581, %mul3A_2635 : vector<16xf32>
        %get3A_2637 = arith.index_cast %add3A_2597 : i32 to index
        %get3A_2638 = arith.constant 96 : index
        %get3A_2639 = tpu.vector_load %arg8[%get3A_2637, %get3A_2638] {strides = array<i32>} : memref<300x128xf32, #tpu.memory_space<vmem>>, vector<1x16xf32>,
        %get3A_2640 = vector.shape_cast %get3A_2639 : vector<1x16xf32> to vector<16xf32>
        %mul3A_2641 = arith.mulf %get3A_2640, %gather3A_2600 : vector<16xf32>
        %add3A_2642 = arith.addf %add3A_2587, %mul3A_2641 : vector<16xf32>
        %get3A_2643 = arith.index_cast %add3A_2597 : i32 to index
        %get3A_2644 = arith.constant 112 : index
        %get3A_2645 = tpu.vector_load %arg8[%get3A_2643, %get3A_2644] {strides = array<i32>} : memref<300x128xf32, #tpu.memory_space<vmem>>, vector<1x16xf32>,
        %get3A_2646 = vector.shape_cast %get3A_2645 : vector<1x16xf32> to vector<16xf32>
        %mul3A_2647 = arith.mulf %get3A_2646, %gather3A_2600 : vector<16xf32>
        %add3A_2648 = arith.addf %add3A_2593, %mul3A_2647 : vector<16xf32>
        scf.yield %add3A_2606, %add3A_2612, %add3A_2618, %add3A_2624, %add3A_2630, %add3A_2636, %add3A_2642, %add3A_2648 : vector<16xf32>, vector<16xf32>, vector<16xf32>, vector<16xf32>, vector<16xf32>, vector<16xf32>, vector<16xf32>, vector<16xf32>
      }
      %scan3A_936 = arith.constant 18 : i32
      %get3A_937 = arith.constant 288 : index
      %get3A_938 = tpu.vector_load %arg6[%get3A_937] {strides = array<i32>} : memref<384xf32, #tpu.memory_space<vmem>>, vector<16xf32>,
      %get3A_939 = vector.shape_cast %get3A_938 : vector<16xf32> to vector<16xf32>
      %broadcast_in_dim3A_940 = vector.shape_cast %broadcast_in_dim3A_3 : vector<16xi32> to vector<16x1xi32>
      %gather3A_941 = vector.shape_cast %broadcast_in_dim3A_940 : vector<16x1xi32> to vector<16xi32>
      %gather3A_942 = tpu.dynamic_gather %get3A_939[%gather3A_941] in [0] : vector<16xf32>, vector<16xi32> -> vector<16xf32>
      %get3A_943 = arith.constant 288 : i32
      %get3A_944 = arith.index_cast %get3A_943 : i32 to index
      %get3A_945 = arith.constant 0 : index
      %get3A_946 = tpu.vector_load %arg8[%get3A_944, %get3A_945] {strides = array<i32>} : memref<300x128xf32, #tpu.memory_space<vmem>>, vector<1x16xf32>,
      %get3A_947 = vector.shape_cast %get3A_946 : vector<1x16xf32> to vector<16xf32>
      %mul3A_948 = arith.mulf %get3A_947, %gather3A_942 : vector<16xf32>
      %add3A_949 = arith.addf %scan3A_935#0, %mul3A_948 : vector<16xf32>
      %get3A_950 = arith.constant 288 : i32
      %get3A_951 = arith.index_cast %get3A_950 : i32 to index
      %get3A_952 = arith.constant 16 : index
      %get3A_953 = tpu.vector_load %arg8[%get3A_951, %get3A_952] {strides = array<i32>} : memref<300x128xf32, #tpu.memory_space<vmem>>, vector<1x16xf32>,
      %get3A_954 = vector.shape_cast %get3A_953 : vector<1x16xf32> to vector<16xf32>
      %mul3A_955 = arith.mulf %get3A_954, %gather3A_942 : vector<16xf32>
      %add3A_956 = arith.addf %scan3A_935#1, %mul3A_955 : vector<16xf32>
      %get3A_957 = arith.constant 288 : i32
      %get3A_958 = arith.index_cast %get3A_957 : i32 to index
      %get3A_959 = arith.constant 32 : index
      %get3A_960 = tpu.vector_load %arg8[%get3A_958, %get3A_959] {strides = array<i32>} : memref<300x128xf32, #tpu.memory_space<vmem>>, vector<1x16xf32>,
      %get3A_961 = vector.shape_cast %get3A_960 : vector<1x16xf32> to vector<16xf32>
      %mul3A_962 = arith.mulf %get3A_961, %gather3A_942 : vector<16xf32>
      %add3A_963 = arith.addf %scan3A_935#2, %mul3A_962 : vector<16xf32>
      %get3A_964 = arith.constant 288 : i32
      %get3A_965 = arith.index_cast %get3A_964 : i32 to index
      %get3A_966 = arith.constant 48 : index
      %get3A_967 = tpu.vector_load %arg8[%get3A_965, %get3A_966] {strides = array<i32>} : memref<300x128xf32, #tpu.memory_space<vmem>>, vector<1x16xf32>,
      %get3A_968 = vector.shape_cast %get3A_967 : vector<1x16xf32> to vector<16xf32>
      %mul3A_969 = arith.mulf %get3A_968, %gather3A_942 : vector<16xf32>
      %add3A_970 = arith.addf %scan3A_935#3, %mul3A_969 : vector<16xf32>
      %get3A_971 = arith.constant 288 : i32
      %get3A_972 = arith.index_cast %get3A_971 : i32 to index
      %get3A_973 = arith.constant 64 : index
      %get3A_974 = tpu.vector_load %arg8[%get3A_972, %get3A_973] {strides = array<i32>} : memref<300x128xf32, #tpu.memory_space<vmem>>, vector<1x16xf32>,
      %get3A_975 = vector.shape_cast %get3A_974 : vector<1x16xf32> to vector<16xf32>
      %mul3A_976 = arith.mulf %get3A_975, %gather3A_942 : vector<16xf32>
      %add3A_977 = arith.addf %scan3A_935#4, %mul3A_976 : vector<16xf32>
      %get3A_978 = arith.constant 288 : i32
      %get3A_979 = arith.index_cast %get3A_978 : i32 to index
      %get3A_980 = arith.constant 80 : index
      %get3A_981 = tpu.vector_load %arg8[%get3A_979, %get3A_980] {strides = array<i32>} : memref<300x128xf32, #tpu.memory_space<vmem>>, vector<1x16xf32>,
      %get3A_982 = vector.shape_cast %get3A_981 : vector<1x16xf32> to vector<16xf32>
      %mul3A_983 = arith.mulf %get3A_982, %gather3A_942 : vector<16xf32>
      %add3A_984 = arith.addf %scan3A_935#5, %mul3A_983 : vector<16xf32>
      %get3A_985 = arith.constant 288 : i32
      %get3A_986 = arith.index_cast %get3A_985 : i32 to index
      %get3A_987 = arith.constant 96 : index
      %get3A_988 = tpu.vector_load %arg8[%get3A_986, %get3A_987] {strides = array<i32>} : memref<300x128xf32, #tpu.memory_space<vmem>>, vector<1x16xf32>,
      %get3A_989 = vector.shape_cast %get3A_988 : vector<1x16xf32> to vector<16xf32>
      %mul3A_990 = arith.mulf %get3A_989, %gather3A_942 : vector<16xf32>
      %add3A_991 = arith.addf %scan3A_935#6, %mul3A_990 : vector<16xf32>
      %get3A_992 = arith.constant 288 : i32
      %get3A_993 = arith.index_cast %get3A_992 : i32 to index
      %get3A_994 = arith.constant 112 : index
      %get3A_995 = tpu.vector_load %arg8[%get3A_993, %get3A_994] {strides = array<i32>} : memref<300x128xf32, #tpu.memory_space<vmem>>, vector<1x16xf32>,
      %get3A_996 = vector.shape_cast %get3A_995 : vector<1x16xf32> to vector<16xf32>
      %mul3A_997 = arith.mulf %get3A_996, %gather3A_942 : vector<16xf32>
      %add3A_998 = arith.addf %scan3A_935#7, %mul3A_997 : vector<16xf32>
      %broadcast_in_dim3A_999 = vector.shape_cast %broadcast_in_dim3A_5 : vector<16xi32> to vector<16x1xi32>
      %gather3A_1000 = vector.shape_cast %broadcast_in_dim3A_999 : vector<16x1xi32> to vector<16xi32>
      %gather3A_1001 = tpu.dynamic_gather %get3A_939[%gather3A_1000] in [0] : vector<16xf32>, vector<16xi32> -> vector<16xf32>
      %get3A_1002 = arith.constant 289 : i32
      %get3A_1003 = arith.index_cast %get3A_1002 : i32 to index
      %get3A_1004 = arith.constant 0 : index
      %get3A_1005 = tpu.vector_load %arg8[%get3A_1003, %get3A_1004] {strides = array<i32>} : memref<300x128xf32, #tpu.memory_space<vmem>>, vector<1x16xf32>,
      %get3A_1006 = vector.shape_cast %get3A_1005 : vector<1x16xf32> to vector<16xf32>
      %mul3A_1007 = arith.mulf %get3A_1006, %gather3A_1001 : vector<16xf32>
      %add3A_1008 = arith.addf %add3A_949, %mul3A_1007 : vector<16xf32>
      %get3A_1009 = arith.constant 289 : i32
      %get3A_1010 = arith.index_cast %get3A_1009 : i32 to index
      %get3A_1011 = arith.constant 16 : index
      %get3A_1012 = tpu.vector_load %arg8[%get3A_1010, %get3A_1011] {strides = array<i32>} : memref<300x128xf32, #tpu.memory_space<vmem>>, vector<1x16xf32>,
      %get3A_1013 = vector.shape_cast %get3A_1012 : vector<1x16xf32> to vector<16xf32>
      %mul3A_1014 = arith.mulf %get3A_1013, %gather3A_1001 : vector<16xf32>
      %add3A_1015 = arith.addf %add3A_956, %mul3A_1014 : vector<16xf32>
      %get3A_1016 = arith.constant 289 : i32
      %get3A_1017 = arith.index_cast %get3A_1016 : i32 to index
      %get3A_1018 = arith.constant 32 : index
      %get3A_1019 = tpu.vector_load %arg8[%get3A_1017, %get3A_1018] {strides = array<i32>} : memref<300x128xf32, #tpu.memory_space<vmem>>, vector<1x16xf32>,
      %get3A_1020 = vector.shape_cast %get3A_1019 : vector<1x16xf32> to vector<16xf32>
      %mul3A_1021 = arith.mulf %get3A_1020, %gather3A_1001 : vector<16xf32>
      %add3A_1022 = arith.addf %add3A_963, %mul3A_1021 : vector<16xf32>
      %get3A_1023 = arith.constant 289 : i32
      %get3A_1024 = arith.index_cast %get3A_1023 : i32 to index
      %get3A_1025 = arith.constant 48 : index
      %get3A_1026 = tpu.vector_load %arg8[%get3A_1024, %get3A_1025] {strides = array<i32>} : memref<300x128xf32, #tpu.memory_space<vmem>>, vector<1x16xf32>,
      %get3A_1027 = vector.shape_cast %get3A_1026 : vector<1x16xf32> to vector<16xf32>
      %mul3A_1028 = arith.mulf %get3A_1027, %gather3A_1001 : vector<16xf32>
      %add3A_1029 = arith.addf %add3A_970, %mul3A_1028 : vector<16xf32>
      %get3A_1030 = arith.constant 289 : i32
      %get3A_1031 = arith.index_cast %get3A_1030 : i32 to index
      %get3A_1032 = arith.constant 64 : index
      %get3A_1033 = tpu.vector_load %arg8[%get3A_1031, %get3A_1032] {strides = array<i32>} : memref<300x128xf32, #tpu.memory_space<vmem>>, vector<1x16xf32>,
      %get3A_1034 = vector.shape_cast %get3A_1033 : vector<1x16xf32> to vector<16xf32>
      %mul3A_1035 = arith.mulf %get3A_1034, %gather3A_1001 : vector<16xf32>
      %add3A_1036 = arith.addf %add3A_977, %mul3A_1035 : vector<16xf32>
      %get3A_1037 = arith.constant 289 : i32
      %get3A_1038 = arith.index_cast %get3A_1037 : i32 to index
      %get3A_1039 = arith.constant 80 : index
      %get3A_1040 = tpu.vector_load %arg8[%get3A_1038, %get3A_1039] {strides = array<i32>} : memref<300x128xf32, #tpu.memory_space<vmem>>, vector<1x16xf32>,
      %get3A_1041 = vector.shape_cast %get3A_1040 : vector<1x16xf32> to vector<16xf32>
      %mul3A_1042 = arith.mulf %get3A_1041, %gather3A_1001 : vector<16xf32>
      %add3A_1043 = arith.addf %add3A_984, %mul3A_1042 : vector<16xf32>
      %get3A_1044 = arith.constant 289 : i32
      %get3A_1045 = arith.index_cast %get3A_1044 : i32 to index
      %get3A_1046 = arith.constant 96 : index
      %get3A_1047 = tpu.vector_load %arg8[%get3A_1045, %get3A_1046] {strides = array<i32>} : memref<300x128xf32, #tpu.memory_space<vmem>>, vector<1x16xf32>,
      %get3A_1048 = vector.shape_cast %get3A_1047 : vector<1x16xf32> to vector<16xf32>
      %mul3A_1049 = arith.mulf %get3A_1048, %gather3A_1001 : vector<16xf32>
      %add3A_1050 = arith.addf %add3A_991, %mul3A_1049 : vector<16xf32>
      %get3A_1051 = arith.constant 289 : i32
      %get3A_1052 = arith.index_cast %get3A_1051 : i32 to index
      %get3A_1053 = arith.constant 112 : index
      %get3A_1054 = tpu.vector_load %arg8[%get3A_1052, %get3A_1053] {strides = array<i32>} : memref<300x128xf32, #tpu.memory_space<vmem>>, vector<1x16xf32>,
      %get3A_1055 = vector.shape_cast %get3A_1054 : vector<1x16xf32> to vector<16xf32>
      %mul3A_1056 = arith.mulf %get3A_1055, %gather3A_1001 : vector<16xf32>
      %add3A_1057 = arith.addf %add3A_998, %mul3A_1056 : vector<16xf32>
      %broadcast_in_dim3A_1058 = vector.shape_cast %broadcast_in_dim3A_7 : vector<16xi32> to vector<16x1xi32>
      %gather3A_1059 = vector.shape_cast %broadcast_in_dim3A_1058 : vector<16x1xi32> to vector<16xi32>
      %gather3A_1060 = tpu.dynamic_gather %get3A_939[%gather3A_1059] in [0] : vector<16xf32>, vector<16xi32> -> vector<16xf32>
      %get3A_1061 = arith.constant 290 : i32
      %get3A_1062 = arith.index_cast %get3A_1061 : i32 to index
      %get3A_1063 = arith.constant 0 : index
      %get3A_1064 = tpu.vector_load %arg8[%get3A_1062, %get3A_1063] {strides = array<i32>} : memref<300x128xf32, #tpu.memory_space<vmem>>, vector<1x16xf32>,
      %get3A_1065 = vector.shape_cast %get3A_1064 : vector<1x16xf32> to vector<16xf32>
      %mul3A_1066 = arith.mulf %get3A_1065, %gather3A_1060 : vector<16xf32>
      %add3A_1067 = arith.addf %add3A_1008, %mul3A_1066 : vector<16xf32>
      %get3A_1068 = arith.constant 290 : i32
      %get3A_1069 = arith.index_cast %get3A_1068 : i32 to index
      %get3A_1070 = arith.constant 16 : index
      %get3A_1071 = tpu.vector_load %arg8[%get3A_1069, %get3A_1070] {strides = array<i32>} : memref<300x128xf32, #tpu.memory_space<vmem>>, vector<1x16xf32>,
      %get3A_1072 = vector.shape_cast %get3A_1071 : vector<1x16xf32> to vector<16xf32>
      %mul3A_1073 = arith.mulf %get3A_1072, %gather3A_1060 : vector<16xf32>
      %add3A_1074 = arith.addf %add3A_1015, %mul3A_1073 : vector<16xf32>
      %get3A_1075 = arith.constant 290 : i32
      %get3A_1076 = arith.index_cast %get3A_1075 : i32 to index
      %get3A_1077 = arith.constant 32 : index
      %get3A_1078 = tpu.vector_load %arg8[%get3A_1076, %get3A_1077] {strides = array<i32>} : memref<300x128xf32, #tpu.memory_space<vmem>>, vector<1x16xf32>,
      %get3A_1079 = vector.shape_cast %get3A_1078 : vector<1x16xf32> to vector<16xf32>
      %mul3A_1080 = arith.mulf %get3A_1079, %gather3A_1060 : vector<16xf32>
      %add3A_1081 = arith.addf %add3A_1022, %mul3A_1080 : vector<16xf32>
      %get3A_1082 = arith.constant 290 : i32
      %get3A_1083 = arith.index_cast %get3A_1082 : i32 to index
      %get3A_1084 = arith.constant 48 : index
      %get3A_1085 = tpu.vector_load %arg8[%get3A_1083, %get3A_1084] {strides = array<i32>} : memref<300x128xf32, #tpu.memory_space<vmem>>, vector<1x16xf32>,
      %get3A_1086 = vector.shape_cast %get3A_1085 : vector<1x16xf32> to vector<16xf32>
      %mul3A_1087 = arith.mulf %get3A_1086, %gather3A_1060 : vector<16xf32>
      %add3A_1088 = arith.addf %add3A_1029, %mul3A_1087 : vector<16xf32>
      %get3A_1089 = arith.constant 290 : i32
      %get3A_1090 = arith.index_cast %get3A_1089 : i32 to index
      %get3A_1091 = arith.constant 64 : index
      %get3A_1092 = tpu.vector_load %arg8[%get3A_1090, %get3A_1091] {strides = array<i32>} : memref<300x128xf32, #tpu.memory_space<vmem>>, vector<1x16xf32>,
      %get3A_1093 = vector.shape_cast %get3A_1092 : vector<1x16xf32> to vector<16xf32>
      %mul3A_1094 = arith.mulf %get3A_1093, %gather3A_1060 : vector<16xf32>
      %add3A_1095 = arith.addf %add3A_1036, %mul3A_1094 : vector<16xf32>
      %get3A_1096 = arith.constant 290 : i32
      %get3A_1097 = arith.index_cast %get3A_1096 : i32 to index
      %get3A_1098 = arith.constant 80 : index
      %get3A_1099 = tpu.vector_load %arg8[%get3A_1097, %get3A_1098] {strides = array<i32>} : memref<300x128xf32, #tpu.memory_space<vmem>>, vector<1x16xf32>,
      %get3A_1100 = vector.shape_cast %get3A_1099 : vector<1x16xf32> to vector<16xf32>
      %mul3A_1101 = arith.mulf %get3A_1100, %gather3A_1060 : vector<16xf32>
      %add3A_1102 = arith.addf %add3A_1043, %mul3A_1101 : vector<16xf32>
      %get3A_1103 = arith.constant 290 : i32
      %get3A_1104 = arith.index_cast %get3A_1103 : i32 to index
      %get3A_1105 = arith.constant 96 : index
      %get3A_1106 = tpu.vector_load %arg8[%get3A_1104, %get3A_1105] {strides = array<i32>} : memref<300x128xf32, #tpu.memory_space<vmem>>, vector<1x16xf32>,
      %get3A_1107 = vector.shape_cast %get3A_1106 : vector<1x16xf32> to vector<16xf32>
      %mul3A_1108 = arith.mulf %get3A_1107, %gather3A_1060 : vector<16xf32>
      %add3A_1109 = arith.addf %add3A_1050, %mul3A_1108 : vector<16xf32>
      %get3A_1110 = arith.constant 290 : i32
      %get3A_1111 = arith.index_cast %get3A_1110 : i32 to index
      %get3A_1112 = arith.constant 112 : index
      %get3A_1113 = tpu.vector_load %arg8[%get3A_1111, %get3A_1112] {strides = array<i32>} : memref<300x128xf32, #tpu.memory_space<vmem>>, vector<1x16xf32>,
      %get3A_1114 = vector.shape_cast %get3A_1113 : vector<1x16xf32> to vector<16xf32>
      %mul3A_1115 = arith.mulf %get3A_1114, %gather3A_1060 : vector<16xf32>
      %add3A_1116 = arith.addf %add3A_1057, %mul3A_1115 : vector<16xf32>
      %broadcast_in_dim3A_1117 = vector.shape_cast %broadcast_in_dim3A_9 : vector<16xi32> to vector<16x1xi32>
      %gather3A_1118 = vector.shape_cast %broadcast_in_dim3A_1117 : vector<16x1xi32> to vector<16xi32>
      %gather3A_1119 = tpu.dynamic_gather %get3A_939[%gather3A_1118] in [0] : vector<16xf32>, vector<16xi32> -> vector<16xf32>
      %get3A_1120 = arith.constant 291 : i32
      %get3A_1121 = arith.index_cast %get3A_1120 : i32 to index
      %get3A_1122 = arith.constant 0 : index
      %get3A_1123 = tpu.vector_load %arg8[%get3A_1121, %get3A_1122] {strides = array<i32>} : memref<300x128xf32, #tpu.memory_space<vmem>>, vector<1x16xf32>,
      %get3A_1124 = vector.shape_cast %get3A_1123 : vector<1x16xf32> to vector<16xf32>
      %mul3A_1125 = arith.mulf %get3A_1124, %gather3A_1119 : vector<16xf32>
      %add3A_1126 = arith.addf %add3A_1067, %mul3A_1125 : vector<16xf32>
      %get3A_1127 = arith.constant 291 : i32
      %get3A_1128 = arith.index_cast %get3A_1127 : i32 to index
      %get3A_1129 = arith.constant 16 : index
      %get3A_1130 = tpu.vector_load %arg8[%get3A_1128, %get3A_1129] {strides = array<i32>} : memref<300x128xf32, #tpu.memory_space<vmem>>, vector<1x16xf32>,
      %get3A_1131 = vector.shape_cast %get3A_1130 : vector<1x16xf32> to vector<16xf32>
      %mul3A_1132 = arith.mulf %get3A_1131, %gather3A_1119 : vector<16xf32>
      %add3A_1133 = arith.addf %add3A_1074, %mul3A_1132 : vector<16xf32>
      %get3A_1134 = arith.constant 291 : i32
      %get3A_1135 = arith.index_cast %get3A_1134 : i32 to index
      %get3A_1136 = arith.constant 32 : index
      %get3A_1137 = tpu.vector_load %arg8[%get3A_1135, %get3A_1136] {strides = array<i32>} : memref<300x128xf32, #tpu.memory_space<vmem>>, vector<1x16xf32>,
      %get3A_1138 = vector.shape_cast %get3A_1137 : vector<1x16xf32> to vector<16xf32>
      %mul3A_1139 = arith.mulf %get3A_1138, %gather3A_1119 : vector<16xf32>
      %add3A_1140 = arith.addf %add3A_1081, %mul3A_1139 : vector<16xf32>
      %get3A_1141 = arith.constant 291 : i32
      %get3A_1142 = arith.index_cast %get3A_1141 : i32 to index
      %get3A_1143 = arith.constant 48 : index
      %get3A_1144 = tpu.vector_load %arg8[%get3A_1142, %get3A_1143] {strides = array<i32>} : memref<300x128xf32, #tpu.memory_space<vmem>>, vector<1x16xf32>,
      %get3A_1145 = vector.shape_cast %get3A_1144 : vector<1x16xf32> to vector<16xf32>
      %mul3A_1146 = arith.mulf %get3A_1145, %gather3A_1119 : vector<16xf32>
      %add3A_1147 = arith.addf %add3A_1088, %mul3A_1146 : vector<16xf32>
      %get3A_1148 = arith.constant 291 : i32
      %get3A_1149 = arith.index_cast %get3A_1148 : i32 to index
      %get3A_1150 = arith.constant 64 : index
      %get3A_1151 = tpu.vector_load %arg8[%get3A_1149, %get3A_1150] {strides = array<i32>} : memref<300x128xf32, #tpu.memory_space<vmem>>, vector<1x16xf32>,
      %get3A_1152 = vector.shape_cast %get3A_1151 : vector<1x16xf32> to vector<16xf32>
      %mul3A_1153 = arith.mulf %get3A_1152, %gather3A_1119 : vector<16xf32>
      %add3A_1154 = arith.addf %add3A_1095, %mul3A_1153 : vector<16xf32>
      %get3A_1155 = arith.constant 291 : i32
      %get3A_1156 = arith.index_cast %get3A_1155 : i32 to index
      %get3A_1157 = arith.constant 80 : index
      %get3A_1158 = tpu.vector_load %arg8[%get3A_1156, %get3A_1157] {strides = array<i32>} : memref<300x128xf32, #tpu.memory_space<vmem>>, vector<1x16xf32>,
      %get3A_1159 = vector.shape_cast %get3A_1158 : vector<1x16xf32> to vector<16xf32>
      %mul3A_1160 = arith.mulf %get3A_1159, %gather3A_1119 : vector<16xf32>
      %add3A_1161 = arith.addf %add3A_1102, %mul3A_1160 : vector<16xf32>
      %get3A_1162 = arith.constant 291 : i32
      %get3A_1163 = arith.index_cast %get3A_1162 : i32 to index
      %get3A_1164 = arith.constant 96 : index
      %get3A_1165 = tpu.vector_load %arg8[%get3A_1163, %get3A_1164] {strides = array<i32>} : memref<300x128xf32, #tpu.memory_space<vmem>>, vector<1x16xf32>,
      %get3A_1166 = vector.shape_cast %get3A_1165 : vector<1x16xf32> to vector<16xf32>
      %mul3A_1167 = arith.mulf %get3A_1166, %gather3A_1119 : vector<16xf32>
      %add3A_1168 = arith.addf %add3A_1109, %mul3A_1167 : vector<16xf32>
      %get3A_1169 = arith.constant 291 : i32
      %get3A_1170 = arith.index_cast %get3A_1169 : i32 to index
      %get3A_1171 = arith.constant 112 : index
      %get3A_1172 = tpu.vector_load %arg8[%get3A_1170, %get3A_1171] {strides = array<i32>} : memref<300x128xf32, #tpu.memory_space<vmem>>, vector<1x16xf32>,
      %get3A_1173 = vector.shape_cast %get3A_1172 : vector<1x16xf32> to vector<16xf32>
      %mul3A_1174 = arith.mulf %get3A_1173, %gather3A_1119 : vector<16xf32>
      %add3A_1175 = arith.addf %add3A_1116, %mul3A_1174 : vector<16xf32>
      %broadcast_in_dim3A_1176 = vector.shape_cast %broadcast_in_dim3A_11 : vector<16xi32> to vector<16x1xi32>
      %gather3A_1177 = vector.shape_cast %broadcast_in_dim3A_1176 : vector<16x1xi32> to vector<16xi32>
      %gather3A_1178 = tpu.dynamic_gather %get3A_939[%gather3A_1177] in [0] : vector<16xf32>, vector<16xi32> -> vector<16xf32>
      %get3A_1179 = arith.constant 292 : i32
      %get3A_1180 = arith.index_cast %get3A_1179 : i32 to index
      %get3A_1181 = arith.constant 0 : index
      %get3A_1182 = tpu.vector_load %arg8[%get3A_1180, %get3A_1181] {strides = array<i32>} : memref<300x128xf32, #tpu.memory_space<vmem>>, vector<1x16xf32>,
      %get3A_1183 = vector.shape_cast %get3A_1182 : vector<1x16xf32> to vector<16xf32>
      %mul3A_1184 = arith.mulf %get3A_1183, %gather3A_1178 : vector<16xf32>
      %add3A_1185 = arith.addf %add3A_1126, %mul3A_1184 : vector<16xf32>
      %get3A_1186 = arith.constant 292 : i32
      %get3A_1187 = arith.index_cast %get3A_1186 : i32 to index
      %get3A_1188 = arith.constant 16 : index
      %get3A_1189 = tpu.vector_load %arg8[%get3A_1187, %get3A_1188] {strides = array<i32>} : memref<300x128xf32, #tpu.memory_space<vmem>>, vector<1x16xf32>,
      %get3A_1190 = vector.shape_cast %get3A_1189 : vector<1x16xf32> to vector<16xf32>
      %mul3A_1191 = arith.mulf %get3A_1190, %gather3A_1178 : vector<16xf32>
      %add3A_1192 = arith.addf %add3A_1133, %mul3A_1191 : vector<16xf32>
      %get3A_1193 = arith.constant 292 : i32
      %get3A_1194 = arith.index_cast %get3A_1193 : i32 to index
      %get3A_1195 = arith.constant 32 : index
      %get3A_1196 = tpu.vector_load %arg8[%get3A_1194, %get3A_1195] {strides = array<i32>} : memref<300x128xf32, #tpu.memory_space<vmem>>, vector<1x16xf32>,
      %get3A_1197 = vector.shape_cast %get3A_1196 : vector<1x16xf32> to vector<16xf32>
      %mul3A_1198 = arith.mulf %get3A_1197, %gather3A_1178 : vector<16xf32>
      %add3A_1199 = arith.addf %add3A_1140, %mul3A_1198 : vector<16xf32>
      %get3A_1200 = arith.constant 292 : i32
      %get3A_1201 = arith.index_cast %get3A_1200 : i32 to index
      %get3A_1202 = arith.constant 48 : index
      %get3A_1203 = tpu.vector_load %arg8[%get3A_1201, %get3A_1202] {strides = array<i32>} : memref<300x128xf32, #tpu.memory_space<vmem>>, vector<1x16xf32>,
      %get3A_1204 = vector.shape_cast %get3A_1203 : vector<1x16xf32> to vector<16xf32>
      %mul3A_1205 = arith.mulf %get3A_1204, %gather3A_1178 : vector<16xf32>
      %add3A_1206 = arith.addf %add3A_1147, %mul3A_1205 : vector<16xf32>
      %get3A_1207 = arith.constant 292 : i32
      %get3A_1208 = arith.index_cast %get3A_1207 : i32 to index
      %get3A_1209 = arith.constant 64 : index
      %get3A_1210 = tpu.vector_load %arg8[%get3A_1208, %get3A_1209] {strides = array<i32>} : memref<300x128xf32, #tpu.memory_space<vmem>>, vector<1x16xf32>,
      %get3A_1211 = vector.shape_cast %get3A_1210 : vector<1x16xf32> to vector<16xf32>
      %mul3A_1212 = arith.mulf %get3A_1211, %gather3A_1178 : vector<16xf32>
      %add3A_1213 = arith.addf %add3A_1154, %mul3A_1212 : vector<16xf32>
      %get3A_1214 = arith.constant 292 : i32
      %get3A_1215 = arith.index_cast %get3A_1214 : i32 to index
      %get3A_1216 = arith.constant 80 : index
      %get3A_1217 = tpu.vector_load %arg8[%get3A_1215, %get3A_1216] {strides = array<i32>} : memref<300x128xf32, #tpu.memory_space<vmem>>, vector<1x16xf32>,
      %get3A_1218 = vector.shape_cast %get3A_1217 : vector<1x16xf32> to vector<16xf32>
      %mul3A_1219 = arith.mulf %get3A_1218, %gather3A_1178 : vector<16xf32>
      %add3A_1220 = arith.addf %add3A_1161, %mul3A_1219 : vector<16xf32>
      %get3A_1221 = arith.constant 292 : i32
      %get3A_1222 = arith.index_cast %get3A_1221 : i32 to index
      %get3A_1223 = arith.constant 96 : index
      %get3A_1224 = tpu.vector_load %arg8[%get3A_1222, %get3A_1223] {strides = array<i32>} : memref<300x128xf32, #tpu.memory_space<vmem>>, vector<1x16xf32>,
      %get3A_1225 = vector.shape_cast %get3A_1224 : vector<1x16xf32> to vector<16xf32>
      %mul3A_1226 = arith.mulf %get3A_1225, %gather3A_1178 : vector<16xf32>
      %add3A_1227 = arith.addf %add3A_1168, %mul3A_1226 : vector<16xf32>
      %get3A_1228 = arith.constant 292 : i32
      %get3A_1229 = arith.index_cast %get3A_1228 : i32 to index
      %get3A_1230 = arith.constant 112 : index
      %get3A_1231 = tpu.vector_load %arg8[%get3A_1229, %get3A_1230] {strides = array<i32>} : memref<300x128xf32, #tpu.memory_space<vmem>>, vector<1x16xf32>,
      %get3A_1232 = vector.shape_cast %get3A_1231 : vector<1x16xf32> to vector<16xf32>
      %mul3A_1233 = arith.mulf %get3A_1232, %gather3A_1178 : vector<16xf32>
      %add3A_1234 = arith.addf %add3A_1175, %mul3A_1233 : vector<16xf32>
      %broadcast_in_dim3A_1235 = vector.shape_cast %broadcast_in_dim3A_13 : vector<16xi32> to vector<16x1xi32>
      %gather3A_1236 = vector.shape_cast %broadcast_in_dim3A_1235 : vector<16x1xi32> to vector<16xi32>
      %gather3A_1237 = tpu.dynamic_gather %get3A_939[%gather3A_1236] in [0] : vector<16xf32>, vector<16xi32> -> vector<16xf32>
      %get3A_1238 = arith.constant 293 : i32
      %get3A_1239 = arith.index_cast %get3A_1238 : i32 to index
      %get3A_1240 = arith.constant 0 : index
      %get3A_1241 = tpu.vector_load %arg8[%get3A_1239, %get3A_1240] {strides = array<i32>} : memref<300x128xf32, #tpu.memory_space<vmem>>, vector<1x16xf32>,
      %get3A_1242 = vector.shape_cast %get3A_1241 : vector<1x16xf32> to vector<16xf32>
      %mul3A_1243 = arith.mulf %get3A_1242, %gather3A_1237 : vector<16xf32>
      %add3A_1244 = arith.addf %add3A_1185, %mul3A_1243 : vector<16xf32>
      %get3A_1245 = arith.constant 293 : i32
      %get3A_1246 = arith.index_cast %get3A_1245 : i32 to index
      %get3A_1247 = arith.constant 16 : index
      %get3A_1248 = tpu.vector_load %arg8[%get3A_1246, %get3A_1247] {strides = array<i32>} : memref<300x128xf32, #tpu.memory_space<vmem>>, vector<1x16xf32>,
      %get3A_1249 = vector.shape_cast %get3A_1248 : vector<1x16xf32> to vector<16xf32>
      %mul3A_1250 = arith.mulf %get3A_1249, %gather3A_1237 : vector<16xf32>
      %add3A_1251 = arith.addf %add3A_1192, %mul3A_1250 : vector<16xf32>
      %get3A_1252 = arith.constant 293 : i32
      %get3A_1253 = arith.index_cast %get3A_1252 : i32 to index
      %get3A_1254 = arith.constant 32 : index
      %get3A_1255 = tpu.vector_load %arg8[%get3A_1253, %get3A_1254] {strides = array<i32>} : memref<300x128xf32, #tpu.memory_space<vmem>>, vector<1x16xf32>,
      %get3A_1256 = vector.shape_cast %get3A_1255 : vector<1x16xf32> to vector<16xf32>
      %mul3A_1257 = arith.mulf %get3A_1256, %gather3A_1237 : vector<16xf32>
      %add3A_1258 = arith.addf %add3A_1199, %mul3A_1257 : vector<16xf32>
      %get3A_1259 = arith.constant 293 : i32
      %get3A_1260 = arith.index_cast %get3A_1259 : i32 to index
      %get3A_1261 = arith.constant 48 : index
      %get3A_1262 = tpu.vector_load %arg8[%get3A_1260, %get3A_1261] {strides = array<i32>} : memref<300x128xf32, #tpu.memory_space<vmem>>, vector<1x16xf32>,
      %get3A_1263 = vector.shape_cast %get3A_1262 : vector<1x16xf32> to vector<16xf32>
      %mul3A_1264 = arith.mulf %get3A_1263, %gather3A_1237 : vector<16xf32>
      %add3A_1265 = arith.addf %add3A_1206, %mul3A_1264 : vector<16xf32>
      %get3A_1266 = arith.constant 293 : i32
      %get3A_1267 = arith.index_cast %get3A_1266 : i32 to index
      %get3A_1268 = arith.constant 64 : index
      %get3A_1269 = tpu.vector_load %arg8[%get3A_1267, %get3A_1268] {strides = array<i32>} : memref<300x128xf32, #tpu.memory_space<vmem>>, vector<1x16xf32>,
      %get3A_1270 = vector.shape_cast %get3A_1269 : vector<1x16xf32> to vector<16xf32>
      %mul3A_1271 = arith.mulf %get3A_1270, %gather3A_1237 : vector<16xf32>
      %add3A_1272 = arith.addf %add3A_1213, %mul3A_1271 : vector<16xf32>
      %get3A_1273 = arith.constant 293 : i32
      %get3A_1274 = arith.index_cast %get3A_1273 : i32 to index
      %get3A_1275 = arith.constant 80 : index
      %get3A_1276 = tpu.vector_load %arg8[%get3A_1274, %get3A_1275] {strides = array<i32>} : memref<300x128xf32, #tpu.memory_space<vmem>>, vector<1x16xf32>,
      %get3A_1277 = vector.shape_cast %get3A_1276 : vector<1x16xf32> to vector<16xf32>
      %mul3A_1278 = arith.mulf %get3A_1277, %gather3A_1237 : vector<16xf32>
      %add3A_1279 = arith.addf %add3A_1220, %mul3A_1278 : vector<16xf32>
      %get3A_1280 = arith.constant 293 : i32
      %get3A_1281 = arith.index_cast %get3A_1280 : i32 to index
      %get3A_1282 = arith.constant 96 : index
      %get3A_1283 = tpu.vector_load %arg8[%get3A_1281, %get3A_1282] {strides = array<i32>} : memref<300x128xf32, #tpu.memory_space<vmem>>, vector<1x16xf32>,
      %get3A_1284 = vector.shape_cast %get3A_1283 : vector<1x16xf32> to vector<16xf32>
      %mul3A_1285 = arith.mulf %get3A_1284, %gather3A_1237 : vector<16xf32>
      %add3A_1286 = arith.addf %add3A_1227, %mul3A_1285 : vector<16xf32>
      %get3A_1287 = arith.constant 293 : i32
      %get3A_1288 = arith.index_cast %get3A_1287 : i32 to index
      %get3A_1289 = arith.constant 112 : index
      %get3A_1290 = tpu.vector_load %arg8[%get3A_1288, %get3A_1289] {strides = array<i32>} : memref<300x128xf32, #tpu.memory_space<vmem>>, vector<1x16xf32>,
      %get3A_1291 = vector.shape_cast %get3A_1290 : vector<1x16xf32> to vector<16xf32>
      %mul3A_1292 = arith.mulf %get3A_1291, %gather3A_1237 : vector<16xf32>
      %add3A_1293 = arith.addf %add3A_1234, %mul3A_1292 : vector<16xf32>
      %broadcast_in_dim3A_1294 = vector.shape_cast %broadcast_in_dim3A_15 : vector<16xi32> to vector<16x1xi32>
      %gather3A_1295 = vector.shape_cast %broadcast_in_dim3A_1294 : vector<16x1xi32> to vector<16xi32>
      %gather3A_1296 = tpu.dynamic_gather %get3A_939[%gather3A_1295] in [0] : vector<16xf32>, vector<16xi32> -> vector<16xf32>
      %get3A_1297 = arith.constant 294 : i32
      %get3A_1298 = arith.index_cast %get3A_1297 : i32 to index
      %get3A_1299 = arith.constant 0 : index
      %get3A_1300 = tpu.vector_load %arg8[%get3A_1298, %get3A_1299] {strides = array<i32>} : memref<300x128xf32, #tpu.memory_space<vmem>>, vector<1x16xf32>,
      %get3A_1301 = vector.shape_cast %get3A_1300 : vector<1x16xf32> to vector<16xf32>
      %mul3A_1302 = arith.mulf %get3A_1301, %gather3A_1296 : vector<16xf32>
      %add3A_1303 = arith.addf %add3A_1244, %mul3A_1302 : vector<16xf32>
      %get3A_1304 = arith.constant 294 : i32
      %get3A_1305 = arith.index_cast %get3A_1304 : i32 to index
      %get3A_1306 = arith.constant 16 : index
      %get3A_1307 = tpu.vector_load %arg8[%get3A_1305, %get3A_1306] {strides = array<i32>} : memref<300x128xf32, #tpu.memory_space<vmem>>, vector<1x16xf32>,
      %get3A_1308 = vector.shape_cast %get3A_1307 : vector<1x16xf32> to vector<16xf32>
      %mul3A_1309 = arith.mulf %get3A_1308, %gather3A_1296 : vector<16xf32>
      %add3A_1310 = arith.addf %add3A_1251, %mul3A_1309 : vector<16xf32>
      %get3A_1311 = arith.constant 294 : i32
      %get3A_1312 = arith.index_cast %get3A_1311 : i32 to index
      %get3A_1313 = arith.constant 32 : index
      %get3A_1314 = tpu.vector_load %arg8[%get3A_1312, %get3A_1313] {strides = array<i32>} : memref<300x128xf32, #tpu.memory_space<vmem>>, vector<1x16xf32>,
      %get3A_1315 = vector.shape_cast %get3A_1314 : vector<1x16xf32> to vector<16xf32>
      %mul3A_1316 = arith.mulf %get3A_1315, %gather3A_1296 : vector<16xf32>
      %add3A_1317 = arith.addf %add3A_1258, %mul3A_1316 : vector<16xf32>
      %get3A_1318 = arith.constant 294 : i32
      %get3A_1319 = arith.index_cast %get3A_1318 : i32 to index
      %get3A_1320 = arith.constant 48 : index
      %get3A_1321 = tpu.vector_load %arg8[%get3A_1319, %get3A_1320] {strides = array<i32>} : memref<300x128xf32, #tpu.memory_space<vmem>>, vector<1x16xf32>,
      %get3A_1322 = vector.shape_cast %get3A_1321 : vector<1x16xf32> to vector<16xf32>
      %mul3A_1323 = arith.mulf %get3A_1322, %gather3A_1296 : vector<16xf32>
      %add3A_1324 = arith.addf %add3A_1265, %mul3A_1323 : vector<16xf32>
      %get3A_1325 = arith.constant 294 : i32
      %get3A_1326 = arith.index_cast %get3A_1325 : i32 to index
      %get3A_1327 = arith.constant 64 : index
      %get3A_1328 = tpu.vector_load %arg8[%get3A_1326, %get3A_1327] {strides = array<i32>} : memref<300x128xf32, #tpu.memory_space<vmem>>, vector<1x16xf32>,
      %get3A_1329 = vector.shape_cast %get3A_1328 : vector<1x16xf32> to vector<16xf32>
      %mul3A_1330 = arith.mulf %get3A_1329, %gather3A_1296 : vector<16xf32>
      %add3A_1331 = arith.addf %add3A_1272, %mul3A_1330 : vector<16xf32>
      %get3A_1332 = arith.constant 294 : i32
      %get3A_1333 = arith.index_cast %get3A_1332 : i32 to index
      %get3A_1334 = arith.constant 80 : index
      %get3A_1335 = tpu.vector_load %arg8[%get3A_1333, %get3A_1334] {strides = array<i32>} : memref<300x128xf32, #tpu.memory_space<vmem>>, vector<1x16xf32>,
      %get3A_1336 = vector.shape_cast %get3A_1335 : vector<1x16xf32> to vector<16xf32>
      %mul3A_1337 = arith.mulf %get3A_1336, %gather3A_1296 : vector<16xf32>
      %add3A_1338 = arith.addf %add3A_1279, %mul3A_1337 : vector<16xf32>
      %get3A_1339 = arith.constant 294 : i32
      %get3A_1340 = arith.index_cast %get3A_1339 : i32 to index
      %get3A_1341 = arith.constant 96 : index
      %get3A_1342 = tpu.vector_load %arg8[%get3A_1340, %get3A_1341] {strides = array<i32>} : memref<300x128xf32, #tpu.memory_space<vmem>>, vector<1x16xf32>,
      %get3A_1343 = vector.shape_cast %get3A_1342 : vector<1x16xf32> to vector<16xf32>
      %mul3A_1344 = arith.mulf %get3A_1343, %gather3A_1296 : vector<16xf32>
      %add3A_1345 = arith.addf %add3A_1286, %mul3A_1344 : vector<16xf32>
      %get3A_1346 = arith.constant 294 : i32
      %get3A_1347 = arith.index_cast %get3A_1346 : i32 to index
      %get3A_1348 = arith.constant 112 : index
      %get3A_1349 = tpu.vector_load %arg8[%get3A_1347, %get3A_1348] {strides = array<i32>} : memref<300x128xf32, #tpu.memory_space<vmem>>, vector<1x16xf32>,
      %get3A_1350 = vector.shape_cast %get3A_1349 : vector<1x16xf32> to vector<16xf32>
      %mul3A_1351 = arith.mulf %get3A_1350, %gather3A_1296 : vector<16xf32>
      %add3A_1352 = arith.addf %add3A_1293, %mul3A_1351 : vector<16xf32>
      %broadcast_in_dim3A_1353 = vector.shape_cast %broadcast_in_dim3A_17 : vector<16xi32> to vector<16x1xi32>
      %gather3A_1354 = vector.shape_cast %broadcast_in_dim3A_1353 : vector<16x1xi32> to vector<16xi32>
      %gather3A_1355 = tpu.dynamic_gather %get3A_939[%gather3A_1354] in [0] : vector<16xf32>, vector<16xi32> -> vector<16xf32>
      %get3A_1356 = arith.constant 295 : i32
      %get3A_1357 = arith.index_cast %get3A_1356 : i32 to index
      %get3A_1358 = arith.constant 0 : index
      %get3A_1359 = tpu.vector_load %arg8[%get3A_1357, %get3A_1358] {strides = array<i32>} : memref<300x128xf32, #tpu.memory_space<vmem>>, vector<1x16xf32>,
      %get3A_1360 = vector.shape_cast %get3A_1359 : vector<1x16xf32> to vector<16xf32>
      %mul3A_1361 = arith.mulf %get3A_1360, %gather3A_1355 : vector<16xf32>
      %add3A_1362 = arith.addf %add3A_1303, %mul3A_1361 : vector<16xf32>
      %get3A_1363 = arith.constant 295 : i32
      %get3A_1364 = arith.index_cast %get3A_1363 : i32 to index
      %get3A_1365 = arith.constant 16 : index
      %get3A_1366 = tpu.vector_load %arg8[%get3A_1364, %get3A_1365] {strides = array<i32>} : memref<300x128xf32, #tpu.memory_space<vmem>>, vector<1x16xf32>,
      %get3A_1367 = vector.shape_cast %get3A_1366 : vector<1x16xf32> to vector<16xf32>
      %mul3A_1368 = arith.mulf %get3A_1367, %gather3A_1355 : vector<16xf32>
      %add3A_1369 = arith.addf %add3A_1310, %mul3A_1368 : vector<16xf32>
      %get3A_1370 = arith.constant 295 : i32
      %get3A_1371 = arith.index_cast %get3A_1370 : i32 to index
      %get3A_1372 = arith.constant 32 : index
      %get3A_1373 = tpu.vector_load %arg8[%get3A_1371, %get3A_1372] {strides = array<i32>} : memref<300x128xf32, #tpu.memory_space<vmem>>, vector<1x16xf32>,
      %get3A_1374 = vector.shape_cast %get3A_1373 : vector<1x16xf32> to vector<16xf32>
      %mul3A_1375 = arith.mulf %get3A_1374, %gather3A_1355 : vector<16xf32>
      %add3A_1376 = arith.addf %add3A_1317, %mul3A_1375 : vector<16xf32>
      %get3A_1377 = arith.constant 295 : i32
      %get3A_1378 = arith.index_cast %get3A_1377 : i32 to index
      %get3A_1379 = arith.constant 48 : index
      %get3A_1380 = tpu.vector_load %arg8[%get3A_1378, %get3A_1379] {strides = array<i32>} : memref<300x128xf32, #tpu.memory_space<vmem>>, vector<1x16xf32>,
      %get3A_1381 = vector.shape_cast %get3A_1380 : vector<1x16xf32> to vector<16xf32>
      %mul3A_1382 = arith.mulf %get3A_1381, %gather3A_1355 : vector<16xf32>
      %add3A_1383 = arith.addf %add3A_1324, %mul3A_1382 : vector<16xf32>
      %get3A_1384 = arith.constant 295 : i32
      %get3A_1385 = arith.index_cast %get3A_1384 : i32 to index
      %get3A_1386 = arith.constant 64 : index
      %get3A_1387 = tpu.vector_load %arg8[%get3A_1385, %get3A_1386] {strides = array<i32>} : memref<300x128xf32, #tpu.memory_space<vmem>>, vector<1x16xf32>,
      %get3A_1388 = vector.shape_cast %get3A_1387 : vector<1x16xf32> to vector<16xf32>
      %mul3A_1389 = arith.mulf %get3A_1388, %gather3A_1355 : vector<16xf32>
      %add3A_1390 = arith.addf %add3A_1331, %mul3A_1389 : vector<16xf32>
      %get3A_1391 = arith.constant 295 : i32
      %get3A_1392 = arith.index_cast %get3A_1391 : i32 to index
      %get3A_1393 = arith.constant 80 : index
      %get3A_1394 = tpu.vector_load %arg8[%get3A_1392, %get3A_1393] {strides = array<i32>} : memref<300x128xf32, #tpu.memory_space<vmem>>, vector<1x16xf32>,
      %get3A_1395 = vector.shape_cast %get3A_1394 : vector<1x16xf32> to vector<16xf32>
      %mul3A_1396 = arith.mulf %get3A_1395, %gather3A_1355 : vector<16xf32>
      %add3A_1397 = arith.addf %add3A_1338, %mul3A_1396 : vector<16xf32>
      %get3A_1398 = arith.constant 295 : i32
      %get3A_1399 = arith.index_cast %get3A_1398 : i32 to index
      %get3A_1400 = arith.constant 96 : index
      %get3A_1401 = tpu.vector_load %arg8[%get3A_1399, %get3A_1400] {strides = array<i32>} : memref<300x128xf32, #tpu.memory_space<vmem>>, vector<1x16xf32>,
      %get3A_1402 = vector.shape_cast %get3A_1401 : vector<1x16xf32> to vector<16xf32>
      %mul3A_1403 = arith.mulf %get3A_1402, %gather3A_1355 : vector<16xf32>
      %add3A_1404 = arith.addf %add3A_1345, %mul3A_1403 : vector<16xf32>
      %get3A_1405 = arith.constant 295 : i32
      %get3A_1406 = arith.index_cast %get3A_1405 : i32 to index
      %get3A_1407 = arith.constant 112 : index
      %get3A_1408 = tpu.vector_load %arg8[%get3A_1406, %get3A_1407] {strides = array<i32>} : memref<300x128xf32, #tpu.memory_space<vmem>>, vector<1x16xf32>,
      %get3A_1409 = vector.shape_cast %get3A_1408 : vector<1x16xf32> to vector<16xf32>
      %mul3A_1410 = arith.mulf %get3A_1409, %gather3A_1355 : vector<16xf32>
      %add3A_1411 = arith.addf %add3A_1352, %mul3A_1410 : vector<16xf32>
      %broadcast_in_dim3A_1412 = vector.shape_cast %broadcast_in_dim3A_19 : vector<16xi32> to vector<16x1xi32>
      %gather3A_1413 = vector.shape_cast %broadcast_in_dim3A_1412 : vector<16x1xi32> to vector<16xi32>
      %gather3A_1414 = tpu.dynamic_gather %get3A_939[%gather3A_1413] in [0] : vector<16xf32>, vector<16xi32> -> vector<16xf32>
      %get3A_1415 = arith.constant 296 : i32
      %get3A_1416 = arith.index_cast %get3A_1415 : i32 to index
      %get3A_1417 = arith.constant 0 : index
      %get3A_1418 = tpu.vector_load %arg8[%get3A_1416, %get3A_1417] {strides = array<i32>} : memref<300x128xf32, #tpu.memory_space<vmem>>, vector<1x16xf32>,
      %get3A_1419 = vector.shape_cast %get3A_1418 : vector<1x16xf32> to vector<16xf32>
      %mul3A_1420 = arith.mulf %get3A_1419, %gather3A_1414 : vector<16xf32>
      %add3A_1421 = arith.addf %add3A_1362, %mul3A_1420 : vector<16xf32>
      %get3A_1422 = arith.constant 296 : i32
      %get3A_1423 = arith.index_cast %get3A_1422 : i32 to index
      %get3A_1424 = arith.constant 16 : index
      %get3A_1425 = tpu.vector_load %arg8[%get3A_1423, %get3A_1424] {strides = array<i32>} : memref<300x128xf32, #tpu.memory_space<vmem>>, vector<1x16xf32>,
      %get3A_1426 = vector.shape_cast %get3A_1425 : vector<1x16xf32> to vector<16xf32>
      %mul3A_1427 = arith.mulf %get3A_1426, %gather3A_1414 : vector<16xf32>
      %add3A_1428 = arith.addf %add3A_1369, %mul3A_1427 : vector<16xf32>
      %get3A_1429 = arith.constant 296 : i32
      %get3A_1430 = arith.index_cast %get3A_1429 : i32 to index
      %get3A_1431 = arith.constant 32 : index
      %get3A_1432 = tpu.vector_load %arg8[%get3A_1430, %get3A_1431] {strides = array<i32>} : memref<300x128xf32, #tpu.memory_space<vmem>>, vector<1x16xf32>,
      %get3A_1433 = vector.shape_cast %get3A_1432 : vector<1x16xf32> to vector<16xf32>
      %mul3A_1434 = arith.mulf %get3A_1433, %gather3A_1414 : vector<16xf32>
      %add3A_1435 = arith.addf %add3A_1376, %mul3A_1434 : vector<16xf32>
      %get3A_1436 = arith.constant 296 : i32
      %get3A_1437 = arith.index_cast %get3A_1436 : i32 to index
      %get3A_1438 = arith.constant 48 : index
      %get3A_1439 = tpu.vector_load %arg8[%get3A_1437, %get3A_1438] {strides = array<i32>} : memref<300x128xf32, #tpu.memory_space<vmem>>, vector<1x16xf32>,
      %get3A_1440 = vector.shape_cast %get3A_1439 : vector<1x16xf32> to vector<16xf32>
      %mul3A_1441 = arith.mulf %get3A_1440, %gather3A_1414 : vector<16xf32>
      %add3A_1442 = arith.addf %add3A_1383, %mul3A_1441 : vector<16xf32>
      %get3A_1443 = arith.constant 296 : i32
      %get3A_1444 = arith.index_cast %get3A_1443 : i32 to index
      %get3A_1445 = arith.constant 64 : index
      %get3A_1446 = tpu.vector_load %arg8[%get3A_1444, %get3A_1445] {strides = array<i32>} : memref<300x128xf32, #tpu.memory_space<vmem>>, vector<1x16xf32>,
      %get3A_1447 = vector.shape_cast %get3A_1446 : vector<1x16xf32> to vector<16xf32>
      %mul3A_1448 = arith.mulf %get3A_1447, %gather3A_1414 : vector<16xf32>
      %add3A_1449 = arith.addf %add3A_1390, %mul3A_1448 : vector<16xf32>
      %get3A_1450 = arith.constant 296 : i32
      %get3A_1451 = arith.index_cast %get3A_1450 : i32 to index
      %get3A_1452 = arith.constant 80 : index
      %get3A_1453 = tpu.vector_load %arg8[%get3A_1451, %get3A_1452] {strides = array<i32>} : memref<300x128xf32, #tpu.memory_space<vmem>>, vector<1x16xf32>,
      %get3A_1454 = vector.shape_cast %get3A_1453 : vector<1x16xf32> to vector<16xf32>
      %mul3A_1455 = arith.mulf %get3A_1454, %gather3A_1414 : vector<16xf32>
      %add3A_1456 = arith.addf %add3A_1397, %mul3A_1455 : vector<16xf32>
      %get3A_1457 = arith.constant 296 : i32
      %get3A_1458 = arith.index_cast %get3A_1457 : i32 to index
      %get3A_1459 = arith.constant 96 : index
      %get3A_1460 = tpu.vector_load %arg8[%get3A_1458, %get3A_1459] {strides = array<i32>} : memref<300x128xf32, #tpu.memory_space<vmem>>, vector<1x16xf32>,
      %get3A_1461 = vector.shape_cast %get3A_1460 : vector<1x16xf32> to vector<16xf32>
      %mul3A_1462 = arith.mulf %get3A_1461, %gather3A_1414 : vector<16xf32>
      %add3A_1463 = arith.addf %add3A_1404, %mul3A_1462 : vector<16xf32>
      %get3A_1464 = arith.constant 296 : i32
      %get3A_1465 = arith.index_cast %get3A_1464 : i32 to index
      %get3A_1466 = arith.constant 112 : index
      %get3A_1467 = tpu.vector_load %arg8[%get3A_1465, %get3A_1466] {strides = array<i32>} : memref<300x128xf32, #tpu.memory_space<vmem>>, vector<1x16xf32>,
      %get3A_1468 = vector.shape_cast %get3A_1467 : vector<1x16xf32> to vector<16xf32>
      %mul3A_1469 = arith.mulf %get3A_1468, %gather3A_1414 : vector<16xf32>
      %add3A_1470 = arith.addf %add3A_1411, %mul3A_1469 : vector<16xf32>
      %broadcast_in_dim3A_1471 = vector.shape_cast %broadcast_in_dim3A_21 : vector<16xi32> to vector<16x1xi32>
      %gather3A_1472 = vector.shape_cast %broadcast_in_dim3A_1471 : vector<16x1xi32> to vector<16xi32>
      %gather3A_1473 = tpu.dynamic_gather %get3A_939[%gather3A_1472] in [0] : vector<16xf32>, vector<16xi32> -> vector<16xf32>
      %get3A_1474 = arith.constant 297 : i32
      %get3A_1475 = arith.index_cast %get3A_1474 : i32 to index
      %get3A_1476 = arith.constant 0 : index
      %get3A_1477 = tpu.vector_load %arg8[%get3A_1475, %get3A_1476] {strides = array<i32>} : memref<300x128xf32, #tpu.memory_space<vmem>>, vector<1x16xf32>,
      %get3A_1478 = vector.shape_cast %get3A_1477 : vector<1x16xf32> to vector<16xf32>
      %mul3A_1479 = arith.mulf %get3A_1478, %gather3A_1473 : vector<16xf32>
      %add3A_1480 = arith.addf %add3A_1421, %mul3A_1479 : vector<16xf32>
      %get3A_1481 = arith.constant 297 : i32
      %get3A_1482 = arith.index_cast %get3A_1481 : i32 to index
      %get3A_1483 = arith.constant 16 : index
      %get3A_1484 = tpu.vector_load %arg8[%get3A_1482, %get3A_1483] {strides = array<i32>} : memref<300x128xf32, #tpu.memory_space<vmem>>, vector<1x16xf32>,
      %get3A_1485 = vector.shape_cast %get3A_1484 : vector<1x16xf32> to vector<16xf32>
      %mul3A_1486 = arith.mulf %get3A_1485, %gather3A_1473 : vector<16xf32>
      %add3A_1487 = arith.addf %add3A_1428, %mul3A_1486 : vector<16xf32>
      %get3A_1488 = arith.constant 297 : i32
      %get3A_1489 = arith.index_cast %get3A_1488 : i32 to index
      %get3A_1490 = arith.constant 32 : index
      %get3A_1491 = tpu.vector_load %arg8[%get3A_1489, %get3A_1490] {strides = array<i32>} : memref<300x128xf32, #tpu.memory_space<vmem>>, vector<1x16xf32>,
      %get3A_1492 = vector.shape_cast %get3A_1491 : vector<1x16xf32> to vector<16xf32>
      %mul3A_1493 = arith.mulf %get3A_1492, %gather3A_1473 : vector<16xf32>
      %add3A_1494 = arith.addf %add3A_1435, %mul3A_1493 : vector<16xf32>
      %get3A_1495 = arith.constant 297 : i32
      %get3A_1496 = arith.index_cast %get3A_1495 : i32 to index
      %get3A_1497 = arith.constant 48 : index
      %get3A_1498 = tpu.vector_load %arg8[%get3A_1496, %get3A_1497] {strides = array<i32>} : memref<300x128xf32, #tpu.memory_space<vmem>>, vector<1x16xf32>,
      %get3A_1499 = vector.shape_cast %get3A_1498 : vector<1x16xf32> to vector<16xf32>
      %mul3A_1500 = arith.mulf %get3A_1499, %gather3A_1473 : vector<16xf32>
      %add3A_1501 = arith.addf %add3A_1442, %mul3A_1500 : vector<16xf32>
      %get3A_1502 = arith.constant 297 : i32
      %get3A_1503 = arith.index_cast %get3A_1502 : i32 to index
      %get3A_1504 = arith.constant 64 : index
      %get3A_1505 = tpu.vector_load %arg8[%get3A_1503, %get3A_1504] {strides = array<i32>} : memref<300x128xf32, #tpu.memory_space<vmem>>, vector<1x16xf32>,
      %get3A_1506 = vector.shape_cast %get3A_1505 : vector<1x16xf32> to vector<16xf32>
      %mul3A_1507 = arith.mulf %get3A_1506, %gather3A_1473 : vector<16xf32>
      %add3A_1508 = arith.addf %add3A_1449, %mul3A_1507 : vector<16xf32>
      %get3A_1509 = arith.constant 297 : i32
      %get3A_1510 = arith.index_cast %get3A_1509 : i32 to index
      %get3A_1511 = arith.constant 80 : index
      %get3A_1512 = tpu.vector_load %arg8[%get3A_1510, %get3A_1511] {strides = array<i32>} : memref<300x128xf32, #tpu.memory_space<vmem>>, vector<1x16xf32>,
      %get3A_1513 = vector.shape_cast %get3A_1512 : vector<1x16xf32> to vector<16xf32>
      %mul3A_1514 = arith.mulf %get3A_1513, %gather3A_1473 : vector<16xf32>
      %add3A_1515 = arith.addf %add3A_1456, %mul3A_1514 : vector<16xf32>
      %get3A_1516 = arith.constant 297 : i32
      %get3A_1517 = arith.index_cast %get3A_1516 : i32 to index
      %get3A_1518 = arith.constant 96 : index
      %get3A_1519 = tpu.vector_load %arg8[%get3A_1517, %get3A_1518] {strides = array<i32>} : memref<300x128xf32, #tpu.memory_space<vmem>>, vector<1x16xf32>,
      %get3A_1520 = vector.shape_cast %get3A_1519 : vector<1x16xf32> to vector<16xf32>
      %mul3A_1521 = arith.mulf %get3A_1520, %gather3A_1473 : vector<16xf32>
      %add3A_1522 = arith.addf %add3A_1463, %mul3A_1521 : vector<16xf32>
      %get3A_1523 = arith.constant 297 : i32
      %get3A_1524 = arith.index_cast %get3A_1523 : i32 to index
      %get3A_1525 = arith.constant 112 : index
      %get3A_1526 = tpu.vector_load %arg8[%get3A_1524, %get3A_1525] {strides = array<i32>} : memref<300x128xf32, #tpu.memory_space<vmem>>, vector<1x16xf32>,
      %get3A_1527 = vector.shape_cast %get3A_1526 : vector<1x16xf32> to vector<16xf32>
      %mul3A_1528 = arith.mulf %get3A_1527, %gather3A_1473 : vector<16xf32>
      %add3A_1529 = arith.addf %add3A_1470, %mul3A_1528 : vector<16xf32>
      %broadcast_in_dim3A_1530 = vector.shape_cast %broadcast_in_dim3A_23 : vector<16xi32> to vector<16x1xi32>
      %gather3A_1531 = vector.shape_cast %broadcast_in_dim3A_1530 : vector<16x1xi32> to vector<16xi32>
      %gather3A_1532 = tpu.dynamic_gather %get3A_939[%gather3A_1531] in [0] : vector<16xf32>, vector<16xi32> -> vector<16xf32>
      %get3A_1533 = arith.constant 298 : i32
      %get3A_1534 = arith.index_cast %get3A_1533 : i32 to index
      %get3A_1535 = arith.constant 0 : index
      %get3A_1536 = tpu.vector_load %arg8[%get3A_1534, %get3A_1535] {strides = array<i32>} : memref<300x128xf32, #tpu.memory_space<vmem>>, vector<1x16xf32>,
      %get3A_1537 = vector.shape_cast %get3A_1536 : vector<1x16xf32> to vector<16xf32>
      %mul3A_1538 = arith.mulf %get3A_1537, %gather3A_1532 : vector<16xf32>
      %add3A_1539 = arith.addf %add3A_1480, %mul3A_1538 : vector<16xf32>
      %get3A_1540 = arith.constant 298 : i32
      %get3A_1541 = arith.index_cast %get3A_1540 : i32 to index
      %get3A_1542 = arith.constant 16 : index
      %get3A_1543 = tpu.vector_load %arg8[%get3A_1541, %get3A_1542] {strides = array<i32>} : memref<300x128xf32, #tpu.memory_space<vmem>>, vector<1x16xf32>,
      %get3A_1544 = vector.shape_cast %get3A_1543 : vector<1x16xf32> to vector<16xf32>
      %mul3A_1545 = arith.mulf %get3A_1544, %gather3A_1532 : vector<16xf32>
      %add3A_1546 = arith.addf %add3A_1487, %mul3A_1545 : vector<16xf32>
      %get3A_1547 = arith.constant 298 : i32
      %get3A_1548 = arith.index_cast %get3A_1547 : i32 to index
      %get3A_1549 = arith.constant 32 : index
      %get3A_1550 = tpu.vector_load %arg8[%get3A_1548, %get3A_1549] {strides = array<i32>} : memref<300x128xf32, #tpu.memory_space<vmem>>, vector<1x16xf32>,
      %get3A_1551 = vector.shape_cast %get3A_1550 : vector<1x16xf32> to vector<16xf32>
      %mul3A_1552 = arith.mulf %get3A_1551, %gather3A_1532 : vector<16xf32>
      %add3A_1553 = arith.addf %add3A_1494, %mul3A_1552 : vector<16xf32>
      %get3A_1554 = arith.constant 298 : i32
      %get3A_1555 = arith.index_cast %get3A_1554 : i32 to index
      %get3A_1556 = arith.constant 48 : index
      %get3A_1557 = tpu.vector_load %arg8[%get3A_1555, %get3A_1556] {strides = array<i32>} : memref<300x128xf32, #tpu.memory_space<vmem>>, vector<1x16xf32>,
      %get3A_1558 = vector.shape_cast %get3A_1557 : vector<1x16xf32> to vector<16xf32>
      %mul3A_1559 = arith.mulf %get3A_1558, %gather3A_1532 : vector<16xf32>
      %add3A_1560 = arith.addf %add3A_1501, %mul3A_1559 : vector<16xf32>
      %get3A_1561 = arith.constant 298 : i32
      %get3A_1562 = arith.index_cast %get3A_1561 : i32 to index
      %get3A_1563 = arith.constant 64 : index
      %get3A_1564 = tpu.vector_load %arg8[%get3A_1562, %get3A_1563] {strides = array<i32>} : memref<300x128xf32, #tpu.memory_space<vmem>>, vector<1x16xf32>,
      %get3A_1565 = vector.shape_cast %get3A_1564 : vector<1x16xf32> to vector<16xf32>
      %mul3A_1566 = arith.mulf %get3A_1565, %gather3A_1532 : vector<16xf32>
      %add3A_1567 = arith.addf %add3A_1508, %mul3A_1566 : vector<16xf32>
      %get3A_1568 = arith.constant 298 : i32
      %get3A_1569 = arith.index_cast %get3A_1568 : i32 to index
      %get3A_1570 = arith.constant 80 : index
      %get3A_1571 = tpu.vector_load %arg8[%get3A_1569, %get3A_1570] {strides = array<i32>} : memref<300x128xf32, #tpu.memory_space<vmem>>, vector<1x16xf32>,
      %get3A_1572 = vector.shape_cast %get3A_1571 : vector<1x16xf32> to vector<16xf32>
      %mul3A_1573 = arith.mulf %get3A_1572, %gather3A_1532 : vector<16xf32>
      %add3A_1574 = arith.addf %add3A_1515, %mul3A_1573 : vector<16xf32>
      %get3A_1575 = arith.constant 298 : i32
      %get3A_1576 = arith.index_cast %get3A_1575 : i32 to index
      %get3A_1577 = arith.constant 96 : index
      %get3A_1578 = tpu.vector_load %arg8[%get3A_1576, %get3A_1577] {strides = array<i32>} : memref<300x128xf32, #tpu.memory_space<vmem>>, vector<1x16xf32>,
      %get3A_1579 = vector.shape_cast %get3A_1578 : vector<1x16xf32> to vector<16xf32>
      %mul3A_1580 = arith.mulf %get3A_1579, %gather3A_1532 : vector<16xf32>
      %add3A_1581 = arith.addf %add3A_1522, %mul3A_1580 : vector<16xf32>
      %get3A_1582 = arith.constant 298 : i32
      %get3A_1583 = arith.index_cast %get3A_1582 : i32 to index
      %get3A_1584 = arith.constant 112 : index
      %get3A_1585 = tpu.vector_load %arg8[%get3A_1583, %get3A_1584] {strides = array<i32>} : memref<300x128xf32, #tpu.memory_space<vmem>>, vector<1x16xf32>,
      %get3A_1586 = vector.shape_cast %get3A_1585 : vector<1x16xf32> to vector<16xf32>
      %mul3A_1587 = arith.mulf %get3A_1586, %gather3A_1532 : vector<16xf32>
      %add3A_1588 = arith.addf %add3A_1529, %mul3A_1587 : vector<16xf32>
      %broadcast_in_dim3A_1589 = vector.shape_cast %broadcast_in_dim3A_25 : vector<16xi32> to vector<16x1xi32>
      %gather3A_1590 = vector.shape_cast %broadcast_in_dim3A_1589 : vector<16x1xi32> to vector<16xi32>
      %gather3A_1591 = tpu.dynamic_gather %get3A_939[%gather3A_1590] in [0] : vector<16xf32>, vector<16xi32> -> vector<16xf32>
      %get3A_1592 = arith.constant 299 : i32
      %get3A_1593 = arith.index_cast %get3A_1592 : i32 to index
      %get3A_1594 = arith.constant 0 : index
      %get3A_1595 = tpu.vector_load %arg8[%get3A_1593, %get3A_1594] {strides = array<i32>} : memref<300x128xf32, #tpu.memory_space<vmem>>, vector<1x16xf32>,
      %get3A_1596 = vector.shape_cast %get3A_1595 : vector<1x16xf32> to vector<16xf32>
      %mul3A_1597 = arith.mulf %get3A_1596, %gather3A_1591 : vector<16xf32>
      %add3A_1598 = arith.addf %add3A_1539, %mul3A_1597 : vector<16xf32>
      %get3A_1599 = arith.constant 299 : i32
      %get3A_1600 = arith.index_cast %get3A_1599 : i32 to index
      %get3A_1601 = arith.constant 16 : index
      %get3A_1602 = tpu.vector_load %arg8[%get3A_1600, %get3A_1601] {strides = array<i32>} : memref<300x128xf32, #tpu.memory_space<vmem>>, vector<1x16xf32>,
      %get3A_1603 = vector.shape_cast %get3A_1602 : vector<1x16xf32> to vector<16xf32>
      %mul3A_1604 = arith.mulf %get3A_1603, %gather3A_1591 : vector<16xf32>
      %add3A_1605 = arith.addf %add3A_1546, %mul3A_1604 : vector<16xf32>
      %get3A_1606 = arith.constant 299 : i32
      %get3A_1607 = arith.index_cast %get3A_1606 : i32 to index
      %get3A_1608 = arith.constant 32 : index
      %get3A_1609 = tpu.vector_load %arg8[%get3A_1607, %get3A_1608] {strides = array<i32>} : memref<300x128xf32, #tpu.memory_space<vmem>>, vector<1x16xf32>,
      %get3A_1610 = vector.shape_cast %get3A_1609 : vector<1x16xf32> to vector<16xf32>
      %mul3A_1611 = arith.mulf %get3A_1610, %gather3A_1591 : vector<16xf32>
      %add3A_1612 = arith.addf %add3A_1553, %mul3A_1611 : vector<16xf32>
      %get3A_1613 = arith.constant 299 : i32
      %get3A_1614 = arith.index_cast %get3A_1613 : i32 to index
      %get3A_1615 = arith.constant 48 : index
      %get3A_1616 = tpu.vector_load %arg8[%get3A_1614, %get3A_1615] {strides = array<i32>} : memref<300x128xf32, #tpu.memory_space<vmem>>, vector<1x16xf32>,
      %get3A_1617 = vector.shape_cast %get3A_1616 : vector<1x16xf32> to vector<16xf32>
      %mul3A_1618 = arith.mulf %get3A_1617, %gather3A_1591 : vector<16xf32>
      %add3A_1619 = arith.addf %add3A_1560, %mul3A_1618 : vector<16xf32>
      %get3A_1620 = arith.constant 299 : i32
      %get3A_1621 = arith.index_cast %get3A_1620 : i32 to index
      %get3A_1622 = arith.constant 64 : index
      %get3A_1623 = tpu.vector_load %arg8[%get3A_1621, %get3A_1622] {strides = array<i32>} : memref<300x128xf32, #tpu.memory_space<vmem>>, vector<1x16xf32>,
      %get3A_1624 = vector.shape_cast %get3A_1623 : vector<1x16xf32> to vector<16xf32>
      %mul3A_1625 = arith.mulf %get3A_1624, %gather3A_1591 : vector<16xf32>
      %add3A_1626 = arith.addf %add3A_1567, %mul3A_1625 : vector<16xf32>
      %get3A_1627 = arith.constant 299 : i32
      %get3A_1628 = arith.index_cast %get3A_1627 : i32 to index
      %get3A_1629 = arith.constant 80 : index
      %get3A_1630 = tpu.vector_load %arg8[%get3A_1628, %get3A_1629] {strides = array<i32>} : memref<300x128xf32, #tpu.memory_space<vmem>>, vector<1x16xf32>,
      %get3A_1631 = vector.shape_cast %get3A_1630 : vector<1x16xf32> to vector<16xf32>
      %mul3A_1632 = arith.mulf %get3A_1631, %gather3A_1591 : vector<16xf32>
      %add3A_1633 = arith.addf %add3A_1574, %mul3A_1632 : vector<16xf32>
      %get3A_1634 = arith.constant 299 : i32
      %get3A_1635 = arith.index_cast %get3A_1634 : i32 to index
      %get3A_1636 = arith.constant 96 : index
      %get3A_1637 = tpu.vector_load %arg8[%get3A_1635, %get3A_1636] {strides = array<i32>} : memref<300x128xf32, #tpu.memory_space<vmem>>, vector<1x16xf32>,
      %get3A_1638 = vector.shape_cast %get3A_1637 : vector<1x16xf32> to vector<16xf32>
      %mul3A_1639 = arith.mulf %get3A_1638, %gather3A_1591 : vector<16xf32>
      %add3A_1640 = arith.addf %add3A_1581, %mul3A_1639 : vector<16xf32>
      %get3A_1641 = arith.constant 299 : i32
      %get3A_1642 = arith.index_cast %get3A_1641 : i32 to index
      %get3A_1643 = arith.constant 112 : index
      %get3A_1644 = tpu.vector_load %arg8[%get3A_1642, %get3A_1643] {strides = array<i32>} : memref<300x128xf32, #tpu.memory_space<vmem>>, vector<1x16xf32>,
      %get3A_1645 = vector.shape_cast %get3A_1644 : vector<1x16xf32> to vector<16xf32>
      %mul3A_1646 = arith.mulf %get3A_1645, %gather3A_1591 : vector<16xf32>
      %add3A_1647 = arith.addf %add3A_1588, %mul3A_1646 : vector<16xf32>
      %mul3A_1648 = arith.constant 128 : i32
      %mul3A_1649 = arith.muli %add3A_914, %mul3A_1648 : i32
      %add3A_1650 = arith.constant 0 : i32
      %add3A_1651 = arith.addi %mul3A_1649, %add3A_1650 : i32
      %get3A_1652 = arith.index_cast %add3A_1651 : i32 to index
      %get3A_1653 = tpu.vector_load %arg9[%get3A_1652] {strides = array<i32>} : memref<1280xf32, #tpu.memory_space<vmem>>, vector<16xf32>,
      %get3A_1654 = vector.shape_cast %get3A_1653 : vector<16xf32> to vector<16xf32>
      %add3A_1655 = arith.addf %add3A_1598, %get3A_1654 : vector<16xf32>
      %add3A_1656 = arith.constant 0 : i32
      %add3A_1657 = arith.addi %mul3A_1649, %add3A_1656 : i32
      %swap3A_1658 = arith.index_cast %add3A_1657 : i32 to index
      %swap3A_1659 = tpu.vector_load %arg10[%swap3A_1658] {strides = array<i32>} : memref<1280xf32, #tpu.memory_space<vmem>>, vector<16xf32>,
      %swap3A_1660 = vector.shape_cast %swap3A_1659 : vector<16xf32> to vector<16xf32>
      %swap3A_1661 = vector.shape_cast %add3A_1655 : vector<16xf32> to vector<16xf32>
      tpu.vector_store %arg10[%swap3A_1658], %swap3A_1661 {strides = array<i32>} : memref<1280xf32, #tpu.memory_space<vmem>>, vector<16xf32>,
      %add3A_1662 = arith.constant 16 : i32
      %add3A_1663 = arith.addi %mul3A_1649, %add3A_1662 : i32
      %get3A_1664 = arith.index_cast %add3A_1663 : i32 to index
      %get3A_1665 = tpu.vector_load %arg9[%get3A_1664] {strides = array<i32>} : memref<1280xf32, #tpu.memory_space<vmem>>, vector<16xf32>,
      %get3A_1666 = vector.shape_cast %get3A_1665 : vector<16xf32> to vector<16xf32>
      %add3A_1667 = arith.addf %add3A_1605, %get3A_1666 : vector<16xf32>
      %add3A_1668 = arith.constant 16 : i32
      %add3A_1669 = arith.addi %mul3A_1649, %add3A_1668 : i32
      %swap3A_1670 = arith.index_cast %add3A_1669 : i32 to index
      %swap3A_1671 = tpu.vector_load %arg10[%swap3A_1670] {strides = array<i32>} : memref<1280xf32, #tpu.memory_space<vmem>>, vector<16xf32>,
      %swap3A_1672 = vector.shape_cast %swap3A_1671 : vector<16xf32> to vector<16xf32>
      %swap3A_1673 = vector.shape_cast %add3A_1667 : vector<16xf32> to vector<16xf32>
      tpu.vector_store %arg10[%swap3A_1670], %swap3A_1673 {strides = array<i32>} : memref<1280xf32, #tpu.memory_space<vmem>>, vector<16xf32>,
      %add3A_1674 = arith.constant 32 : i32
      %add3A_1675 = arith.addi %mul3A_1649, %add3A_1674 : i32
      %get3A_1676 = arith.index_cast %add3A_1675 : i32 to index
      %get3A_1677 = tpu.vector_load %arg9[%get3A_1676] {strides = array<i32>} : memref<1280xf32, #tpu.memory_space<vmem>>, vector<16xf32>,
      %get3A_1678 = vector.shape_cast %get3A_1677 : vector<16xf32> to vector<16xf32>
      %add3A_1679 = arith.addf %add3A_1612, %get3A_1678 : vector<16xf32>
      %add3A_1680 = arith.constant 32 : i32
      %add3A_1681 = arith.addi %mul3A_1649, %add3A_1680 : i32
      %swap3A_1682 = arith.index_cast %add3A_1681 : i32 to index
      %swap3A_1683 = tpu.vector_load %arg10[%swap3A_1682] {strides = array<i32>} : memref<1280xf32, #tpu.memory_space<vmem>>, vector<16xf32>,
      %swap3A_1684 = vector.shape_cast %swap3A_1683 : vector<16xf32> to vector<16xf32>
      %swap3A_1685 = vector.shape_cast %add3A_1679 : vector<16xf32> to vector<16xf32>
      tpu.vector_store %arg10[%swap3A_1682], %swap3A_1685 {strides = array<i32>} : memref<1280xf32, #tpu.memory_space<vmem>>, vector<16xf32>,
      %add3A_1686 = arith.constant 48 : i32
      %add3A_1687 = arith.addi %mul3A_1649, %add3A_1686 : i32
      %get3A_1688 = arith.index_cast %add3A_1687 : i32 to index
      %get3A_1689 = tpu.vector_load %arg9[%get3A_1688] {strides = array<i32>} : memref<1280xf32, #tpu.memory_space<vmem>>, vector<16xf32>,
      %get3A_1690 = vector.shape_cast %get3A_1689 : vector<16xf32> to vector<16xf32>
      %add3A_1691 = arith.addf %add3A_1619, %get3A_1690 : vector<16xf32>
      %add3A_1692 = arith.constant 48 : i32
      %add3A_1693 = arith.addi %mul3A_1649, %add3A_1692 : i32
      %swap3A_1694 = arith.index_cast %add3A_1693 : i32 to index
      %swap3A_1695 = tpu.vector_load %arg10[%swap3A_1694] {strides = array<i32>} : memref<1280xf32, #tpu.memory_space<vmem>>, vector<16xf32>,
      %swap3A_1696 = vector.shape_cast %swap3A_1695 : vector<16xf32> to vector<16xf32>
      %swap3A_1697 = vector.shape_cast %add3A_1691 : vector<16xf32> to vector<16xf32>
      tpu.vector_store %arg10[%swap3A_1694], %swap3A_1697 {strides = array<i32>} : memref<1280xf32, #tpu.memory_space<vmem>>, vector<16xf32>,
      %add3A_1698 = arith.constant 64 : i32
      %add3A_1699 = arith.addi %mul3A_1649, %add3A_1698 : i32
      %get3A_1700 = arith.index_cast %add3A_1699 : i32 to index
      %get3A_1701 = tpu.vector_load %arg9[%get3A_1700] {strides = array<i32>} : memref<1280xf32, #tpu.memory_space<vmem>>, vector<16xf32>,
      %get3A_1702 = vector.shape_cast %get3A_1701 : vector<16xf32> to vector<16xf32>
      %add3A_1703 = arith.addf %add3A_1626, %get3A_1702 : vector<16xf32>
      %add3A_1704 = arith.constant 64 : i32
      %add3A_1705 = arith.addi %mul3A_1649, %add3A_1704 : i32
      %swap3A_1706 = arith.index_cast %add3A_1705 : i32 to index
      %swap3A_1707 = tpu.vector_load %arg10[%swap3A_1706] {strides = array<i32>} : memref<1280xf32, #tpu.memory_space<vmem>>, vector<16xf32>,
      %swap3A_1708 = vector.shape_cast %swap3A_1707 : vector<16xf32> to vector<16xf32>
      %swap3A_1709 = vector.shape_cast %add3A_1703 : vector<16xf32> to vector<16xf32>
      tpu.vector_store %arg10[%swap3A_1706], %swap3A_1709 {strides = array<i32>} : memref<1280xf32, #tpu.memory_space<vmem>>, vector<16xf32>,
      %add3A_1710 = arith.constant 80 : i32
      %add3A_1711 = arith.addi %mul3A_1649, %add3A_1710 : i32
      %get3A_1712 = arith.index_cast %add3A_1711 : i32 to index
      %get3A_1713 = tpu.vector_load %arg9[%get3A_1712] {strides = array<i32>} : memref<1280xf32, #tpu.memory_space<vmem>>, vector<16xf32>,
      %get3A_1714 = vector.shape_cast %get3A_1713 : vector<16xf32> to vector<16xf32>
      %add3A_1715 = arith.addf %add3A_1633, %get3A_1714 : vector<16xf32>
      %add3A_1716 = arith.constant 80 : i32
      %add3A_1717 = arith.addi %mul3A_1649, %add3A_1716 : i32
      %swap3A_1718 = arith.index_cast %add3A_1717 : i32 to index
      %swap3A_1719 = tpu.vector_load %arg10[%swap3A_1718] {strides = array<i32>} : memref<1280xf32, #tpu.memory_space<vmem>>, vector<16xf32>,
      %swap3A_1720 = vector.shape_cast %swap3A_1719 : vector<16xf32> to vector<16xf32>
      %swap3A_1721 = vector.shape_cast %add3A_1715 : vector<16xf32> to vector<16xf32>
      tpu.vector_store %arg10[%swap3A_1718], %swap3A_1721 {strides = array<i32>} : memref<1280xf32, #tpu.memory_space<vmem>>, vector<16xf32>,
      %add3A_1722 = arith.constant 96 : i32
      %add3A_1723 = arith.addi %mul3A_1649, %add3A_1722 : i32
      %get3A_1724 = arith.index_cast %add3A_1723 : i32 to index
      %get3A_1725 = tpu.vector_load %arg9[%get3A_1724] {strides = array<i32>} : memref<1280xf32, #tpu.memory_space<vmem>>, vector<16xf32>,
      %get3A_1726 = vector.shape_cast %get3A_1725 : vector<16xf32> to vector<16xf32>
      %add3A_1727 = arith.addf %add3A_1640, %get3A_1726 : vector<16xf32>
      %add3A_1728 = arith.constant 96 : i32
      %add3A_1729 = arith.addi %mul3A_1649, %add3A_1728 : i32
      %swap3A_1730 = arith.index_cast %add3A_1729 : i32 to index
      %swap3A_1731 = tpu.vector_load %arg10[%swap3A_1730] {strides = array<i32>} : memref<1280xf32, #tpu.memory_space<vmem>>, vector<16xf32>,
      %swap3A_1732 = vector.shape_cast %swap3A_1731 : vector<16xf32> to vector<16xf32>
      %swap3A_1733 = vector.shape_cast %add3A_1727 : vector<16xf32> to vector<16xf32>
      tpu.vector_store %arg10[%swap3A_1730], %swap3A_1733 {strides = array<i32>} : memref<1280xf32, #tpu.memory_space<vmem>>, vector<16xf32>,
      %add3A_1734 = arith.constant 112 : i32
      %add3A_1735 = arith.addi %mul3A_1649, %add3A_1734 : i32
      %get3A_1736 = arith.index_cast %add3A_1735 : i32 to index
      %get3A_1737 = tpu.vector_load %arg9[%get3A_1736] {strides = array<i32>} : memref<1280xf32, #tpu.memory_space<vmem>>, vector<16xf32>,
      %get3A_1738 = vector.shape_cast %get3A_1737 : vector<16xf32> to vector<16xf32>
      %add3A_1739 = arith.addf %add3A_1647, %get3A_1738 : vector<16xf32>
      %add3A_1740 = arith.constant 112 : i32
      %add3A_1741 = arith.addi %mul3A_1649, %add3A_1740 : i32
      %swap3A_1742 = arith.index_cast %add3A_1741 : i32 to index
      %swap3A_1743 = tpu.vector_load %arg10[%swap3A_1742] {strides = array<i32>} : memref<1280xf32, #tpu.memory_space<vmem>>, vector<16xf32>,
      %swap3A_1744 = vector.shape_cast %swap3A_1743 : vector<16xf32> to vector<16xf32>
      %swap3A_1745 = vector.shape_cast %add3A_1739 : vector<16xf32> to vector<16xf32>
      tpu.vector_store %arg10[%swap3A_1742], %swap3A_1745 {strides = array<i32>} : memref<1280xf32, #tpu.memory_space<vmem>>, vector<16xf32>,
      %add3A_1746 = arith.constant 3 : i32
      %add3A_1747 = arith.addi %mul3A_63, %add3A_1746 : i32
      %mul3A_1748 = arith.constant 128 : i32
      %mul3A_1749 = arith.muli %add3A_1747, %mul3A_1748 : i32
      %add3A_1750 = arith.addi %mul3A_2, %mul3A_1749 : i32
      %dma_start3A_1751 = arith.constant 0 : i32
      %dma_start3A_1752 = tpu.memref_slice %arg2[%dma_start3A_1751, %add3A_1750] : memref<300x100000xf32, #tpu.memory_space<hbm>> -> memref<300x128xf32, #tpu.memory_space<hbm>>
      %dma_start3A_1753 = arith.constant 0 : i32
      %dma_start3A_1754 = tpu.memref_slice %arg2[%dma_start3A_1753, %add3A_1750] : memref<300x100000xf32, #tpu.memory_space<hbm>> -> memref<300x128xf32, #tpu.memory_space<hbm>>
      tpu.enqueue_dma source(%dma_start3A_1754 : memref<300x128xf32, #tpu.memory_space<hbm>>) target(%arg8 : memref<300x128xf32, #tpu.memory_space<vmem>>) target_semaphore(%arg12 : memref<!tpu.dma_semaphore, #tpu.memory_space<semaphore_mem>>)
    }
    %scan3A_49 = arith.constant 5 : i32
    %dma_wait3A = arith.constant 0 : i32
    %dma_wait3A_50 = arith.constant 0 : i32
    %dma_wait3A_51 = tpu.memref_slice %arg2[%dma_wait3A, %dma_wait3A_50] : memref<300x100000xf32, #tpu.memory_space<hbm>> -> memref<300x128xf32, #tpu.memory_space<hbm>>
    %dma_wait3A_52 = arith.constant 0 : i32
    %dma_wait3A_53 = arith.constant 0 : i32
    %dma_wait3A_54 = tpu.memref_slice %arg2[%dma_wait3A_52, %dma_wait3A_53] : memref<300x100000xf32, #tpu.memory_space<hbm>> -> memref<300x128xf32, #tpu.memory_space<hbm>>
    tpu.wait_dma2 semaphore(%arg11 : memref<!tpu.dma_semaphore, #tpu.memory_space<semaphore_mem>>) src(%dma_wait3A_54 : memref<300x128xf32, #tpu.memory_space<hbm>>) dst(%arg7 : memref<300x128xf32, #tpu.memory_space<vmem>>)
    %dma_wait3A_55 = arith.constant 0 : i32
    %dma_wait3A_56 = arith.constant 0 : i32
    %dma_wait3A_57 = tpu.memref_slice %arg2[%dma_wait3A_55, %dma_wait3A_56] : memref<300x100000xf32, #tpu.memory_space<hbm>> -> memref<300x128xf32, #tpu.memory_space<hbm>>
    %dma_wait3A_58 = arith.constant 0 : i32
    %dma_wait3A_59 = arith.constant 0 : i32
    %dma_wait3A_60 = tpu.memref_slice %arg2[%dma_wait3A_58, %dma_wait3A_59] : memref<300x100000xf32, #tpu.memory_space<hbm>> -> memref<300x128xf32, #tpu.memory_space<hbm>>
    tpu.wait_dma2 semaphore(%arg12 : memref<!tpu.dma_semaphore, #tpu.memory_space<semaphore_mem>>) src(%dma_wait3A_60 : memref<300x128xf32, #tpu.memory_space<hbm>>) dst(%arg8 : memref<300x128xf32, #tpu.memory_space<vmem>>)
    "tpu.region"() ({
      %run_scoped3A = tpu.sem_alloc : memref<!tpu.dma_semaphore, #tpu.memory_space<semaphore_mem>>
      %dma_start3A_61 = tpu.memref_slice %arg5[%mul3A_2] : memref<40960xf32, #tpu.memory_space<hbm>> -> memref<1280xf32, #tpu.memory_space<hbm>>
      %dma_start3A_62 = tpu.memref_slice %arg5[%mul3A_2] : memref<40960xf32, #tpu.memory_space<hbm>> -> memref<1280xf32, #tpu.memory_space<hbm>>
      tpu.enqueue_dma source(%arg10 : memref<1280xf32, #tpu.memory_space<vmem>>) target(%dma_start3A_62 : memref<1280xf32, #tpu.memory_space<hbm>>) target_semaphore(%run_scoped3A : memref<!tpu.dma_semaphore, #tpu.memory_space<semaphore_mem>>)
      %dma_wait3A_63 = tpu.memref_slice %arg5[%mul3A_2] : memref<40960xf32, #tpu.memory_space<hbm>> -> memref<1280xf32, #tpu.memory_space<hbm>>
      %dma_wait3A_64 = tpu.memref_slice %arg5[%mul3A_2] : memref<40960xf32, #tpu.memory_space<hbm>> -> memref<1280xf32, #tpu.memory_space<hbm>>
      tpu.wait_dma2 semaphore(%run_scoped3A : memref<!tpu.dma_semaphore, #tpu.memory_space<semaphore_mem>>) src(%arg10 : memref<1280xf32, #tpu.memory_space<vmem>>) dst(%dma_wait3A_64 : memref<1280xf32, #tpu.memory_space<hbm>>)
      tpu.yield
    }) : () -> ()
    return
  }
}

module attributes {stable_mosaic.version = 14 : i64} {
  func.func @_tc_avg_body(%arg0: memref<204xi32, #tpu.memory_space<smem>>, %arg1: memref<300x100000xf32, #tpu.memory_space<hbm>>, %arg2: memref<300x160xf32, #tpu.memory_space<vmem>>, %arg3: memref<1x160xf32, #tpu.memory_space<vmem>>, %arg4: memref<300x128xf32, #tpu.memory_space<vmem>>, %arg5: memref<384x1xf32, #tpu.memory_space<vmem>>, %arg6: memref<1x160xf32, #tpu.memory_space<vmem>>, %arg7: memref<300x128xf32, #tpu.memory_space<vmem>>, %arg8: memref<300x128xf32, #tpu.memory_space<vmem>>, %arg9: memref<300x128xf32, #tpu.memory_space<vmem>>, %arg10: memref<300x128xf32, #tpu.memory_space<vmem>>, %arg11: memref<300x1xf32, #tpu.memory_space<vmem>>, %arg12: memref<!tpu.dma_semaphore, #tpu.memory_space<semaphore_mem>>, %arg13: memref<!tpu.dma_semaphore, #tpu.memory_space<semaphore_mem>>, %arg14: memref<!tpu.dma_semaphore, #tpu.memory_space<semaphore_mem>>, %arg15: memref<!tpu.dma_semaphore, #tpu.memory_space<semaphore_mem>>) attributes {dimension_semantics = [], scalar_prefetch = 0 : i64, scratch_operands = 9 : i64, tpu.core_type = #tpu.core_type<tc>} {
    %iota3A = tpu.iota {dimensions = array<i32: 1>} : vector<1x128xi32>
    %broadcast_in_dim3A = arith.constant 0.000000e+00 : f32
    %broadcast_in_dim3A_0 = vector.broadcast %broadcast_in_dim3A : f32 to vector<300x1xf32>
    %swap3A = arith.constant 0 : index
    %swap3A_1 = arith.constant 0 : index
    %swap3A_2 = vector.load %arg11[%swap3A, %swap3A_1] : memref<300x1xf32, #tpu.memory_space<vmem>>, vector<300x1xf32>
    tpu.vector_store %arg11[%swap3A, %swap3A_1], %broadcast_in_dim3A_0 {strides = array<i32>} : memref<300x1xf32, #tpu.memory_space<vmem>>, vector<300x1xf32>,
    %get3A = arith.constant 0 : index
    %get3A_3 = memref.load %arg0[%get3A] : memref<204xi32, #tpu.memory_space<smem>>
    %jit3A = arith.constant 128 : i32
    %div3A = arith.divsi %get3A_3, %jit3A : i32
    %sign3A = arith.constant 0 : i32
    %sign3A_4 = arith.cmpi sgt, %get3A_3, %sign3A : i32
    %sign3A_5 = arith.extui %sign3A_4 : i1 to i32
    %sign3A_6 = arith.constant 0 : i32
    %sign3A_7 = arith.cmpi slt, %get3A_3, %sign3A_6 : i32
    %sign3A_8 = arith.extui %sign3A_7 : i1 to i32
    %sign3A_9 = arith.subi %sign3A_5, %sign3A_8 : i32
    %sign3A_10 = arith.constant 0 : i32
    %sign3A_11 = arith.cmpi sgt, %jit3A, %sign3A_10 : i32
    %sign3A_12 = arith.extui %sign3A_11 : i1 to i32
    %sign3A_13 = arith.constant 0 : i32
    %sign3A_14 = arith.cmpi slt, %jit3A, %sign3A_13 : i32
    %sign3A_15 = arith.extui %sign3A_14 : i1 to i32
    %sign3A_16 = arith.subi %sign3A_12, %sign3A_15 : i32
    %ne3A = arith.cmpi ne, %sign3A_9, %sign3A_16 : i32
    %rem3A = arith.remsi %get3A_3, %jit3A : i32
    %ne3A_17 = arith.constant 0 : i32
    %ne3A_18 = arith.cmpi ne, %rem3A, %ne3A_17 : i32
    %and3A = arith.andi %ne3A, %ne3A_18 : i1
    %sub3A = arith.constant 1 : i32
    %sub3A_19 = arith.subi %div3A, %sub3A : i32
    %select_n3A = arith.select %and3A, %sub3A_19, %div3A : i32
    %mul3A = arith.constant 128 : i32
    %mul3A_20 = arith.muli %select_n3A, %mul3A : i32
    %min3A = arith.constant 99840 : i32
    %min3A_21 = arith.minsi %mul3A_20, %min3A : i32
    %multiple_of3A = tpu.assume_multiple %min3A_21, 128 : i32
    %dma_start3A = arith.constant 0 : i32
    %dma_start3A_22 = tpu.memref_slice %arg1[%dma_start3A, %multiple_of3A] : memref<300x100000xf32, #tpu.memory_space<hbm>> -> memref<300x128xf32, #tpu.memory_space<hbm>>
    tpu.enqueue_dma source(%dma_start3A_22 : memref<300x128xf32, #tpu.memory_space<hbm>>) target(%arg7 : memref<300x128xf32, #tpu.memory_space<vmem>>) target_semaphore(%arg12 : memref<!tpu.dma_semaphore, #tpu.memory_space<semaphore_mem>>)
    %get3A_23 = arith.constant 1 : index
    %get3A_24 = memref.load %arg0[%get3A_23] : memref<204xi32, #tpu.memory_space<smem>>
    %jit3A_25 = arith.constant 128 : i32
    %div3A_26 = arith.divsi %get3A_24, %jit3A_25 : i32
    %sign3A_27 = arith.constant 0 : i32
    %sign3A_28 = arith.cmpi sgt, %get3A_24, %sign3A_27 : i32
    %sign3A_29 = arith.extui %sign3A_28 : i1 to i32
    %sign3A_30 = arith.constant 0 : i32
    %sign3A_31 = arith.cmpi slt, %get3A_24, %sign3A_30 : i32
    %sign3A_32 = arith.extui %sign3A_31 : i1 to i32
    %sign3A_33 = arith.subi %sign3A_29, %sign3A_32 : i32
    %sign3A_34 = arith.constant 0 : i32
    %sign3A_35 = arith.cmpi sgt, %jit3A_25, %sign3A_34 : i32
    %sign3A_36 = arith.extui %sign3A_35 : i1 to i32
    %sign3A_37 = arith.constant 0 : i32
    %sign3A_38 = arith.cmpi slt, %jit3A_25, %sign3A_37 : i32
    %sign3A_39 = arith.extui %sign3A_38 : i1 to i32
    %sign3A_40 = arith.subi %sign3A_36, %sign3A_39 : i32
    %ne3A_41 = arith.cmpi ne, %sign3A_33, %sign3A_40 : i32
    %rem3A_42 = arith.remsi %get3A_24, %jit3A_25 : i32
    %ne3A_43 = arith.constant 0 : i32
    %ne3A_44 = arith.cmpi ne, %rem3A_42, %ne3A_43 : i32
    %and3A_45 = arith.andi %ne3A_41, %ne3A_44 : i1
    %sub3A_46 = arith.constant 1 : i32
    %sub3A_47 = arith.subi %div3A_26, %sub3A_46 : i32
    %select_n3A_48 = arith.select %and3A_45, %sub3A_47, %div3A_26 : i32
    %mul3A_49 = arith.constant 128 : i32
    %mul3A_50 = arith.muli %select_n3A_48, %mul3A_49 : i32
    %min3A_51 = arith.constant 99840 : i32
    %min3A_52 = arith.minsi %mul3A_50, %min3A_51 : i32
    %multiple_of3A_53 = tpu.assume_multiple %min3A_52, 128 : i32
    %dma_start3A_54 = arith.constant 0 : i32
    %dma_start3A_55 = tpu.memref_slice %arg1[%dma_start3A_54, %multiple_of3A_53] : memref<300x100000xf32, #tpu.memory_space<hbm>> -> memref<300x128xf32, #tpu.memory_space<hbm>>
    tpu.enqueue_dma source(%dma_start3A_55 : memref<300x128xf32, #tpu.memory_space<hbm>>) target(%arg8 : memref<300x128xf32, #tpu.memory_space<vmem>>) target_semaphore(%arg13 : memref<!tpu.dma_semaphore, #tpu.memory_space<semaphore_mem>>)
    %get3A_56 = arith.constant 2 : index
    %get3A_57 = memref.load %arg0[%get3A_56] : memref<204xi32, #tpu.memory_space<smem>>
    %jit3A_58 = arith.constant 128 : i32
    %div3A_59 = arith.divsi %get3A_57, %jit3A_58 : i32
    %sign3A_60 = arith.constant 0 : i32
    %sign3A_61 = arith.cmpi sgt, %get3A_57, %sign3A_60 : i32
    %sign3A_62 = arith.extui %sign3A_61 : i1 to i32
    %sign3A_63 = arith.constant 0 : i32
    %sign3A_64 = arith.cmpi slt, %get3A_57, %sign3A_63 : i32
    %sign3A_65 = arith.extui %sign3A_64 : i1 to i32
    %sign3A_66 = arith.subi %sign3A_62, %sign3A_65 : i32
    %sign3A_67 = arith.constant 0 : i32
    %sign3A_68 = arith.cmpi sgt, %jit3A_58, %sign3A_67 : i32
    %sign3A_69 = arith.extui %sign3A_68 : i1 to i32
    %sign3A_70 = arith.constant 0 : i32
    %sign3A_71 = arith.cmpi slt, %jit3A_58, %sign3A_70 : i32
    %sign3A_72 = arith.extui %sign3A_71 : i1 to i32
    %sign3A_73 = arith.subi %sign3A_69, %sign3A_72 : i32
    %ne3A_74 = arith.cmpi ne, %sign3A_66, %sign3A_73 : i32
    %rem3A_75 = arith.remsi %get3A_57, %jit3A_58 : i32
    %ne3A_76 = arith.constant 0 : i32
    %ne3A_77 = arith.cmpi ne, %rem3A_75, %ne3A_76 : i32
    %and3A_78 = arith.andi %ne3A_74, %ne3A_77 : i1
    %sub3A_79 = arith.constant 1 : i32
    %sub3A_80 = arith.subi %div3A_59, %sub3A_79 : i32
    %select_n3A_81 = arith.select %and3A_78, %sub3A_80, %div3A_59 : i32
    %mul3A_82 = arith.constant 128 : i32
    %mul3A_83 = arith.muli %select_n3A_81, %mul3A_82 : i32
    %min3A_84 = arith.constant 99840 : i32
    %min3A_85 = arith.minsi %mul3A_83, %min3A_84 : i32
    %multiple_of3A_86 = tpu.assume_multiple %min3A_85, 128 : i32
    %dma_start3A_87 = arith.constant 0 : i32
    %dma_start3A_88 = tpu.memref_slice %arg1[%dma_start3A_87, %multiple_of3A_86] : memref<300x100000xf32, #tpu.memory_space<hbm>> -> memref<300x128xf32, #tpu.memory_space<hbm>>
    tpu.enqueue_dma source(%dma_start3A_88 : memref<300x128xf32, #tpu.memory_space<hbm>>) target(%arg9 : memref<300x128xf32, #tpu.memory_space<vmem>>) target_semaphore(%arg14 : memref<!tpu.dma_semaphore, #tpu.memory_space<semaphore_mem>>)
    %get3A_89 = arith.constant 3 : index
    %get3A_90 = memref.load %arg0[%get3A_89] : memref<204xi32, #tpu.memory_space<smem>>
    %jit3A_91 = arith.constant 128 : i32
    %div3A_92 = arith.divsi %get3A_90, %jit3A_91 : i32
    %sign3A_93 = arith.constant 0 : i32
    %sign3A_94 = arith.cmpi sgt, %get3A_90, %sign3A_93 : i32
    %sign3A_95 = arith.extui %sign3A_94 : i1 to i32
    %sign3A_96 = arith.constant 0 : i32
    %sign3A_97 = arith.cmpi slt, %get3A_90, %sign3A_96 : i32
    %sign3A_98 = arith.extui %sign3A_97 : i1 to i32
    %sign3A_99 = arith.subi %sign3A_95, %sign3A_98 : i32
    %sign3A_100 = arith.constant 0 : i32
    %sign3A_101 = arith.cmpi sgt, %jit3A_91, %sign3A_100 : i32
    %sign3A_102 = arith.extui %sign3A_101 : i1 to i32
    %sign3A_103 = arith.constant 0 : i32
    %sign3A_104 = arith.cmpi slt, %jit3A_91, %sign3A_103 : i32
    %sign3A_105 = arith.extui %sign3A_104 : i1 to i32
    %sign3A_106 = arith.subi %sign3A_102, %sign3A_105 : i32
    %ne3A_107 = arith.cmpi ne, %sign3A_99, %sign3A_106 : i32
    %rem3A_108 = arith.remsi %get3A_90, %jit3A_91 : i32
    %ne3A_109 = arith.constant 0 : i32
    %ne3A_110 = arith.cmpi ne, %rem3A_108, %ne3A_109 : i32
    %and3A_111 = arith.andi %ne3A_107, %ne3A_110 : i1
    %sub3A_112 = arith.constant 1 : i32
    %sub3A_113 = arith.subi %div3A_92, %sub3A_112 : i32
    %select_n3A_114 = arith.select %and3A_111, %sub3A_113, %div3A_92 : i32
    %mul3A_115 = arith.constant 128 : i32
    %mul3A_116 = arith.muli %select_n3A_114, %mul3A_115 : i32
    %min3A_117 = arith.constant 99840 : i32
    %min3A_118 = arith.minsi %mul3A_116, %min3A_117 : i32
    %multiple_of3A_119 = tpu.assume_multiple %min3A_118, 128 : i32
    %dma_start3A_120 = arith.constant 0 : i32
    %dma_start3A_121 = tpu.memref_slice %arg1[%dma_start3A_120, %multiple_of3A_119] : memref<300x100000xf32, #tpu.memory_space<hbm>> -> memref<300x128xf32, #tpu.memory_space<hbm>>
    tpu.enqueue_dma source(%dma_start3A_121 : memref<300x128xf32, #tpu.memory_space<hbm>>) target(%arg10 : memref<300x128xf32, #tpu.memory_space<vmem>>) target_semaphore(%arg15 : memref<!tpu.dma_semaphore, #tpu.memory_space<semaphore_mem>>)
    %scan3A = arith.constant 0 : i32
    %scan3A_122 = arith.constant 50 : i32
    %scan3A_123 = arith.addi %scan3A, %scan3A_122 : i32
    %scan3A_124 = arith.constant 1 : i32
    scf.for %scan3A_158 = %scan3A to %scan3A_123 step %scan3A_124  : i32 {
      %mul3A_159 = arith.constant 4 : i32
      %mul3A_160 = arith.muli %mul3A_159, %scan3A_158 : i32
      %add3A_161 = arith.constant 0 : i32
      %add3A_162 = arith.addi %mul3A_160, %add3A_161 : i32
      %dma_wait3A_163 = arith.constant 0 : i32
      %dma_wait3A_164 = arith.constant 0 : i32
      %dma_wait3A_165 = tpu.memref_slice %arg1[%dma_wait3A_163, %dma_wait3A_164] : memref<300x100000xf32, #tpu.memory_space<hbm>> -> memref<300x128xf32, #tpu.memory_space<hbm>>
      tpu.wait_dma2 semaphore(%arg12 : memref<!tpu.dma_semaphore, #tpu.memory_space<semaphore_mem>>) src(%dma_wait3A_165 : memref<300x128xf32, #tpu.memory_space<hbm>>) dst(%arg7 : memref<300x128xf32, #tpu.memory_space<vmem>>)
      %get3A_166 = arith.index_cast %add3A_162 : i32 to index
      %get3A_167 = memref.load %arg0[%get3A_166] : memref<204xi32, #tpu.memory_space<smem>>
      %jit3A_168 = arith.constant 128 : i32
      %div3A_169 = arith.divsi %get3A_167, %jit3A_168 : i32
      %sign3A_170 = arith.constant 0 : i32
      %sign3A_171 = arith.cmpi sgt, %get3A_167, %sign3A_170 : i32
      %sign3A_172 = arith.extui %sign3A_171 : i1 to i32
      %sign3A_173 = arith.constant 0 : i32
      %sign3A_174 = arith.cmpi slt, %get3A_167, %sign3A_173 : i32
      %sign3A_175 = arith.extui %sign3A_174 : i1 to i32
      %sign3A_176 = arith.subi %sign3A_172, %sign3A_175 : i32
      %sign3A_177 = arith.constant 0 : i32
      %sign3A_178 = arith.cmpi sgt, %jit3A_168, %sign3A_177 : i32
      %sign3A_179 = arith.extui %sign3A_178 : i1 to i32
      %sign3A_180 = arith.constant 0 : i32
      %sign3A_181 = arith.cmpi slt, %jit3A_168, %sign3A_180 : i32
      %sign3A_182 = arith.extui %sign3A_181 : i1 to i32
      %sign3A_183 = arith.subi %sign3A_179, %sign3A_182 : i32
      %ne3A_184 = arith.cmpi ne, %sign3A_176, %sign3A_183 : i32
      %rem3A_185 = arith.remsi %get3A_167, %jit3A_168 : i32
      %ne3A_186 = arith.constant 0 : i32
      %ne3A_187 = arith.cmpi ne, %rem3A_185, %ne3A_186 : i32
      %and3A_188 = arith.andi %ne3A_184, %ne3A_187 : i1
      %sub3A_189 = arith.constant 1 : i32
      %sub3A_190 = arith.subi %div3A_169, %sub3A_189 : i32
      %select_n3A_191 = arith.select %and3A_188, %sub3A_190, %div3A_169 : i32
      %mul3A_192 = arith.constant 128 : i32
      %mul3A_193 = arith.muli %select_n3A_191, %mul3A_192 : i32
      %min3A_194 = arith.constant 99840 : i32
      %min3A_195 = arith.minsi %mul3A_193, %min3A_194 : i32
      %multiple_of3A_196 = tpu.assume_multiple %min3A_195, 128 : i32
      %sub3A_197 = arith.subi %get3A_167, %multiple_of3A_196 : i32
      %get3A_198 = arith.constant 0 : index
      %get3A_199 = arith.constant 0 : index
      %get3A_200 = vector.load %arg7[%get3A_198, %get3A_199] : memref<300x128xf32, #tpu.memory_space<vmem>>, vector<300x128xf32>
      %eq3A = vector.broadcast %sub3A_197 : i32 to vector<1x128xi32>
      %eq3A_201 = arith.cmpi eq, %iota3A, %eq3A : vector<1x128xi32>
      %convert_element_type3A = arith.extui %eq3A_201 : vector<1x128xi1> to vector<1x128xi32>
      %convert_element_type3A_202 = arith.sitofp %convert_element_type3A : vector<1x128xi32> to vector<1x128xf32>
      %mul3A_203 = vector.broadcast %convert_element_type3A_202 : vector<1x128xf32> to vector<300x128xf32>
      %mul3A_204 = arith.mulf %get3A_200, %mul3A_203 : vector<300x128xf32>
      %reduce_sum3A = arith.constant dense<0.000000e+00> : vector<300xf32>
      %reduce_sum3A_205 = vector.multi_reduction <add>, %mul3A_204, %reduce_sum3A [1] : vector<300x128xf32> to vector<300xf32>
      %broadcast_in_dim3A_206 = vector.shape_cast %reduce_sum3A_205 : vector<300xf32> to vector<300x1xf32>
      %get3A_207 = arith.constant 0 : index
      %get3A_208 = arith.constant 0 : index
      %get3A_209 = vector.load %arg4[%get3A_207, %get3A_208] : memref<300x128xf32, #tpu.memory_space<vmem>>, vector<300x128xf32>
      %sub3A_210 = arith.constant 99872 : i32
      %sub3A_211 = arith.subi %get3A_167, %sub3A_210 : i32
      %eq3A_212 = vector.broadcast %sub3A_211 : i32 to vector<1x128xi32>
      %eq3A_213 = arith.cmpi eq, %iota3A, %eq3A_212 : vector<1x128xi32>
      %convert_element_type3A_214 = arith.extui %eq3A_213 : vector<1x128xi1> to vector<1x128xi32>
      %convert_element_type3A_215 = arith.sitofp %convert_element_type3A_214 : vector<1x128xi32> to vector<1x128xf32>
      %mul3A_216 = vector.broadcast %convert_element_type3A_215 : vector<1x128xf32> to vector<300x128xf32>
      %mul3A_217 = arith.mulf %get3A_209, %mul3A_216 : vector<300x128xf32>
      %reduce_sum3A_218 = arith.constant dense<0.000000e+00> : vector<300xf32>
      %reduce_sum3A_219 = vector.multi_reduction <add>, %mul3A_217, %reduce_sum3A_218 [1] : vector<300x128xf32> to vector<300xf32>
      %broadcast_in_dim3A_220 = vector.shape_cast %reduce_sum3A_219 : vector<300xf32> to vector<300x1xf32>
      %ge3A = arith.constant 99872 : i32
      %ge3A_221 = arith.cmpi sge, %get3A_167, %ge3A : i32
      %select_n3A_222 = arith.select %ge3A_221, %broadcast_in_dim3A_220, %broadcast_in_dim3A_206 : vector<300x1xf32>
      %mul3A_223 = arith.mulf %select_n3A_222, %select_n3A_222 : vector<300x1xf32>
      %reduce_sum3A_224 = vector.shape_cast %mul3A_223 : vector<300x1xf32> to vector<1x300x1xf32>
      %reduce_sum3A_225 = arith.constant dense<0.000000e+00> : vector<1xf32>
      %reduce_sum3A_226 = vector.multi_reduction <add>, %reduce_sum3A_224, %reduce_sum3A_225 [1, 2] : vector<1x300x1xf32> to vector<1xf32>
      %reduce_sum3A_227 = vector.shape_cast %reduce_sum3A_226 : vector<1xf32> to vector<1x1x1xf32>
      %reduce_sum3A_228 = vector.extract %reduce_sum3A_227[0, 0, 0] : f32 from vector<1x1x1xf32>
      %sqrt3A = math.sqrt %reduce_sum3A_228 : f32
      %max3A = arith.constant 1.000000e-07 : f32
      %max3A_229 = arith.maximumf %sqrt3A, %max3A : f32
      %div3A_230 = arith.constant 1.000000e+00 : f32
      %div3A_231 = arith.divf %div3A_230, %max3A_229 : f32
      %min3A_232 = arith.constant 1.000000e+00 : f32
      %min3A_233 = arith.minimumf %min3A_232, %div3A_231 : f32
      %get3A_234 = arith.constant 0 : index
      %get3A_235 = arith.constant 0 : index
      %get3A_236 = vector.load %arg11[%get3A_234, %get3A_235] : memref<300x1xf32, #tpu.memory_space<vmem>>, vector<300x1xf32>
      %mul3A_237 = vector.broadcast %min3A_233 : f32 to vector<300x1xf32>
      %mul3A_238 = arith.mulf %select_n3A_222, %mul3A_237 : vector<300x1xf32>
      %add3A_239 = arith.addf %get3A_236, %mul3A_238 : vector<300x1xf32>
      %swap3A_240 = arith.constant 0 : index
      %swap3A_241 = arith.constant 0 : index
      %swap3A_242 = vector.load %arg11[%swap3A_240, %swap3A_241] : memref<300x1xf32, #tpu.memory_space<vmem>>, vector<300x1xf32>
      tpu.vector_store %arg11[%swap3A_240, %swap3A_241], %add3A_239 {strides = array<i32>} : memref<300x1xf32, #tpu.memory_space<vmem>>, vector<300x1xf32>,
      %add3A_243 = arith.constant 4 : i32
      %add3A_244 = arith.addi %add3A_162, %add3A_243 : i32
      %get3A_245 = arith.index_cast %add3A_244 : i32 to index
      %get3A_246 = memref.load %arg0[%get3A_245] : memref<204xi32, #tpu.memory_space<smem>>
      %jit3A_247 = arith.constant 128 : i32
      %div3A_248 = arith.divsi %get3A_246, %jit3A_247 : i32
      %sign3A_249 = arith.constant 0 : i32
      %sign3A_250 = arith.cmpi sgt, %get3A_246, %sign3A_249 : i32
      %sign3A_251 = arith.extui %sign3A_250 : i1 to i32
      %sign3A_252 = arith.constant 0 : i32
      %sign3A_253 = arith.cmpi slt, %get3A_246, %sign3A_252 : i32
      %sign3A_254 = arith.extui %sign3A_253 : i1 to i32
      %sign3A_255 = arith.subi %sign3A_251, %sign3A_254 : i32
      %sign3A_256 = arith.constant 0 : i32
      %sign3A_257 = arith.cmpi sgt, %jit3A_247, %sign3A_256 : i32
      %sign3A_258 = arith.extui %sign3A_257 : i1 to i32
      %sign3A_259 = arith.constant 0 : i32
      %sign3A_260 = arith.cmpi slt, %jit3A_247, %sign3A_259 : i32
      %sign3A_261 = arith.extui %sign3A_260 : i1 to i32
      %sign3A_262 = arith.subi %sign3A_258, %sign3A_261 : i32
      %ne3A_263 = arith.cmpi ne, %sign3A_255, %sign3A_262 : i32
      %rem3A_264 = arith.remsi %get3A_246, %jit3A_247 : i32
      %ne3A_265 = arith.constant 0 : i32
      %ne3A_266 = arith.cmpi ne, %rem3A_264, %ne3A_265 : i32
      %and3A_267 = arith.andi %ne3A_263, %ne3A_266 : i1
      %sub3A_268 = arith.constant 1 : i32
      %sub3A_269 = arith.subi %div3A_248, %sub3A_268 : i32
      %select_n3A_270 = arith.select %and3A_267, %sub3A_269, %div3A_248 : i32
      %mul3A_271 = arith.constant 128 : i32
      %mul3A_272 = arith.muli %select_n3A_270, %mul3A_271 : i32
      %min3A_273 = arith.constant 99840 : i32
      %min3A_274 = arith.minsi %mul3A_272, %min3A_273 : i32
      %multiple_of3A_275 = tpu.assume_multiple %min3A_274, 128 : i32
      %dma_start3A_276 = arith.constant 0 : i32
      %dma_start3A_277 = tpu.memref_slice %arg1[%dma_start3A_276, %multiple_of3A_275] : memref<300x100000xf32, #tpu.memory_space<hbm>> -> memref<300x128xf32, #tpu.memory_space<hbm>>
      tpu.enqueue_dma source(%dma_start3A_277 : memref<300x128xf32, #tpu.memory_space<hbm>>) target(%arg7 : memref<300x128xf32, #tpu.memory_space<vmem>>) target_semaphore(%arg12 : memref<!tpu.dma_semaphore, #tpu.memory_space<semaphore_mem>>)
      %mul3A_278 = arith.constant 4 : i32
      %mul3A_279 = arith.muli %mul3A_278, %scan3A_158 : i32
      %add3A_280 = arith.constant 1 : i32
      %add3A_281 = arith.addi %mul3A_279, %add3A_280 : i32
      %dma_wait3A_282 = arith.constant 0 : i32
      %dma_wait3A_283 = arith.constant 0 : i32
      %dma_wait3A_284 = tpu.memref_slice %arg1[%dma_wait3A_282, %dma_wait3A_283] : memref<300x100000xf32, #tpu.memory_space<hbm>> -> memref<300x128xf32, #tpu.memory_space<hbm>>
      tpu.wait_dma2 semaphore(%arg13 : memref<!tpu.dma_semaphore, #tpu.memory_space<semaphore_mem>>) src(%dma_wait3A_284 : memref<300x128xf32, #tpu.memory_space<hbm>>) dst(%arg8 : memref<300x128xf32, #tpu.memory_space<vmem>>)
      %get3A_285 = arith.index_cast %add3A_281 : i32 to index
      %get3A_286 = memref.load %arg0[%get3A_285] : memref<204xi32, #tpu.memory_space<smem>>
      %jit3A_287 = arith.constant 128 : i32
      %div3A_288 = arith.divsi %get3A_286, %jit3A_287 : i32
      %sign3A_289 = arith.constant 0 : i32
      %sign3A_290 = arith.cmpi sgt, %get3A_286, %sign3A_289 : i32
      %sign3A_291 = arith.extui %sign3A_290 : i1 to i32
      %sign3A_292 = arith.constant 0 : i32
      %sign3A_293 = arith.cmpi slt, %get3A_286, %sign3A_292 : i32
      %sign3A_294 = arith.extui %sign3A_293 : i1 to i32
      %sign3A_295 = arith.subi %sign3A_291, %sign3A_294 : i32
      %sign3A_296 = arith.constant 0 : i32
      %sign3A_297 = arith.cmpi sgt, %jit3A_287, %sign3A_296 : i32
      %sign3A_298 = arith.extui %sign3A_297 : i1 to i32
      %sign3A_299 = arith.constant 0 : i32
      %sign3A_300 = arith.cmpi slt, %jit3A_287, %sign3A_299 : i32
      %sign3A_301 = arith.extui %sign3A_300 : i1 to i32
      %sign3A_302 = arith.subi %sign3A_298, %sign3A_301 : i32
      %ne3A_303 = arith.cmpi ne, %sign3A_295, %sign3A_302 : i32
      %rem3A_304 = arith.remsi %get3A_286, %jit3A_287 : i32
      %ne3A_305 = arith.constant 0 : i32
      %ne3A_306 = arith.cmpi ne, %rem3A_304, %ne3A_305 : i32
      %and3A_307 = arith.andi %ne3A_303, %ne3A_306 : i1
      %sub3A_308 = arith.constant 1 : i32
      %sub3A_309 = arith.subi %div3A_288, %sub3A_308 : i32
      %select_n3A_310 = arith.select %and3A_307, %sub3A_309, %div3A_288 : i32
      %mul3A_311 = arith.constant 128 : i32
      %mul3A_312 = arith.muli %select_n3A_310, %mul3A_311 : i32
      %min3A_313 = arith.constant 99840 : i32
      %min3A_314 = arith.minsi %mul3A_312, %min3A_313 : i32
      %multiple_of3A_315 = tpu.assume_multiple %min3A_314, 128 : i32
      %sub3A_316 = arith.subi %get3A_286, %multiple_of3A_315 : i32
      %get3A_317 = arith.constant 0 : index
      %get3A_318 = arith.constant 0 : index
      %get3A_319 = vector.load %arg8[%get3A_317, %get3A_318] : memref<300x128xf32, #tpu.memory_space<vmem>>, vector<300x128xf32>
      %eq3A_320 = vector.broadcast %sub3A_316 : i32 to vector<1x128xi32>
      %eq3A_321 = arith.cmpi eq, %iota3A, %eq3A_320 : vector<1x128xi32>
      %convert_element_type3A_322 = arith.extui %eq3A_321 : vector<1x128xi1> to vector<1x128xi32>
      %convert_element_type3A_323 = arith.sitofp %convert_element_type3A_322 : vector<1x128xi32> to vector<1x128xf32>
      %mul3A_324 = vector.broadcast %convert_element_type3A_323 : vector<1x128xf32> to vector<300x128xf32>
      %mul3A_325 = arith.mulf %get3A_319, %mul3A_324 : vector<300x128xf32>
      %reduce_sum3A_326 = arith.constant dense<0.000000e+00> : vector<300xf32>
      %reduce_sum3A_327 = vector.multi_reduction <add>, %mul3A_325, %reduce_sum3A_326 [1] : vector<300x128xf32> to vector<300xf32>
      %broadcast_in_dim3A_328 = vector.shape_cast %reduce_sum3A_327 : vector<300xf32> to vector<300x1xf32>
      %get3A_329 = arith.constant 0 : index
      %get3A_330 = arith.constant 0 : index
      %get3A_331 = vector.load %arg4[%get3A_329, %get3A_330] : memref<300x128xf32, #tpu.memory_space<vmem>>, vector<300x128xf32>
      %sub3A_332 = arith.constant 99872 : i32
      %sub3A_333 = arith.subi %get3A_286, %sub3A_332 : i32
      %eq3A_334 = vector.broadcast %sub3A_333 : i32 to vector<1x128xi32>
      %eq3A_335 = arith.cmpi eq, %iota3A, %eq3A_334 : vector<1x128xi32>
      %convert_element_type3A_336 = arith.extui %eq3A_335 : vector<1x128xi1> to vector<1x128xi32>
      %convert_element_type3A_337 = arith.sitofp %convert_element_type3A_336 : vector<1x128xi32> to vector<1x128xf32>
      %mul3A_338 = vector.broadcast %convert_element_type3A_337 : vector<1x128xf32> to vector<300x128xf32>
      %mul3A_339 = arith.mulf %get3A_331, %mul3A_338 : vector<300x128xf32>
      %reduce_sum3A_340 = arith.constant dense<0.000000e+00> : vector<300xf32>
      %reduce_sum3A_341 = vector.multi_reduction <add>, %mul3A_339, %reduce_sum3A_340 [1] : vector<300x128xf32> to vector<300xf32>
      %broadcast_in_dim3A_342 = vector.shape_cast %reduce_sum3A_341 : vector<300xf32> to vector<300x1xf32>
      %ge3A_343 = arith.constant 99872 : i32
      %ge3A_344 = arith.cmpi sge, %get3A_286, %ge3A_343 : i32
      %select_n3A_345 = arith.select %ge3A_344, %broadcast_in_dim3A_342, %broadcast_in_dim3A_328 : vector<300x1xf32>
      %mul3A_346 = arith.mulf %select_n3A_345, %select_n3A_345 : vector<300x1xf32>
      %reduce_sum3A_347 = vector.shape_cast %mul3A_346 : vector<300x1xf32> to vector<1x300x1xf32>
      %reduce_sum3A_348 = arith.constant dense<0.000000e+00> : vector<1xf32>
      %reduce_sum3A_349 = vector.multi_reduction <add>, %reduce_sum3A_347, %reduce_sum3A_348 [1, 2] : vector<1x300x1xf32> to vector<1xf32>
      %reduce_sum3A_350 = vector.shape_cast %reduce_sum3A_349 : vector<1xf32> to vector<1x1x1xf32>
      %reduce_sum3A_351 = vector.extract %reduce_sum3A_350[0, 0, 0] : f32 from vector<1x1x1xf32>
      %sqrt3A_352 = math.sqrt %reduce_sum3A_351 : f32
      %max3A_353 = arith.constant 1.000000e-07 : f32
      %max3A_354 = arith.maximumf %sqrt3A_352, %max3A_353 : f32
      %div3A_355 = arith.constant 1.000000e+00 : f32
      %div3A_356 = arith.divf %div3A_355, %max3A_354 : f32
      %min3A_357 = arith.constant 1.000000e+00 : f32
      %min3A_358 = arith.minimumf %min3A_357, %div3A_356 : f32
      %get3A_359 = arith.constant 0 : index
      %get3A_360 = arith.constant 0 : index
      %get3A_361 = vector.load %arg11[%get3A_359, %get3A_360] : memref<300x1xf32, #tpu.memory_space<vmem>>, vector<300x1xf32>
      %mul3A_362 = vector.broadcast %min3A_358 : f32 to vector<300x1xf32>
      %mul3A_363 = arith.mulf %select_n3A_345, %mul3A_362 : vector<300x1xf32>
      %add3A_364 = arith.addf %get3A_361, %mul3A_363 : vector<300x1xf32>
      %swap3A_365 = arith.constant 0 : index
      %swap3A_366 = arith.constant 0 : index
      %swap3A_367 = vector.load %arg11[%swap3A_365, %swap3A_366] : memref<300x1xf32, #tpu.memory_space<vmem>>, vector<300x1xf32>
      tpu.vector_store %arg11[%swap3A_365, %swap3A_366], %add3A_364 {strides = array<i32>} : memref<300x1xf32, #tpu.memory_space<vmem>>, vector<300x1xf32>,
      %add3A_368 = arith.constant 4 : i32
      %add3A_369 = arith.addi %add3A_281, %add3A_368 : i32
      %get3A_370 = arith.index_cast %add3A_369 : i32 to index
      %get3A_371 = memref.load %arg0[%get3A_370] : memref<204xi32, #tpu.memory_space<smem>>
      %jit3A_372 = arith.constant 128 : i32
      %div3A_373 = arith.divsi %get3A_371, %jit3A_372 : i32
      %sign3A_374 = arith.constant 0 : i32
      %sign3A_375 = arith.cmpi sgt, %get3A_371, %sign3A_374 : i32
      %sign3A_376 = arith.extui %sign3A_375 : i1 to i32
      %sign3A_377 = arith.constant 0 : i32
      %sign3A_378 = arith.cmpi slt, %get3A_371, %sign3A_377 : i32
      %sign3A_379 = arith.extui %sign3A_378 : i1 to i32
      %sign3A_380 = arith.subi %sign3A_376, %sign3A_379 : i32
      %sign3A_381 = arith.constant 0 : i32
      %sign3A_382 = arith.cmpi sgt, %jit3A_372, %sign3A_381 : i32
      %sign3A_383 = arith.extui %sign3A_382 : i1 to i32
      %sign3A_384 = arith.constant 0 : i32
      %sign3A_385 = arith.cmpi slt, %jit3A_372, %sign3A_384 : i32
      %sign3A_386 = arith.extui %sign3A_385 : i1 to i32
      %sign3A_387 = arith.subi %sign3A_383, %sign3A_386 : i32
      %ne3A_388 = arith.cmpi ne, %sign3A_380, %sign3A_387 : i32
      %rem3A_389 = arith.remsi %get3A_371, %jit3A_372 : i32
      %ne3A_390 = arith.constant 0 : i32
      %ne3A_391 = arith.cmpi ne, %rem3A_389, %ne3A_390 : i32
      %and3A_392 = arith.andi %ne3A_388, %ne3A_391 : i1
      %sub3A_393 = arith.constant 1 : i32
      %sub3A_394 = arith.subi %div3A_373, %sub3A_393 : i32
      %select_n3A_395 = arith.select %and3A_392, %sub3A_394, %div3A_373 : i32
      %mul3A_396 = arith.constant 128 : i32
      %mul3A_397 = arith.muli %select_n3A_395, %mul3A_396 : i32
      %min3A_398 = arith.constant 99840 : i32
      %min3A_399 = arith.minsi %mul3A_397, %min3A_398 : i32
      %multiple_of3A_400 = tpu.assume_multiple %min3A_399, 128 : i32
      %dma_start3A_401 = arith.constant 0 : i32
      %dma_start3A_402 = tpu.memref_slice %arg1[%dma_start3A_401, %multiple_of3A_400] : memref<300x100000xf32, #tpu.memory_space<hbm>> -> memref<300x128xf32, #tpu.memory_space<hbm>>
      tpu.enqueue_dma source(%dma_start3A_402 : memref<300x128xf32, #tpu.memory_space<hbm>>) target(%arg8 : memref<300x128xf32, #tpu.memory_space<vmem>>) target_semaphore(%arg13 : memref<!tpu.dma_semaphore, #tpu.memory_space<semaphore_mem>>)
      %mul3A_403 = arith.constant 4 : i32
      %mul3A_404 = arith.muli %mul3A_403, %scan3A_158 : i32
      %add3A_405 = arith.constant 2 : i32
      %add3A_406 = arith.addi %mul3A_404, %add3A_405 : i32
      %dma_wait3A_407 = arith.constant 0 : i32
      %dma_wait3A_408 = arith.constant 0 : i32
      %dma_wait3A_409 = tpu.memref_slice %arg1[%dma_wait3A_407, %dma_wait3A_408] : memref<300x100000xf32, #tpu.memory_space<hbm>> -> memref<300x128xf32, #tpu.memory_space<hbm>>
      tpu.wait_dma2 semaphore(%arg14 : memref<!tpu.dma_semaphore, #tpu.memory_space<semaphore_mem>>) src(%dma_wait3A_409 : memref<300x128xf32, #tpu.memory_space<hbm>>) dst(%arg9 : memref<300x128xf32, #tpu.memory_space<vmem>>)
      %get3A_410 = arith.index_cast %add3A_406 : i32 to index
      %get3A_411 = memref.load %arg0[%get3A_410] : memref<204xi32, #tpu.memory_space<smem>>
      %jit3A_412 = arith.constant 128 : i32
      %div3A_413 = arith.divsi %get3A_411, %jit3A_412 : i32
      %sign3A_414 = arith.constant 0 : i32
      %sign3A_415 = arith.cmpi sgt, %get3A_411, %sign3A_414 : i32
      %sign3A_416 = arith.extui %sign3A_415 : i1 to i32
      %sign3A_417 = arith.constant 0 : i32
      %sign3A_418 = arith.cmpi slt, %get3A_411, %sign3A_417 : i32
      %sign3A_419 = arith.extui %sign3A_418 : i1 to i32
      %sign3A_420 = arith.subi %sign3A_416, %sign3A_419 : i32
      %sign3A_421 = arith.constant 0 : i32
      %sign3A_422 = arith.cmpi sgt, %jit3A_412, %sign3A_421 : i32
      %sign3A_423 = arith.extui %sign3A_422 : i1 to i32
      %sign3A_424 = arith.constant 0 : i32
      %sign3A_425 = arith.cmpi slt, %jit3A_412, %sign3A_424 : i32
      %sign3A_426 = arith.extui %sign3A_425 : i1 to i32
      %sign3A_427 = arith.subi %sign3A_423, %sign3A_426 : i32
      %ne3A_428 = arith.cmpi ne, %sign3A_420, %sign3A_427 : i32
      %rem3A_429 = arith.remsi %get3A_411, %jit3A_412 : i32
      %ne3A_430 = arith.constant 0 : i32
      %ne3A_431 = arith.cmpi ne, %rem3A_429, %ne3A_430 : i32
      %and3A_432 = arith.andi %ne3A_428, %ne3A_431 : i1
      %sub3A_433 = arith.constant 1 : i32
      %sub3A_434 = arith.subi %div3A_413, %sub3A_433 : i32
      %select_n3A_435 = arith.select %and3A_432, %sub3A_434, %div3A_413 : i32
      %mul3A_436 = arith.constant 128 : i32
      %mul3A_437 = arith.muli %select_n3A_435, %mul3A_436 : i32
      %min3A_438 = arith.constant 99840 : i32
      %min3A_439 = arith.minsi %mul3A_437, %min3A_438 : i32
      %multiple_of3A_440 = tpu.assume_multiple %min3A_439, 128 : i32
      %sub3A_441 = arith.subi %get3A_411, %multiple_of3A_440 : i32
      %get3A_442 = arith.constant 0 : index
      %get3A_443 = arith.constant 0 : index
      %get3A_444 = vector.load %arg9[%get3A_442, %get3A_443] : memref<300x128xf32, #tpu.memory_space<vmem>>, vector<300x128xf32>
      %eq3A_445 = vector.broadcast %sub3A_441 : i32 to vector<1x128xi32>
      %eq3A_446 = arith.cmpi eq, %iota3A, %eq3A_445 : vector<1x128xi32>
      %convert_element_type3A_447 = arith.extui %eq3A_446 : vector<1x128xi1> to vector<1x128xi32>
      %convert_element_type3A_448 = arith.sitofp %convert_element_type3A_447 : vector<1x128xi32> to vector<1x128xf32>
      %mul3A_449 = vector.broadcast %convert_element_type3A_448 : vector<1x128xf32> to vector<300x128xf32>
      %mul3A_450 = arith.mulf %get3A_444, %mul3A_449 : vector<300x128xf32>
      %reduce_sum3A_451 = arith.constant dense<0.000000e+00> : vector<300xf32>
      %reduce_sum3A_452 = vector.multi_reduction <add>, %mul3A_450, %reduce_sum3A_451 [1] : vector<300x128xf32> to vector<300xf32>
      %broadcast_in_dim3A_453 = vector.shape_cast %reduce_sum3A_452 : vector<300xf32> to vector<300x1xf32>
      %get3A_454 = arith.constant 0 : index
      %get3A_455 = arith.constant 0 : index
      %get3A_456 = vector.load %arg4[%get3A_454, %get3A_455] : memref<300x128xf32, #tpu.memory_space<vmem>>, vector<300x128xf32>
      %sub3A_457 = arith.constant 99872 : i32
      %sub3A_458 = arith.subi %get3A_411, %sub3A_457 : i32
      %eq3A_459 = vector.broadcast %sub3A_458 : i32 to vector<1x128xi32>
      %eq3A_460 = arith.cmpi eq, %iota3A, %eq3A_459 : vector<1x128xi32>
      %convert_element_type3A_461 = arith.extui %eq3A_460 : vector<1x128xi1> to vector<1x128xi32>
      %convert_element_type3A_462 = arith.sitofp %convert_element_type3A_461 : vector<1x128xi32> to vector<1x128xf32>
      %mul3A_463 = vector.broadcast %convert_element_type3A_462 : vector<1x128xf32> to vector<300x128xf32>
      %mul3A_464 = arith.mulf %get3A_456, %mul3A_463 : vector<300x128xf32>
      %reduce_sum3A_465 = arith.constant dense<0.000000e+00> : vector<300xf32>
      %reduce_sum3A_466 = vector.multi_reduction <add>, %mul3A_464, %reduce_sum3A_465 [1] : vector<300x128xf32> to vector<300xf32>
      %broadcast_in_dim3A_467 = vector.shape_cast %reduce_sum3A_466 : vector<300xf32> to vector<300x1xf32>
      %ge3A_468 = arith.constant 99872 : i32
      %ge3A_469 = arith.cmpi sge, %get3A_411, %ge3A_468 : i32
      %select_n3A_470 = arith.select %ge3A_469, %broadcast_in_dim3A_467, %broadcast_in_dim3A_453 : vector<300x1xf32>
      %mul3A_471 = arith.mulf %select_n3A_470, %select_n3A_470 : vector<300x1xf32>
      %reduce_sum3A_472 = vector.shape_cast %mul3A_471 : vector<300x1xf32> to vector<1x300x1xf32>
      %reduce_sum3A_473 = arith.constant dense<0.000000e+00> : vector<1xf32>
      %reduce_sum3A_474 = vector.multi_reduction <add>, %reduce_sum3A_472, %reduce_sum3A_473 [1, 2] : vector<1x300x1xf32> to vector<1xf32>
      %reduce_sum3A_475 = vector.shape_cast %reduce_sum3A_474 : vector<1xf32> to vector<1x1x1xf32>
      %reduce_sum3A_476 = vector.extract %reduce_sum3A_475[0, 0, 0] : f32 from vector<1x1x1xf32>
      %sqrt3A_477 = math.sqrt %reduce_sum3A_476 : f32
      %max3A_478 = arith.constant 1.000000e-07 : f32
      %max3A_479 = arith.maximumf %sqrt3A_477, %max3A_478 : f32
      %div3A_480 = arith.constant 1.000000e+00 : f32
      %div3A_481 = arith.divf %div3A_480, %max3A_479 : f32
      %min3A_482 = arith.constant 1.000000e+00 : f32
      %min3A_483 = arith.minimumf %min3A_482, %div3A_481 : f32
      %get3A_484 = arith.constant 0 : index
      %get3A_485 = arith.constant 0 : index
      %get3A_486 = vector.load %arg11[%get3A_484, %get3A_485] : memref<300x1xf32, #tpu.memory_space<vmem>>, vector<300x1xf32>
      %mul3A_487 = vector.broadcast %min3A_483 : f32 to vector<300x1xf32>
      %mul3A_488 = arith.mulf %select_n3A_470, %mul3A_487 : vector<300x1xf32>
      %add3A_489 = arith.addf %get3A_486, %mul3A_488 : vector<300x1xf32>
      %swap3A_490 = arith.constant 0 : index
      %swap3A_491 = arith.constant 0 : index
      %swap3A_492 = vector.load %arg11[%swap3A_490, %swap3A_491] : memref<300x1xf32, #tpu.memory_space<vmem>>, vector<300x1xf32>
      tpu.vector_store %arg11[%swap3A_490, %swap3A_491], %add3A_489 {strides = array<i32>} : memref<300x1xf32, #tpu.memory_space<vmem>>, vector<300x1xf32>,
      %add3A_493 = arith.constant 4 : i32
      %add3A_494 = arith.addi %add3A_406, %add3A_493 : i32
      %get3A_495 = arith.index_cast %add3A_494 : i32 to index
      %get3A_496 = memref.load %arg0[%get3A_495] : memref<204xi32, #tpu.memory_space<smem>>
      %jit3A_497 = arith.constant 128 : i32
      %div3A_498 = arith.divsi %get3A_496, %jit3A_497 : i32
      %sign3A_499 = arith.constant 0 : i32
      %sign3A_500 = arith.cmpi sgt, %get3A_496, %sign3A_499 : i32
      %sign3A_501 = arith.extui %sign3A_500 : i1 to i32
      %sign3A_502 = arith.constant 0 : i32
      %sign3A_503 = arith.cmpi slt, %get3A_496, %sign3A_502 : i32
      %sign3A_504 = arith.extui %sign3A_503 : i1 to i32
      %sign3A_505 = arith.subi %sign3A_501, %sign3A_504 : i32
      %sign3A_506 = arith.constant 0 : i32
      %sign3A_507 = arith.cmpi sgt, %jit3A_497, %sign3A_506 : i32
      %sign3A_508 = arith.extui %sign3A_507 : i1 to i32
      %sign3A_509 = arith.constant 0 : i32
      %sign3A_510 = arith.cmpi slt, %jit3A_497, %sign3A_509 : i32
      %sign3A_511 = arith.extui %sign3A_510 : i1 to i32
      %sign3A_512 = arith.subi %sign3A_508, %sign3A_511 : i32
      %ne3A_513 = arith.cmpi ne, %sign3A_505, %sign3A_512 : i32
      %rem3A_514 = arith.remsi %get3A_496, %jit3A_497 : i32
      %ne3A_515 = arith.constant 0 : i32
      %ne3A_516 = arith.cmpi ne, %rem3A_514, %ne3A_515 : i32
      %and3A_517 = arith.andi %ne3A_513, %ne3A_516 : i1
      %sub3A_518 = arith.constant 1 : i32
      %sub3A_519 = arith.subi %div3A_498, %sub3A_518 : i32
      %select_n3A_520 = arith.select %and3A_517, %sub3A_519, %div3A_498 : i32
      %mul3A_521 = arith.constant 128 : i32
      %mul3A_522 = arith.muli %select_n3A_520, %mul3A_521 : i32
      %min3A_523 = arith.constant 99840 : i32
      %min3A_524 = arith.minsi %mul3A_522, %min3A_523 : i32
      %multiple_of3A_525 = tpu.assume_multiple %min3A_524, 128 : i32
      %dma_start3A_526 = arith.constant 0 : i32
      %dma_start3A_527 = tpu.memref_slice %arg1[%dma_start3A_526, %multiple_of3A_525] : memref<300x100000xf32, #tpu.memory_space<hbm>> -> memref<300x128xf32, #tpu.memory_space<hbm>>
      tpu.enqueue_dma source(%dma_start3A_527 : memref<300x128xf32, #tpu.memory_space<hbm>>) target(%arg9 : memref<300x128xf32, #tpu.memory_space<vmem>>) target_semaphore(%arg14 : memref<!tpu.dma_semaphore, #tpu.memory_space<semaphore_mem>>)
      %mul3A_528 = arith.constant 4 : i32
      %mul3A_529 = arith.muli %mul3A_528, %scan3A_158 : i32
      %add3A_530 = arith.constant 3 : i32
      %add3A_531 = arith.addi %mul3A_529, %add3A_530 : i32
      %dma_wait3A_532 = arith.constant 0 : i32
      %dma_wait3A_533 = arith.constant 0 : i32
      %dma_wait3A_534 = tpu.memref_slice %arg1[%dma_wait3A_532, %dma_wait3A_533] : memref<300x100000xf32, #tpu.memory_space<hbm>> -> memref<300x128xf32, #tpu.memory_space<hbm>>
      tpu.wait_dma2 semaphore(%arg15 : memref<!tpu.dma_semaphore, #tpu.memory_space<semaphore_mem>>) src(%dma_wait3A_534 : memref<300x128xf32, #tpu.memory_space<hbm>>) dst(%arg10 : memref<300x128xf32, #tpu.memory_space<vmem>>)
      %get3A_535 = arith.index_cast %add3A_531 : i32 to index
      %get3A_536 = memref.load %arg0[%get3A_535] : memref<204xi32, #tpu.memory_space<smem>>
      %jit3A_537 = arith.constant 128 : i32
      %div3A_538 = arith.divsi %get3A_536, %jit3A_537 : i32
      %sign3A_539 = arith.constant 0 : i32
      %sign3A_540 = arith.cmpi sgt, %get3A_536, %sign3A_539 : i32
      %sign3A_541 = arith.extui %sign3A_540 : i1 to i32
      %sign3A_542 = arith.constant 0 : i32
      %sign3A_543 = arith.cmpi slt, %get3A_536, %sign3A_542 : i32
      %sign3A_544 = arith.extui %sign3A_543 : i1 to i32
      %sign3A_545 = arith.subi %sign3A_541, %sign3A_544 : i32
      %sign3A_546 = arith.constant 0 : i32
      %sign3A_547 = arith.cmpi sgt, %jit3A_537, %sign3A_546 : i32
      %sign3A_548 = arith.extui %sign3A_547 : i1 to i32
      %sign3A_549 = arith.constant 0 : i32
      %sign3A_550 = arith.cmpi slt, %jit3A_537, %sign3A_549 : i32
      %sign3A_551 = arith.extui %sign3A_550 : i1 to i32
      %sign3A_552 = arith.subi %sign3A_548, %sign3A_551 : i32
      %ne3A_553 = arith.cmpi ne, %sign3A_545, %sign3A_552 : i32
      %rem3A_554 = arith.remsi %get3A_536, %jit3A_537 : i32
      %ne3A_555 = arith.constant 0 : i32
      %ne3A_556 = arith.cmpi ne, %rem3A_554, %ne3A_555 : i32
      %and3A_557 = arith.andi %ne3A_553, %ne3A_556 : i1
      %sub3A_558 = arith.constant 1 : i32
      %sub3A_559 = arith.subi %div3A_538, %sub3A_558 : i32
      %select_n3A_560 = arith.select %and3A_557, %sub3A_559, %div3A_538 : i32
      %mul3A_561 = arith.constant 128 : i32
      %mul3A_562 = arith.muli %select_n3A_560, %mul3A_561 : i32
      %min3A_563 = arith.constant 99840 : i32
      %min3A_564 = arith.minsi %mul3A_562, %min3A_563 : i32
      %multiple_of3A_565 = tpu.assume_multiple %min3A_564, 128 : i32
      %sub3A_566 = arith.subi %get3A_536, %multiple_of3A_565 : i32
      %get3A_567 = arith.constant 0 : index
      %get3A_568 = arith.constant 0 : index
      %get3A_569 = vector.load %arg10[%get3A_567, %get3A_568] : memref<300x128xf32, #tpu.memory_space<vmem>>, vector<300x128xf32>
      %eq3A_570 = vector.broadcast %sub3A_566 : i32 to vector<1x128xi32>
      %eq3A_571 = arith.cmpi eq, %iota3A, %eq3A_570 : vector<1x128xi32>
      %convert_element_type3A_572 = arith.extui %eq3A_571 : vector<1x128xi1> to vector<1x128xi32>
      %convert_element_type3A_573 = arith.sitofp %convert_element_type3A_572 : vector<1x128xi32> to vector<1x128xf32>
      %mul3A_574 = vector.broadcast %convert_element_type3A_573 : vector<1x128xf32> to vector<300x128xf32>
      %mul3A_575 = arith.mulf %get3A_569, %mul3A_574 : vector<300x128xf32>
      %reduce_sum3A_576 = arith.constant dense<0.000000e+00> : vector<300xf32>
      %reduce_sum3A_577 = vector.multi_reduction <add>, %mul3A_575, %reduce_sum3A_576 [1] : vector<300x128xf32> to vector<300xf32>
      %broadcast_in_dim3A_578 = vector.shape_cast %reduce_sum3A_577 : vector<300xf32> to vector<300x1xf32>
      %get3A_579 = arith.constant 0 : index
      %get3A_580 = arith.constant 0 : index
      %get3A_581 = vector.load %arg4[%get3A_579, %get3A_580] : memref<300x128xf32, #tpu.memory_space<vmem>>, vector<300x128xf32>
      %sub3A_582 = arith.constant 99872 : i32
      %sub3A_583 = arith.subi %get3A_536, %sub3A_582 : i32
      %eq3A_584 = vector.broadcast %sub3A_583 : i32 to vector<1x128xi32>
      %eq3A_585 = arith.cmpi eq, %iota3A, %eq3A_584 : vector<1x128xi32>
      %convert_element_type3A_586 = arith.extui %eq3A_585 : vector<1x128xi1> to vector<1x128xi32>
      %convert_element_type3A_587 = arith.sitofp %convert_element_type3A_586 : vector<1x128xi32> to vector<1x128xf32>
      %mul3A_588 = vector.broadcast %convert_element_type3A_587 : vector<1x128xf32> to vector<300x128xf32>
      %mul3A_589 = arith.mulf %get3A_581, %mul3A_588 : vector<300x128xf32>
      %reduce_sum3A_590 = arith.constant dense<0.000000e+00> : vector<300xf32>
      %reduce_sum3A_591 = vector.multi_reduction <add>, %mul3A_589, %reduce_sum3A_590 [1] : vector<300x128xf32> to vector<300xf32>
      %broadcast_in_dim3A_592 = vector.shape_cast %reduce_sum3A_591 : vector<300xf32> to vector<300x1xf32>
      %ge3A_593 = arith.constant 99872 : i32
      %ge3A_594 = arith.cmpi sge, %get3A_536, %ge3A_593 : i32
      %select_n3A_595 = arith.select %ge3A_594, %broadcast_in_dim3A_592, %broadcast_in_dim3A_578 : vector<300x1xf32>
      %mul3A_596 = arith.mulf %select_n3A_595, %select_n3A_595 : vector<300x1xf32>
      %reduce_sum3A_597 = vector.shape_cast %mul3A_596 : vector<300x1xf32> to vector<1x300x1xf32>
      %reduce_sum3A_598 = arith.constant dense<0.000000e+00> : vector<1xf32>
      %reduce_sum3A_599 = vector.multi_reduction <add>, %reduce_sum3A_597, %reduce_sum3A_598 [1, 2] : vector<1x300x1xf32> to vector<1xf32>
      %reduce_sum3A_600 = vector.shape_cast %reduce_sum3A_599 : vector<1xf32> to vector<1x1x1xf32>
      %reduce_sum3A_601 = vector.extract %reduce_sum3A_600[0, 0, 0] : f32 from vector<1x1x1xf32>
      %sqrt3A_602 = math.sqrt %reduce_sum3A_601 : f32
      %max3A_603 = arith.constant 1.000000e-07 : f32
      %max3A_604 = arith.maximumf %sqrt3A_602, %max3A_603 : f32
      %div3A_605 = arith.constant 1.000000e+00 : f32
      %div3A_606 = arith.divf %div3A_605, %max3A_604 : f32
      %min3A_607 = arith.constant 1.000000e+00 : f32
      %min3A_608 = arith.minimumf %min3A_607, %div3A_606 : f32
      %get3A_609 = arith.constant 0 : index
      %get3A_610 = arith.constant 0 : index
      %get3A_611 = vector.load %arg11[%get3A_609, %get3A_610] : memref<300x1xf32, #tpu.memory_space<vmem>>, vector<300x1xf32>
      %mul3A_612 = vector.broadcast %min3A_608 : f32 to vector<300x1xf32>
      %mul3A_613 = arith.mulf %select_n3A_595, %mul3A_612 : vector<300x1xf32>
      %add3A_614 = arith.addf %get3A_611, %mul3A_613 : vector<300x1xf32>
      %swap3A_615 = arith.constant 0 : index
      %swap3A_616 = arith.constant 0 : index
      %swap3A_617 = vector.load %arg11[%swap3A_615, %swap3A_616] : memref<300x1xf32, #tpu.memory_space<vmem>>, vector<300x1xf32>
      tpu.vector_store %arg11[%swap3A_615, %swap3A_616], %add3A_614 {strides = array<i32>} : memref<300x1xf32, #tpu.memory_space<vmem>>, vector<300x1xf32>,
      %add3A_618 = arith.constant 4 : i32
      %add3A_619 = arith.addi %add3A_531, %add3A_618 : i32
      %get3A_620 = arith.index_cast %add3A_619 : i32 to index
      %get3A_621 = memref.load %arg0[%get3A_620] : memref<204xi32, #tpu.memory_space<smem>>
      %jit3A_622 = arith.constant 128 : i32
      %div3A_623 = arith.divsi %get3A_621, %jit3A_622 : i32
      %sign3A_624 = arith.constant 0 : i32
      %sign3A_625 = arith.cmpi sgt, %get3A_621, %sign3A_624 : i32
      %sign3A_626 = arith.extui %sign3A_625 : i1 to i32
      %sign3A_627 = arith.constant 0 : i32
      %sign3A_628 = arith.cmpi slt, %get3A_621, %sign3A_627 : i32
      %sign3A_629 = arith.extui %sign3A_628 : i1 to i32
      %sign3A_630 = arith.subi %sign3A_626, %sign3A_629 : i32
      %sign3A_631 = arith.constant 0 : i32
      %sign3A_632 = arith.cmpi sgt, %jit3A_622, %sign3A_631 : i32
      %sign3A_633 = arith.extui %sign3A_632 : i1 to i32
      %sign3A_634 = arith.constant 0 : i32
      %sign3A_635 = arith.cmpi slt, %jit3A_622, %sign3A_634 : i32
      %sign3A_636 = arith.extui %sign3A_635 : i1 to i32
      %sign3A_637 = arith.subi %sign3A_633, %sign3A_636 : i32
      %ne3A_638 = arith.cmpi ne, %sign3A_630, %sign3A_637 : i32
      %rem3A_639 = arith.remsi %get3A_621, %jit3A_622 : i32
      %ne3A_640 = arith.constant 0 : i32
      %ne3A_641 = arith.cmpi ne, %rem3A_639, %ne3A_640 : i32
      %and3A_642 = arith.andi %ne3A_638, %ne3A_641 : i1
      %sub3A_643 = arith.constant 1 : i32
      %sub3A_644 = arith.subi %div3A_623, %sub3A_643 : i32
      %select_n3A_645 = arith.select %and3A_642, %sub3A_644, %div3A_623 : i32
      %mul3A_646 = arith.constant 128 : i32
      %mul3A_647 = arith.muli %select_n3A_645, %mul3A_646 : i32
      %min3A_648 = arith.constant 99840 : i32
      %min3A_649 = arith.minsi %mul3A_647, %min3A_648 : i32
      %multiple_of3A_650 = tpu.assume_multiple %min3A_649, 128 : i32
      %dma_start3A_651 = arith.constant 0 : i32
      %dma_start3A_652 = tpu.memref_slice %arg1[%dma_start3A_651, %multiple_of3A_650] : memref<300x100000xf32, #tpu.memory_space<hbm>> -> memref<300x128xf32, #tpu.memory_space<hbm>>
      tpu.enqueue_dma source(%dma_start3A_652 : memref<300x128xf32, #tpu.memory_space<hbm>>) target(%arg10 : memref<300x128xf32, #tpu.memory_space<vmem>>) target_semaphore(%arg15 : memref<!tpu.dma_semaphore, #tpu.memory_space<semaphore_mem>>)
    }
    %scan3A_125 = arith.constant 50 : i32
    %dma_wait3A = arith.constant 0 : i32
    %dma_wait3A_126 = arith.constant 0 : i32
    %dma_wait3A_127 = tpu.memref_slice %arg1[%dma_wait3A, %dma_wait3A_126] : memref<300x100000xf32, #tpu.memory_space<hbm>> -> memref<300x128xf32, #tpu.memory_space<hbm>>
    tpu.wait_dma2 semaphore(%arg12 : memref<!tpu.dma_semaphore, #tpu.memory_space<semaphore_mem>>) src(%dma_wait3A_127 : memref<300x128xf32, #tpu.memory_space<hbm>>) dst(%arg7 : memref<300x128xf32, #tpu.memory_space<vmem>>)
    %dma_wait3A_128 = arith.constant 0 : i32
    %dma_wait3A_129 = arith.constant 0 : i32
    %dma_wait3A_130 = tpu.memref_slice %arg1[%dma_wait3A_128, %dma_wait3A_129] : memref<300x100000xf32, #tpu.memory_space<hbm>> -> memref<300x128xf32, #tpu.memory_space<hbm>>
    tpu.wait_dma2 semaphore(%arg13 : memref<!tpu.dma_semaphore, #tpu.memory_space<semaphore_mem>>) src(%dma_wait3A_130 : memref<300x128xf32, #tpu.memory_space<hbm>>) dst(%arg8 : memref<300x128xf32, #tpu.memory_space<vmem>>)
    %dma_wait3A_131 = arith.constant 0 : i32
    %dma_wait3A_132 = arith.constant 0 : i32
    %dma_wait3A_133 = tpu.memref_slice %arg1[%dma_wait3A_131, %dma_wait3A_132] : memref<300x100000xf32, #tpu.memory_space<hbm>> -> memref<300x128xf32, #tpu.memory_space<hbm>>
    tpu.wait_dma2 semaphore(%arg14 : memref<!tpu.dma_semaphore, #tpu.memory_space<semaphore_mem>>) src(%dma_wait3A_133 : memref<300x128xf32, #tpu.memory_space<hbm>>) dst(%arg9 : memref<300x128xf32, #tpu.memory_space<vmem>>)
    %dma_wait3A_134 = arith.constant 0 : i32
    %dma_wait3A_135 = arith.constant 0 : i32
    %dma_wait3A_136 = tpu.memref_slice %arg1[%dma_wait3A_134, %dma_wait3A_135] : memref<300x100000xf32, #tpu.memory_space<hbm>> -> memref<300x128xf32, #tpu.memory_space<hbm>>
    tpu.wait_dma2 semaphore(%arg15 : memref<!tpu.dma_semaphore, #tpu.memory_space<semaphore_mem>>) src(%dma_wait3A_136 : memref<300x128xf32, #tpu.memory_space<hbm>>) dst(%arg10 : memref<300x128xf32, #tpu.memory_space<vmem>>)
    %get3A_137 = arith.constant 0 : index
    %get3A_138 = arith.constant 0 : index
    %get3A_139 = vector.load %arg11[%get3A_137, %get3A_138] : memref<300x1xf32, #tpu.memory_space<vmem>>, vector<300x1xf32>
    %mul3A_140 = arith.constant 5.000000e-03 : f32
    %mul3A_141 = vector.broadcast %mul3A_140 : f32 to vector<300x1xf32>
    %mul3A_142 = arith.mulf %get3A_139, %mul3A_141 : vector<300x1xf32>
    %broadcast_in_dim3A_143 = arith.constant 0.000000e+00 : f32
    %broadcast_in_dim3A_144 = vector.broadcast %broadcast_in_dim3A_143 : f32 to vector<84x1xf32>
    %concatenate3A = tpu.concatenate %mul3A_142, %broadcast_in_dim3A_144 in 0 : vector<300x1xf32>, vector<84x1xf32> -> vector<384x1xf32>
    %swap3A_145 = arith.constant 0 : index
    %swap3A_146 = arith.constant 0 : index
    %swap3A_147 = vector.load %arg5[%swap3A_145, %swap3A_146] : memref<384x1xf32, #tpu.memory_space<vmem>>, vector<384x1xf32>
    tpu.vector_store %arg5[%swap3A_145, %swap3A_146], %concatenate3A {strides = array<i32>} : memref<384x1xf32, #tpu.memory_space<vmem>>, vector<384x1xf32>,
    %get3A_148 = arith.constant 0 : index
    %get3A_149 = arith.constant 0 : index
    %get3A_150 = vector.load %arg2[%get3A_148, %get3A_149] : memref<300x160xf32, #tpu.memory_space<vmem>>, vector<300x160xf32>
    %dot_general3A = arith.constant dense<0.000000e+00> : vector<1x160xf32>
    %dot_general3A_151 = tpu.matmul %mul3A_142, %get3A_150, %dot_general3A {dimension_numbers = #tpu.dot_dimension_numbers<[0], [0], [1], [1], [0, 1, 1, 1], [], []>, transpose_lhs_hint = false} : vector<300x1xf32>, vector<300x160xf32>, vector<1x160xf32> -> vector<1x160xf32>
    %get3A_152 = arith.constant 0 : index
    %get3A_153 = arith.constant 0 : index
    %get3A_154 = vector.load %arg3[%get3A_152, %get3A_153] : memref<1x160xf32, #tpu.memory_space<vmem>>, vector<1x160xf32>
    %add3A = arith.addf %dot_general3A_151, %get3A_154 : vector<1x160xf32>
    %swap3A_155 = arith.constant 0 : index
    %swap3A_156 = arith.constant 0 : index
    %swap3A_157 = vector.load %arg6[%swap3A_155, %swap3A_156] : memref<1x160xf32, #tpu.memory_space<vmem>>, vector<1x160xf32>
    tpu.vector_store %arg6[%swap3A_155, %swap3A_156], %add3A {strides = array<i32>} : memref<1x160xf32, #tpu.memory_space<vmem>>, vector<1x160xf32>,
    return
  }
}

module attributes {stable_mosaic.version = 14 : i64} {
  func.func @_tc_mv_body(%arg0: i32, %arg1: memref<384x1xf32, #tpu.memory_space<vmem>>, %arg2: memref<300x2560xf32, #tpu.memory_space<vmem>>, %arg3: memref<1x2560xf32, #tpu.memory_space<vmem>>, %arg4: memref<1x2560xf32, #tpu.memory_space<vmem>>) attributes {dimension_semantics = [#tpu.dimension_semantics<arbitrary>], iteration_bounds = array<i64: 23>, scalar_prefetch = 0 : i64, scratch_operands = 0 : i64, tpu.core_type = #tpu.core_type<tc>, window_params = [{pipeline_mode = #tpu.pipeline_mode<synchronous>, transform_indices = @transform_0, window_bounds = array<i64: 384, 1>}, {transform_indices = @transform_1, window_bounds = array<i64: 300, 2560>}, {transform_indices = @transform_2, window_bounds = array<i64: 1, 2560>}, {transform_indices = @transform_3, window_bounds = array<i64: 1, 2560>}]} {
    %get3A = arith.constant 0 : index
    %get3A_0 = arith.constant 0 : index
    %get3A_1 = vector.load %arg1[%get3A, %get3A_0] : memref<384x1xf32, #tpu.memory_space<vmem>>, vector<300x1xf32>
    %get3A_2 = arith.constant 0 : index
    %get3A_3 = arith.constant 0 : index
    %get3A_4 = vector.load %arg2[%get3A_2, %get3A_3] : memref<300x2560xf32, #tpu.memory_space<vmem>>, vector<300x2560xf32>
    %dot_general3A = arith.constant dense<0.000000e+00> : vector<1x2560xf32>
    %dot_general3A_5 = tpu.matmul %get3A_1, %get3A_4, %dot_general3A {dimension_numbers = #tpu.dot_dimension_numbers<[0], [0], [1], [1], [0, 1, 1, 1], [], []>, transpose_lhs_hint = false} : vector<300x1xf32>, vector<300x2560xf32>, vector<1x2560xf32> -> vector<1x2560xf32>
    %get3A_6 = arith.constant 0 : index
    %get3A_7 = arith.constant 0 : index
    %get3A_8 = vector.load %arg3[%get3A_6, %get3A_7] : memref<1x2560xf32, #tpu.memory_space<vmem>>, vector<1x2560xf32>
    %add3A = arith.addf %dot_general3A_5, %get3A_8 : vector<1x2560xf32>
    %swap3A = arith.constant 0 : index
    %swap3A_9 = arith.constant 0 : index
    %swap3A_10 = vector.load %arg4[%swap3A, %swap3A_9] : memref<1x2560xf32, #tpu.memory_space<vmem>>, vector<1x2560xf32>
    tpu.vector_store %arg4[%swap3A, %swap3A_9], %add3A {strides = array<i32>} : memref<1x2560xf32, #tpu.memory_space<vmem>>, vector<1x2560xf32>,
    return
  }
  func.func @transform_0(%arg0: i32) -> (i32, i32) {
    %c0_i32 = arith.constant 0 : i32
    %c0_i32_0 = arith.constant 0 : i32
    %c0_i32_1 = arith.constant 0 : i32
    return %c0_i32, %c0_i32_0 : i32, i32
  }
  func.func @transform_1(%arg0: i32) -> (i32, i32) {
    %add3A = arith.constant 16 : i32
    %add3A_0 = arith.addi %add3A, %arg0 : i32
    %c0_i32 = arith.constant 0 : i32
    %c0_i32_1 = arith.constant 0 : i32
    return %c0_i32, %add3A_0 : i32, i32
  }
  func.func @transform_2(%arg0: i32) -> (i32, i32) {
    %add3A = arith.constant 16 : i32
    %add3A_0 = arith.addi %add3A, %arg0 : i32
    %c0_i32 = arith.constant 0 : i32
    %c0_i32_1 = arith.constant 0 : i32
    return %c0_i32, %add3A_0 : i32, i32
  }
  func.func @transform_3(%arg0: i32) -> (i32, i32) {
    %c0_i32 = arith.constant 0 : i32
    %c0_i32_0 = arith.constant 0 : i32
    return %c0_i32, %arg0 : i32, i32
  }
}

</mosaic_0001>

<sc_bundles>
// kernel: kernel.5.cloned.1.call-start
scs
__scs_entry_jumppad:
0x0: {  	(pc) =	sbr.rel $0x88, $3  }
0x1: {  	(tag) =	ssettag $0x0;
	lr =	simm.s32 $0x1  }
0x2: {  	[smem:$0x3F9D] =	sst lr;
	_ =	strace $0xD0000000  }
0x3: {  	_ = 	snop  }
0x4: {  	_ = 	snop  }
0x5: {  	_ = 	snop  }
0x6: {  	_ = 	snop  }
0x7: {  	_ = 	snop  }
__scs_overlays_trampoline_lowered:
0x8: {  	[smem:$0x3FAC] =	sst s0  }
0x9: {  	[smem:$0x3FAD] =	sst s1  }
0xa: {  	[smem:$0x3FAE] =	sst s2  }
0xb: {  	[smem:$0x3FAF] =	sst s3  }
0xc: {  	[smem:$0x3FB0] =	sst s4  }
0xd: {  	[smem:$0x3FB1] =	sst s5  }
0xe: {  	[smem:$0x3FB2] =	sst s6  }
0xf: {  	[smem:$0x3FB3] =	sst s7  }
0x10: {  	[smem:$0x3FB4] =	sst s8  }
0x11: {  	[smem:$0x3FB5] =	sst s9;
	s0 =	simm.s32 @!p0 $0x0  }
0x12: {  	s1 =	sld [smem:$0x3F9B];
	s0 =	simm.s32 @p0 $0x1  }
0x13: {  	[smem:$0x3FB6] =	sst s0;
	s0 =	simm.s32 @!p1 $0x0  }
0x14: {  	s2 =	sld [smem:$0x3F9A];
	s0 =	simm.s32 @p1 $0x1  }
0x15: {  	[smem:$0x3FB7] =	sst s0;
	s0 =	simm.s32 @!p2 $0x0  }
0x16: {  	s3 =	sld [smem:$0x3FDB];
	s0 =	simm.s32 @p2 $0x1  }
0x17: {  	s4 =	simm.s32 $0x1BF5;
	[smem:$0x3FB9] =	sst s0  }
0x18: {  	s0 =	sld [smem:$0x3F9C];
	_ =	swait.ge [sflag:s4], $0x0  }
0x19: {  	s7 =	sld [smem:$0x3F9D]  }
0x1a: {  	s8 =	sadd.s32 $0xFFFFE003, lr  }
0x1b: {  	s9 =	sadd.s32 $0xFFFFFEF7, lr;
	s5 =	simm.s32 $0xFFFFFFFF;
	p2 =	slt.u32 s8, $0xFFFFF086  }
0x1c: {  	p1 =	slt.u32 s9, $0xF7A;
	s5 =	simm.s32 @!p2 $0x0  }
0x1d: {  	s5 =	simm.s32 @p1 $0x1;
	p0 =	seq.s32 s7, s2  }
0x1e: {  	s7 =	smul.u32 @!p0 $0xF7A, s2;
	p2 =	seq.s32 @!p0 s5, $0x0  }
0x1f: {  	s9 =	smul.u32 $0xF7A, s1;
	s8 =	simm.s32 @!p0 $0x1BF5;
	p2 =	por !p2, p0  }
0x20: {  	[sflag:s8] =	ssyncset.s32 @!p0 $0xFFFFF086;
	s6 =	sadd.s32 @!p0 s3, s7;
	s7 =	simm.s32 @!p0 $0x108  }
0x21: {  	s3 =	sadd.s32 s3, s9;
	s6 =	sadd.s32 @!p0 $0x88, s6;
	s7 =	simm.s32 @p2 $0x1082  }
0x22: {  	[simem:s7], [sflag:s8] =	dma.local @!p0 [hbm:s6], $0xF7A  }
0x23: {  	s9 =	sor.u32 $0xD0000000, s2;
	s6 =	simm.s32 $0x108;
	_ =	swait.ge @!p0 [sflag:s8], $0x0  }
0x24: {  	s3 =	sadd.s32 $0x88, s3;
	s6 =	simm.s32 @!p1 $0x1082;
	[sflag:s4] =	ssyncset.s32 $0xFFFFF086  }
0x25: {  	[simem:s6], [sflag:s4] =	dma.local [hbm:s3], $0xF7A  }
0x26: {  	[smem:$0x3F9D] =	sst s1;
	(tag) =	ssettag s2;
	_ =	strace s9  }
0x27: {  	s1 =	sld [smem:$0x3FAD]  }
0x28: {  	s2 =	sld [smem:$0x3FAE]  }
0x29: {  	s4 =	sld [smem:$0x3FB0]  }
0x2a: {  	p0 =	seq.s32 s5, $0x0;
	s5 =	sld [smem:$0x3FB1]  }
0x2b: {  	s6 =	sld [smem:$0x3FB2]  }
0x2c: {  	s7 =	sld [smem:$0x3FB3]  }
0x2d: {  	s3 =	simm.s32 $0x108;
	s8 =	sld [smem:$0x3FB4]  }
0x2e: {  	s3 =	simm.s32 @!p0 $0x1082;
	s9 =	sld [smem:$0x3FB5]  }
0x2f: {  	lr =	sadd.s32 s0, s3;
	s0 =	sld [smem:$0x3FAC]  }
0x30: {  	s3 =	sld [smem:$0x3FAF]  }
0x31: {  	[smem:$0x3FB8] =	sst s10  }
0x32: {  	s10 =	sld [smem:$0x3FB6];
	_ =	sdelay $0x3  }
0x33: {  	p0 =	seq.s32 s10, $0x1;
	s10 =	sld [smem:$0x3FB8];
	_ =	sdelay $0x3  }
0x34: {  	[smem:$0x3FB8] =	sst s10  }
0x35: {  	s10 =	sld [smem:$0x3FB7];
	_ =	sdelay $0x3  }
0x36: {  	p1 =	seq.s32 s10, $0x1;
	s10 =	sld [smem:$0x3FB8];
	_ =	sdelay $0x3  }
0x37: {  	[smem:$0x3FB8] =	sst s10  }
0x38: {  	s10 =	sld [smem:$0x3FB9]  }
0x39: {  	_ = 	snop;
	(pc) =	sbr.ind lr, $3  }
0x3a: {  	_ = 	snop  }
0x3b: {  	_ = 	snop  }
0x3c: {  	p2 =	seq.s32 s10, $0x1;
	s10 =	sld [smem:$0x3FB8]  }
0x3d: {  	_ =	shalt  }
0x3e: {  	_ =	shalt  }
0x3f: {  	_ =	shalt  }
0x40: {  	_ =	shalt  }
0x41: {  	_ =	shalt  }
0x42: {  	_ =	shalt  }
0x43: {  	_ =	shalt  }
0x44: {  	_ =	shalt  }
0x45: {  	_ =	shalt  }
0x46: {  	_ =	shalt  }
0x47: {  	_ =	shalt  }
0x48: {  	_ =	shalt  }
0x49: {  	_ =	shalt  }
0x4a: {  	_ =	shalt  }
0x4b: {  	_ =	shalt  }
0x4c: {  	_ =	shalt  }
0x4d: {  	_ =	shalt  }
0x4e: {  	_ =	shalt  }
0x4f: {  	_ =	shalt  }
0x50: {  	_ =	shalt  }
0x51: {  	_ =	shalt  }
0x52: {  	_ =	shalt  }
0x53: {  	_ =	shalt  }
0x54: {  	_ =	shalt  }
0x55: {  	_ =	shalt  }
0x56: {  	_ =	shalt  }
0x57: {  	_ =	shalt  }
0x58: {  	_ =	shalt  }
0x59: {  	_ =	shalt  }
0x5a: {  	_ =	shalt  }
0x5b: {  	_ =	shalt  }
0x5c: {  	_ =	shalt  }
0x5d: {  	_ =	shalt  }
0x5e: {  	_ =	shalt  }
0x5f: {  	_ =	shalt  }
0x60: {  	_ =	shalt  }
0x61: {  	_ =	shalt  }
0x62: {  	_ =	shalt  }
0x63: {  	_ =	shalt  }
0x64: {  	_ =	shalt  }
0x65: {  	_ =	shalt  }
0x66: {  	_ =	shalt  }
0x67: {  	_ =	shalt  }
0x68: {  	_ =	shalt  }
0x69: {  	_ =	shalt  }
0x6a: {  	_ =	shalt  }
0x6b: {  	_ =	shalt  }
0x6c: {  	_ =	shalt  }
0x6d: {  	_ =	shalt  }
0x6e: {  	_ =	shalt  }
0x6f: {  	_ =	shalt  }
0x70: {  	_ =	shalt  }
0x71: {  	_ =	shalt  }
0x72: {  	_ =	shalt  }
0x73: {  	_ =	shalt  }
0x74: {  	_ =	shalt  }
0x75: {  	_ =	shalt  }
0x76: {  	_ =	shalt  }
0x77: {  	_ =	shalt  }
0x78: {  	_ =	shalt  }
0x79: {  	_ =	shalt  }
0x7a: {  	_ =	shalt  }
0x7b: {  	_ =	shalt  }
0x7c: {  	_ =	shalt  }
0x7d: {  	_ =	shalt  }
0x7e: {  	_ =	shalt  }
0x7f: {  	_ =	shalt  }
0x80: {  	_ =	shalt  }
0x81: {  	_ =	shalt  }
0x82: {  	_ =	shalt  }
0x83: {  	_ =	shalt  }
0x84: {  	_ =	shalt  }
0x85: {  	_ =	shalt  }
0x86: {  	_ =	shalt  }
0x87: {  	_ =	shalt  }
.Lfunc_end0:
.L_simem_size_0:
called_computation_lowered:
.L_overlay_start_0:
0x88: {  	s2 =	sld [smem:$0x3FD9]  }
0x89: {  	s3 =	sld [smem:$0x3FFE];
	_ =	sdelay $0x1  }
0x8a: {  	s1 =	srdreg.scid  }
0x8b: {  	s0 =	sand.u32 $0x1, s1  }
0x8c: {  	s17 =	sshll.u32 s0, $0xA;
	s2 =	sadd.s32 s3, s2  }
0x8d: {  	s2 =	sadd.s32 s2, s17  }
0x8e: {  	[smem:$0x3FC4] =	sst s2  }
0x8f: {  	_ = 	snop  }
0x90: {  	s2 =	sld [smem:$0x3FC7]  }
0x91: {  	s18 =	sld [smem:$0x3FC6]  }
0x92: {  	s4 =	sld [smem:$0x3FD0];
	(tm) =	ssettm $0x1  }
0x93: {  	s5 =	sld [smem:$0x3FFB];
	_ =	sdelay $0x3  }
0x94: {  	_ =	strace s5  }
0x95: {  	s5 =	sld [smem:$0x3FFC];
	_ =	sdelay $0x3  }
0x96: {  	_ =	strace s5  }
0x97: {  	s5 =	sld [smem:$0x3FFD];
	_ =	sdelay $0x3  }
0x98: {  	_ =	strace s5  }
0x99: {  	_ =	strace $0x8FFFFFFF  }
0x9a: {  	s19 =	sld [smem:$0x3FDB];
	_ =	sdelay $0x1  }
0x9b: {  	s6 =	simm.s32 $_scs_section_size  }
0x9c: {  	s7 =	simm.s32 $_size__tile_overlayer_lowered;
	s8 =	simm.s32 $_tile_overlayer_lowered  }
0x9d: {  	s22 =	simm.s32 $0x1BFF;
	s21 =	sshll.u32 s8, $0x1;
	s5 =	sadd.s32 s6, s19  }
0x9e: {  	s9 =	simm.s32 $0x0;
	s20 =	sshll.u32 s7, $0x1;
	s7 =	sadd.s32 s21, s5  }
0x9f: {  	[timem:s9], [sflag:s22] =	dma.local [hbm:s7], s20  }
0xa0: {  	_ =	swait.ge [sflag:s22], s20  }
0xa1: {  	s6 =	ssub.s32 $0x0, s20;
	[sflag:s22] =	ssyncset.done $0x0  }
0xa2: {  	[sflag:s22] =	ssyncadd.s32 s6;
	_ =	sdelay $0x1  }
0xa3: {  	s23 =	simm.s32 $0x1B8B  }
0xa4: {  	_ =	swait.ge [sflag:s23], $0x1  }
0xa5: {  	[sflag:s23] =	ssyncset.done $0x0  }
0xa6: {  	s25 =	simm.s32 $0x1B8E;
	s24 =	sld [smem:$0x3FFE];
	[sflag:s23] =	ssyncadd.s32 $0xFFFFFFFF  }
0xa7: {  	s26 =	simm.s32 $execute0_lowered;
	[smem:$0x3FD2] =	sst s25  }
0xa8: {  	s7 =	sshll.u32 s26, $0x1;
	_ =	strace $0x80000046;
	[dreg:$0x1] =	wrdreg $0xFFFFFFFF  }
0xa9: {  	s28 =	simm.s32 $_size_execute0_lowered;
	s5 =	sadd.s32 s5, s7;
	[dreg:$0x0] =	wrdreg $0x0  }
0xaa: {  	s7 =	sshll.u32 s28, $0x1;
	[dreg:$0x2] =	wrdreg s5  }
0xab: {  	[dreg:$0x3] =	wrdreg s7  }
0xac: {  	[dreg:$0x4] =	wrdreg $0xC0  }
0xad: {  	_ =	task [dreg:s9], $0x5FFFF  }
0xae: {  	[dreg:$0x1] =	wrdreg $0xFFFFFFFF  }
0xaf: {  	[dreg:$0x0] =	wrdreg $0x60  }
0xb0: {  	[dreg:$0x2] =	wrdreg s2  }
0xb1: {  	[dreg:$0x3] =	wrdreg s24  }
0xb2: {  	[dreg:$0x4] =	wrdreg s18  }
0xb3: {  	[dreg:$0x5] =	wrdreg s4  }
0xb4: {  	[dreg:$0x6] =	wrdreg $0x9  }
0xb5: {  	_ =	task.clear_ibuf [dreg:s9], $0x7FFFF;
	_ =	strace $0x90000046  }
0xb6: {  	s29 =	simm.s32 $0x9;
	_ =	strace $0x80000048  }
0xb7: {  	_ =	swait.ge [sflag:s29], $0x1  }
0xb8: {  	[sflag:s29] =	ssyncadd.s32 $0xFFFFFFFF  }
0xb9: {  	_ =	strace $0x90000048  }
0xba: {  	_ =	sfence  }
0xbb: {  	s30 =	sld [smem:$0x0];
	_ =	sdelay $0x2  }
0xbc: {  	s31 =	sshll.u32 s1, $0xD;
	s1 =	sshrl.u32 s1, $0x2  }
0xbd: {  	s3 =	sand.u32 $0x4000, s31;
	s1 =	sadd.s32 s1, s30  }
0xbe: {  	s0 =	sor.u32 s3, s0;
	s1 =	sshll.u32 s1, $0x11  }
0xbf: {  	s0 =	sor.u32 s1, s0  }
0xc0: {  	s0 =	sadd.s32 $0x8F2B, s0  }
0xc1: {  	[sflag:s0] =	ssyncadd.remote.s32 $0x1  }
0xc2: {  	_ =	sfence.sel $0xFFFF  }
0xc3: {  	[dreg:$0x0] =	wrdreg $0xFFFFFFFF;
	(pc) =	sbr.abs _section_cstart, $3  }
0xc4: {  	[dreg:$0x1] =	wrdreg $0xFFFFFFFF  }
0xc5: {  	_ =	task.clear_ibuf [dreg:s9], $0x2FFFF;
	_ =	strace $0x9FFFFFFF  }
0xc6: {  	(tm) =	ssettm $0x7FFFFFFF  }
0xc7: {  	_ =	shalt  }
tec
execute0_lowered:
.L_overlay_start_1:
0x0: {  	(tag) =	ssettag $0x1  }
0x1: {  	s4 =	rddreg [dreg:$0x0]  }
0x2: {  	s1 =	rddreg [dreg:$0x1]  }
0x3: {  	s5 =	rddreg [dreg:$0x2];
	s2 =	srdreg.scid  }
0x4: {  	s0 =	stileid.u32;
	s9 =	rddreg [dreg:$0x3]  }
0x5: {  	s3 =	simm.s32 $0x0;
	s12 =	simm.s32 $0x13180;
	s13 =	simm.s32 $0x400  }
0x6: {  	s14 =	simm.s32 $0xC3800;
	s15 =	simm.s32 $0x180;
	s17 =	simm.s32 $0x9580  }
0x7: {  	s18 =	simm.s32 $0x9980;
	s20 =	simm.s32 $0x12D80;
	s21 =	simm.s32 $0x1  }
0x8: {  	s22 =	simm.s32 $0x2;
	s6 =	sand.u32 $0x1, s2;
	s7 =	sshll.u32 s0, $0x1  }
0x9: {  	s23 =	simm.s32 $0x13680;
	s24 =	simm.s32 $0x0;
	s7 =	sor.u32 s6, s7  }
0xa: {  	[smem:$0x7FF] =	sst s3;
	s6 =	ssub.s32 $0x2, s6;
	s7 =	smul.u32 $0x500, s7  }
0xb: {  	v0 =	vimm.s32 $0x0;
	s2 =	rddreg [dreg:$0x4];
	_ =	strace $0x80000047;
	s8 =	sshrl.u32 s6, $0x1  }
0xc: {  	v1 =	vimm.s32 $0x1;
	v2 =	vimm.s32 $0x2;
	v36 =	vimm.s32 $0x3;
	s11 =	ssub.s32 s6, s8;
	s10 =	sshrl.u32 s7, $0x3;
	s4 =	sadd.s32 s4, s7  }
0xd: {  	v3 =	vimm.s32 $0x6;
	v8 =	vimm.s32 $0x8;
	v24 =	vimm.s32 $0x9;
	s5 =	sadd.s32 s5, s10;
	s6 =	sadd.s32 $0x80, s4;
	s7 =	sadd.s32 $0x100, s4  }
0xe: {  	v20 =	vimm.s32 $0xA;
	v25 =	vimm.s32 $0xB;
	v18 =	vimm.s32 $0xC;
	s8 =	sadd.s32 $0x180, s4;
	s9 =	sadd.s32 s9, s10;
	s10 =	smax.u32 s11, $0x1  }
0xf: {  	v23 =	vimm.s32 $0xD;
	v16 =	vimm.s32 $0xE;
	v19 =	vimm.s32 $0xF;
	s11 =	simm.s32 $0x3;
	s16 =	sadd.s32 $0x388300, s4;
	s19 =	sadd.s32 $0x388300, s6  }
.LBB2_1:
0x10: {  	[tilespmem:s3], [sflag:$0x3] =	stream.linear.gather [hbm4b:s1+s3], $0x180, $0x38;
	[tilespmem:$0x13B80] =	vst v63  }
0x11: {  	_ =	swait.ge [sflag:s11], $0x180  }
0x12: {  	[sflag:s11] =	ssyncset.done $0x0  }
0x13: {  	[sflag:s11] =	ssyncadd.s32 $0xFFFFFE80  }
0x14: {  	[tilespmem:s12], [sflag:$0x3] =	stream.linear.gather [hbm4b:s5+s3], $0x500, $0x38;
	[tilespmem:$0x13B80] =	vst v63  }
0x15: {  	_ =	swait.ge [sflag:s11], $0x500  }
0x16: {  	[sflag:s11] =	ssyncset.done $0x0  }
0x17: {  	[sflag:s11] =	ssyncadd.s32 $0xFFFFFB00  }
0x18: {  	[tilespmem:s15], [sflag:$0x1] =	stream.strided.gather [hbm4b:s4+s13], $0x9400, s14, s13, $0x38;
	[tilespmem:$0x13B80] =	vst v63  }
0x19: {  	_ = 	snop  }
0x1a: {  	[tilespmem:s17], [sflag:$0x1] =	stream.linear.gather [hbm4b:s16+s3], $0x200, $0x38;
	[tilespmem:$0x13B80] =	vst v63  }
0x1b: {  	_ = 	snop  }
0x1c: {  	[tilespmem:s18], [sflag:$0x2] =	stream.strided.gather [hbm4b:s6+s13], $0x9400, s14, s13, $0x38;
	[tilespmem:$0x13B80] =	vst v63  }
0x1d: {  	s25 =	simm.s32 $0x0  }
0x1e: {  	[tilespmem:s20], [sflag:$0x2] =	stream.linear.gather [hbm4b:s19+s3], $0x200, $0x38;
	[tilespmem:$0x13B80] =	vst v63  }
.LBB2_2:
0x1f: {  	_ =	swait.ge [sflag:s21], $0x9600  }
0x20: {  	[sflag:s21] =	ssyncset.done $0x0  }
0x21: {  	s26 =	simm.s32 $0x580;
	[sflag:s21] =	ssyncadd.s32 $0xFFFF6A00  }
0x22: {  	v44 =	vld [tilespmem:s26+$0x380]  }
0x23: {  	v46 =	vld [tilespmem:s26+$0x390]  }
0x24: {  	v48 =	vld [tilespmem:s26+$0x3A0]  }
0x25: {  	v49 =	vld [tilespmem:s26+$0x3B0]  }
0x26: {  	v50 =	vld [tilespmem:s26+$0x3C0]  }
0x27: {  	v51 =	vld [tilespmem:s26+$0x3D0]  }
0x28: {  	v52 =	vld [tilespmem:s26+$0x300]  }
0x29: {  	v53 =	vld [tilespmem:s26+$0x310]  }
0x2a: {  	v56 =	vld [tilespmem:s26+$0x320]  }
0x2b: {  	v57 =	vld [tilespmem:s26+$0x330]  }
0x2c: {  	v58 =	vld [tilespmem:s26+$0x340]  }
0x2d: {  	v59 =	vld [tilespmem:s26+$0x350]  }
0x2e: {  	v32 =	vld [tilespmem:s26+$0x280]  }
0x2f: {  	v43 =	vld [tilespmem:s26+$0x290]  }
0x30: {  	v42 =	vld [tilespmem:s26+$0x2A0]  }
0x31: {  	v4 =	vld [tilespmem:s26+$0x2B0]  }
0x32: {  	v31 =	vld [tilespmem:s26+$0x2C0]  }
0x33: {  	v30 =	vld [tilespmem:s26+$0x2D0]  }
0x34: {  	s28 =	simm.s32 $0x0;
	v7 =	vld [tilespmem:s26+$0x200]  }
0x35: {  	v38 =	vld [tilespmem:s28+$0x0]  }
0x36: {  	v29 =	vld [tilespmem:s26+$0xFFFFFD00]  }
0x37: {  	v33 =	vld [tilespmem:s26+$0xFFFFFC80]  }
0x38: {  	v27 =	vld [tilespmem:s26+$0xFFFFFC00]  }
0x39: {  	v34 =	vld [tilespmem:s26+$0xFFFFFC10]  }
0x3a: {  	v45 =	vld [tilespmem:s26+$0xFFFFFC90]  }
0x3b: {  	v47 =	vld [tilespmem:s26+$0xFFFFFC20];
	v40 =	vperm.xlane v38, v0  }
0x3c: {  	v54 =	vld [tilespmem:s26+$0xFFFFFC30];
	v17 =	vperm.xlane v38, v16  }
0x3d: {  	v55 =	vld [tilespmem:s26+$0xFFFFFCA0];
	v39 =	vperm.xlane v38, v1;
	v60 =	vmul.f32 v27, v40  }
0x3e: {  	v61 =	vld [tilespmem:s26+$0xFFFFFCB0];
	v16 =	vperm.xlane v38, v19;
	v27 =	vimm.f32 $0.0e+00;
	v34 =	vmul.f32 v34, v40  }
0x3f: {  	v9 =	vld [tilespmem:s26+$0x210];
	v37 =	vperm.xlane v38, v2;
	v33 =	vmul.f32 v33, v39;
	v60 =	vadd.f32 v60, v27  }
0x40: {  	v10 =	vld [tilespmem:s26+$0x220];
	v45 =	vmul.f32 v45, v39;
	v47 =	vmul.f32 v47, v40;
	v34 =	vadd.f32 v34, v27  }
0x41: {  	v11 =	vld [tilespmem:s26+$0x230];
	v63 =	vmul.f32 v29, v37;
	v29 =	vmul.f32 v54, v40;
	v60 =	vadd.f32 v33, v60  }
0x42: {  	v35 =	vld [tilespmem:s26+$0x240];
	v54 =	vadd.f32 v45, v34;
	v33 =	vmul.f32 v55, v39;
	v34 =	vadd.f32 v47, v27  }
0x43: {  	v5 =	vimm.s32 $0x4;
	v26 =	vld [tilespmem:s26+$0x250];
	v47 =	vmul.f32 v61, v39  }
0x44: {  	v21 =	vld [tilespmem:s26+$0x180];
	v61 =	vadd.f32 v33, v34;
	v34 =	vperm.xlane v38, v5;
	v5 =	vmul.f32 v44, v16  }
0x45: {  	v14 =	vld [tilespmem:s26+$0x190]  }
0x46: {  	v15 =	vld [tilespmem:s26+$0x1C0];
	[tilespmem:$0x1FDC0] =	vst v5;
	v5 =	vmul.f32 v46, v16  }
0x47: {  	v13 =	vld [tilespmem:s26+$0x1A0]  }
0x48: {  	v12 =	vld [tilespmem:s26+$0x1B0];
	[tilespmem:$0x1FDD0] =	vst v5;
	v5 =	vmul.f32 v48, v16  }
0x49: {  	v41 =	vld [tilespmem:s26+$0x80]  }
0x4a: {  	v22 =	vld [tilespmem:s26+$0x90];
	[tilespmem:$0x1FDE0] =	vst v5;
	v5 =	vmul.f32 v50, v16  }
0x4b: {  	v62 =	vld [tilespmem:s26+$0xFFFFFD10];
	[tilespmem:$0x1FEE0] =	vst v15;
	v19 =	vperm.xlane v38, v18;
	v18 =	vperm.xlane v38, v23  }
0x4c: {  	v15 =	vld [tilespmem:s26+$0x1D0];
	v23 =	vperm.xlane v38, v20;
	[tilespmem:$0x1FE00] =	vst v5;
	v5 =	vmul.f32 v51, v16  }
0x4d: {  	v20 =	vperm.xlane v38, v25;
	v25 =	vperm.xlane v38, v8;
	v8 =	vld [tilespmem:s26+$0xB0]  }
0x4e: {  	v2 =	vld [tilespmem:s26+$0xFFFFFD20];
	v1 =	vimm.f32 $0.0e+00;
	[tilespmem:$0x1FE10] =	vst v5;
	v5 =	vmul.f32 v52, v17  }
0x4f: {  	v28 =	vperm.xlane v38, v3;
	v3 =	vld [tilespmem:s26+$0xFFFFFD30];
	[tilespmem:$0x1FDB0] =	vst v1  }
0x50: {  	v1 =	vld [tilespmem:s26+$0xFFFFFD90];
	[tilespmem:$0x1FE20] =	vst v5;
	v5 =	vmul.f32 v53, v17  }
0x51: {  	v6 =	vimm.s32 $0x5;
	v24 =	vperm.xlane v38, v24;
	v0 =	vimm.s32 $0x7;
	[tilespmem:$0x1FF00] =	vst v15;
	v15 =	vld [tilespmem:s26+$0x100]  }
0x52: {  	v45 =	vadd.f32 v29, v27;
	v29 =	vperm.xlane v38, v0;
	v55 =	vld [tilespmem:s26+$0xFFFFFD80];
	[tilespmem:$0x1FE30] =	vst v5;
	v5 =	vmul.f32 v56, v17  }
0x53: {  	v27 =	vld [tilespmem:s26+$0x0];
	v33 =	vperm.xlane v38, v6;
	v38 =	vperm.xlane v38, v36  }
0x54: {  	v36 =	vmul.f32 v62, v37;
	v62 =	vld [tilespmem:s26+$0xFFFFFDA0];
	[tilespmem:$0x1FE40] =	vst v5;
	v5 =	vmul.f32 v57, v17  }
0x55: {  	v44 =	vld [tilespmem:s26+$0xFFFFFDB0]  }
0x56: {  	v60 =	vadd.f32 v63, v60;
	v63 =	vld [tilespmem:s26+$0xFFFFFE00];
	[tilespmem:$0x1FE50] =	vst v5;
	v5 =	vmul.f32 v59, v17  }
0x57: {  	v3 =	vmul.f32 v3, v37;
	v0 =	vadd.f32 v47, v45;
	v45 =	vld [tilespmem:s26+$0x50];
	[tilespmem:$0x1FF20] =	vst v15  }
0x58: {  	v2 =	vmul.f32 v2, v37;
	v15 =	vld [tilespmem:s26+$0x110];
	[tilespmem:$0x1FE70] =	vst v5;
	v5 =	vmul.f32 v32, v18  }
0x59: {  	v54 =	vadd.f32 v36, v54;
	v36 =	vld [tilespmem:s26+$0xFFFFFE10];
	v0 =	vadd.f32 v3, v0;
	v3 =	vmul.f32 v49, v16  }
0x5a: {  	v2 =	vadd.f32 v2, v61;
	v61 =	vld [tilespmem:s26+$0xC0];
	[tilespmem:$0x1FE80] =	vst v5;
	v5 =	vmul.f32 v43, v18  }
0x5b: {  	v46 =	vld [tilespmem:s26+$0xFFFFFFC0];
	v55 =	vmul.f32 v55, v38;
	[tilespmem:$0x1FDF0] =	vst v3  }
0x5c: {  	v3 =	vld [tilespmem:s26+$0xFFFFFE20];
	[tilespmem:$0x1FE90] =	vst v5;
	v5 =	vmul.f32 v31, v18  }
0x5d: {  	v49 =	vadd.f32 v55, v60;
	v60 =	vld [tilespmem:s26+$0xFFFFFE30]  }
0x5e: {  	v50 =	vld [tilespmem:s26+$0xFFFFFEB0];
	[tilespmem:$0x1FEA0] =	vst v5;
	v5 =	vmul.f32 v9, v19;
	v9 =	vmul.f32 v35, v19  }
0x5f: {  	v55 =	vmul.f32 v62, v38;
	v62 =	vmul.f32 v63, v34;
	[tilespmem:$0x1FF30] =	vst v15;
	v15 =	vld [tilespmem:s26+$0x120]  }
0x60: {  	v63 =	vmul.f32 v36, v34;
	v36 =	vld [tilespmem:s26+$0xFFFFFEA0];
	[tilespmem:$0x1FEC0] =	vst v9;
	v9 =	vmul.f32 v26, v19  }
0x61: {  	v51 =	vld [tilespmem:s26+$0xFFFFFE80]  }
0x62: {  	[tilespmem:$0x1FED0] =	vst v9;
	v9 =	vld [tilespmem:$0x1FEE0]  }
0x63: {  	v6 =	vmul.f32 v10, v19;
	v10 =	vld [tilespmem:$0x1FF30]  }
0x64: {  	v2 =	vadd.f32 v55, v2;
	v3 =	vmul.f32 v3, v34;
	v52 =	vld [tilespmem:s26+$0xFFFFFE90]  }
0x65: {  	v56 =	vld [tilespmem:s26+$0xFFFFFF00]  }
0x66: {  	v2 =	vadd.f32 v3, v2;
	v3 =	vmul.f32 v58, v17;
	v59 =	vld [tilespmem:s26+$0xFFFFFF20]  }
0x67: {  	v47 =	vmul.f32 v13, v20;
	[tilespmem:$0x1FF40] =	vst v15;
	v15 =	vld [tilespmem:s26+$0x130];
	v9 =	vmul.f32 v9, v20  }
0x68: {  	v13 =	vmul.f32 v41, v24;
	v1 =	vmul.f32 v1, v38;
	v53 =	vld [tilespmem:s26+$0xFFFFFF80];
	[tilespmem:$0x1FE60] =	vst v3  }
0x69: {  	v49 =	vadd.f32 v62, v49;
	v62 =	vmul.f32 v36, v33;
	v3 =	vmul.f32 v51, v33;
	[tilespmem:$0x1FEF0] =	vst v9;
	v9 =	vld [tilespmem:$0x1FF00]  }
0x6a: {  	v1 =	vadd.f32 v1, v54;
	v44 =	vmul.f32 v44, v38;
	v54 =	vmul.f32 v56, v28;
	v56 =	vld [tilespmem:s26+$0xFFFFFFA0]  }
0x6b: {  	v2 =	vadd.f32 v62, v2;
	v3 =	vadd.f32 v3, v49;
	v57 =	vld [tilespmem:s26+$0xFFFFFF10];
	v31 =	vmul.f32 v59, v28  }
0x6c: {  	v0 =	vadd.f32 v44, v0;
	v1 =	vadd.f32 v63, v1;
	v55 =	vmul.f32 v60, v34;
	v60 =	vld [tilespmem:s26+$0x30]  }
0x6d: {  	v36 =	vld [tilespmem:s26+$0xFFFFFF30];
	v3 =	vadd.f32 v54, v3;
	v2 =	vadd.f32 v31, v2;
	v31 =	vmul.f32 v53, v29  }
0x6e: {  	v0 =	vadd.f32 v55, v0;
	v55 =	vld [tilespmem:s26+$0xFFFFFF90];
	v58 =	vmul.f32 v52, v33;
	v9 =	vmul.f32 v9, v20  }
0x6f: {  	v50 =	vmul.f32 v50, v33;
	[tilespmem:$0x1FF50] =	vst v15;
	v15 =	vld [tilespmem:s26+$0x140];
	v3 =	vadd.f32 v31, v3;
	v31 =	vmul.f32 v56, v29  }
0x70: {  	v63 =	vmul.f32 v4, v18;
	v1 =	vadd.f32 v58, v1;
	v4 =	vmul.f32 v57, v28;
	[tilespmem:$0x1FF10] =	vst v9;
	v9 =	vld [tilespmem:$0x1FF20]  }
0x71: {  	v0 =	vadd.f32 v50, v0;
	v58 =	vld [tilespmem:s26+$0x10];
	v2 =	vadd.f32 v31, v2;
	v31 =	vmul.f32 v27, v25  }
0x72: {  	v57 =	vld [tilespmem:s26+$0xFFFFFFB0];
	v1 =	vadd.f32 v4, v1;
	v4 =	vmul.f32 v30, v18;
	v30 =	vmul.f32 v36, v28  }
0x73: {  	v54 =	vmul.f32 v12, v20;
	v12 =	vmul.f32 v22, v24;
	v22 =	vld [tilespmem:s26+$0xFFFFFF40];
	v3 =	vadd.f32 v31, v3  }
0x74: {  	[tilespmem:$0x1FF60] =	vst v15;
	v15 =	vld [tilespmem:s26+$0x150];
	v0 =	vadd.f32 v30, v0;
	v30 =	vmul.f32 v55, v29  }
0x75: {  	v36 =	vld [tilespmem:s26+$0xD0];
	v3 =	vadd.f32 v13, v3;
	v9 =	vmul.f32 v9, v23  }
0x76: {  	v59 =	vld [tilespmem:s26+$0x20];
	v1 =	vadd.f32 v30, v1  }
0x77: {  	v30 =	vmul.f32 v57, v29;
	v26 =	vmul.f32 v58, v25;
	v3 =	vadd.f32 v9, v3;
	v9 =	vld [tilespmem:$0x1FF60]  }
0x78: {  	v55 =	vld [tilespmem:s26+$0xFFFFFE50]  }
0x79: {  	[tilespmem:$0x1FF80] =	vst v15;
	v15 =	vld [tilespmem:s26+$0xA0];
	v0 =	vadd.f32 v30, v0;
	v1 =	vadd.f32 v26, v1;
	v26 =	vmul.f32 v60, v25  }
0x7a: {  	v30 =	vld [tilespmem:s26+$0x40]  }
0x7b: {  	v8 =	vmul.f32 v8, v24;
	v27 =	vmul.f32 v14, v20;
	v14 =	vld [tilespmem:s26+$0xFFFFFE40];
	v0 =	vadd.f32 v26, v0  }
0x7c: {  	v1 =	vadd.f32 v12, v1;
	v12 =	vld [tilespmem:$0x1FF50];
	v9 =	vmul.f32 v9, v23  }
0x7d: {  	v21 =	vmul.f32 v21, v20;
	v10 =	vmul.f32 v10, v23;
	[tilespmem:$0x1FEB0] =	vst v4;
	v0 =	vadd.f32 v8, v0;
	v8 =	vld [tilespmem:$0x1FF40]  }
0x7e: {  	v4 =	vmul.f32 v7, v19;
	v31 =	vmul.f32 v59, v25;
	[tilespmem:$0x1FF70] =	vst v9;
	v9 =	vld [tilespmem:$0x1FF80]  }
0x7f: {  	v7 =	vmul.f32 v11, v19;
	v11 =	vmul.f32 v15, v24;
	v15 =	vld [tilespmem:s26+$0xFFFFFEC0]  }
0x80: {  	v62 =	vmul.f32 v42, v18;
	v58 =	vimm.f32 $0.0e+00;
	v2 =	vadd.f32 v31, v2;
	v13 =	vld [tilespmem:s26+$0xFFFFFF50]  }
0x81: {  	v60 =	vimm.f32 $0.0e+00;
	v26 =	vld [tilespmem:s26+$0xFFFFFDC0];
	v1 =	vadd.f32 v10, v1;
	v12 =	vmul.f32 v12, v23  }
0x82: {  	v59 =	vmul.f32 v30, v25;
	v30 =	vld [tilespmem:s26+$0xFFFFFDD0];
	v2 =	vadd.f32 v11, v2;
	v8 =	vmul.f32 v8, v23  }
0x83: {  	[tilespmem:$0x1FFD0] =	vst v58;
	v14 =	vmul.f32 v14, v34;
	v11 =	vld [tilespmem:s26+$0xFFFFFED0];
	v57 =	vadd.f32 v12, v0;
	v9 =	vmul.f32 v9, v23  }
0x84: {  	[tilespmem:$0x1FFE0] =	vst v60;
	v31 =	vld [tilespmem:s26+$0xFFFFFFD0];
	v12 =	vmul.f32 v22, v28;
	v2 =	vadd.f32 v8, v2;
	v8 =	vmul.f32 v45, v25  }
0x85: {  	v32 =	vld [tilespmem:s26+$0xFFFFFCC0];
	v10 =	vmul.f32 v13, v28;
	v22 =	vadd.f32 v27, v1;
	[tilespmem:$0x1FF90] =	vst v9;
	v9 =	vmul.f32 v61, v24  }
0x86: {  	v13 =	vmul.f32 v15, v33;
	v27 =	vld [tilespmem:s26+$0xFFFFFD50];
	v15 =	vmul.f32 v55, v34;
	[tilespmem:$0x1FFC0] =	vst v8;
	v0 =	vadd.f32 v47, v2  }
0x87: {  	v2 =	vmul.f32 v30, v38;
	v30 =	vld [tilespmem:s26+$0xFFFFFC40];
	v61 =	vimm.f32 $0.0e+00;
	[tilespmem:$0x1FFA0] =	vst v9;
	v9 =	vmul.f32 v36, v24  }
0x88: {  	v11 =	vmul.f32 v11, v33;
	v21 =	vadd.f32 v21, v3;
	v3 =	vmul.f32 v26, v38;
	v26 =	vld [tilespmem:s26+$0xFFFFFCD0];
	[tilespmem:$0x1FFF0] =	vst v61  }
0x89: {  	s28 =	simm.s32 $0x40;
	v1 =	vadd.f32 v54, v57;
	v8 =	vmul.f32 v46, v29;
	[tilespmem:$0x1FFB0] =	vst v9;
	v9 =	vmul.f32 v31, v29;
	v31 =	vld [tilespmem:s26+$0xFFFFFD40]  }
.LBB2_3:
0x8a: {  	_ =	sdelay $0x2  }
0x8b: {  	v5 =	vadd.f32 v5, v22;
	v22 =	vmul.f32 v27, v37;
	v27 =	vld [tilespmem:$0x1FE80];
	_ =	sdelay $0x1  }
0x8c: {  	v36 =	vld [tilespmem:$0x1FE20]  }
0x8d: {  	v4 =	vadd.f32 v4, v21  }
0x8e: {  	v61 =	vld [tilespmem:$0x1FDC0]  }
0x8f: {  	v4 =	vadd.f32 v27, v4;
	_ =	sdelay $0x1  }
0x90: {  	v27 =	vld [tilespmem:$0x1FE90];
	v4 =	vadd.f32 v36, v4;
	_ =	sdelay $0x1  }
0x91: {  	v57 =	vld [tilespmem:$0x1FE30];
	v4 =	vadd.f32 v61, v4;
	_ =	sdelay $0x1  }
0x92: {  	[tilespmem:$0x1FD70] =	vst v4;
	v4 =	vld [tilespmem:$0x1FDD0]  }
0x93: {  	v5 =	vadd.f32 v27, v5  }
0x94: {  	v0 =	vadd.f32 v6, v0;
	v6 =	vld [tilespmem:s26+$0xFFFFFC70]  }
0x95: {  	v5 =	vadd.f32 v57, v5;
	_ =	sdelay $0x1  }
0x96: {  	v58 =	vld [tilespmem:$0x1FE40];
	v4 =	vadd.f32 v4, v5;
	_ =	sdelay $0x1  }
0x97: {  	[tilespmem:$0x1FD80] =	vst v4;
	v4 =	vmul.f32 v6, v40;
	v6 =	vld [tilespmem:$0x1FDE0]  }
0x98: {  	v0 =	vadd.f32 v62, v0;
	_ =	sdelay $0x1  }
0x99: {  	v0 =	vadd.f32 v58, v0;
	_ =	sdelay $0x1  }
0x9a: {  	v60 =	vld [tilespmem:$0x1FE50];
	v0 =	vadd.f32 v6, v0  }
0x9b: {  	v1 =	vadd.f32 v7, v1  }
0x9c: {  	[tilespmem:$0x1FD90] =	vst v0;
	v0 =	vld [tilespmem:$0x1FDF0]  }
0x9d: {  	v1 =	vadd.f32 v63, v1;
	_ =	sdelay $0x1  }
0x9e: {  	v1 =	vadd.f32 v60, v1;
	_ =	sdelay $0x1  }
0x9f: {  	v0 =	vadd.f32 v0, v1;
	_ =	sdelay $0x1  }
0xa0: {  	[tilespmem:$0x1FDA0] =	vst v0;
	v0 =	vld [tilespmem:$0x1FDB0];
	_ =	sdelay $0x2  }
0xa1: {  	v21 =	vld [tilespmem:s26+$0xFFFFFC60];
	v30 =	vmul.f32 v30, v40;
	_ =	sdelay $0x1  }
0xa2: {  	v0 =	vadd.f32 v30, v0;
	v30 =	vld [tilespmem:$0x1FFE0]  }
0xa3: {  	v35 =	vld [tilespmem:s26+$0xFFFFFC50]  }
0xa4: {  	v51 =	vld [tilespmem:s26+$0xFFFFFCF0]  }
0xa5: {  	v21 =	vmul.f32 v21, v40;
	v27 =	vld [tilespmem:s26+$0xFFFFFCE0]  }
0xa6: {  	v1 =	vld [tilespmem:$0x1FFD0]  }
0xa7: {  	v21 =	vadd.f32 v21, v30;
	v30 =	vld [tilespmem:$0x1FFF0]  }
0xa8: {  	v54 =	vld [tilespmem:s26+$0xFFFFFD60]  }
0xa9: {  	v55 =	vld [tilespmem:s26+$0xFFFFFD70];
	v35 =	vmul.f32 v35, v40  }
0xaa: {  	v7 =	vmul.f32 v32, v39;
	v5 =	vld [tilespmem:s26+$0xFFFFFDE0]  }
0xab: {  	v26 =	vmul.f32 v26, v39;
	v6 =	vmul.f32 v27, v39;
	v27 =	vld [tilespmem:s26+$0xFFFFFDF0];
	v1 =	vadd.f32 v35, v1  }
0xac: {  	v62 =	vld [tilespmem:s26+$0xFFFFFE60];
	v31 =	vmul.f32 v31, v37;
	v4 =	vadd.f32 v4, v30;
	v30 =	vmul.f32 v51, v39  }
0xad: {  	v1 =	vadd.f32 v26, v1;
	v26 =	vld [tilespmem:s26+$0xFFFFFE70];
	v0 =	vadd.f32 v7, v0;
	v7 =	vmul.f32 v54, v37  }
0xae: {  	v6 =	vadd.f32 v6, v21;
	v21 =	vmul.f32 v55, v37;
	v4 =	vadd.f32 v30, v4  }
0xaf: {  	v5 =	vmul.f32 v5, v38;
	v1 =	vadd.f32 v22, v1;
	v22 =	vld [tilespmem:s26+$0xFFFFFEF0];
	v0 =	vadd.f32 v31, v0  }
0xb0: {  	v6 =	vadd.f32 v7, v6;
	v7 =	vmul.f32 v27, v38;
	v4 =	vadd.f32 v21, v4  }
0xb1: {  	v1 =	vadd.f32 v2, v1;
	v2 =	vmul.f32 v62, v34;
	v0 =	vadd.f32 v3, v0;
	v3 =	vld [tilespmem:s26+$0xFFFFFF70]  }
0xb2: {  	v5 =	vadd.f32 v5, v6;
	v6 =	vmul.f32 v26, v34;
	v4 =	vadd.f32 v7, v4  }
0xb3: {  	v1 =	vadd.f32 v15, v1;
	v15 =	vld [tilespmem:s26+$0xFFFFFFF0];
	v0 =	vadd.f32 v14, v0  }
0xb4: {  	v2 =	vadd.f32 v2, v5;
	v5 =	vmul.f32 v22, v33;
	v4 =	vadd.f32 v6, v4  }
0xb5: {  	v1 =	vadd.f32 v11, v1;
	v0 =	vadd.f32 v13, v0;
	v13 =	vld [tilespmem:s26+$0x70]  }
0xb6: {  	v3 =	vmul.f32 v3, v28;
	v30 =	vld [tilespmem:s26+$0xFFFFFEE0];
	v4 =	vadd.f32 v5, v4  }
0xb7: {  	v1 =	vadd.f32 v10, v1;
	v10 =	vld [tilespmem:s26+$0xF0]  }
0xb8: {  	v0 =	vadd.f32 v12, v0;
	v21 =	vld [tilespmem:s26+$0xFFFFFF60];
	v3 =	vadd.f32 v3, v4;
	v4 =	vmul.f32 v15, v29  }
0xb9: {  	v1 =	vadd.f32 v9, v1;
	v9 =	vld [tilespmem:$0x1FFC0]  }
0xba: {  	v0 =	vadd.f32 v8, v0;
	v8 =	vld [tilespmem:s26+$0x170];
	v3 =	vadd.f32 v4, v3;
	v4 =	vmul.f32 v13, v25  }
0xbb: {  	v7 =	vld [tilespmem:s26+$0xFFFFFFE0];
	v14 =	vmul.f32 v30, v33  }
0xbc: {  	v3 =	vadd.f32 v4, v3;
	v4 =	vmul.f32 v10, v24;
	v10 =	vld [tilespmem:$0x1FFA0]  }
0xbd: {  	v6 =	vld [tilespmem:s26+$0x60];
	v11 =	vmul.f32 v21, v28;
	v2 =	vadd.f32 v14, v2  }
0xbe: {  	v5 =	vld [tilespmem:s26+$0xE0]  }
0xbf: {  	v0 =	vadd.f32 v59, v0;
	v2 =	vadd.f32 v11, v2;
	v11 =	vld [tilespmem:s26+$0x160]  }
0xc0: {  	v3 =	vadd.f32 v4, v3;
	v4 =	vmul.f32 v8, v23;
	v8 =	vld [tilespmem:$0x1FF70]  }
0xc1: {  	v7 =	vmul.f32 v7, v29;
	v0 =	vadd.f32 v10, v0;
	v10 =	vld [tilespmem:$0x1FFB0];
	_ =	sdelay $0x1  }
0xc2: {  	v6 =	vmul.f32 v6, v25;
	v2 =	vadd.f32 v7, v2  }
0xc3: {  	v1 =	vadd.f32 v9, v1;
	v9 =	vld [tilespmem:s26+$0x1F0]  }
0xc4: {  	v5 =	vmul.f32 v5, v24;
	v2 =	vadd.f32 v6, v2;
	v0 =	vadd.f32 v8, v0;
	v8 =	vld [tilespmem:$0x1FF90]  }
0xc5: {  	s29 =	sshra.s32 s28, $0x2;
	v1 =	vadd.f32 v10, v1;
	v10 =	vmul.f32 v11, v23;
	v11 =	vld [tilespmem:s26+$0x270]  }
0xc6: {  	v63 =	vld [tilespmem:s29+$0x0];
	v2 =	vadd.f32 v5, v2  }
0xc7: {  	v7 =	vld [tilespmem:s26+$0x1E0]  }
0xc8: {  	v3 =	vadd.f32 v4, v3;
	v4 =	vmul.f32 v9, v20;
	v2 =	vadd.f32 v10, v2;
	v10 =	vld [tilespmem:$0x1FEF0]  }
0xc9: {  	v1 =	vadd.f32 v8, v1;
	v8 =	vld [tilespmem:s26+$0x2F0]  }
0xca: {  	v3 =	vadd.f32 v4, v3;
	v4 =	vmul.f32 v11, v19;
	v11 =	vld [tilespmem:$0x1FEC0]  }
0xcb: {  	v6 =	vld [tilespmem:s26+$0x260]  }
0xcc: {  	v5 =	vld [tilespmem:s26+$0x2E0]  }
0xcd: {  	v0 =	vadd.f32 v10, v0;
	v10 =	vld [tilespmem:$0x1FF10]  }
0xce: {  	v3 =	vadd.f32 v4, v3;
	v4 =	vmul.f32 v8, v18;
	v8 =	vld [tilespmem:$0x1FEA0]  }
0xcf: {  	v7 =	vmul.f32 v7, v20;
	v0 =	vadd.f32 v11, v0;
	v11 =	vld [tilespmem:$0x1FED0]  }
0xd0: {  	v9 =	vld [tilespmem:s26+$0x360]  }
0xd1: {  	v2 =	vadd.f32 v7, v2;
	v7 =	vld [tilespmem:s26+$0x3E0]  }
0xd2: {  	v1 =	vadd.f32 v10, v1;
	v10 =	vld [tilespmem:s26+$0x370]  }
0xd3: {  	v6 =	vmul.f32 v6, v19;
	v0 =	vadd.f32 v8, v0;
	v8 =	vld [tilespmem:$0x1FEB0]  }
0xd4: {  	v1 =	vadd.f32 v11, v1;
	v11 =	vld [tilespmem:s26+$0x3F0];
	s26 =	sadd.s32 $0x800, s26  }
0xd5: {  	v5 =	vmul.f32 v5, v18;
	v2 =	vadd.f32 v6, v2;
	v12 =	vld [tilespmem:s26+$0x380]  }
0xd6: {  	v6 =	vld [tilespmem:s26+$0x390]  }
0xd7: {  	v2 =	vadd.f32 v5, v2;
	v5 =	vld [tilespmem:s26+$0x3B0]  }
0xd8: {  	v13 =	vld [tilespmem:s26+$0x290]  }
0xd9: {  	v14 =	vld [tilespmem:s26+$0x2A0]  }
0xda: {  	v15 =	vld [tilespmem:s26+$0x2B0]  }
0xdb: {  	v21 =	vld [tilespmem:s26+$0x2C0]  }
0xdc: {  	v22 =	vld [tilespmem:s26+$0x2D0]  }
0xdd: {  	v26 =	vld [tilespmem:s26+$0x200]  }
0xde: {  	v27 =	vld [tilespmem:s26+$0x210]  }
0xdf: {  	v30 =	vld [tilespmem:s26+$0x220]  }
0xe0: {  	v31 =	vld [tilespmem:s26+$0x230]  }
0xe1: {  	v32 =	vld [tilespmem:s26+$0x240]  }
0xe2: {  	v35 =	vld [tilespmem:s26+$0x250]  }
0xe3: {  	v41 =	vld [tilespmem:s26+$0x180]  }
0xe4: {  	v42 =	vld [tilespmem:s26+$0x190]  }
0xe5: {  	v43 =	vld [tilespmem:s26+$0x1A0]  }
0xe6: {  	v44 =	vld [tilespmem:s26+$0x1B0]  }
0xe7: {  	v49 =	vld [tilespmem:s26+$0x1C0]  }
0xe8: {  	v50 =	vld [tilespmem:s26+$0x1D0]  }
0xe9: {  	v58 =	vld [tilespmem:s26+$0x100]  }
0xea: {  	v59 =	vld [tilespmem:s26+$0x110]  }
0xeb: {  	v45 =	vld [tilespmem:s26+$0x120]  }
0xec: {  	v46 =	vld [tilespmem:s26+$0x130]  }
0xed: {  	v52 =	vimm.s32 $0x5;
	v53 =	vimm.s32 $0x2;
	v56 =	vimm.s32 $0x1;
	v47 =	vld [tilespmem:s26+$0x140]  }
0xee: {  	v37 =	vperm.xlane v63, v53;
	v55 =	vimm.s32 $0x0;
	v51 =	vimm.s32 $0x4;
	v48 =	vld [tilespmem:s26+$0x150]  }
0xef: {  	v54 =	vimm.s32 $0x3;
	v40 =	vperm.xlane v63, v55;
	v34 =	vperm.xlane v63, v51;
	v51 =	vld [tilespmem:s26+$0x80]  }
0xf0: {  	v38 =	vperm.xlane v63, v54;
	v3 =	vadd.f32 v4, v3;
	v4 =	vmul.f32 v10, v17;
	v10 =	vld [tilespmem:$0x1FE60]  }
0xf1: {  	v39 =	vperm.xlane v63, v56;
	v33 =	vperm.xlane v63, v52;
	v36 =	vld [tilespmem:s26+$0x90]  }
0xf2: {  	v28 =	vimm.s32 $0x6;
	v3 =	vadd.f32 v4, v3;
	v4 =	vmul.f32 v11, v16;
	v11 =	vld [tilespmem:$0x1FE00]  }
0xf3: {  	v28 =	vperm.xlane v63, v28;
	v29 =	vimm.s32 $0x7;
	v24 =	vimm.s32 $0x8;
	v52 =	vld [tilespmem:s26+$0xA0]  }
0xf4: {  	v29 =	vperm.xlane v63, v29;
	v25 =	vperm.xlane v63, v24;
	v53 =	vld [tilespmem:s26+$0x10]  }
0xf5: {  	v24 =	vimm.s32 $0x9;
	v20 =	vimm.s32 $0xA;
	v54 =	vld [tilespmem:s26+$0x20];
	v0 =	vadd.f32 v10, v0  }
0xf6: {  	v24 =	vperm.xlane v63, v24;
	v23 =	vperm.xlane v63, v20;
	v55 =	vld [tilespmem:s26+$0x30]  }
0xf7: {  	v20 =	vimm.s32 $0xB;
	v18 =	vimm.s32 $0xC;
	v10 =	vld [tilespmem:$0x1FE70];
	v0 =	vadd.f32 v11, v0  }
0xf8: {  	v20 =	vperm.xlane v63, v20;
	v19 =	vperm.xlane v63, v18;
	v57 =	vld [tilespmem:s26+$0x50]  }
0xf9: {  	v18 =	vimm.s32 $0xD;
	v1 =	vadd.f32 v8, v1;
	v8 =	vmul.f32 v9, v17;
	[tilespmem:$0x1FDB0] =	vst v0;
	v0 =	vld [tilespmem:$0x1FE10]  }
0xfa: {  	v7 =	vmul.f32 v7, v16;
	v18 =	vperm.xlane v63, v18;
	v56 =	vld [tilespmem:s26+$0x40];
	v16 =	vimm.s32 $0xE  }
0xfb: {  	v9 =	vld [tilespmem:s26+$0x3A0];
	v2 =	vadd.f32 v8, v2;
	v17 =	vperm.xlane v63, v16;
	v16 =	vimm.s32 $0xF  }
0xfc: {  	v8 =	vld [tilespmem:s26+$0x3D0];
	v62 =	vmul.f32 v14, v18;
	v14 =	vmul.f32 v52, v24;
	v1 =	vadd.f32 v10, v1  }
0xfd: {  	v57 =	vmul.f32 v57, v25;
	v52 =	vld [tilespmem:s26+$0xFFFFFC00];
	v16 =	vperm.xlane v63, v16  }
0xfe: {  	v63 =	vmul.f32 v15, v18;
	v15 =	vmul.f32 v58, v23;
	v58 =	vld [tilespmem:$0x1FD70];
	v0 =	vadd.f32 v0, v1  }
0xff: {  	[tilespmem:$0x1FFC0] =	vst v57;
	v57 =	vld [tilespmem:s26+$0xFFFFFC30];
	v1 =	vadd.f32 v7, v2  }
0x100: {  	v6 =	vmul.f32 v6, v16;
	v11 =	vld [tilespmem:s26+$0x280];
	[tilespmem:$0x1FFD0] =	vst v0  }
0x101: {  	v0 =	vld [tilespmem:s26+$0x300];
	[tilespmem:$0x1FFE0] =	vst v1;
	v1 =	vadd.f32 v4, v3  }
0x102: {  	[tilespmem:$0x1FDD0] =	vst v6;
	v6 =	vmul.f32 v9, v16;
	v9 =	vld [tilespmem:s26+$0xC0]  }
0x103: {  	v12 =	vmul.f32 v12, v16;
	[tilespmem:$0x1FFF0] =	vst v1;
	v1 =	vld [tilespmem:s26+$0x310]  }
0x104: {  	v5 =	vmul.f32 v5, v16;
	v10 =	vld [tilespmem:s26+$0x3C0]  }
0x105: {  	[tilespmem:$0x1FDC0] =	vst v12;
	v2 =	vld [tilespmem:s26+$0x320]  }
0x106: {  	v12 =	vld [tilespmem:s26+$0xB0];
	[tilespmem:$0x1FDF0] =	vst v5;
	v0 =	vmul.f32 v0, v17  }
0x107: {  	[tilespmem:$0x1FDE0] =	vst v6;
	v6 =	vmul.f32 v30, v19;
	v9 =	vmul.f32 v9, v24;
	v3 =	vld [tilespmem:s26+$0x330]  }
0x108: {  	v30 =	vmul.f32 v36, v24;
	v36 =	vld [tilespmem:s26+$0xFFFFFD90];
	[tilespmem:$0x1FE20] =	vst v0;
	v0 =	vmul.f32 v1, v17  }
0x109: {  	v5 =	vmul.f32 v10, v16;
	[tilespmem:$0x1FFA0] =	vst v9;
	v4 =	vld [tilespmem:s26+$0x340]  }
0x10a: {  	v7 =	vld [tilespmem:s26+$0x350];
	[tilespmem:$0x1FE30] =	vst v0;
	v0 =	vmul.f32 v2, v17  }
0x10b: {  	v9 =	vld [tilespmem:s26+$0xFFFFFC80];
	[tilespmem:$0x1FE00] =	vst v5  }
0x10c: {  	v5 =	vmul.f32 v8, v16;
	v8 =	vld [tilespmem:s26+$0xD0];
	[tilespmem:$0x1FE40] =	vst v0;
	v0 =	vmul.f32 v3, v17  }
0x10d: {  	v52 =	vmul.f32 v52, v40;
	v10 =	vld [tilespmem:s26+$0x0]  }
0x10e: {  	v60 =	vld [tilespmem:s26+$0xFFFFFF90];
	v57 =	vmul.f32 v57, v40;
	[tilespmem:$0x1FE50] =	vst v0;
	v0 =	vmul.f32 v4, v17  }
0x10f: {  	v61 =	vld [tilespmem:s26+$0xFFFFFF00];
	v36 =	vmul.f32 v36, v38;
	[tilespmem:$0x1FE10] =	vst v5;
	v5 =	vmul.f32 v27, v19  }
0x110: {  	v52 =	vadd.f32 v52, v58;
	v58 =	vld [tilespmem:$0x1FD80];
	v9 =	vmul.f32 v9, v39;
	[tilespmem:$0x1FE60] =	vst v0;
	v0 =	vmul.f32 v7, v17  }
0x111: {  	v27 =	vmul.f32 v12, v24;
	v12 =	vld [tilespmem:s26+$0xFFFFFD00];
	v8 =	vmul.f32 v8, v24  }
0x112: {  	v10 =	vmul.f32 v10, v25;
	v9 =	vadd.f32 v9, v52;
	v52 =	vld [tilespmem:s26+$0xFFFFFE30];
	[tilespmem:$0x1FE70] =	vst v0;
	v0 =	vmul.f32 v11, v18  }
0x113: {  	v1 =	vmul.f32 v32, v19;
	[tilespmem:$0x1FFB0] =	vst v8;
	v8 =	vld [tilespmem:s26+$0xFFFFFD10];
	v32 =	vmul.f32 v53, v25  }
0x114: {  	[tilespmem:$0x1FE80] =	vst v0;
	v0 =	vmul.f32 v13, v18;
	v13 =	vmul.f32 v54, v25;
	v54 =	vld [tilespmem:s26+$0xFFFFFC10]  }
0x115: {  	v53 =	vmul.f32 v60, v29;
	v60 =	vld [tilespmem:s26+$0xFFFFFCA0];
	[tilespmem:$0x1FEC0] =	vst v1;
	v1 =	vmul.f32 v35, v19  }
0x116: {  	v2 =	vmul.f32 v42, v20;
	v35 =	vmul.f32 v43, v20;
	v42 =	vld [tilespmem:s26+$0xFFFFFE80]  }
0x117: {  	v43 =	vld [tilespmem:s26+$0xFFFFFE90];
	[tilespmem:$0x1FED0] =	vst v1;
	v1 =	vmul.f32 v44, v20;
	v4 =	vmul.f32 v26, v19  }
0x118: {  	v44 =	vld [tilespmem:s26+$0xFFFFFE00];
	v26 =	vmul.f32 v59, v23;
	v59 =	vmul.f32 v56, v25  }
0x119: {  	v56 =	vld [tilespmem:s26+$0xFFFFFC20];
	v11 =	vmul.f32 v47, v23;
	v54 =	vmul.f32 v54, v40  }
0x11a: {  	v12 =	vmul.f32 v12, v37;
	v3 =	vmul.f32 v49, v20;
	v49 =	vld [tilespmem:s26+$0xFFFFFDA0]  }
0x11b: {  	v8 =	vmul.f32 v8, v37;
	[tilespmem:$0x1FF70] =	vst v11;
	v11 =	vmul.f32 v48, v23;
	v54 =	vadd.f32 v54, v58;
	v58 =	vld [tilespmem:$0x1FD90]  }
0x11c: {  	v60 =	vmul.f32 v60, v39;
	[tilespmem:$0x1FEF0] =	vst v3;
	v3 =	vmul.f32 v50, v20;
	v50 =	vld [tilespmem:s26+$0xFFFFFDB0]  }
0x11d: {  	v42 =	vmul.f32 v42, v33;
	[tilespmem:$0x1FF90] =	vst v11;
	v11 =	vmul.f32 v51, v24;
	v51 =	vld [tilespmem:s26+$0xFFFFFC90]  }
0x11e: {  	v7 =	vmul.f32 v31, v19;
	v56 =	vmul.f32 v56, v40;
	v48 =	vld [tilespmem:s26+$0xFFFFFD80]  }
0x11f: {  	v31 =	vmul.f32 v55, v25;
	v55 =	vmul.f32 v61, v28;
	v61 =	vld [tilespmem:s26+$0xFFFFFCB0]  }
0x120: {  	v43 =	vmul.f32 v43, v33;
	[tilespmem:$0x1FE90] =	vst v0;
	v0 =	vmul.f32 v21, v18;
	v56 =	vadd.f32 v56, v58;
	v58 =	vld [tilespmem:$0x1FDA0]  }
0x121: {  	[tilespmem:$0x1FF10] =	vst v3;
	v3 =	vmul.f32 v45, v23;
	v45 =	vld [tilespmem:s26+$0xFFFFFD20];
	v44 =	vmul.f32 v44, v34  }
0x122: {  	v47 =	vld [tilespmem:s26+$0xFFFFFD30];
	[tilespmem:$0x1FEA0] =	vst v0;
	v0 =	vmul.f32 v22, v18;
	v51 =	vmul.f32 v51, v39  }
0x123: {  	v9 =	vadd.f32 v12, v9;
	v22 =	vmul.f32 v46, v23;
	v46 =	vld [tilespmem:s26+$0xFFFFFE10];
	v48 =	vmul.f32 v48, v38  }
0x124: {  	v12 =	vmul.f32 v49, v38;
	v49 =	vld [tilespmem:s26+$0xFFFFFEB0];
	v61 =	vmul.f32 v61, v39;
	v51 =	vadd.f32 v51, v54  }
0x125: {  	v21 =	vmul.f32 v41, v20;
	v41 =	vld [tilespmem:s26+$0xFFFFFF10];
	v9 =	vadd.f32 v48, v9;
	v57 =	vadd.f32 v57, v58  }
0x126: {  	v45 =	vmul.f32 v45, v37;
	v8 =	vadd.f32 v8, v51;
	v54 =	vadd.f32 v60, v56;
	v58 =	vld [tilespmem:s26+$0xFFFFFE20]  }
0x127: {  	v47 =	vmul.f32 v47, v37;
	[tilespmem:$0x1FEB0] =	vst v0;
	v0 =	vld [tilespmem:s26+$0xFFFFFF80];
	v9 =	vadd.f32 v44, v9;
	v60 =	vadd.f32 v61, v57  }
0x128: {  	v46 =	vmul.f32 v46, v34;
	v8 =	vadd.f32 v36, v8;
	v45 =	vadd.f32 v45, v54;
	v61 =	vld [tilespmem:s26+$0xFFFFFEA0]  }
0x129: {  	v50 =	vmul.f32 v50, v38;
	v48 =	vld [tilespmem:s26+$0xFFFFFF30];
	v9 =	vadd.f32 v42, v9;
	v47 =	vadd.f32 v47, v60  }
0x12a: {  	v41 =	vmul.f32 v41, v28;
	v51 =	vld [tilespmem:s26+$0xFFFFFF20];
	v8 =	vadd.f32 v46, v8;
	v12 =	vadd.f32 v12, v45  }
0x12b: {  	v46 =	vld [tilespmem:s26+$0xFFFFFFB0];
	v60 =	vmul.f32 v52, v34;
	v56 =	vmul.f32 v58, v34;
	v58 =	vadd.f32 v50, v47  }
0x12c: {  	v0 =	vmul.f32 v0, v29;
	v9 =	vadd.f32 v55, v9;
	v54 =	vmul.f32 v49, v33;
	v50 =	vld [tilespmem:s26+$0xFFFFFFA0]  }
0x12d: {  	v49 =	vld [tilespmem:s26+$0xFFFFFEC0];
	v61 =	vmul.f32 v61, v33;
	v12 =	vadd.f32 v56, v12;
	v52 =	vadd.f32 v60, v58  }
0x12e: {  	v0 =	vadd.f32 v0, v9;
	v8 =	vadd.f32 v43, v8;
	v43 =	vld [tilespmem:s26+$0xFFFFFFD0];
	v57 =	vmul.f32 v48, v28  }
0x12f: {  	v56 =	vmul.f32 v51, v28;
	v58 =	vld [tilespmem:s26+$0xFFFFFF40];
	v12 =	vadd.f32 v61, v12;
	v36 =	vadd.f32 v54, v52  }
0x130: {  	v0 =	vadd.f32 v10, v0;
	v8 =	vadd.f32 v41, v8;
	v60 =	vld [tilespmem:s26+$0xFFFFFF50];
	v52 =	vmul.f32 v46, v29  }
0x131: {  	v47 =	vld [tilespmem:s26+$0xFFFFFFC0];
	v61 =	vmul.f32 v50, v29;
	v12 =	vadd.f32 v56, v12;
	v36 =	vadd.f32 v57, v36  }
0x132: {  	v0 =	vadd.f32 v11, v0;
	v55 =	vadd.f32 v53, v8;
	v54 =	vld [tilespmem:s26+$0xFFFFFED0]  }
0x133: {  	v56 =	vld [tilespmem:s26+$0xFFFFFE40];
	v48 =	vadd.f32 v61, v12;
	v36 =	vadd.f32 v52, v36  }
0x134: {  	v0 =	vadd.f32 v15, v0;
	v32 =	vadd.f32 v32, v55;
	v57 =	vld [tilespmem:s26+$0xFFFFFE50];
	v12 =	vmul.f32 v58, v28  }
0x135: {  	v58 =	vld [tilespmem:s26+$0xFFFFFDC0];
	v10 =	vmul.f32 v60, v28;
	v60 =	vadd.f32 v13, v48;
	v36 =	vadd.f32 v31, v36  }
0x136: {  	p0 =	sne.s32 s28, $0x440;
	v9 =	vmul.f32 v43, v29;
	v21 =	vadd.f32 v21, v0;
	v30 =	vadd.f32 v30, v32;
	v61 =	vld [tilespmem:s26+$0xFFFFFDD0]  }
.Ltmp0:
0x137: {  	v32 =	vld [tilespmem:s26+$0xFFFFFCC0];
	v8 =	vmul.f32 v47, v29;
	v41 =	vadd.f32 v14, v60;
	v36 =	vadd.f32 v27, v36;
	(pc) =	sbr.rel @p0 .LBB2_3-.Ltmp0, $4  }
0x138: {  	v30 =	vadd.f32 v26, v30;
	v26 =	vld [tilespmem:s26+$0xFFFFFCD0];
	v13 =	vmul.f32 v49, v33;
	v11 =	vmul.f32 v54, v33  }
0x139: {  	v31 =	vld [tilespmem:s26+$0xFFFFFD40];
	v14 =	vmul.f32 v56, v34;
	v41 =	vadd.f32 v3, v41;
	v36 =	vadd.f32 v22, v36  }
0x13a: {  	v15 =	vmul.f32 v57, v34;
	v27 =	vld [tilespmem:s26+$0xFFFFFD50];
	v3 =	vmul.f32 v58, v38;
	v22 =	vadd.f32 v2, v30  }
0x13b: {  	s28 =	sadd.s32 $0x40, s28;
	v30 =	vld [tilespmem:s26+$0xFFFFFC40];
	v2 =	vmul.f32 v61, v38;
	v0 =	vadd.f32 v35, v41;
	v1 =	vadd.f32 v1, v36  }
0x13c: {  	v54 =	vld [tilespmem:s26+$0x160];
	_ =	sdelay $0x4  }
0x13d: {  	[tilespmem:$0x1FAA0] =	vst v54;
	v54 =	vld [tilespmem:s26+$0x170];
	_ =	sdelay $0x4  }
0x13e: {  	[tilespmem:$0x1FAB0] =	vst v54;
	v54 =	vld [tilespmem:s26+$0x1E0];
	_ =	sdelay $0x4  }
0x13f: {  	[tilespmem:$0x1FAC0] =	vst v54;
	v54 =	vld [tilespmem:s26+$0x1F0];
	_ =	sdelay $0x4  }
0x140: {  	[tilespmem:$0x1FAD0] =	vst v54;
	v54 =	vld [tilespmem:s26+$0x260];
	_ =	sdelay $0x4  }
0x141: {  	[tilespmem:$0x1FAE0] =	vst v54;
	v54 =	vld [tilespmem:s26+$0x270];
	_ =	sdelay $0x1  }
0x142: {  	v6 =	vadd.f32 v6, v0;
	v0 =	vld [tilespmem:s26+$0x360];
	_ =	sdelay $0x2  }
0x143: {  	[tilespmem:$0x1FAF0] =	vst v54;
	v54 =	vld [tilespmem:s26+$0x2E0];
	_ =	sdelay $0x1  }
0x144: {  	[tilespmem:$0x1FB10] =	vst v0;
	v0 =	vld [tilespmem:$0x1FE80];
	_ =	sdelay $0x2  }
0x145: {  	[tilespmem:$0x1FB00] =	vst v54;
	v54 =	vadd.f32 v4, v21;
	_ =	sdelay $0x1  }
0x146: {  	v5 =	vadd.f32 v5, v22;
	v22 =	vadd.f32 v0, v54;
	v0 =	vld [tilespmem:$0x1FE90];
	_ =	sdelay $0x4  }
0x147: {  	v5 =	vadd.f32 v0, v5;
	v0 =	vld [tilespmem:$0x1FE20];
	_ =	sdelay $0x4  }
0x148: {  	v22 =	vadd.f32 v0, v22;
	v0 =	vld [tilespmem:s26+$0x3F0];
	_ =	sdelay $0x3  }
0x149: {  	v35 =	vld [tilespmem:s26+$0xFFFFFC50]  }
0x14a: {  	[tilespmem:$0x1FB20] =	vst v0;
	v0 =	vld [tilespmem:$0x1FE30]  }
0x14b: {  	v36 =	vld [tilespmem:s26+$0xFFFFFC60]  }
0x14c: {  	v41 =	vld [tilespmem:s26+$0xFFFFFC70]  }
0x14d: {  	v42 =	vld [tilespmem:s26+$0xFFFFFCE0];
	v1 =	vadd.f32 v7, v1  }
0x14e: {  	v43 =	vld [tilespmem:s26+$0xFFFFFCF0]  }
0x14f: {  	v1 =	vadd.f32 v63, v1;
	v63 =	vadd.f32 v0, v5;
	v0 =	vld [tilespmem:$0x1FE40]  }
0x150: {  	v44 =	vld [tilespmem:s26+$0xFFFFFD60]  }
0x151: {  	v45 =	vld [tilespmem:s26+$0xFFFFFD70]  }
0x152: {  	v47 =	vld [tilespmem:s26+$0xFFFFFDE0];
	v54 =	vadd.f32 v62, v6  }
0x153: {  	v49 =	vld [tilespmem:s26+$0xFFFFFDF0]  }
0x154: {  	v4 =	vadd.f32 v0, v54;
	v0 =	vld [tilespmem:$0x1FE50]  }
0x155: {  	v50 =	vld [tilespmem:s26+$0xFFFFFE60]  }
0x156: {  	v51 =	vld [tilespmem:s26+$0xFFFFFE70]  }
0x157: {  	v52 =	vld [tilespmem:s26+$0xFFFFFEE0]  }
0x158: {  	v53 =	vld [tilespmem:s26+$0xFFFFFEF0]  }
0x159: {  	v0 =	vadd.f32 v0, v1;
	v1 =	vld [tilespmem:$0x1FDC0]  }
0x15a: {  	v57 =	vld [tilespmem:s26+$0xFFFFFF60]  }
0x15b: {  	v58 =	vld [tilespmem:s26+$0xFFFFFF70]  }
0x15c: {  	v61 =	vld [tilespmem:s26+$0xFFFFFFE0]  }
0x15d: {  	v48 =	vld [tilespmem:s26+$0xFFFFFFF0]  }
0x15e: {  	v5 =	vadd.f32 v1, v22;
	v22 =	vld [tilespmem:$0x1FDE0]  }
0x15f: {  	v55 =	vld [tilespmem:s26+$0x60]  }
0x160: {  	v56 =	vld [tilespmem:s26+$0x70]  }
0x161: {  	v46 =	vld [tilespmem:s26+$0xE0]  }
0x162: {  	v1 =	vld [tilespmem:$0x1FDD0]  }
0x163: {  	v22 =	vadd.f32 v22, v4;
	v4 =	vld [tilespmem:$0x1FDF0]  }
0x164: {  	v60 =	vld [tilespmem:s26+$0xF0]  }
0x165: {  	v7 =	vld [tilespmem:s26+$0x370]  }
0x166: {  	v21 =	vld [tilespmem:s26+$0x2F0]  }
0x167: {  	v6 =	vld [tilespmem:s26+$0x3E0];
	v1 =	vadd.f32 v1, v63  }
0x168: {  	v62 =	vld [tilespmem:$0x9180];
	v0 =	vadd.f32 v4, v0  }
0x169: {  	v30 =	vmul.f32 v30, v40;
	[tilespmem:$0x1FB30] =	vst v1;
	v4 =	vmul.f32 v41, v40;
	v41 =	vld [tilespmem:$0x1FDB0]  }
0x16a: {  	v1 =	vmul.f32 v35, v40;
	[tilespmem:$0x1FB40] =	vst v0;
	v0 =	vmul.f32 v36, v40;
	v40 =	vld [tilespmem:$0x1FFE0]  }
0x16b: {  	v54 =	vld [tilespmem:$0x120]  }
0x16c: {  	v63 =	vld [tilespmem:$0x9190]  }
0x16d: {  	v35 =	vld [tilespmem:$0x91A0]  }
0x16e: {  	v36 =	vadd.f32 v30, v41;
	v30 =	vld [tilespmem:$0x1FFD0]  }
0x16f: {  	v26 =	vmul.f32 v26, v39;
	v31 =	vmul.f32 v31, v37;
	v0 =	vadd.f32 v0, v40;
	v40 =	vld [tilespmem:$0x1FFF0]  }
0x170: {  	v27 =	vmul.f32 v27, v37;
	v41 =	vmul.f32 v32, v39;
	v32 =	vld [tilespmem:$0x91C0]  }
0x171: {  	v42 =	vmul.f32 v42, v39;
	v43 =	vmul.f32 v43, v39;
	v39 =	vld [tilespmem:$0x91E0]  }
0x172: {  	v45 =	vmul.f32 v45, v37;
	v36 =	vadd.f32 v41, v36;
	v41 =	vmul.f32 v44, v37;
	v37 =	vld [tilespmem:$0x9210]  }
0x173: {  	v44 =	vld [tilespmem:$0x1FFB0];
	v0 =	vadd.f32 v42, v0;
	v1 =	vadd.f32 v1, v30  }
0x174: {  	v36 =	vadd.f32 v31, v36;
	v31 =	vld [tilespmem:$0x9200];
	v4 =	vadd.f32 v4, v40  }
0x175: {  	v42 =	vmul.f32 v51, v34;
	v51 =	vld [tilespmem:$0x1FAE0];
	v1 =	vadd.f32 v26, v1  }
0x176: {  	v30 =	vld [tilespmem:$0x91B0];
	v0 =	vadd.f32 v41, v0;
	v4 =	vadd.f32 v43, v4  }
0x177: {  	v3 =	vadd.f32 v3, v36;
	v36 =	vld [tilespmem:$0x9220];
	v1 =	vadd.f32 v27, v1;
	v27 =	vmul.f32 v47, v38  }
0x178: {  	v41 =	vmul.f32 v49, v38;
	v49 =	vld [tilespmem:$0x1FEF0];
	v4 =	vadd.f32 v45, v4  }
0x179: {  	v40 =	vld [tilespmem:$0x91D0];
	v1 =	vadd.f32 v2, v1;
	v0 =	vadd.f32 v27, v0;
	v2 =	vmul.f32 v50, v34  }
0x17a: {  	v26 =	vld [tilespmem:$0x91F0];
	v4 =	vadd.f32 v41, v4  }
0x17b: {  	v3 =	vadd.f32 v14, v3;
	v14 =	vld [tilespmem:$0x9240];
	v0 =	vadd.f32 v2, v0;
	v2 =	vmul.f32 v52, v33  }
0x17c: {  	v43 =	vmul.f32 v53, v33;
	v47 =	vld [tilespmem:$0x1FF90];
	v4 =	vadd.f32 v42, v4  }
0x17d: {  	v38 =	vld [tilespmem:$0x9310];
	v0 =	vadd.f32 v2, v0;
	v2 =	vmul.f32 v57, v28  }
0x17e: {  	v53 =	vld [tilespmem:$0x1FED0];
	v28 =	vmul.f32 v58, v28;
	v4 =	vadd.f32 v43, v4  }
0x17f: {  	v3 =	vadd.f32 v13, v3;
	v13 =	vld [tilespmem:$0x9260];
	v0 =	vadd.f32 v2, v0;
	v2 =	vmul.f32 v61, v29  }
0x180: {  	v27 =	vld [tilespmem:$0x9230];
	v4 =	vadd.f32 v28, v4;
	v28 =	vmul.f32 v48, v29  }
0x181: {  	v45 =	vld [tilespmem:$0x1FAA0];
	v0 =	vadd.f32 v2, v0;
	v2 =	vmul.f32 v55, v25  }
0x182: {  	v50 =	vld [tilespmem:$0x1FF10];
	v3 =	vadd.f32 v12, v3;
	v25 =	vmul.f32 v56, v25;
	v4 =	vadd.f32 v28, v4  }
0x183: {  	v12 =	vld [tilespmem:$0x9280];
	v1 =	vadd.f32 v15, v1;
	v0 =	vadd.f32 v2, v0  }
0x184: {  	v29 =	vld [tilespmem:$0x1FFC0];
	v2 =	vmul.f32 v46, v24;
	v24 =	vmul.f32 v60, v24;
	v4 =	vadd.f32 v25, v4  }
0x185: {  	v25 =	vld [tilespmem:$0x1FFA0]  }
0x186: {  	v1 =	vadd.f32 v11, v1;
	v4 =	vadd.f32 v24, v4;
	v24 =	vld [tilespmem:$0x1FAB0]  }
0x187: {  	v3 =	vadd.f32 v8, v3;
	v48 =	vld [tilespmem:$0x1FAC0]  }
0x188: {  	v1 =	vadd.f32 v10, v1;
	v46 =	vld [tilespmem:$0x1FF70]  }
0x189: {  	v3 =	vadd.f32 v59, v3;
	v55 =	vld [tilespmem:$0x1FB00]  }
0x18a: {  	v15 =	vld [tilespmem:$0x9250];
	v33 =	vmul.f32 v45, v23;
	v1 =	vadd.f32 v9, v1;
	v0 =	vadd.f32 v2, v0  }
0x18b: {  	v41 =	vld [tilespmem:$0x9330];
	v3 =	vadd.f32 v25, v3;
	v23 =	vmul.f32 v24, v23  }
0x18c: {  	v52 =	vld [tilespmem:$0x1FEC0];
	v1 =	vadd.f32 v29, v1;
	v34 =	vmul.f32 v48, v20;
	v0 =	vadd.f32 v33, v0  }
0x18d: {  	v3 =	vadd.f32 v46, v3;
	v4 =	vadd.f32 v23, v4;
	v23 =	vld [tilespmem:$0x1FAD0]  }
0x18e: {  	v0 =	vadd.f32 v34, v0;
	v34 =	vmul.f32 v55, v18;
	v18 =	vmul.f32 v21, v18;
	v21 =	vld [tilespmem:$0x1FEA0]  }
0x18f: {  	v8 =	vld [tilespmem:$0x92A0];
	v3 =	vadd.f32 v49, v3  }
0x190: {  	v11 =	vld [tilespmem:$0x9270];
	v1 =	vadd.f32 v44, v1  }
0x191: {  	v42 =	vld [tilespmem:$0x9350];
	v3 =	vadd.f32 v52, v3  }
0x192: {  	v57 =	vld [tilespmem:$0x93C0];
	v1 =	vadd.f32 v47, v1;
	v20 =	vmul.f32 v23, v20  }
0x193: {  	v3 =	vadd.f32 v21, v3;
	v21 =	vld [tilespmem:$0x1FEB0]  }
0x194: {  	v1 =	vadd.f32 v50, v1;
	v4 =	vadd.f32 v20, v4;
	v20 =	vld [tilespmem:$0x1FAF0]  }
0x195: {  	v58 =	vld [tilespmem:$0x1FB30]  }
0x196: {  	v59 =	vld [tilespmem:$0x93E0];
	v1 =	vadd.f32 v53, v1  }
0x197: {  	v10 =	vld [tilespmem:$0x9290]  }
0x198: {  	v1 =	vadd.f32 v21, v1;
	v21 =	vld [tilespmem:$0x1FB10]  }
0x199: {  	v43 =	vld [tilespmem:$0x93B0];
	v33 =	vmul.f32 v51, v19;
	v19 =	vmul.f32 v20, v19  }
0x19a: {  	v9 =	vld [tilespmem:$0x92B0]  }
0x19b: {  	v56 =	vld [tilespmem:$0x1FE10];
	v0 =	vadd.f32 v33, v0;
	v4 =	vadd.f32 v19, v4  }
0x19c: {  	v28 =	vld [tilespmem:$0x92C0]  }
0x19d: {  	v0 =	vadd.f32 v34, v0;
	v21 =	vmul.f32 v21, v17;
	v4 =	vadd.f32 v18, v4;
	v18 =	vld [tilespmem:$0x1FE60]  }
0x19e: {  	v2 =	vld [tilespmem:$0x92F0]  }
0x19f: {  	v0 =	vadd.f32 v21, v0;
	v21 =	vld [tilespmem:$0x1FB20]  }
0x1a0: {  	v29 =	vld [tilespmem:$0x92D0]  }
0x1a1: {  	v25 =	vld [tilespmem:$0x92E0]  }
0x1a2: {  	v3 =	vadd.f32 v18, v3;
	v18 =	vld [tilespmem:$0x1FE70]  }
0x1a3: {  	v6 =	vmul.f32 v6, v16;
	v55 =	vimm.s32 $0x1;
	v33 =	vld [tilespmem:$0x9370]  }
0x1a4: {  	v48 =	vperm.xlane v54, v55;
	v16 =	vmul.f32 v21, v16;
	v21 =	vld [tilespmem:$0x1FE00]  }
0x1a5: {  	v7 =	vmul.f32 v7, v17;
	v24 =	vld [tilespmem:$0x9300]  }
0x1a6: {  	v61 =	vimm.s32 $0x6;
	v47 =	vimm.s32 $0x0;
	v50 =	vld [tilespmem:$0x1FB40];
	v14 =	vmul.f32 v14, v48  }
0x1a7: {  	v15 =	vmul.f32 v15, v48;
	v34 =	vld [tilespmem:$0x9390];
	v1 =	vadd.f32 v18, v1;
	v18 =	vperm.xlane v54, v47  }
0x1a8: {  	v13 =	vmul.f32 v13, v48;
	v49 =	vld [tilespmem:$0x93F0];
	v53 =	vmul.f32 v36, v48;
	v4 =	vadd.f32 v7, v4  }
0x1a9: {  	v52 =	vld [tilespmem:$0x9400];
	v0 =	vadd.f32 v6, v0;
	v3 =	vadd.f32 v21, v3;
	v21 =	vmul.f32 v62, v18  }
0x1aa: {  	v23 =	vld [tilespmem:$0x9320];
	v4 =	vadd.f32 v16, v4;
	v6 =	vmul.f32 v63, v18;
	v16 =	vmul.f32 v35, v18  }
0x1ab: {  	v20 =	vld [tilespmem:$0x9340];
	v1 =	vadd.f32 v56, v1;
	v30 =	vmul.f32 v30, v18;
	v32 =	vmul.f32 v32, v18  }
0x1ac: {  	v19 =	vld [tilespmem:$0x9360];
	v51 =	vmul.f32 v39, v18;
	v62 =	vimm.s32 $0x2;
	v5 =	vadd.f32 v21, v5  }
0x1ad: {  	v17 =	vld [tilespmem:$0x9380];
	v6 =	vadd.f32 v6, v58;
	v16 =	vadd.f32 v16, v22;
	v22 =	vmul.f32 v40, v18  }
0x1ae: {  	v7 =	vld [tilespmem:$0x93A0];
	v30 =	vadd.f32 v30, v50;
	v3 =	vadd.f32 v32, v3;
	v18 =	vmul.f32 v26, v18  }
0x1af: {  	v56 =	vld [tilespmem:$0x9420];
	v0 =	vadd.f32 v51, v0;
	v1 =	vadd.f32 v22, v1;
	v22 =	vmul.f32 v31, v48  }
0x1b0: {  	v21 =	vld [tilespmem:$0x93D0];
	v31 =	vmul.f32 v37, v48;
	v4 =	vadd.f32 v18, v4;
	v18 =	vmul.f32 v27, v48  }
0x1b1: {  	v26 =	vld [tilespmem:$0x9410];
	v16 =	vadd.f32 v53, v16;
	v0 =	vadd.f32 v13, v0;
	v13 =	vimm.s32 $0x3  }
0x1b2: {  	v58 =	vld [tilespmem:$0x9570];
	v13 =	vperm.xlane v54, v13;
	v18 =	vadd.f32 v18, v30;
	v30 =	vperm.xlane v54, v62  }
0x1b3: {  	v11 =	vmul.f32 v11, v48;
	v27 =	vld [tilespmem:$0x9440];
	v3 =	vadd.f32 v14, v3;
	v5 =	vadd.f32 v22, v5  }
0x1b4: {  	v14 =	vld [tilespmem:$0x9460];
	v6 =	vadd.f32 v31, v6;
	v20 =	vmul.f32 v20, v13;
	v12 =	vmul.f32 v12, v30  }
0x1b5: {  	v22 =	vld [tilespmem:$0x9430];
	v1 =	vadd.f32 v15, v1;
	v10 =	vmul.f32 v10, v30;
	v8 =	vmul.f32 v8, v30  }
0x1b6: {  	v31 =	vld [tilespmem:$0x9450];
	v9 =	vmul.f32 v9, v30;
	v5 =	vadd.f32 v12, v5;
	v12 =	vmul.f32 v28, v30  }
0x1b7: {  	v15 =	vld [tilespmem:$0x9470];
	v4 =	vadd.f32 v11, v4;
	v25 =	vmul.f32 v25, v30;
	v2 =	vmul.f32 v2, v30  }
0x1b8: {  	v11 =	vld [tilespmem:$0x9480];
	v6 =	vadd.f32 v10, v6;
	v3 =	vadd.f32 v12, v3;
	v12 =	vmul.f32 v24, v13  }
0x1b9: {  	v10 =	vld [tilespmem:$0x9490];
	v8 =	vadd.f32 v8, v16;
	v9 =	vadd.f32 v9, v18;
	v18 =	vmul.f32 v29, v30  }
0x1ba: {  	v16 =	vld [tilespmem:$0x94A0];
	v2 =	vadd.f32 v2, v4;
	v4 =	vadd.f32 v12, v5;
	v5 =	vmul.f32 v23, v13  }
0x1bb: {  	v28 =	vld [tilespmem:$0x94B0];
	v0 =	vadd.f32 v25, v0;
	v1 =	vadd.f32 v18, v1;
	v18 =	vmul.f32 v38, v13  }
0x1bc: {  	v25 =	vld [tilespmem:$0x94D0];
	v29 =	vimm.s32 $0x4;
	v5 =	vadd.f32 v5, v8;
	v8 =	vmul.f32 v42, v13  }
0x1bd: {  	v30 =	vld [tilespmem:$0x9500];
	v29 =	vperm.xlane v54, v29;
	v6 =	vadd.f32 v18, v6;
	v18 =	vmul.f32 v41, v13  }
0x1be: {  	v60 =	vimm.s32 $0x8;
	v24 =	vld [tilespmem:$0x94C0];
	v1 =	vadd.f32 v8, v1;
	v8 =	vmul.f32 v33, v13  }
0x1bf: {  	v7 =	vmul.f32 v7, v29;
	v12 =	vld [tilespmem:$0x94E0];
	v3 =	vadd.f32 v20, v3;
	v9 =	vadd.f32 v18, v9  }
0x1c0: {  	v23 =	vld [tilespmem:$0x94F0];
	v18 =	vmul.f32 v19, v13;
	v2 =	vadd.f32 v8, v2;
	v8 =	vmul.f32 v43, v29  }
0x1c1: {  	v20 =	vld [tilespmem:$0x9530];
	v13 =	vmul.f32 v17, v29;
	v5 =	vadd.f32 v7, v5;
	v7 =	vmul.f32 v57, v29  }
0x1c2: {  	v19 =	vld [tilespmem:$0x9510];
	v8 =	vadd.f32 v8, v9;
	v9 =	vmul.f32 v21, v29;
	v21 =	vimm.s32 $0x5  }
0x1c3: {  	v17 =	vld [tilespmem:$0x9520];
	v0 =	vadd.f32 v18, v0;
	v18 =	vmul.f32 v34, v29;
	v21 =	vperm.xlane v54, v21  }
0x1c4: {  	v57 =	vld [tilespmem:$0x9560];
	v4 =	vadd.f32 v13, v4;
	v3 =	vadd.f32 v7, v3;
	v7 =	vmul.f32 v59, v29  }
0x1c5: {  	v13 =	vld [tilespmem:$0x9540];
	v29 =	vmul.f32 v49, v29;
	v1 =	vadd.f32 v9, v1;
	v9 =	vmul.f32 v52, v21  }
0x1c6: {  	v6 =	vadd.f32 v18, v6;
	v18 =	vld [tilespmem:$0x9550];
	v0 =	vadd.f32 v7, v0;
	v7 =	vmul.f32 v56, v21  }
0x1c7: {  	v59 =	vld [tilespmem:$0x9580];
	v2 =	vadd.f32 v29, v2;
	v26 =	vmul.f32 v26, v21;
	v4 =	vadd.f32 v9, v4  }
0x1c8: {  	v29 =	vld [tilespmem:$0x9590];
	v9 =	vmul.f32 v22, v21;
	v5 =	vadd.f32 v7, v5;
	v7 =	vmul.f32 v27, v21  }
0x1c9: {  	v14 =	vmul.f32 v14, v21;
	v6 =	vadd.f32 v26, v6;
	v22 =	vld [tilespmem:$0x95A0];
	v26 =	vperm.xlane v54, v61  }
0x1ca: {  	v27 =	vld [tilespmem:$0x95B0];
	v8 =	vadd.f32 v9, v8;
	v9 =	vmul.f32 v31, v21;
	v3 =	vadd.f32 v7, v3  }
0x1cb: {  	v31 =	vld [tilespmem:$0x95C0];
	v7 =	vmul.f32 v15, v21;
	v11 =	vmul.f32 v11, v26;
	v21 =	vimm.s32 $0x7  }
0x1cc: {  	v0 =	vadd.f32 v14, v0;
	v15 =	vld [tilespmem:$0x95D0];
	v14 =	vmul.f32 v24, v26;
	v21 =	vperm.xlane v54, v21  }
0x1cd: {  	v24 =	vld [tilespmem:$0x9610];
	v1 =	vadd.f32 v9, v1;
	v9 =	vmul.f32 v10, v26;
	v2 =	vadd.f32 v7, v2  }
0x1ce: {  	v10 =	vld [tilespmem:$0x95E0];
	v4 =	vadd.f32 v11, v4;
	v7 =	vmul.f32 v16, v26;
	v3 =	vadd.f32 v14, v3  }
0x1cf: {  	v11 =	vld [tilespmem:$0x95F0];
	v14 =	vmul.f32 v30, v21;
	v6 =	vadd.f32 v9, v6;
	v9 =	vmul.f32 v28, v26  }
0x1d0: {  	v63 =	vimm.s32 $0x9;
	v16 =	vld [tilespmem:$0x9600];
	v5 =	vadd.f32 v7, v5;
	v7 =	vmul.f32 v25, v26  }
0x1d1: {  	v4 =	vadd.f32 v14, v4;
	v14 =	vld [tilespmem:$0x9650];
	v8 =	vadd.f32 v9, v8;
	v9 =	vmul.f32 v12, v26  }
0x1d2: {  	v17 =	vmul.f32 v17, v21;
	v12 =	vld [tilespmem:$0x9620];
	v1 =	vadd.f32 v7, v1;
	v7 =	vmul.f32 v23, v26  }
0x1d3: {  	v28 =	vimm.s32 $0xA;
	v23 =	vld [tilespmem:$0x9630];
	v0 =	vadd.f32 v9, v0;
	v9 =	vmul.f32 v19, v21  }
0x1d4: {  	v5 =	vadd.f32 v17, v5;
	v26 =	vld [tilespmem:$0x9690];
	v2 =	vadd.f32 v7, v2;
	v7 =	vmul.f32 v20, v21  }
0x1d5: {  	v17 =	vperm.xlane v54, v60;
	v19 =	vld [tilespmem:$0x9640];
	v6 =	vadd.f32 v9, v6;
	v9 =	vmul.f32 v13, v21  }
0x1d6: {  	v20 =	vmul.f32 v58, v21;
	v13 =	vld [tilespmem:$0x9660];
	v7 =	vadd.f32 v7, v8;
	v8 =	vmul.f32 v18, v21  }
0x1d7: {  	v25 =	vmul.f32 v29, v17;
	v18 =	vld [tilespmem:$0x9670];
	v3 =	vadd.f32 v9, v3;
	v9 =	vmul.f32 v57, v21  }
0x1d8: {  	v2 =	vadd.f32 v20, v2;
	v20 =	vld [tilespmem:$0x96A0];
	v1 =	vadd.f32 v8, v1;
	v8 =	vmul.f32 v59, v17  }
0x1d9: {  	v10 =	vmul.f32 v10, v17;
	v21 =	vld [tilespmem:$0x9680];
	v0 =	vadd.f32 v9, v0;
	v9 =	vmul.f32 v22, v17  }
0x1da: {  	v6 =	vadd.f32 v25, v6;
	v4 =	vadd.f32 v8, v4;
	v8 =	vmul.f32 v27, v17;
	v22 =	vld [tilespmem:$0x96B0]  }
0x1db: {  	v25 =	vperm.xlane v54, v63;
	v27 =	vld [tilespmem:$0x96C0];
	v5 =	vadd.f32 v9, v5;
	v9 =	vmul.f32 v31, v17  }
0x1dc: {  	v7 =	vadd.f32 v8, v7;
	v8 =	vmul.f32 v15, v17;
	v15 =	vld [tilespmem:$0x96D0];
	v0 =	vadd.f32 v10, v0  }
0x1dd: {  	v10 =	vld [tilespmem:$0x96F0];
	v3 =	vadd.f32 v9, v3;
	v9 =	vmul.f32 v11, v17;
	v11 =	vmul.f32 v16, v25  }
0x1de: {  	v16 =	vld [tilespmem:$0x96E0];
	v1 =	vadd.f32 v8, v1;
	v8 =	vmul.f32 v24, v25;
	v24 =	vimm.s32 $0xB  }
0x1df: {  	v17 =	vld [tilespmem:$0x9710];
	v2 =	vadd.f32 v9, v2;
	v4 =	vadd.f32 v11, v4;
	v9 =	vmul.f32 v12, v25  }
0x1e0: {  	v11 =	vld [tilespmem:$0x9700];
	v6 =	vadd.f32 v8, v6;
	v8 =	vmul.f32 v23, v25;
	v12 =	vmul.f32 v19, v25  }
0x1e1: {  	v19 =	vld [tilespmem:$0x9720];
	v5 =	vadd.f32 v9, v5;
	v9 =	vmul.f32 v14, v25;
	v14 =	vperm.xlane v54, v28  }
0x1e2: {  	v23 =	vld [tilespmem:$0x9770];
	v7 =	vadd.f32 v8, v7;
	v8 =	vmul.f32 v13, v25;
	v13 =	vmul.f32 v18, v25  }
0x1e3: {  	v18 =	vld [tilespmem:$0x9730];
	v3 =	vadd.f32 v12, v3;
	v1 =	vadd.f32 v9, v1;
	v9 =	vmul.f32 v21, v14  }
0x1e4: {  	v12 =	vld [tilespmem:$0x9740];
	v0 =	vadd.f32 v8, v0;
	v2 =	vadd.f32 v13, v2;
	v8 =	vmul.f32 v26, v14  }
0x1e5: {  	v13 =	vld [tilespmem:$0x9750];
	v4 =	vadd.f32 v9, v4;
	v9 =	vmul.f32 v20, v14;
	v20 =	vmul.f32 v22, v14  }
0x1e6: {  	s26 =	sshll.u32 s25, $0x8;
	v21 =	vld [tilespmem:$0x9760];
	v6 =	vadd.f32 v8, v6;
	v8 =	vmul.f32 v27, v14;
	v22 =	vperm.xlane v54, v24  }
0x1e7: {  	v5 =	vadd.f32 v9, v5;
	v7 =	vadd.f32 v20, v7;
	v9 =	vmul.f32 v15, v14;
	v15 =	vld [tilespmem:s26+$0x13180]  }
0x1e8: {  	v3 =	vadd.f32 v8, v3;
	v8 =	vmul.f32 v16, v14;
	v11 =	vmul.f32 v11, v22;
	v16 =	vld [tilespmem:s26+$0x13190]  }
0x1e9: {  	v1 =	vadd.f32 v9, v1;
	v9 =	vmul.f32 v10, v14;
	v10 =	vmul.f32 v17, v22;
	v14 =	vld [tilespmem:s26+$0x131A0]  }
0x1ea: {  	v0 =	vadd.f32 v8, v0;
	v4 =	vadd.f32 v11, v4;
	v8 =	vmul.f32 v19, v22;
	v11 =	vld [tilespmem:s26+$0x131B0]  }
0x1eb: {  	v2 =	vadd.f32 v9, v2;
	v6 =	vadd.f32 v10, v6;
	v9 =	vmul.f32 v18, v22;
	v10 =	vld [tilespmem:s26+$0x131C0]  }
0x1ec: {  	v5 =	vadd.f32 v8, v5;
	v8 =	vmul.f32 v12, v22;
	v12 =	vld [tilespmem:s26+$0x131D0];
	v4 =	vadd.f32 v15, v4  }
0x1ed: {  	v7 =	vadd.f32 v9, v7;
	v9 =	vmul.f32 v13, v22;
	v6 =	vadd.f32 v16, v6;
	v13 =	vld [tilespmem:s26+$0x131E0]  }
0x1ee: {  	v3 =	vadd.f32 v8, v3;
	v8 =	vmul.f32 v21, v22;
	[tilespmem:s26+$0x13680] =	vst v4;
	v4 =	vadd.f32 v14, v5;
	v5 =	vld [tilespmem:s26+$0x131F0]  }
0x1ef: {  	v1 =	vadd.f32 v9, v1;
	v9 =	vmul.f32 v23, v22;
	[tilespmem:s26+$0x13690] =	vst v6;
	v6 =	vadd.f32 v11, v7  }
0x1f0: {  	v0 =	vadd.f32 v8, v0;
	[tilespmem:s26+$0x136A0] =	vst v4;
	v3 =	vadd.f32 v10, v3  }
0x1f1: {  	v2 =	vadd.f32 v9, v2;
	[tilespmem:s26+$0x136B0] =	vst v6;
	v1 =	vadd.f32 v12, v1  }
0x1f2: {  	[tilespmem:s26+$0x136C0] =	vst v3;
	v0 =	vadd.f32 v13, v0  }
0x1f3: {  	[tilespmem:s26+$0x136D0] =	vst v1;
	v1 =	vadd.f32 v5, v2  }
0x1f4: {  	[tilespmem:s26+$0x136E0] =	vst v0  }
0x1f5: {  	s28 =	sadd.s32 s26, s7;
	[tilespmem:s26+$0x136F0] =	vst v1  }
0x1f6: {  	[tilespmem:s15], [sflag:$0x1] =	stream.strided.gather [hbm4b:s28+s13], $0x9400, s14, s13, $0x38;
	[tilespmem:$0x13B80] =	vst v63  }
0x1f7: {  	s29 =	simm.s32 $0x0;
	s28 =	sadd.s32 $0x388300, s28  }
0x1f8: {  	[tilespmem:s17], [sflag:$0x1] =	stream.linear.gather [hbm4b:s28+s29], $0x200, $0x38;
	[tilespmem:$0x13B80] =	vst v63  }
0x1f9: {  	_ =	swait.ge [sflag:s22], $0x9600  }
0x1fa: {  	[sflag:s22] =	ssyncset.done $0x0  }
0x1fb: {  	s28 =	simm.s32 $0x9D80;
	[sflag:s22] =	ssyncadd.s32 $0xFFFF6A00  }
0x1fc: {  	v44 =	vld [tilespmem:s28+$0x380]  }
0x1fd: {  	v46 =	vld [tilespmem:s28+$0x390]  }
0x1fe: {  	v48 =	vld [tilespmem:s28+$0x3A0]  }
0x1ff: {  	v49 =	vld [tilespmem:s28+$0x3B0]  }
0x200: {  	v50 =	vld [tilespmem:s28+$0x3C0]  }
0x201: {  	v51 =	vld [tilespmem:s28+$0x3D0]  }
0x202: {  	v52 =	vld [tilespmem:s28+$0x300]  }
0x203: {  	v53 =	vld [tilespmem:s28+$0x310]  }
0x204: {  	v56 =	vld [tilespmem:s28+$0x320]  }
0x205: {  	v57 =	vld [tilespmem:s28+$0x330]  }
0x206: {  	v58 =	vld [tilespmem:s28+$0x340]  }
0x207: {  	v59 =	vld [tilespmem:s28+$0x350]  }
0x208: {  	v0 =	vld [tilespmem:s28+$0x100]  }
0x209: {  	v32 =	vld [tilespmem:s28+$0x280]  }
0x20a: {  	v43 =	vld [tilespmem:s28+$0x290]  }
0x20b: {  	v42 =	vld [tilespmem:s28+$0x2A0]  }
0x20c: {  	v4 =	vld [tilespmem:s28+$0x2B0]  }
0x20d: {  	[tilespmem:$0x1FCA0] =	vst v0;
	v0 =	vld [tilespmem:s28+$0x120]  }
0x20e: {  	v31 =	vld [tilespmem:s28+$0x2C0]  }
0x20f: {  	v30 =	vld [tilespmem:s28+$0x2D0]  }
0x210: {  	v5 =	vld [tilespmem:s28+$0x200]  }
0x211: {  	v6 =	vld [tilespmem:s28+$0x210]  }
0x212: {  	s29 =	simm.s32 $0x0;
	[tilespmem:$0x1FCB0] =	vst v0;
	v0 =	vld [tilespmem:s28+$0x130]  }
0x213: {  	v38 =	vld [tilespmem:s29+$0x0]  }
0x214: {  	v29 =	vld [tilespmem:s28+$0xFFFFFD00]  }
0x215: {  	v33 =	vld [tilespmem:s28+$0xFFFFFC80]  }
0x216: {  	v27 =	vld [tilespmem:s28+$0xFFFFFC00]  }
0x217: {  	[tilespmem:$0x1FCC0] =	vst v0;
	v0 =	vld [tilespmem:s28+$0x140]  }
0x218: {  	v34 =	vld [tilespmem:s28+$0xFFFFFC10]  }
0x219: {  	v45 =	vld [tilespmem:s28+$0xFFFFFC90];
	v23 =	vperm.xlane v38, v28  }
0x21a: {  	v54 =	vld [tilespmem:s28+$0xFFFFFC30];
	v20 =	vperm.xlane v38, v24;
	v40 =	vperm.xlane v38, v47  }
0x21b: {  	v3 =	vld [tilespmem:s28+$0xFFFFFD30];
	v25 =	vperm.xlane v38, v60;
	v24 =	vperm.xlane v38, v63  }
0x21c: {  	v39 =	vperm.xlane v38, v55;
	v28 =	vperm.xlane v38, v61;
	[tilespmem:$0x1FCD0] =	vst v0;
	v0 =	vld [tilespmem:s28+$0x150]  }
0x21d: {  	v47 =	vld [tilespmem:s28+$0xFFFFFC20];
	v37 =	vperm.xlane v38, v62;
	v60 =	vmul.f32 v27, v40  }
0x21e: {  	v61 =	vld [tilespmem:s28+$0xFFFFFCB0];
	v34 =	vmul.f32 v34, v40;
	v33 =	vmul.f32 v33, v39  }
0x21f: {  	v7 =	vld [tilespmem:s28+$0x220];
	v45 =	vmul.f32 v45, v39;
	v63 =	vmul.f32 v29, v37  }
0x220: {  	v1 =	vimm.f32 $0.0e+00;
	v8 =	vld [tilespmem:s28+$0x230];
	v29 =	vmul.f32 v54, v40;
	v3 =	vmul.f32 v3, v37  }
0x221: {  	v55 =	vld [tilespmem:s28+$0xFFFFFCA0];
	v60 =	vadd.f32 v60, v1;
	v34 =	vadd.f32 v34, v1;
	[tilespmem:$0x1FCF0] =	vst v0;
	v0 =	vimm.s32 $0xE  }
0x222: {  	v35 =	vld [tilespmem:s28+$0x240];
	v47 =	vmul.f32 v47, v40;
	v17 =	vperm.xlane v38, v0;
	v0 =	vimm.s32 $0xF  }
0x223: {  	v26 =	vld [tilespmem:s28+$0x250];
	v36 =	vmul.f32 v61, v39;
	v16 =	vperm.xlane v38, v0;
	v0 =	vimm.s32 $0xC  }
0x224: {  	v21 =	vld [tilespmem:s28+$0x180];
	v60 =	vadd.f32 v33, v60;
	v19 =	vperm.xlane v38, v0;
	v0 =	vimm.s32 $0xD  }
0x225: {  	v14 =	vld [tilespmem:s28+$0x190];
	v54 =	vadd.f32 v45, v34;
	v18 =	vperm.xlane v38, v0;
	v0 =	vimm.f32 $0.0e+00  }
0x226: {  	v62 =	vld [tilespmem:s28+$0xFFFFFD10];
	v33 =	vmul.f32 v55, v39;
	v34 =	vadd.f32 v47, v1;
	[tilespmem:$0x1FB50] =	vst v0;
	v0 =	vimm.s32 $0x7  }
0x227: {  	v2 =	vld [tilespmem:s28+$0xFFFFFD20];
	v45 =	vadd.f32 v29, v1;
	v29 =	vperm.xlane v38, v0;
	v0 =	vimm.s32 $0x4  }
0x228: {  	v13 =	vld [tilespmem:s28+$0x1A0];
	v61 =	vadd.f32 v33, v34;
	v34 =	vperm.xlane v38, v0;
	v0 =	vimm.s32 $0x5  }
0x229: {  	v55 =	vld [tilespmem:s28+$0xFFFFFD80];
	v47 =	vimm.s32 $0x3;
	v33 =	vperm.xlane v38, v0;
	v0 =	vadd.f32 v36, v45  }
0x22a: {  	v1 =	vld [tilespmem:s28+$0xFFFFFD90];
	v38 =	vperm.xlane v38, v47  }
0x22b: {  	v47 =	vmul.f32 v62, v37;
	v62 =	vld [tilespmem:s28+$0xFFFFFDA0];
	v0 =	vadd.f32 v3, v0;
	v3 =	vmul.f32 v49, v16  }
0x22c: {  	v2 =	vmul.f32 v2, v37;
	v60 =	vadd.f32 v63, v60;
	v63 =	vld [tilespmem:s28+$0xFFFFFE00]  }
0x22d: {  	[tilespmem:$0x1FB90] =	vst v3;
	v3 =	vld [tilespmem:s28+$0xFFFFFE20]  }
0x22e: {  	v2 =	vadd.f32 v2, v61;
	v61 =	vld [tilespmem:s28+$0xFFFFFE10];
	v55 =	vmul.f32 v55, v38  }
0x22f: {  	v12 =	vld [tilespmem:s28+$0x1B0];
	v54 =	vadd.f32 v47, v54;
	v1 =	vmul.f32 v1, v38  }
0x230: {  	v11 =	vld [tilespmem:s28+$0x1C0];
	v49 =	vadd.f32 v55, v60;
	v55 =	vmul.f32 v62, v38  }
0x231: {  	v50 =	vmul.f32 v50, v16;
	v1 =	vadd.f32 v1, v54;
	v54 =	vmul.f32 v51, v16;
	v51 =	vld [tilespmem:s28+$0xFFFFFE80]  }
0x232: {  	v9 =	vld [tilespmem:s28+$0x1D0];
	v2 =	vadd.f32 v55, v2;
	v3 =	vmul.f32 v3, v34  }
0x233: {  	v10 =	vld [tilespmem:s28+$0x110];
	[tilespmem:$0x1FBA0] =	vst v50;
	v50 =	vmul.f32 v63, v34;
	v63 =	vmul.f32 v61, v34  }
0x234: {  	v55 =	vmul.f32 v52, v17;
	v52 =	vld [tilespmem:s28+$0xFFFFFE90];
	v2 =	vadd.f32 v3, v2;
	v3 =	vmul.f32 v58, v17  }
0x235: {  	v1 =	vadd.f32 v63, v1;
	v63 =	vld [tilespmem:s28+$0xFFFFFF00]  }
0x236: {  	[tilespmem:$0x1FC00] =	vst v3;
	v3 =	vmul.f32 v51, v33;
	v51 =	vld [tilespmem:s28+$0xFFFFFF10]  }
0x237: {  	v41 =	vld [tilespmem:s28+$0x80]  }
0x238: {  	v48 =	vmul.f32 v48, v16;
	v45 =	vmul.f32 v44, v16;
	v44 =	vld [tilespmem:s28+$0xFFFFFDB0]  }
0x239: {  	v60 =	vld [tilespmem:s28+$0xFFFFFE30];
	v36 =	vmul.f32 v52, v33  }
0x23a: {  	[tilespmem:$0x1FB80] =	vst v48;
	v62 =	vmul.f32 v53, v17;
	v53 =	vld [tilespmem:s28+$0xFFFFFEA0];
	v48 =	vmul.f32 v63, v28  }
0x23b: {  	v22 =	vld [tilespmem:s28+$0x90];
	v63 =	vmul.f32 v4, v18;
	v1 =	vadd.f32 v36, v1;
	v4 =	vmul.f32 v51, v28  }
0x23c: {  	v15 =	vld [tilespmem:s28+$0xA0];
	[tilespmem:$0x1FBC0] =	vst v55;
	v55 =	vmul.f32 v56, v17;
	v56 =	vmul.f32 v57, v17  }
0x23d: {  	v31 =	vmul.f32 v31, v18;
	v52 =	vld [tilespmem:s28+$0xFFFFFF20];
	v1 =	vadd.f32 v4, v1;
	v4 =	vmul.f32 v30, v18  }
0x23e: {  	v27 =	vld [tilespmem:s28+$0xB0];
	v44 =	vmul.f32 v44, v38;
	v57 =	vmul.f32 v60, v34;
	[tilespmem:$0x1FBF0] =	vst v56  }
0x23f: {  	v56 =	vmul.f32 v53, v33;
	v36 =	vld [tilespmem:s28+$0xFFFFFF80];
	[tilespmem:$0x1FC50] =	vst v4;
	v4 =	vmul.f32 v5, v19  }
0x240: {  	v49 =	vadd.f32 v50, v49;
	v50 =	vld [tilespmem:s28+$0xFFFFFEB0];
	v5 =	vmul.f32 v6, v19;
	v6 =	vmul.f32 v7, v19  }
0x241: {  	[tilespmem:$0x1FC40] =	vst v31;
	v0 =	vadd.f32 v44, v0;
	v51 =	vld [tilespmem:s28+$0xFFFFFFA0];
	v7 =	vmul.f32 v8, v19;
	v8 =	vmul.f32 v35, v19  }
0x242: {  	v61 =	vld [tilespmem:s28+$0xC0];
	[tilespmem:$0x1FB60] =	vst v45;
	v2 =	vadd.f32 v56, v2;
	v3 =	vadd.f32 v3, v49;
	v31 =	vmul.f32 v52, v28  }
0x243: {  	v0 =	vadd.f32 v57, v0;
	v53 =	vld [tilespmem:s28+$0x0];
	[tilespmem:$0x1FC60] =	vst v8;
	v8 =	vmul.f32 v26, v19  }
0x244: {  	[tilespmem:$0x1FBD0] =	vst v62;
	v57 =	vld [tilespmem:s28+$0xFFFFFF30];
	v3 =	vadd.f32 v48, v3;
	v2 =	vadd.f32 v31, v2;
	v31 =	vmul.f32 v36, v29  }
0x245: {  	v45 =	vld [tilespmem:s28+$0x50];
	v62 =	vmul.f32 v59, v17;
	[tilespmem:$0x1FC70] =	vst v8;
	v8 =	vmul.f32 v11, v20  }
0x246: {  	v59 =	vmul.f32 v50, v33;
	v50 =	vld [tilespmem:s28+$0xFFFFFF90];
	v3 =	vadd.f32 v31, v3;
	v31 =	vmul.f32 v51, v29  }
0x247: {  	[tilespmem:$0x1FC80] =	vst v8;
	v8 =	vmul.f32 v9, v20;
	v9 =	vld [tilespmem:$0x1FCA0]  }
0x248: {  	v47 =	vmul.f32 v46, v16;
	[tilespmem:$0x1FBB0] =	vst v54;
	v54 =	vld [tilespmem:s28+$0x10];
	v2 =	vadd.f32 v31, v2;
	v31 =	vmul.f32 v53, v25  }
0x249: {  	v0 =	vadd.f32 v59, v0;
	v52 =	vld [tilespmem:s28+$0xFFFFFFB0];
	v30 =	vmul.f32 v57, v28  }
0x24a: {  	v46 =	vld [tilespmem:s28+$0xFFFFFFC0];
	[tilespmem:$0x1FB70] =	vst v47;
	v47 =	vmul.f32 v13, v20;
	v13 =	vmul.f32 v41, v24;
	v3 =	vadd.f32 v31, v3  }
0x24b: {  	v60 =	vld [tilespmem:s28+$0x30];
	v0 =	vadd.f32 v30, v0;
	v30 =	vmul.f32 v50, v29  }
0x24c: {  	v44 =	vld [tilespmem:s28+$0x40];
	v3 =	vadd.f32 v13, v3;
	v9 =	vmul.f32 v9, v23  }
0x24d: {  	[tilespmem:$0x1FBE0] =	vst v55;
	v55 =	vld [tilespmem:s28+$0x20];
	v1 =	vadd.f32 v30, v1  }
0x24e: {  	v30 =	vmul.f32 v52, v29;
	v26 =	vmul.f32 v54, v25;
	v3 =	vadd.f32 v9, v3;
	v9 =	vld [tilespmem:$0x1FCD0]  }
0x24f: {  	v36 =	vld [tilespmem:s28+$0xD0];
	v54 =	vmul.f32 v12, v20;
	v12 =	vmul.f32 v22, v24  }
0x250: {  	v22 =	vld [tilespmem:s28+$0xFFFFFF40];
	v0 =	vadd.f32 v30, v0;
	v1 =	vadd.f32 v26, v1;
	v26 =	vmul.f32 v60, v25  }
0x251: {  	v11 =	vmul.f32 v15, v24;
	v15 =	vld [tilespmem:s28+$0xFFFFFE50]  }
0x252: {  	v0 =	vadd.f32 v26, v0;
	v1 =	vadd.f32 v12, v1;
	v12 =	vld [tilespmem:$0x1FCC0];
	[tilespmem:$0x1FC90] =	vst v8;
	v8 =	vmul.f32 v27, v24  }
0x253: {  	v13 =	vld [tilespmem:s28+$0xFFFFFF50];
	v9 =	vmul.f32 v9, v23  }
0x254: {  	v21 =	vmul.f32 v21, v20;
	v31 =	vmul.f32 v55, v25;
	v0 =	vadd.f32 v8, v0;
	v8 =	vld [tilespmem:$0x1FCB0]  }
0x255: {  	v14 =	vmul.f32 v14, v20;
	v58 =	vmul.f32 v43, v18;
	[tilespmem:$0x1FCE0] =	vst v9;
	v9 =	vld [tilespmem:$0x1FCF0]  }
0x256: {  	v10 =	vmul.f32 v10, v23;
	v32 =	vmul.f32 v32, v18;
	[tilespmem:$0x1FC10] =	vst v62;
	v26 =	vld [tilespmem:s28+$0xFFFFFE40];
	v2 =	vadd.f32 v31, v2  }
0x257: {  	v62 =	vmul.f32 v42, v18;
	[tilespmem:$0x1FC30] =	vst v58;
	v59 =	vmul.f32 v44, v25;
	v58 =	vimm.f32 $0.0e+00;
	v27 =	vld [tilespmem:s28+$0xFFFFFEC0]  }
0x258: {  	v60 =	vimm.f32 $0.0e+00;
	v2 =	vadd.f32 v11, v2;
	v11 =	vld [tilespmem:s28+$0xFFFFFED0];
	v12 =	vmul.f32 v12, v23  }
0x259: {  	[tilespmem:$0x1FC20] =	vst v32;
	v57 =	vld [tilespmem:s28+$0xFFFFFDD0];
	v1 =	vadd.f32 v10, v1;
	v15 =	vmul.f32 v15, v34;
	v8 =	vmul.f32 v8, v23  }
0x25a: {  	[tilespmem:$0x1FD40] =	vst v58;
	v55 =	vld [tilespmem:s28+$0xFFFFFDC0];
	v10 =	vmul.f32 v13, v28;
	v30 =	vadd.f32 v12, v0;
	v9 =	vmul.f32 v9, v23  }
0x25b: {  	[tilespmem:$0x1FD50] =	vst v60;
	v31 =	vld [tilespmem:s28+$0xFFFFFFD0];
	v12 =	vmul.f32 v22, v28;
	v2 =	vadd.f32 v8, v2;
	v8 =	vmul.f32 v45, v25  }
0x25c: {  	v32 =	vld [tilespmem:s28+$0xFFFFFC40];
	v13 =	vmul.f32 v27, v33;
	[tilespmem:$0x1FD00] =	vst v9;
	v9 =	vmul.f32 v61, v24  }
0x25d: {  	v22 =	vadd.f32 v14, v1;
	v27 =	vld [tilespmem:s28+$0xFFFFFD50];
	v14 =	vmul.f32 v26, v34;
	v11 =	vmul.f32 v11, v33;
	[tilespmem:$0x1FD30] =	vst v8  }
0x25e: {  	v26 =	vld [tilespmem:s28+$0xFFFFFCC0];
	v21 =	vadd.f32 v21, v3;
	v61 =	vimm.f32 $0.0e+00;
	[tilespmem:$0x1FD10] =	vst v9;
	v9 =	vmul.f32 v36, v24  }
0x25f: {  	v1 =	vadd.f32 v54, v30;
	v3 =	vmul.f32 v55, v38;
	v30 =	vld [tilespmem:s28+$0xFFFFFCD0];
	v8 =	vmul.f32 v46, v29;
	[tilespmem:$0x1FD60] =	vst v61  }
0x260: {  	s29 =	simm.s32 $0x40;
	v0 =	vadd.f32 v47, v2;
	v2 =	vmul.f32 v57, v38;
	[tilespmem:$0x1FD20] =	vst v9;
	v9 =	vmul.f32 v31, v29;
	v31 =	vld [tilespmem:s28+$0xFFFFFD40]  }
.LBB2_5:
0x261: {  	_ =	sdelay $0x1  }
0x262: {  	v1 =	vadd.f32 v7, v1;
	v7 =	vmul.f32 v26, v39;
	v26 =	vld [tilespmem:$0x1FC20];
	_ =	sdelay $0x1  }
0x263: {  	v36 =	vld [tilespmem:$0x1FBC0]  }
0x264: {  	v4 =	vadd.f32 v4, v21  }
0x265: {  	v61 =	vld [tilespmem:$0x1FB60]  }
0x266: {  	v4 =	vadd.f32 v26, v4;
	_ =	sdelay $0x1  }
0x267: {  	v26 =	vld [tilespmem:$0x1FC30];
	v4 =	vadd.f32 v36, v4;
	_ =	sdelay $0x1  }
0x268: {  	v57 =	vld [tilespmem:$0x1FBD0];
	v4 =	vadd.f32 v61, v4  }
0x269: {  	v5 =	vadd.f32 v5, v22  }
0x26a: {  	[tilespmem:$0x1FA60] =	vst v4;
	v4 =	vld [tilespmem:$0x1FB70]  }
0x26b: {  	v5 =	vadd.f32 v26, v5  }
0x26c: {  	v0 =	vadd.f32 v6, v0;
	v6 =	vld [tilespmem:s28+$0xFFFFFC70]  }
0x26d: {  	v5 =	vadd.f32 v57, v5;
	_ =	sdelay $0x1  }
0x26e: {  	v58 =	vld [tilespmem:$0x1FBE0];
	v4 =	vadd.f32 v4, v5;
	_ =	sdelay $0x1  }
0x26f: {  	[tilespmem:$0x1FA70] =	vst v4;
	v4 =	vmul.f32 v6, v40;
	v6 =	vld [tilespmem:$0x1FB80]  }
0x270: {  	v0 =	vadd.f32 v62, v0;
	_ =	sdelay $0x1  }
0x271: {  	v0 =	vadd.f32 v58, v0;
	_ =	sdelay $0x1  }
0x272: {  	v60 =	vld [tilespmem:$0x1FBF0];
	v0 =	vadd.f32 v6, v0;
	_ =	sdelay $0x1  }
0x273: {  	[tilespmem:$0x1FA80] =	vst v0;
	v0 =	vld [tilespmem:$0x1FB90]  }
0x274: {  	v1 =	vadd.f32 v63, v1;
	_ =	sdelay $0x1  }
0x275: {  	v1 =	vadd.f32 v60, v1;
	_ =	sdelay $0x1  }
0x276: {  	v0 =	vadd.f32 v0, v1;
	_ =	sdelay $0x1  }
0x277: {  	[tilespmem:$0x1FA90] =	vst v0;
	v0 =	vld [tilespmem:$0x1FB50];
	_ =	sdelay $0x2  }
0x278: {  	v21 =	vld [tilespmem:s28+$0xFFFFFC60];
	v26 =	vmul.f32 v30, v39;
	v30 =	vmul.f32 v32, v40;
	_ =	sdelay $0x1  }
0x279: {  	v0 =	vadd.f32 v30, v0;
	v30 =	vld [tilespmem:$0x1FD50]  }
0x27a: {  	v35 =	vld [tilespmem:s28+$0xFFFFFC50]  }
0x27b: {  	v51 =	vld [tilespmem:s28+$0xFFFFFCF0]  }
0x27c: {  	v22 =	vmul.f32 v27, v37;
	v27 =	vld [tilespmem:s28+$0xFFFFFCE0];
	v21 =	vmul.f32 v21, v40  }
0x27d: {  	v1 =	vld [tilespmem:$0x1FD40]  }
0x27e: {  	v21 =	vadd.f32 v21, v30;
	v30 =	vld [tilespmem:$0x1FD60]  }
0x27f: {  	v54 =	vld [tilespmem:s28+$0xFFFFFD60]  }
0x280: {  	v55 =	vld [tilespmem:s28+$0xFFFFFD70];
	v35 =	vmul.f32 v35, v40  }
0x281: {  	v5 =	vld [tilespmem:s28+$0xFFFFFDE0]  }
0x282: {  	v6 =	vmul.f32 v27, v39;
	v27 =	vld [tilespmem:s28+$0xFFFFFDF0];
	v1 =	vadd.f32 v35, v1  }
0x283: {  	v62 =	vld [tilespmem:s28+$0xFFFFFE60];
	v31 =	vmul.f32 v31, v37;
	v4 =	vadd.f32 v4, v30;
	v30 =	vmul.f32 v51, v39  }
0x284: {  	v1 =	vadd.f32 v26, v1;
	v26 =	vld [tilespmem:s28+$0xFFFFFE70];
	v0 =	vadd.f32 v7, v0;
	v7 =	vmul.f32 v54, v37  }
0x285: {  	v6 =	vadd.f32 v6, v21;
	v21 =	vmul.f32 v55, v37;
	v4 =	vadd.f32 v30, v4  }
0x286: {  	v5 =	vmul.f32 v5, v38;
	v1 =	vadd.f32 v22, v1;
	v22 =	vld [tilespmem:s28+$0xFFFFFEF0];
	v0 =	vadd.f32 v31, v0  }
0x287: {  	v6 =	vadd.f32 v7, v6;
	v7 =	vmul.f32 v27, v38;
	v4 =	vadd.f32 v21, v4  }
0x288: {  	v1 =	vadd.f32 v2, v1;
	v2 =	vmul.f32 v62, v34;
	v0 =	vadd.f32 v3, v0;
	v3 =	vld [tilespmem:s28+$0xFFFFFF70]  }
0x289: {  	v5 =	vadd.f32 v5, v6;
	v6 =	vmul.f32 v26, v34;
	v4 =	vadd.f32 v7, v4  }
0x28a: {  	v1 =	vadd.f32 v15, v1;
	v15 =	vld [tilespmem:s28+$0xFFFFFFF0];
	v0 =	vadd.f32 v14, v0  }
0x28b: {  	v2 =	vadd.f32 v2, v5;
	v5 =	vmul.f32 v22, v33;
	v4 =	vadd.f32 v6, v4  }
0x28c: {  	v1 =	vadd.f32 v11, v1;
	v0 =	vadd.f32 v13, v0;
	v13 =	vld [tilespmem:s28+$0x70]  }
0x28d: {  	v3 =	vmul.f32 v3, v28;
	v30 =	vld [tilespmem:s28+$0xFFFFFEE0];
	v4 =	vadd.f32 v5, v4  }
0x28e: {  	v1 =	vadd.f32 v10, v1;
	v10 =	vld [tilespmem:s28+$0xF0]  }
0x28f: {  	v0 =	vadd.f32 v12, v0;
	v21 =	vld [tilespmem:s28+$0xFFFFFF60];
	v3 =	vadd.f32 v3, v4;
	v4 =	vmul.f32 v15, v29  }
0x290: {  	v1 =	vadd.f32 v9, v1;
	v9 =	vld [tilespmem:$0x1FD30]  }
0x291: {  	v0 =	vadd.f32 v8, v0;
	v8 =	vld [tilespmem:s28+$0x170];
	v3 =	vadd.f32 v4, v3;
	v4 =	vmul.f32 v13, v25  }
0x292: {  	v7 =	vld [tilespmem:s28+$0xFFFFFFE0];
	v14 =	vmul.f32 v30, v33  }
0x293: {  	v3 =	vadd.f32 v4, v3;
	v4 =	vmul.f32 v10, v24;
	v10 =	vld [tilespmem:$0x1FD10]  }
0x294: {  	v6 =	vld [tilespmem:s28+$0x60];
	v11 =	vmul.f32 v21, v28;
	v2 =	vadd.f32 v14, v2  }
0x295: {  	v5 =	vld [tilespmem:s28+$0xE0]  }
0x296: {  	v0 =	vadd.f32 v59, v0;
	v2 =	vadd.f32 v11, v2;
	v11 =	vld [tilespmem:s28+$0x160]  }
0x297: {  	v3 =	vadd.f32 v4, v3;
	v4 =	vmul.f32 v8, v23;
	v8 =	vld [tilespmem:$0x1FCE0]  }
0x298: {  	v7 =	vmul.f32 v7, v29;
	v0 =	vadd.f32 v10, v0;
	v10 =	vld [tilespmem:$0x1FD20];
	_ =	sdelay $0x1  }
0x299: {  	v6 =	vmul.f32 v6, v25;
	v2 =	vadd.f32 v7, v2  }
0x29a: {  	v1 =	vadd.f32 v9, v1;
	v9 =	vld [tilespmem:s28+$0x1F0]  }
0x29b: {  	v5 =	vmul.f32 v5, v24;
	v2 =	vadd.f32 v6, v2;
	v0 =	vadd.f32 v8, v0;
	v8 =	vld [tilespmem:$0x1FD00]  }
0x29c: {  	s30 =	sshra.s32 s29, $0x2;
	v1 =	vadd.f32 v10, v1;
	v10 =	vmul.f32 v11, v23;
	v11 =	vld [tilespmem:s28+$0x270]  }
0x29d: {  	v63 =	vld [tilespmem:s30+$0x0];
	v2 =	vadd.f32 v5, v2  }
0x29e: {  	v7 =	vld [tilespmem:s28+$0x1E0]  }
0x29f: {  	v3 =	vadd.f32 v4, v3;
	v4 =	vmul.f32 v9, v20;
	v2 =	vadd.f32 v10, v2;
	v10 =	vld [tilespmem:$0x1FC80]  }
0x2a0: {  	v1 =	vadd.f32 v8, v1;
	v8 =	vld [tilespmem:s28+$0x2F0]  }
0x2a1: {  	v3 =	vadd.f32 v4, v3;
	v4 =	vmul.f32 v11, v19;
	v11 =	vld [tilespmem:$0x1FC60]  }
0x2a2: {  	v6 =	vld [tilespmem:s28+$0x260]  }
0x2a3: {  	v5 =	vld [tilespmem:s28+$0x2E0]  }
0x2a4: {  	v0 =	vadd.f32 v10, v0;
	v10 =	vld [tilespmem:$0x1FC90]  }
0x2a5: {  	v3 =	vadd.f32 v4, v3;
	v4 =	vmul.f32 v8, v18;
	v8 =	vld [tilespmem:$0x1FC40]  }
0x2a6: {  	v7 =	vmul.f32 v7, v20;
	v0 =	vadd.f32 v11, v0;
	v11 =	vld [tilespmem:$0x1FC70]  }
0x2a7: {  	v9 =	vld [tilespmem:s28+$0x360]  }
0x2a8: {  	v2 =	vadd.f32 v7, v2;
	v7 =	vld [tilespmem:s28+$0x3E0]  }
0x2a9: {  	v1 =	vadd.f32 v10, v1;
	v10 =	vld [tilespmem:s28+$0x370]  }
0x2aa: {  	v6 =	vmul.f32 v6, v19;
	v0 =	vadd.f32 v8, v0;
	v8 =	vld [tilespmem:$0x1FC50]  }
0x2ab: {  	v1 =	vadd.f32 v11, v1;
	v11 =	vld [tilespmem:s28+$0x3F0];
	s28 =	sadd.s32 $0x800, s28  }
0x2ac: {  	v5 =	vmul.f32 v5, v18;
	v2 =	vadd.f32 v6, v2;
	v12 =	vld [tilespmem:s28+$0x380]  }
0x2ad: {  	v6 =	vld [tilespmem:s28+$0x390]  }
0x2ae: {  	v2 =	vadd.f32 v5, v2;
	v5 =	vld [tilespmem:s28+$0x3B0]  }
0x2af: {  	v13 =	vld [tilespmem:s28+$0x290]  }
0x2b0: {  	v14 =	vld [tilespmem:s28+$0x2A0]  }
0x2b1: {  	v15 =	vld [tilespmem:s28+$0x2B0]  }
0x2b2: {  	v21 =	vld [tilespmem:s28+$0x2C0]  }
0x2b3: {  	v22 =	vld [tilespmem:s28+$0x2D0]  }
0x2b4: {  	v26 =	vld [tilespmem:s28+$0x200]  }
0x2b5: {  	v27 =	vld [tilespmem:s28+$0x210]  }
0x2b6: {  	v30 =	vld [tilespmem:s28+$0x220]  }
0x2b7: {  	v31 =	vld [tilespmem:s28+$0x230]  }
0x2b8: {  	v32 =	vld [tilespmem:s28+$0x240]  }
0x2b9: {  	v35 =	vld [tilespmem:s28+$0x250]  }
0x2ba: {  	v41 =	vld [tilespmem:s28+$0x180]  }
0x2bb: {  	v42 =	vld [tilespmem:s28+$0x190]  }
0x2bc: {  	v43 =	vld [tilespmem:s28+$0x1A0]  }
0x2bd: {  	v44 =	vld [tilespmem:s28+$0x1B0]  }
0x2be: {  	v49 =	vld [tilespmem:s28+$0x1C0]  }
0x2bf: {  	v50 =	vld [tilespmem:s28+$0x1D0]  }
0x2c0: {  	v58 =	vld [tilespmem:s28+$0x100]  }
0x2c1: {  	v59 =	vld [tilespmem:s28+$0x110]  }
0x2c2: {  	v45 =	vld [tilespmem:s28+$0x120]  }
0x2c3: {  	v46 =	vld [tilespmem:s28+$0x130]  }
0x2c4: {  	v52 =	vimm.s32 $0x5;
	v53 =	vimm.s32 $0x2;
	v56 =	vimm.s32 $0x1;
	v47 =	vld [tilespmem:s28+$0x140]  }
0x2c5: {  	v37 =	vperm.xlane v63, v53;
	v55 =	vimm.s32 $0x0;
	v51 =	vimm.s32 $0x4;
	v48 =	vld [tilespmem:s28+$0x150]  }
0x2c6: {  	v54 =	vimm.s32 $0x3;
	v40 =	vperm.xlane v63, v55;
	v34 =	vperm.xlane v63, v51;
	v51 =	vld [tilespmem:s28+$0x80]  }
0x2c7: {  	v38 =	vperm.xlane v63, v54;
	v3 =	vadd.f32 v4, v3;
	v4 =	vmul.f32 v10, v17;
	v10 =	vld [tilespmem:$0x1FC00]  }
0x2c8: {  	v39 =	vperm.xlane v63, v56;
	v33 =	vperm.xlane v63, v52;
	v36 =	vld [tilespmem:s28+$0x90]  }
0x2c9: {  	v28 =	vimm.s32 $0x6;
	v3 =	vadd.f32 v4, v3;
	v4 =	vmul.f32 v11, v16;
	v11 =	vld [tilespmem:$0x1FBA0]  }
0x2ca: {  	v28 =	vperm.xlane v63, v28;
	v29 =	vimm.s32 $0x7;
	v24 =	vimm.s32 $0x8;
	v52 =	vld [tilespmem:s28+$0xA0]  }
0x2cb: {  	v29 =	vperm.xlane v63, v29;
	v25 =	vperm.xlane v63, v24;
	v53 =	vld [tilespmem:s28+$0x10]  }
0x2cc: {  	v24 =	vimm.s32 $0x9;
	v20 =	vimm.s32 $0xA;
	v54 =	vld [tilespmem:s28+$0x20];
	v0 =	vadd.f32 v10, v0  }
0x2cd: {  	v24 =	vperm.xlane v63, v24;
	v23 =	vperm.xlane v63, v20;
	v57 =	vld [tilespmem:s28+$0x50]  }
0x2ce: {  	v20 =	vimm.s32 $0xB;
	v18 =	vimm.s32 $0xC;
	v10 =	vld [tilespmem:$0x1FC10];
	v0 =	vadd.f32 v11, v0  }
0x2cf: {  	v19 =	vperm.xlane v63, v18;
	v18 =	vimm.s32 $0xD;
	v7 =	vmul.f32 v7, v16;
	v55 =	vld [tilespmem:s28+$0x30]  }
0x2d0: {  	v1 =	vadd.f32 v8, v1;
	v8 =	vmul.f32 v9, v17;
	v16 =	vimm.s32 $0xE;
	[tilespmem:$0x1FB50] =	vst v0;
	v0 =	vld [tilespmem:$0x1FBB0]  }
0x2d1: {  	v18 =	vperm.xlane v63, v18;
	v56 =	vld [tilespmem:s28+$0x40];
	v17 =	vperm.xlane v63, v16;
	v16 =	vimm.s32 $0xF  }
0x2d2: {  	v20 =	vperm.xlane v63, v20;
	v9 =	vld [tilespmem:s28+$0x3A0];
	v2 =	vadd.f32 v8, v2;
	v16 =	vperm.xlane v63, v16  }
0x2d3: {  	v8 =	vld [tilespmem:s28+$0x3D0];
	v62 =	vmul.f32 v14, v18;
	v57 =	vmul.f32 v57, v25;
	v1 =	vadd.f32 v10, v1  }
0x2d4: {  	v14 =	vmul.f32 v52, v24;
	v52 =	vld [tilespmem:s28+$0xFFFFFC00];
	v12 =	vmul.f32 v12, v16  }
0x2d5: {  	v63 =	vmul.f32 v15, v18;
	v15 =	vmul.f32 v58, v23;
	v58 =	vld [tilespmem:$0x1FA60];
	[tilespmem:$0x1FD30] =	vst v57;
	v0 =	vadd.f32 v0, v1  }
0x2d6: {  	v57 =	vld [tilespmem:s28+$0xFFFFFC30];
	[tilespmem:$0x1FB60] =	vst v12;
	v1 =	vadd.f32 v7, v2  }
0x2d7: {  	v6 =	vmul.f32 v6, v16;
	v12 =	vld [tilespmem:s28+$0xB0];
	[tilespmem:$0x1FD40] =	vst v0  }
0x2d8: {  	v0 =	vld [tilespmem:s28+$0x300];
	[tilespmem:$0x1FD50] =	vst v1;
	v1 =	vadd.f32 v4, v3  }
0x2d9: {  	[tilespmem:$0x1FB70] =	vst v6;
	v6 =	vmul.f32 v9, v16;
	v9 =	vld [tilespmem:s28+$0xC0]  }
0x2da: {  	[tilespmem:$0x1FD60] =	vst v1;
	v1 =	vld [tilespmem:s28+$0x310]  }
0x2db: {  	v10 =	vld [tilespmem:s28+$0x3C0]  }
0x2dc: {  	v5 =	vmul.f32 v5, v16;
	[tilespmem:$0x1FB80] =	vst v6;
	v6 =	vmul.f32 v30, v19;
	v2 =	vld [tilespmem:s28+$0x320]  }
0x2dd: {  	v30 =	vmul.f32 v36, v24;
	v36 =	vld [tilespmem:s28+$0xFFFFFD90];
	v0 =	vmul.f32 v0, v17  }
0x2de: {  	[tilespmem:$0x1FB90] =	vst v5;
	v9 =	vmul.f32 v9, v24;
	v3 =	vld [tilespmem:s28+$0x330]  }
0x2df: {  	v7 =	vld [tilespmem:s28+$0x350];
	[tilespmem:$0x1FBC0] =	vst v0;
	v0 =	vmul.f32 v1, v17  }
0x2e0: {  	v5 =	vmul.f32 v10, v16;
	[tilespmem:$0x1FD10] =	vst v9;
	v4 =	vld [tilespmem:s28+$0x340]  }
0x2e1: {  	v10 =	vld [tilespmem:s28+$0x0];
	[tilespmem:$0x1FBD0] =	vst v0;
	v0 =	vmul.f32 v2, v17  }
0x2e2: {  	v9 =	vld [tilespmem:s28+$0xFFFFFC80];
	[tilespmem:$0x1FBA0] =	vst v5  }
0x2e3: {  	v5 =	vmul.f32 v8, v16;
	v8 =	vld [tilespmem:s28+$0xD0];
	[tilespmem:$0x1FBE0] =	vst v0;
	v0 =	vmul.f32 v3, v17  }
0x2e4: {  	v11 =	vld [tilespmem:s28+$0x280];
	v52 =	vmul.f32 v52, v40;
	v57 =	vmul.f32 v57, v40  }
0x2e5: {  	v60 =	vld [tilespmem:s28+$0xFFFFFF90];
	v36 =	vmul.f32 v36, v38;
	[tilespmem:$0x1FBF0] =	vst v0;
	v0 =	vmul.f32 v4, v17  }
0x2e6: {  	v61 =	vld [tilespmem:s28+$0xFFFFFF00];
	[tilespmem:$0x1FBB0] =	vst v5;
	v5 =	vmul.f32 v27, v19;
	v27 =	vmul.f32 v12, v24  }
0x2e7: {  	v52 =	vadd.f32 v52, v58;
	v12 =	vld [tilespmem:s28+$0xFFFFFD00];
	v9 =	vmul.f32 v9, v39;
	[tilespmem:$0x1FC00] =	vst v0;
	v0 =	vmul.f32 v7, v17  }
0x2e8: {  	v58 =	vld [tilespmem:$0x1FA70];
	v10 =	vmul.f32 v10, v25;
	v8 =	vmul.f32 v8, v24  }
0x2e9: {  	v9 =	vadd.f32 v9, v52;
	v52 =	vld [tilespmem:s28+$0xFFFFFE30];
	v1 =	vmul.f32 v32, v19;
	[tilespmem:$0x1FC10] =	vst v0;
	v0 =	vmul.f32 v11, v18  }
0x2ea: {  	[tilespmem:$0x1FD20] =	vst v8;
	v8 =	vld [tilespmem:s28+$0xFFFFFD10];
	v32 =	vmul.f32 v53, v25;
	v53 =	vmul.f32 v60, v29  }
0x2eb: {  	[tilespmem:$0x1FC20] =	vst v0;
	v0 =	vmul.f32 v13, v18;
	v13 =	vmul.f32 v54, v25;
	v54 =	vld [tilespmem:s28+$0xFFFFFC10]  }
0x2ec: {  	v60 =	vld [tilespmem:s28+$0xFFFFFCA0];
	v12 =	vmul.f32 v12, v37;
	[tilespmem:$0x1FC60] =	vst v1;
	v1 =	vmul.f32 v35, v19  }
0x2ed: {  	v2 =	vmul.f32 v42, v20;
	v35 =	vmul.f32 v43, v20;
	v42 =	vld [tilespmem:s28+$0xFFFFFE80]  }
0x2ee: {  	v43 =	vld [tilespmem:s28+$0xFFFFFE90];
	[tilespmem:$0x1FC70] =	vst v1;
	v1 =	vmul.f32 v44, v20;
	v4 =	vmul.f32 v26, v19  }
0x2ef: {  	v44 =	vld [tilespmem:s28+$0xFFFFFE00];
	v26 =	vmul.f32 v59, v23;
	v59 =	vmul.f32 v56, v25  }
0x2f0: {  	v56 =	vld [tilespmem:s28+$0xFFFFFC20];
	v11 =	vmul.f32 v47, v23;
	v54 =	vmul.f32 v54, v40  }
0x2f1: {  	v3 =	vmul.f32 v49, v20;
	v49 =	vld [tilespmem:s28+$0xFFFFFDA0];
	v8 =	vmul.f32 v8, v37  }
0x2f2: {  	v60 =	vmul.f32 v60, v39;
	[tilespmem:$0x1FCE0] =	vst v11;
	v11 =	vmul.f32 v48, v23;
	v54 =	vadd.f32 v54, v58;
	v58 =	vld [tilespmem:$0x1FA80]  }
0x2f3: {  	[tilespmem:$0x1FC80] =	vst v3;
	v3 =	vmul.f32 v50, v20;
	v42 =	vmul.f32 v42, v33;
	v48 =	vld [tilespmem:s28+$0xFFFFFD80]  }
0x2f4: {  	v43 =	vmul.f32 v43, v33;
	[tilespmem:$0x1FD00] =	vst v11;
	v11 =	vmul.f32 v51, v24;
	v51 =	vld [tilespmem:s28+$0xFFFFFC90]  }
0x2f5: {  	v50 =	vld [tilespmem:s28+$0xFFFFFDB0];
	v7 =	vmul.f32 v31, v19;
	v56 =	vmul.f32 v56, v40  }
0x2f6: {  	v31 =	vmul.f32 v55, v25;
	v55 =	vmul.f32 v61, v28;
	v61 =	vld [tilespmem:s28+$0xFFFFFCB0]  }
0x2f7: {  	[tilespmem:$0x1FC90] =	vst v3;
	v3 =	vmul.f32 v45, v23;
	v44 =	vmul.f32 v44, v34;
	v56 =	vadd.f32 v56, v58;
	v58 =	vld [tilespmem:$0x1FA90]  }
0x2f8: {  	v9 =	vadd.f32 v12, v9;
	v45 =	vld [tilespmem:s28+$0xFFFFFD20];
	v12 =	vmul.f32 v49, v38;
	[tilespmem:$0x1FC30] =	vst v0;
	v0 =	vmul.f32 v21, v18  }
0x2f9: {  	v47 =	vld [tilespmem:s28+$0xFFFFFD30];
	v48 =	vmul.f32 v48, v38;
	v51 =	vmul.f32 v51, v39  }
0x2fa: {  	v49 =	vld [tilespmem:s28+$0xFFFFFEB0];
	v50 =	vmul.f32 v50, v38;
	[tilespmem:$0x1FC40] =	vst v0;
	v0 =	vmul.f32 v22, v18  }
0x2fb: {  	v22 =	vmul.f32 v46, v23;
	v46 =	vld [tilespmem:s28+$0xFFFFFE10];
	v9 =	vadd.f32 v48, v9;
	v51 =	vadd.f32 v51, v54  }
0x2fc: {  	v61 =	vmul.f32 v61, v39;
	v54 =	vadd.f32 v60, v56;
	v60 =	vld [tilespmem:s28+$0xFFFFFEA0];
	v57 =	vadd.f32 v57, v58  }
0x2fd: {  	v45 =	vmul.f32 v45, v37;
	v21 =	vmul.f32 v41, v20;
	v58 =	vld [tilespmem:s28+$0xFFFFFE20]  }
0x2fe: {  	v47 =	vmul.f32 v47, v37;
	[tilespmem:$0x1FC50] =	vst v0;
	v0 =	vld [tilespmem:s28+$0xFFFFFF80];
	v9 =	vadd.f32 v44, v9;
	v61 =	vadd.f32 v61, v57  }
0x2ff: {  	v41 =	vld [tilespmem:s28+$0xFFFFFF10];
	v49 =	vmul.f32 v49, v33;
	v8 =	vadd.f32 v8, v51;
	v45 =	vadd.f32 v45, v54  }
0x300: {  	v46 =	vmul.f32 v46, v34;
	v51 =	vld [tilespmem:s28+$0xFFFFFF20];
	v9 =	vadd.f32 v42, v9;
	v47 =	vadd.f32 v47, v61  }
0x301: {  	v48 =	vld [tilespmem:s28+$0xFFFFFF30];
	v8 =	vadd.f32 v36, v8;
	v56 =	vmul.f32 v52, v34;
	v12 =	vadd.f32 v12, v45  }
0x302: {  	v61 =	vmul.f32 v58, v34;
	v58 =	vmul.f32 v60, v33;
	v60 =	vld [tilespmem:s28+$0xFFFFFFB0];
	v54 =	vadd.f32 v50, v47  }
0x303: {  	v0 =	vmul.f32 v0, v29;
	v9 =	vadd.f32 v55, v9;
	v8 =	vadd.f32 v46, v8;
	v50 =	vld [tilespmem:s28+$0xFFFFFFA0]  }
0x304: {  	v41 =	vmul.f32 v41, v28;
	v55 =	vld [tilespmem:s28+$0xFFFFFDC0];
	v12 =	vadd.f32 v61, v12;
	v61 =	vadd.f32 v56, v54  }
0x305: {  	v0 =	vadd.f32 v0, v9;
	v52 =	vmul.f32 v51, v28;
	v8 =	vadd.f32 v43, v8;
	v43 =	vld [tilespmem:s28+$0xFFFFFFD0]  }
0x306: {  	v45 =	vld [tilespmem:s28+$0xFFFFFF40];
	v54 =	vmul.f32 v48, v28;
	v12 =	vadd.f32 v58, v12;
	v36 =	vadd.f32 v49, v61  }
0x307: {  	v0 =	vadd.f32 v10, v0;
	v8 =	vadd.f32 v41, v8;
	v56 =	vld [tilespmem:s28+$0xFFFFFF50];
	v60 =	vmul.f32 v60, v29  }
0x308: {  	v47 =	vld [tilespmem:s28+$0xFFFFFFC0];
	v57 =	vmul.f32 v50, v29;
	v12 =	vadd.f32 v52, v12;
	v36 =	vadd.f32 v54, v36  }
0x309: {  	v0 =	vadd.f32 v11, v0;
	v58 =	vld [tilespmem:s28+$0xFFFFFEC0];
	v52 =	vadd.f32 v53, v8  }
0x30a: {  	v61 =	vld [tilespmem:s28+$0xFFFFFED0];
	v48 =	vadd.f32 v57, v12;
	v36 =	vadd.f32 v60, v36  }
0x30b: {  	v0 =	vadd.f32 v15, v0;
	v9 =	vmul.f32 v43, v29;
	v53 =	vld [tilespmem:s28+$0xFFFFFE40];
	v32 =	vadd.f32 v32, v52  }
0x30c: {  	v54 =	vld [tilespmem:s28+$0xFFFFFE50];
	v10 =	vmul.f32 v56, v28;
	v56 =	vadd.f32 v13, v48;
	v36 =	vadd.f32 v31, v36  }
0x30d: {  	p0 =	sne.s32 s29, $0x440;
	v21 =	vadd.f32 v21, v0;
	v8 =	vmul.f32 v47, v29;
	v57 =	vld [tilespmem:s28+$0xFFFFFDD0];
	v30 =	vadd.f32 v30, v32  }
.Ltmp1:
0x30e: {  	v13 =	vmul.f32 v58, v33;
	v32 =	vld [tilespmem:s28+$0xFFFFFC40];
	v58 =	vadd.f32 v14, v56;
	v36 =	vadd.f32 v27, v36;
	(pc) =	sbr.rel @p0 .LBB2_5-.Ltmp1, $4  }
0x30f: {  	v12 =	vmul.f32 v45, v28;
	v11 =	vmul.f32 v61, v33;
	v31 =	vld [tilespmem:s28+$0xFFFFFD40];
	v60 =	vadd.f32 v26, v30  }
0x310: {  	v14 =	vmul.f32 v53, v34;
	v26 =	vld [tilespmem:s28+$0xFFFFFCC0];
	v61 =	vadd.f32 v3, v58;
	v36 =	vadd.f32 v22, v36  }
0x311: {  	v15 =	vmul.f32 v54, v34;
	v30 =	vld [tilespmem:s28+$0xFFFFFCD0];
	v3 =	vmul.f32 v55, v38;
	v22 =	vadd.f32 v2, v60  }
0x312: {  	s29 =	sadd.s32 $0x40, s29;
	v27 =	vld [tilespmem:s28+$0xFFFFFD50];
	v2 =	vmul.f32 v57, v38;
	v0 =	vadd.f32 v35, v61;
	v1 =	vadd.f32 v1, v36  }
0x313: {  	v54 =	vld [tilespmem:s28+$0x160];
	_ =	sdelay $0x4  }
0x314: {  	[tilespmem:$0x1F9B0] =	vst v54;
	v54 =	vld [tilespmem:s28+$0x170];
	_ =	sdelay $0x4  }
0x315: {  	[tilespmem:$0x1F9C0] =	vst v54;
	v54 =	vld [tilespmem:s28+$0x1E0];
	_ =	sdelay $0x4  }
0x316: {  	[tilespmem:$0x1F9D0] =	vst v54;
	v54 =	vld [tilespmem:s28+$0x1F0];
	_ =	sdelay $0x4  }
0x317: {  	[tilespmem:$0x1F9E0] =	vst v54;
	v54 =	vld [tilespmem:s28+$0x260];
	_ =	sdelay $0x4  }
0x318: {  	[tilespmem:$0x1F9F0] =	vst v54;
	v54 =	vld [tilespmem:s28+$0x270];
	_ =	sdelay $0x1  }
0x319: {  	v6 =	vadd.f32 v6, v0;
	v0 =	vld [tilespmem:s28+$0x360];
	_ =	sdelay $0x2  }
0x31a: {  	[tilespmem:$0x1FA00] =	vst v54;
	v54 =	vld [tilespmem:s28+$0x2E0];
	_ =	sdelay $0x1  }
0x31b: {  	[tilespmem:$0x1FA20] =	vst v0;
	v0 =	vld [tilespmem:$0x1FC20];
	_ =	sdelay $0x2  }
0x31c: {  	[tilespmem:$0x1FA10] =	vst v54;
	v54 =	vadd.f32 v4, v21;
	_ =	sdelay $0x1  }
0x31d: {  	v1 =	vadd.f32 v7, v1;
	v7 =	vadd.f32 v0, v54;
	v0 =	vld [tilespmem:s28+$0x370];
	_ =	sdelay $0x4  }
0x31e: {  	[tilespmem:$0x1FA30] =	vst v0;
	v0 =	vld [tilespmem:$0x1FC30];
	_ =	sdelay $0x2  }
0x31f: {  	v35 =	vld [tilespmem:s28+$0xFFFFFC50];
	v5 =	vadd.f32 v5, v22  }
0x320: {  	v36 =	vld [tilespmem:s28+$0xFFFFFC60]  }
0x321: {  	v5 =	vadd.f32 v0, v5;
	v0 =	vld [tilespmem:$0x1FBC0]  }
0x322: {  	v41 =	vld [tilespmem:s28+$0xFFFFFC70]  }
0x323: {  	v42 =	vld [tilespmem:s28+$0xFFFFFCE0]  }
0x324: {  	v43 =	vld [tilespmem:s28+$0xFFFFFCF0]  }
0x325: {  	v44 =	vld [tilespmem:s28+$0xFFFFFD60]  }
0x326: {  	v22 =	vadd.f32 v62, v6;
	v62 =	vadd.f32 v0, v7;
	v0 =	vld [tilespmem:$0x1FBD0]  }
0x327: {  	v45 =	vld [tilespmem:s28+$0xFFFFFD70]  }
0x328: {  	v47 =	vld [tilespmem:s28+$0xFFFFFDE0]  }
0x329: {  	v49 =	vld [tilespmem:s28+$0xFFFFFDF0]  }
0x32a: {  	v50 =	vld [tilespmem:s28+$0xFFFFFE60]  }
0x32b: {  	v1 =	vadd.f32 v63, v1;
	v63 =	vadd.f32 v0, v5;
	v0 =	vld [tilespmem:$0x1FBE0]  }
0x32c: {  	v51 =	vld [tilespmem:s28+$0xFFFFFE70]  }
0x32d: {  	v52 =	vld [tilespmem:s28+$0xFFFFFEE0]  }
0x32e: {  	v53 =	vld [tilespmem:s28+$0xFFFFFEF0]  }
0x32f: {  	v4 =	vld [tilespmem:$0x1FB80]  }
0x330: {  	v22 =	vadd.f32 v0, v22;
	v0 =	vld [tilespmem:$0x1FBF0]  }
0x331: {  	v58 =	vld [tilespmem:s28+$0xFFFFFF60]  }
0x332: {  	v61 =	vld [tilespmem:s28+$0xFFFFFF70]  }
0x333: {  	v55 =	vld [tilespmem:s28+$0xFFFFFFE0]  }
0x334: {  	v22 =	vadd.f32 v4, v22;
	v4 =	vld [tilespmem:$0x1FB90]  }
0x335: {  	v0 =	vadd.f32 v0, v1;
	v1 =	vld [tilespmem:$0x1FB60]  }
0x336: {  	v56 =	vld [tilespmem:s28+$0xFFFFFFF0]  }
0x337: {  	v57 =	vld [tilespmem:s28+$0x60]  }
0x338: {  	v46 =	vld [tilespmem:s28+$0x70]  }
0x339: {  	v0 =	vadd.f32 v4, v0;
	v4 =	vld [tilespmem:$0x1FB50]  }
0x33a: {  	v5 =	vadd.f32 v1, v62;
	v1 =	vld [tilespmem:$0x1FB70]  }
0x33b: {  	v48 =	vld [tilespmem:s28+$0xE0]  }
0x33c: {  	v32 =	vmul.f32 v32, v40;
	v6 =	vld [tilespmem:s28+$0x3E0]  }
0x33d: {  	v7 =	vld [tilespmem:s28+$0x3F0]  }
0x33e: {  	[tilespmem:$0x1FA50] =	vst v0;
	v0 =	vmul.f32 v36, v40;
	v36 =	vmul.f32 v41, v40;
	v41 =	vadd.f32 v32, v4;
	v4 =	vld [tilespmem:$0x1FD40]  }
0x33f: {  	v60 =	vld [tilespmem:s28+$0xF0];
	v1 =	vadd.f32 v1, v63  }
0x340: {  	v21 =	vld [tilespmem:s28+$0x2F0]  }
0x341: {  	v54 =	vld [tilespmem:$0x120];
	[tilespmem:$0x1FA40] =	vst v1;
	v1 =	vmul.f32 v35, v40  }
0x342: {  	v6 =	vmul.f32 v6, v16;
	v7 =	vmul.f32 v7, v16;
	v16 =	vld [tilespmem:$0x1FBA0]  }
0x343: {  	v1 =	vadd.f32 v1, v4;
	v4 =	vld [tilespmem:$0x1FD50]  }
0x344: {  	v62 =	vld [tilespmem:$0x12980]  }
0x345: {  	v32 =	vld [tilespmem:$0x129B0]  }
0x346: {  	v63 =	vld [tilespmem:$0x12990]  }
0x347: {  	v35 =	vld [tilespmem:$0x129A0]  }
0x348: {  	v40 =	vmul.f32 v26, v39;
	v26 =	vmul.f32 v30, v39;
	v0 =	vadd.f32 v0, v4;
	v4 =	vld [tilespmem:$0x1FD60]  }
0x349: {  	v42 =	vmul.f32 v42, v39;
	v43 =	vmul.f32 v43, v39;
	v30 =	vld [tilespmem:$0x129C0]  }
0x34a: {  	v39 =	vld [tilespmem:$0x129E0];
	v40 =	vadd.f32 v40, v41;
	v1 =	vadd.f32 v26, v1;
	v26 =	vmul.f32 v31, v37  }
0x34b: {  	v41 =	vmul.f32 v27, v37;
	v27 =	vld [tilespmem:$0x129F0]  }
0x34c: {  	v31 =	vld [tilespmem:$0x12A00];
	v26 =	vadd.f32 v26, v40  }
0x34d: {  	v45 =	vmul.f32 v45, v37;
	v1 =	vadd.f32 v41, v1;
	v40 =	vld [tilespmem:$0x12A30];
	v4 =	vadd.f32 v36, v4  }
0x34e: {  	v3 =	vadd.f32 v3, v26;
	v26 =	vld [tilespmem:$0x12A20];
	v0 =	vadd.f32 v42, v0;
	v42 =	vmul.f32 v44, v37  }
0x34f: {  	v1 =	vadd.f32 v2, v1;
	v2 =	vmul.f32 v50, v34;
	v50 =	vld [tilespmem:$0x1F9B0];
	v4 =	vadd.f32 v43, v4  }
0x350: {  	v47 =	vmul.f32 v47, v38;
	v37 =	vld [tilespmem:$0x12A10];
	v0 =	vadd.f32 v42, v0  }
0x351: {  	v49 =	vmul.f32 v49, v38;
	v3 =	vadd.f32 v14, v3;
	v14 =	vld [tilespmem:$0x12A40];
	v4 =	vadd.f32 v45, v4  }
0x352: {  	v1 =	vadd.f32 v15, v1;
	v15 =	vld [tilespmem:$0x12A50];
	v0 =	vadd.f32 v47, v0  }
0x353: {  	v42 =	vmul.f32 v51, v34;
	v51 =	vld [tilespmem:$0x1FD00];
	v4 =	vadd.f32 v49, v4  }
0x354: {  	v36 =	vld [tilespmem:$0x129D0];
	v0 =	vadd.f32 v2, v0;
	v2 =	vmul.f32 v52, v33  }
0x355: {  	v3 =	vadd.f32 v13, v3;
	v13 =	vld [tilespmem:$0x12A60];
	v43 =	vmul.f32 v53, v33;
	v4 =	vadd.f32 v42, v4  }
0x356: {  	v1 =	vadd.f32 v11, v1;
	v11 =	vld [tilespmem:$0x12A70];
	v0 =	vadd.f32 v2, v0;
	v2 =	vmul.f32 v58, v28  }
0x357: {  	v44 =	vmul.f32 v61, v28;
	v47 =	vld [tilespmem:$0x1FD30];
	v4 =	vadd.f32 v43, v4  }
0x358: {  	v3 =	vadd.f32 v12, v3;
	v12 =	vld [tilespmem:$0x12A80];
	v0 =	vadd.f32 v2, v0;
	v2 =	vmul.f32 v55, v29  }
0x359: {  	v1 =	vadd.f32 v10, v1;
	v10 =	vld [tilespmem:$0x12A90];
	v45 =	vmul.f32 v56, v29;
	v4 =	vadd.f32 v44, v4  }
0x35a: {  	v53 =	vld [tilespmem:$0x1FC90];
	v0 =	vadd.f32 v2, v0;
	v2 =	vmul.f32 v57, v25  }
0x35b: {  	v52 =	vld [tilespmem:$0x1F9D0];
	v3 =	vadd.f32 v8, v3;
	v25 =	vmul.f32 v46, v25;
	v4 =	vadd.f32 v45, v4  }
0x35c: {  	v8 =	vld [tilespmem:$0x12AA0];
	v1 =	vadd.f32 v9, v1;
	v0 =	vadd.f32 v2, v0  }
0x35d: {  	v9 =	vld [tilespmem:$0x12AB0];
	v2 =	vmul.f32 v48, v24;
	v24 =	vmul.f32 v60, v24;
	v4 =	vadd.f32 v25, v4  }
0x35e: {  	v56 =	vld [tilespmem:$0x1FC70]  }
0x35f: {  	v4 =	vadd.f32 v24, v4;
	v24 =	vld [tilespmem:$0x1F9C0]  }
0x360: {  	v28 =	vld [tilespmem:$0x12AC0]  }
0x361: {  	v58 =	vld [tilespmem:$0x1FA30]  }
0x362: {  	v49 =	vld [tilespmem:$0x1FD20]  }
0x363: {  	v3 =	vadd.f32 v59, v3;
	v59 =	vld [tilespmem:$0x1FC00]  }
0x364: {  	v33 =	vmul.f32 v50, v23;
	v1 =	vadd.f32 v47, v1;
	v47 =	vld [tilespmem:$0x12DB0];
	v23 =	vmul.f32 v24, v23  }
0x365: {  	v29 =	vld [tilespmem:$0x12AD0]  }
0x366: {  	v4 =	vadd.f32 v23, v4;
	v23 =	vld [tilespmem:$0x1F9E0]  }
0x367: {  	v55 =	vld [tilespmem:$0x1F9F0]  }
0x368: {  	v61 =	vimm.s32 $0x0;
	v34 =	vmul.f32 v52, v20;
	v52 =	vld [tilespmem:$0x1FA50]  }
0x369: {  	v42 =	vperm.xlane v54, v61;
	v61 =	vld [tilespmem:$0x12C60]  }
0x36a: {  	v57 =	vld [tilespmem:$0x1FA10]  }
0x36b: {  	v46 =	vld [tilespmem:$0x12D90];
	v20 =	vmul.f32 v23, v20  }
0x36c: {  	v25 =	vld [tilespmem:$0x1FD10]  }
0x36d: {  	v4 =	vadd.f32 v20, v4;
	v20 =	vld [tilespmem:$0x1FA00]  }
0x36e: {  	v43 =	vld [tilespmem:$0x12B90]  }
0x36f: {  	v24 =	vld [tilespmem:$0x1FCE0]  }
0x370: {  	v60 =	vld [tilespmem:$0x1FC10]  }
0x371: {  	v23 =	vld [tilespmem:$0x1FC80]  }
0x372: {  	v48 =	vld [tilespmem:$0x1FA40];
	v38 =	vmul.f32 v55, v19;
	v3 =	vadd.f32 v25, v3;
	v19 =	vmul.f32 v20, v19  }
0x373: {  	v1 =	vadd.f32 v49, v1;
	v0 =	vadd.f32 v2, v0;
	v41 =	vmul.f32 v57, v18;
	v20 =	vld [tilespmem:$0x1FC60]  }
0x374: {  	v49 =	vld [tilespmem:$0x12BE0];
	v18 =	vmul.f32 v21, v18;
	v3 =	vadd.f32 v24, v3;
	v4 =	vadd.f32 v19, v4  }
0x375: {  	v1 =	vadd.f32 v51, v1;
	v0 =	vadd.f32 v33, v0;
	v19 =	vld [tilespmem:$0x1FC40]  }
0x376: {  	v3 =	vadd.f32 v23, v3;
	v4 =	vadd.f32 v18, v4;
	v18 =	vld [tilespmem:$0x1FA20]  }
0x377: {  	v32 =	vmul.f32 v32, v42;
	v21 =	vld [tilespmem:$0x1FC50];
	v0 =	vadd.f32 v34, v0  }
0x378: {  	v44 =	vld [tilespmem:$0x12BC0];
	v1 =	vadd.f32 v53, v1;
	v3 =	vadd.f32 v20, v3  }
0x379: {  	v55 =	vld [tilespmem:$0x12C00];
	v32 =	vadd.f32 v32, v52;
	v0 =	vadd.f32 v38, v0  }
0x37a: {  	v50 =	vimm.s32 $0x1;
	v2 =	vld [tilespmem:$0x12AF0];
	v1 =	vadd.f32 v56, v1;
	v3 =	vadd.f32 v19, v3  }
0x37b: {  	v51 =	vld [tilespmem:$0x12BF0];
	v0 =	vadd.f32 v41, v0;
	v18 =	vmul.f32 v18, v17;
	v17 =	vmul.f32 v58, v17  }
0x37c: {  	v30 =	vmul.f32 v30, v42;
	v52 =	vld [tilespmem:$0x12E50];
	v1 =	vadd.f32 v21, v1;
	v3 =	vadd.f32 v59, v3  }
0x37d: {  	v45 =	vld [tilespmem:$0x12D80];
	v53 =	vmul.f32 v39, v42;
	v0 =	vadd.f32 v18, v0;
	v4 =	vadd.f32 v17, v4  }
0x37e: {  	v33 =	vld [tilespmem:$0x12B10];
	v59 =	vimm.s32 $0x2;
	v3 =	vadd.f32 v16, v3;
	v16 =	vmul.f32 v62, v42  }
0x37f: {  	v25 =	vld [tilespmem:$0x12AE0];
	v0 =	vadd.f32 v6, v0;
	v4 =	vadd.f32 v7, v4;
	v7 =	vmul.f32 v35, v42  }
0x380: {  	v62 =	vld [tilespmem:$0x1FBB0];
	v6 =	vmul.f32 v63, v42;
	v3 =	vadd.f32 v30, v3;
	v30 =	vperm.xlane v54, v59  }
0x381: {  	v34 =	vld [tilespmem:$0x12B30];
	v7 =	vadd.f32 v7, v22;
	v22 =	vmul.f32 v36, v42;
	v36 =	vperm.xlane v54, v50  }
0x382: {  	v56 =	vld [tilespmem:$0x12C10];
	v1 =	vadd.f32 v60, v1;
	v12 =	vmul.f32 v12, v30;
	v10 =	vmul.f32 v10, v30  }
0x383: {  	v38 =	vld [tilespmem:$0x12B50];
	v5 =	vadd.f32 v16, v5;
	v8 =	vmul.f32 v8, v30;
	v9 =	vmul.f32 v9, v30  }
0x384: {  	v21 =	vld [tilespmem:$0x12B70];
	v6 =	vadd.f32 v6, v48;
	v25 =	vmul.f32 v25, v30;
	v57 =	vmul.f32 v37, v36  }
0x385: {  	v41 =	vld [tilespmem:$0x12B80];
	v1 =	vadd.f32 v62, v1;
	v26 =	vmul.f32 v26, v36;
	v14 =	vmul.f32 v14, v36  }
0x386: {  	v60 =	vld [tilespmem:$0x12C50];
	v0 =	vadd.f32 v53, v0;
	v15 =	vmul.f32 v15, v36;
	v13 =	vmul.f32 v13, v36  }
0x387: {  	v24 =	vld [tilespmem:$0x12B00];
	v1 =	vadd.f32 v22, v1;
	v22 =	vmul.f32 v27, v42;
	v6 =	vadd.f32 v57, v6  }
0x388: {  	v23 =	vld [tilespmem:$0x12B20];
	v27 =	vmul.f32 v31, v36;
	v7 =	vadd.f32 v26, v7;
	v3 =	vadd.f32 v14, v3  }
0x389: {  	v20 =	vld [tilespmem:$0x12B40];
	v62 =	vimm.s32 $0x3;
	v0 =	vadd.f32 v13, v0;
	v4 =	vadd.f32 v22, v4  }
0x38a: {  	v19 =	vld [tilespmem:$0x12B60];
	v11 =	vmul.f32 v11, v36;
	v5 =	vadd.f32 v27, v5;
	v1 =	vadd.f32 v15, v1  }
0x38b: {  	v58 =	vld [tilespmem:$0x12C20];
	v22 =	vmul.f32 v40, v36;
	v6 =	vadd.f32 v10, v6;
	v7 =	vadd.f32 v8, v7  }
0x38c: {  	v17 =	vld [tilespmem:$0x12BA0];
	v8 =	vmul.f32 v28, v30;
	v5 =	vadd.f32 v12, v5;
	v12 =	vperm.xlane v54, v62  }
0x38d: {  	v18 =	vld [tilespmem:$0x12BB0];
	v2 =	vmul.f32 v2, v30;
	v22 =	vadd.f32 v22, v32;
	v4 =	vadd.f32 v11, v4  }
0x38e: {  	v16 =	vld [tilespmem:$0x12BD0];
	v0 =	vadd.f32 v25, v0;
	v3 =	vadd.f32 v8, v3;
	v8 =	vmul.f32 v24, v12  }
0x38f: {  	v63 =	vld [tilespmem:$0x12CA0];
	v9 =	vadd.f32 v9, v22;
	v22 =	vmul.f32 v29, v30;
	v2 =	vadd.f32 v2, v4  }
0x390: {  	v59 =	vld [tilespmem:$0x12F40];
	v20 =	vmul.f32 v20, v12;
	v4 =	vadd.f32 v8, v5;
	v5 =	vmul.f32 v23, v12  }
0x391: {  	v48 =	vld [tilespmem:$0x12DC0];
	v19 =	vmul.f32 v19, v12;
	v1 =	vadd.f32 v22, v1;
	v22 =	vmul.f32 v33, v12  }
0x392: {  	v53 =	vld [tilespmem:$0x12E60];
	v5 =	vadd.f32 v5, v7;
	v7 =	vmul.f32 v38, v12;
	v38 =	vimm.s32 $0x4  }
0x393: {  	v26 =	vld [tilespmem:$0x12C40];
	v6 =	vadd.f32 v22, v6;
	v22 =	vmul.f32 v34, v12;
	v29 =	vperm.xlane v54, v38  }
0x394: {  	v27 =	vld [tilespmem:$0x12C30];
	v3 =	vadd.f32 v20, v3;
	v1 =	vadd.f32 v7, v1;
	v7 =	vmul.f32 v21, v12  }
0x395: {  	v15 =	vld [tilespmem:$0x12C70];
	v0 =	vadd.f32 v19, v0;
	v9 =	vadd.f32 v22, v9;
	v17 =	vmul.f32 v17, v29  }
0x396: {  	v36 =	vld [tilespmem:$0x12CB0];
	v42 =	vmul.f32 v41, v29;
	v2 =	vadd.f32 v7, v2;
	v7 =	vmul.f32 v18, v29  }
0x397: {  	v40 =	vld [tilespmem:$0x12D00];
	v19 =	vmul.f32 v43, v29;
	v5 =	vadd.f32 v17, v5;
	v17 =	vmul.f32 v44, v29  }
0x398: {  	v10 =	vld [tilespmem:$0x12C90];
	v7 =	vadd.f32 v7, v9;
	v9 =	vmul.f32 v16, v29;
	v16 =	vimm.s32 $0x5  }
0x399: {  	v25 =	vld [tilespmem:$0x12CD0];
	v4 =	vadd.f32 v42, v4;
	v6 =	vadd.f32 v19, v6;
	v16 =	vperm.xlane v54, v16  }
0x39a: {  	v11 =	vld [tilespmem:$0x12C80];
	v3 =	vadd.f32 v17, v3;
	v17 =	vmul.f32 v49, v29;
	v29 =	vmul.f32 v51, v29  }
0x39b: {  	v24 =	vld [tilespmem:$0x12CC0];
	v1 =	vadd.f32 v9, v1;
	v9 =	vmul.f32 v55, v16;
	v31 =	vmul.f32 v56, v16  }
0x39c: {  	v8 =	vld [tilespmem:$0x12CE0];
	v0 =	vadd.f32 v17, v0;
	v2 =	vadd.f32 v29, v2;
	v17 =	vmul.f32 v58, v16  }
0x39d: {  	v23 =	vld [tilespmem:$0x12CF0];
	v14 =	vmul.f32 v61, v16;
	v15 =	vmul.f32 v15, v16;
	v4 =	vadd.f32 v9, v4  }
0x39e: {  	v20 =	vld [tilespmem:$0x12D10];
	v5 =	vadd.f32 v17, v5;
	v17 =	vmul.f32 v26, v16;
	v26 =	vimm.s32 $0x6  }
0x39f: {  	v21 =	vld [tilespmem:$0x12D20];
	v6 =	vadd.f32 v31, v6;
	v9 =	vmul.f32 v27, v16;
	v26 =	vperm.xlane v54, v26  }
0x3a0: {  	v57 =	vimm.s32 $0xA;
	v22 =	vld [tilespmem:$0x12D30];
	v0 =	vadd.f32 v14, v0;
	v2 =	vadd.f32 v15, v2  }
0x3a1: {  	v43 =	vld [tilespmem:$0x12D40];
	v7 =	vadd.f32 v9, v7;
	v9 =	vmul.f32 v60, v16;
	v11 =	vmul.f32 v11, v26  }
0x3a2: {  	v18 =	vld [tilespmem:$0x12D50];
	v3 =	vadd.f32 v17, v3;
	v17 =	vimm.s32 $0x7;
	v50 =	vmul.f32 v24, v26  }
0x3a3: {  	v19 =	vld [tilespmem:$0x12D60];
	v17 =	vperm.xlane v54, v17;
	v4 =	vadd.f32 v11, v4;
	v11 =	vmul.f32 v63, v26  }
0x3a4: {  	v44 =	vld [tilespmem:$0x12D70];
	v8 =	vmul.f32 v8, v26;
	v1 =	vadd.f32 v9, v1;
	v9 =	vmul.f32 v10, v26  }
0x3a5: {  	v49 =	vld [tilespmem:$0x12DF0];
	v3 =	vadd.f32 v50, v3;
	v5 =	vadd.f32 v11, v5;
	v11 =	vmul.f32 v25, v26  }
0x3a6: {  	v61 =	vld [tilespmem:s26+$0x13220];
	v51 =	vmul.f32 v40, v17;
	v6 =	vadd.f32 v9, v6;
	v9 =	vmul.f32 v36, v26  }
0x3a7: {  	v27 =	vld [tilespmem:$0x12DA0];
	v0 =	vadd.f32 v8, v0;
	v1 =	vadd.f32 v11, v1;
	v11 =	vmul.f32 v23, v26  }
0x3a8: {  	v15 =	vld [tilespmem:$0x12E00];
	v8 =	vmul.f32 v20, v17;
	v20 =	vmul.f32 v21, v17;
	v7 =	vadd.f32 v9, v7  }
0x3a9: {  	v21 =	vld [tilespmem:$0x12E40];
	v26 =	vimm.s32 $0x9;
	v2 =	vadd.f32 v11, v2;
	v11 =	vmul.f32 v22, v17  }
0x3aa: {  	v16 =	vld [tilespmem:$0x12DD0];
	v6 =	vadd.f32 v8, v6;
	v8 =	vmul.f32 v43, v17;
	v26 =	vperm.xlane v54, v26  }
0x3ab: {  	v10 =	vld [tilespmem:$0x12DE0];
	v7 =	vadd.f32 v11, v7;
	v11 =	vmul.f32 v18, v17;
	v18 =	vimm.s32 $0x8  }
0x3ac: {  	v60 =	vld [tilespmem:$0x12F50];
	v4 =	vadd.f32 v51, v4;
	v5 =	vadd.f32 v20, v5;
	v18 =	vperm.xlane v54, v18  }
0x3ad: {  	v24 =	vld [tilespmem:$0x12E10];
	v3 =	vadd.f32 v8, v3;
	v8 =	vmul.f32 v19, v17;
	v55 =	vmul.f32 v15, v26  }
0x3ae: {  	v25 =	vld [tilespmem:$0x12E90];
	v56 =	vmul.f32 v21, v26;
	v1 =	vadd.f32 v11, v1;
	v11 =	vmul.f32 v45, v18  }
0x3af: {  	v23 =	vld [tilespmem:$0x12E30];
	v0 =	vadd.f32 v8, v0;
	v22 =	vmul.f32 v46, v18;
	v8 =	vmul.f32 v27, v18  }
0x3b0: {  	v9 =	vld [tilespmem:$0x12E20];
	v17 =	vmul.f32 v44, v17;
	v10 =	vmul.f32 v10, v18;
	v4 =	vadd.f32 v11, v4  }
0x3b1: {  	v20 =	vld [tilespmem:$0x12E70];
	v6 =	vadd.f32 v22, v6;
	v5 =	vadd.f32 v8, v5;
	v8 =	vmul.f32 v48, v18  }
0x3b2: {  	v19 =	vld [tilespmem:$0x12E80];
	v11 =	vmul.f32 v47, v18;
	v0 =	vadd.f32 v10, v0;
	v10 =	vmul.f32 v24, v26  }
0x3b3: {  	v15 =	vld [tilespmem:$0x12EE0];
	v2 =	vadd.f32 v17, v2;
	v3 =	vadd.f32 v8, v3;
	v8 =	vmul.f32 v49, v18  }
0x3b4: {  	v21 =	vld [tilespmem:$0x12F20];
	v7 =	vadd.f32 v11, v7;
	v6 =	vadd.f32 v10, v6;
	v10 =	vmul.f32 v23, v26  }
0x3b5: {  	v17 =	vld [tilespmem:$0x12EA0];
	v11 =	vmul.f32 v16, v18;
	v2 =	vadd.f32 v8, v2;
	v8 =	vmul.f32 v9, v26  }
0x3b6: {  	v14 =	vperm.xlane v54, v57;
	v27 =	vld [tilespmem:$0x12EC0];
	v7 =	vadd.f32 v10, v7;
	v10 =	vmul.f32 v53, v26  }
0x3b7: {  	v22 =	vld [tilespmem:$0x12EB0];
	v1 =	vadd.f32 v11, v1;
	v5 =	vadd.f32 v8, v5;
	v8 =	vmul.f32 v52, v26  }
0x3b8: {  	v16 =	vld [tilespmem:$0x12ED0];
	v4 =	vadd.f32 v55, v4;
	v0 =	vadd.f32 v10, v0  }
0x3b9: {  	v18 =	vld [tilespmem:$0x12F10];
	v10 =	vmul.f32 v25, v14;
	v1 =	vadd.f32 v8, v1;
	v8 =	vmul.f32 v19, v14  }
0x3ba: {  	v58 =	vmul.f32 v20, v26;
	v9 =	vld [tilespmem:$0x12F00];
	v3 =	vadd.f32 v56, v3  }
0x3bb: {  	v11 =	vld [tilespmem:$0x12EF0];
	v6 =	vadd.f32 v10, v6;
	v10 =	vmul.f32 v27, v14;
	v4 =	vadd.f32 v8, v4  }
0x3bc: {  	v20 =	vld [tilespmem:$0x12F30];
	v8 =	vmul.f32 v17, v14;
	v17 =	vmul.f32 v22, v14;
	v22 =	vimm.s32 $0xB  }
0x3bd: {  	v23 =	vld [tilespmem:$0x12F70];
	v2 =	vadd.f32 v58, v2;
	v22 =	vperm.xlane v54, v22  }
0x3be: {  	v3 =	vadd.f32 v10, v3;
	v5 =	vadd.f32 v8, v5;
	v8 =	vmul.f32 v16, v14;
	v16 =	vld [tilespmem:s26+$0x13200]  }
0x3bf: {  	v10 =	vmul.f32 v15, v14;
	v15 =	vld [tilespmem:s26+$0x13210];
	v7 =	vadd.f32 v17, v7;
	v9 =	vmul.f32 v9, v22  }
0x3c0: {  	v19 =	vld [tilespmem:$0x12F60];
	v1 =	vadd.f32 v8, v1;
	v8 =	vmul.f32 v11, v14;
	v11 =	vmul.f32 v18, v22  }
0x3c1: {  	v0 =	vadd.f32 v10, v0;
	v10 =	vld [tilespmem:s26+$0x13230];
	v4 =	vadd.f32 v9, v4;
	v9 =	vmul.f32 v21, v22  }
0x3c2: {  	v2 =	vadd.f32 v8, v2;
	v6 =	vadd.f32 v11, v6;
	v8 =	vmul.f32 v20, v22;
	v11 =	vld [tilespmem:s26+$0x13240]  }
0x3c3: {  	v62 =	vld [tilespmem:s26+$0x13250];
	v5 =	vadd.f32 v9, v5;
	v9 =	vmul.f32 v59, v22;
	v4 =	vadd.f32 v16, v4  }
0x3c4: {  	v63 =	vld [tilespmem:s26+$0x13260];
	v7 =	vadd.f32 v8, v7;
	v8 =	vmul.f32 v60, v22;
	v6 =	vadd.f32 v15, v6  }
0x3c5: {  	v3 =	vadd.f32 v9, v3;
	[tilespmem:s26+$0x13700] =	vst v4;
	v4 =	vmul.f32 v19, v22;
	v5 =	vadd.f32 v61, v5;
	v9 =	vld [tilespmem:s26+$0x13270]  }
0x3c6: {  	v1 =	vadd.f32 v8, v1;
	v8 =	vmul.f32 v23, v22;
	[tilespmem:s26+$0x13710] =	vst v6;
	v6 =	vadd.f32 v10, v7  }
0x3c7: {  	v0 =	vadd.f32 v4, v0;
	[tilespmem:s26+$0x13720] =	vst v5;
	v3 =	vadd.f32 v11, v3  }
0x3c8: {  	v2 =	vadd.f32 v8, v2;
	[tilespmem:s26+$0x13730] =	vst v6;
	v1 =	vadd.f32 v62, v1  }
0x3c9: {  	s25 =	sadd.s32 $0x1, s25;
	[tilespmem:s26+$0x13740] =	vst v3;
	v0 =	vadd.f32 v63, v0  }
0x3ca: {  	p0 =	sne.s32 s25, $0x5;
	[tilespmem:s26+$0x13750] =	vst v1;
	v1 =	vadd.f32 v9, v2  }
.Ltmp2:
0x3cb: {  	v36 =	vimm.s32 $0x3;
	[tilespmem:s26+$0x13760] =	vst v0;
	(pc) =	sbr.rel @p0 .LBB2_2-.Ltmp2, $4  }
0x3cc: {  	s31 =	sadd.s32 s26, s8;
	v24 =	vimm.s32 $0x9;
	v25 =	vimm.s32 $0xB;
	v18 =	vimm.s32 $0xC;
	[tilespmem:s26+$0x13770] =	vst v1  }
0x3cd: {  	v20 =	vimm.s32 $0xA;
	v16 =	vimm.s32 $0xE;
	v19 =	vimm.s32 $0xF;
	[tilespmem:s18], [sflag:$0x2] =	stream.strided.gather [hbm4b:s31+s13], $0x9400, s14, s13, $0x38;
	[tilespmem:$0x13B80] =	vst v63  }
0x3ce: {  	v23 =	vimm.s32 $0xD;
	v8 =	vimm.s32 $0x8;
	v3 =	vimm.s32 $0x6;
	s26 =	sadd.s32 $0x388300, s31  }
0x3cf: {  	v2 =	vimm.s32 $0x2;
	v0 =	vimm.s32 $0x0;
	v1 =	vimm.s32 $0x1;
	[tilespmem:s20], [sflag:$0x2] =	stream.linear.gather [hbm4b:s26+s3], $0x200, $0x38;
	[tilespmem:$0x13B80] =	vst v63  }
0x3d0: {  	_ =	swait.ge [sflag:s21], $0x9600  }
0x3d1: {  	[sflag:s21] =	ssyncset.done $0x0  }
0x3d2: {  	[sflag:s21] =	ssyncadd.s32 $0xFFFF6A00  }
0x3d3: {  	s24 =	sadd.s32 $0x1, s24;
	_ =	swait.ge [sflag:s22], $0x9600  }
0x3d4: {  	p0 =	sne.s32 s24, s10;
	[sflag:s22] =	ssyncset.done $0x0  }
.Ltmp3:
0x3d5: {  	[sflag:s22] =	ssyncadd.s32 $0xFFFF6A00;
	(pc) =	sbr.rel @p0 .LBB2_1-.Ltmp3, $4  }
0x3d6: {  	[hbm4b:s9+s3] =	stream.linear.scatter [tilespmem:s23], [sflag:$0x3], $0x500, $0x38;
	[tilespmem:$0x13B80] =	vst v63  }
0x3d7: {  	_ =	swait.ge [sflag:s11], $0x500  }
0x3d8: {  	[sflag:s11] =	ssyncset.done $0x0  }
0x3d9: {  	[sflag:s11] =	ssyncadd.s32 $0xFFFFFB00  }
0x3da: {  	_ =	sfence.sel $0x180000  }
0x3db: {  	[bflag:$0x0] =	sbarrier.arrive $0xFFFF  }
0x3dc: {  	p0 =	sne.s32 s0, $0x0;
	_ =	strace $0x90000047  }
0x3dd: {  	s0 =	sadd.s32 @!p0 $0x100000, s2;
	[bflag:$0x2] =	sbarrier.arrive $0xFFFF  }
0x3de: {  	[sflag:s0] =	ssyncadd.tile.s32 @!p0 $0x1;
	_ =	shalt  }
.Lfunc_end2:
_tile_overlayer_lowered:
.L_overlay_start_2:
0x3df: {  	(tag) =	ssettag $0x2  }
0x3e0: {  	s0 =	rddreg [dreg:$0x0];
	s2 =	stileid.u32  }
0x3e1: {  	s1 =	rddreg [dreg:$0x1];
	p0 =	sne.s32 s2, $0x0  }
0x3e2: {  	s3 =	rddreg [dreg:$0x2];
	[bflag:$0x3] =	sbarrier.arrive $0xFFFF;
	s2 =	simm.s32 @!p0 $0x1C03  }
0x3e3: {  	[timem:s3], [sflag:s2] =	dma.local @!p0 [hbm:s0], s1  }
0x3e4: {  	s0 =	simm.s32 @!p0 $0x3  }
0x3e5: {  	_ =	swait.ge @!p0 [sflag:s0], s1  }
0x3e6: {  	s1 =	ssub.s32 @!p0 $0x0, s1;
	[sflag:s0] =	ssyncset.done @!p0 $0x0  }
0x3e7: {  	[sflag:s0] =	ssyncadd.s32 @!p0 s1  }
0x3e8: {  	[bflag:$0x3] =	sbarrier.arrive $0xFFFF  }
0x3e9: {  	_ =	shalt  }

</sc_bundles>
